<compile_context>
chip_gen: v7x
topology: tpu7x:2x2x1
jax: 0.10.2.dev20260603
libtpu: 0.0.44.dev20260713+nightly
codegen_flags: <defaults>
</compile_context>

<pallas_src>
import functools

import jax
import jax.numpy as jnp
from jax import lax
from jax.experimental import pallas as pl
from jax.experimental.pallas import tpu as pltpu
from jax.experimental.pallas import tpu_sc as plsc

_N = 5000
_B = 512
_NB = 10
_NPAD = _B * _NB
_T = 0.5
_EPS = 1e-9

_HI = jax.lax.Precision.HIGHEST

_NC = 2
_NS = 16
_NW = _NC * _NS
_CPW = _NPAD // _NW
_NEXT = _N + 8


def _sc_gather_body(bx_hbm, ord_hbm, out_hbm, idx_v, rows_v, sem):
    wid = lax.axis_index("s") * _NC + lax.axis_index("c")
    base = wid * _CPW
    h = _CPW // 2
    pltpu.sync_copy(ord_hbm.at[pl.ds(base, h)], idx_v.at[0])
    pltpu.sync_copy(ord_hbm.at[pl.ds(base + h, h)], idx_v.at[1])
    cp0 = pltpu.async_copy(bx_hbm.at[idx_v.at[0]], rows_v.at[pl.ds(0, h)], sem)
    cp1 = pltpu.async_copy(bx_hbm.at[idx_v.at[1]], rows_v.at[pl.ds(h, h)], sem)
    cp0.wait()
    cp1.wait()
    pltpu.sync_copy(rows_v, out_hbm.at[pl.ds(base, _CPW)])


@functools.partial(
    pl.kernel,
    mesh=plsc.VectorSubcoreMesh(core_axis_name="c", subcore_axis_name="s"),
    out_type=jax.ShapeDtypeStruct((_NPAD, 128), jnp.float32),
    scratch_types=[
        pltpu.VMEM((2, _CPW // 2), jnp.int32),
        pltpu.VMEM((_CPW, 128), jnp.float32),
        pltpu.SemaphoreType.DMA,
    ],
)
def _sc_gather(bx_hbm, ord_hbm, out_hbm, idx_v, rows_v, sem):
    _sc_gather_body(bx_hbm, ord_hbm, out_hbm, idx_v, rows_v, sem)


def _iou_gt(bx1, by1, bx2, by2, ba, cx1, cy1, cx2, cy2, ca):
    xx1 = jnp.maximum(bx1, cx1)
    yy1 = jnp.maximum(by1, cy1)
    xx2 = jnp.minimum(bx2, cx2)
    yy2 = jnp.minimum(by2, cy2)
    w = jnp.maximum(xx2 - xx1, 0.0)
    h = jnp.maximum(yy2 - yy1, 0.0)
    inter = w * h
    denom = (ba + ca) - inter + _EPS
    iou = inter / denom
    return (iou > _T).astype(jnp.float32)


def _matvec0(a, v):
    return jax.lax.dot_general(
        a, v, (((0,), (0,)), ((), ())), preferred_element_type=jnp.float32
    )


def _nms_body(sb_ref, keep_ref):
    keep_ref[...] = jnp.ones((_NPAD, 1), jnp.float32)
    rowi = jax.lax.broadcasted_iota(jnp.int32, (_B, _B), 0)
    coli = jax.lax.broadcasted_iota(jnp.int32, (_B, _B), 1)
    ut = (rowi < coli).astype(jnp.float32)
    eye = (rowi == coli).astype(jnp.float32)

    rowsc = [None] * _NB
    colsc = [None] * _NB
    for i in range(_NB):
        r0 = i * _B
        blk = sb_ref[r0 : r0 + _B, 0:4]
        area = (blk[:, 2:3] - blk[:, 0:1]) * (blk[:, 3:4] - blk[:, 1:2])
        colblk = jnp.concatenate([blk, area], axis=1)
        colsc[i] = colblk
        rowsc[i] = jax.lax.dot_general(
            colblk, eye, (((0,), (0,)), ((), ())),
            preferred_element_type=jnp.float32, precision=_HI,
        )

    for i in range(_NB):
        r0 = i * _B
        colblk = colsc[i]
        bx1 = colblk[:, 0:1]
        by1 = colblk[:, 1:2]
        bx2 = colblk[:, 2:3]
        by2 = colblk[:, 3:4]
        ba = colblk[:, 4:5]

        rr = rowsc[i]
        s_ii = _iou_gt(
            bx1, by1, bx2, by2, ba,
            rr[0:1, :], rr[1:2, :], rr[2:3, :], rr[3:4, :], rr[4:5, :],
        )
        a = s_ii * ut
        pre = keep_ref[r0 : r0 + _B, :]

        def cond(c):
            k_prev, _ = c
            return jnp.any(k_prev != c[1])

        def body(c):
            _, k = c
            sup = _matvec0(a, k)
            return k, pre * (sup == 0.0).astype(jnp.float32)

        _, k_fin = jax.lax.while_loop(cond, body, (pre - 1.0, pre))
        keep_ref[r0 : r0 + _B, :] = k_fin

        for j in range(i + 1, _NB):
            c0 = j * _B
            rj = rowsc[j]
            s_ij = _iou_gt(
                bx1, by1, bx2, by2, ba,
                rj[0:1, :], rj[1:2, :], rj[2:3, :], rj[3:4, :], rj[4:5, :],
            )
            sup = _matvec0(s_ij, k_fin)
            keep_ref[c0 : c0 + _B, :] = keep_ref[c0 : c0 + _B, :] * (
                sup == 0.0
            ).astype(jnp.float32)


def kernel(boxes, scores):
    order = jnp.argsort(-scores).astype(jnp.int32)
    orderp = jnp.full((_NPAD,), _N, jnp.int32).at[:_N].set(order)
    bxp = jnp.zeros((_NEXT, 128), jnp.float32).at[:_N, 0:4].set(boxes)
    sorted_boxes = _sc_gather(bxp, orderp)
    keep_sorted = pl.pallas_call(
        _nms_body,
        out_shape=jax.ShapeDtypeStruct((_NPAD, 1), jnp.float32),
    )(sorted_boxes)[: _N, 0]
    keep = jnp.zeros((_N,), jnp.float32).at[order].set(keep_sorted)
    return boxes * keep[:, None], scores * keep

# --- scband reference (transcript-rebuilt; emitter-appended) ---
"""Pipeline reference for scband-zoom-ne-xt-base-8890582303009 (READ-ONLY COPY).

The authoritative reference and input builder live on the scoring server;
editing this copy changes nothing except your own understanding.
"""

import jax, jax.numpy as jnp
import numpy as np

N = 5000
IOU_THRESH = 0.5


def _iou_one_to_all(box, boxes):
    xx1 = jnp.maximum(box[0], boxes[:, 0])
    yy1 = jnp.maximum(box[1], boxes[:, 1])
    xx2 = jnp.minimum(box[2], boxes[:, 2])
    yy2 = jnp.minimum(box[3], boxes[:, 3])
    inter = jnp.clip(xx2 - xx1, 0.0) * jnp.clip(yy2 - yy1, 0.0)
    area1 = (box[2] - box[0]) * (box[3] - box[1])
    areas = (boxes[:, 2] - boxes[:, 0]) * (boxes[:, 3] - boxes[:, 1])
    return inter / (area1 + areas - inter + 1e-9)


def _nms(boxes, scores, thresh):
    # greedy NMS, threshold=0.5 as in the original forward's eval branch
    order = jnp.argsort(-scores)
    b = boxes[order]
    n = b.shape[0]
    idxs = jnp.arange(n)

    def body(i, keep):
        ious = _iou_one_to_all(b[i], b)
        suppress = (ious > thresh) & (idxs > i) & keep[i]
        return keep & (~suppress)

    keep_sorted = jax.lax.fori_loop(0, n, body, jnp.ones((n,), dtype=bool))
    # map keep mask back to original (unsorted) box order
    keep = jnp.zeros((n,), dtype=bool).at[order].set(keep_sorted)
    return keep


def setup_inputs(seed: int = 0) -> dict:
    key = jax.random.key(seed)
    k1, k2, k3 = jax.random.split(key, 3)
    # build valid corner-format boxes [x1, y1, x2, y2] from uniform fills
    xy = jax.random.uniform(k1, (N, 2), dtype=jnp.float32) * 512.0
    wh = jax.random.uniform(k2, (N, 2), dtype=jnp.float32) * 64.0 + 1.0
    boxes = jnp.concatenate([xy, xy + wh], axis=1)
    scores = jax.random.uniform(k3, (N,), dtype=jnp.float32)
    return {"boxes": boxes, "scores": scores}


def reference(boxes, scores):
    # eval branch of _ZoomNeXt_Base.forward: per-image NMS on predicted boxes
    # with threshold 0.5, returning the surviving (filtered) boxes.
    # Fixed-shape jit-friendly formulation: suppressed rows are zeroed out.
    keep = _nms(boxes, scores, IOU_THRESH)
    masked_boxes = boxes * keep[:, None].astype(boxes.dtype)
    masked_scores = scores * keep.astype(scores.dtype)
    return masked_boxes, masked_scores

if __name__ == "__main__":
    import jax
    _d = setup_inputs()
    print(jax.jit(kernel)(*tuple(_d.values())))

</pallas_src>

<mosaic_0001>
#map = affine_map<(d0, d1) -> (0, 0)>
#map1 = affine_map<(d0, d1) -> (0)>
module attributes {stable_mosaic.version = 14 : i64} {
  func.func @_sc_gather(%arg0: i32, %arg1: i32, %arg2: memref<5008x128xf32, #tpu.memory_space<hbm>>, %arg3: memref<5120xi32, #tpu.memory_space<hbm>>, %arg4: memref<5120x128xf32, #tpu.memory_space<hbm>>, %arg5: memref<2x80xi32, #tpu.memory_space<vmem>>, %arg6: memref<160x128xf32, #tpu.memory_space<vmem>>, %arg7: memref<!tpu.dma_semaphore, #tpu.memory_space<semaphore_mem>>) attributes {dimension_semantics = [#tpu.dimension_semantics<core_parallel>, #tpu.dimension_semantics<subcore_parallel>], iteration_bounds = array<i64: 2, 16>, scalar_prefetch = 0 : i64, scratch_operands = 3 : i64, tpu.core_type = #tpu.core_type<sc_vector_subcore>, window_params = [{transform_indices = #map}, {transform_indices = #map1}, {transform_indices = #map}]} {
    %mul3A = arith.constant 2 : i32
    %mul3A_0 = arith.muli %arg1, %mul3A : i32
    %add3A = arith.addi %mul3A_0, %arg0 : i32
    %mul3A_1 = arith.constant 160 : i32
    %mul3A_2 = arith.muli %add3A, %mul3A_1 : i32
    %run_scoped3A = arith.constant 0 : i32
    "tpu.region"() ({
      %run_scoped3A_44 = tpu.sem_alloc : memref<!tpu.dma_semaphore, #tpu.memory_space<semaphore_mem>>
      %dma_start3A_45 = arith.constant 0 : i32
      %dma_start3A_46 = tpu.memref_slice %arg5[%run_scoped3A, %dma_start3A_45] : memref<2x80xi32, #tpu.memory_space<vmem>> -> memref<1x80xi32, #tpu.memory_space<vmem>>
      %dma_start3A_47 = tpu.memref_squeeze %dma_start3A_46 : memref<1x80xi32, #tpu.memory_space<vmem>> -> memref<80xi32, #tpu.memory_space<vmem>>
      %dma_start3A_48 = tpu.memref_slice %arg3[%mul3A_2] : memref<5120xi32, #tpu.memory_space<hbm>> -> memref<80xi32, #tpu.memory_space<hbm>>
      %dma_start3A_49 = arith.constant 0 : i32
      %dma_start3A_50 = tpu.memref_slice %arg5[%run_scoped3A, %dma_start3A_49] : memref<2x80xi32, #tpu.memory_space<vmem>> -> memref<1x80xi32, #tpu.memory_space<vmem>>
      %dma_start3A_51 = tpu.memref_squeeze %dma_start3A_50 : memref<1x80xi32, #tpu.memory_space<vmem>> -> memref<80xi32, #tpu.memory_space<vmem>>
      %dma_start3A_52 = tpu.memref_slice %arg3[%mul3A_2] : memref<5120xi32, #tpu.memory_space<hbm>> -> memref<80xi32, #tpu.memory_space<hbm>>
      tpu.enqueue_dma source(%dma_start3A_52 : memref<80xi32, #tpu.memory_space<hbm>>) target(%dma_start3A_51 : memref<80xi32, #tpu.memory_space<vmem>>) target_semaphore(%run_scoped3A_44 : memref<!tpu.dma_semaphore, #tpu.memory_space<semaphore_mem>>)
      %dma_wait3A_53 = arith.constant 0 : i32
      %dma_wait3A_54 = tpu.memref_slice %arg5[%run_scoped3A, %dma_wait3A_53] : memref<2x80xi32, #tpu.memory_space<vmem>> -> memref<1x80xi32, #tpu.memory_space<vmem>>
      %dma_wait3A_55 = tpu.memref_squeeze %dma_wait3A_54 : memref<1x80xi32, #tpu.memory_space<vmem>> -> memref<80xi32, #tpu.memory_space<vmem>>
      %dma_wait3A_56 = tpu.memref_slice %arg3[%mul3A_2] : memref<5120xi32, #tpu.memory_space<hbm>> -> memref<80xi32, #tpu.memory_space<hbm>>
      %dma_wait3A_57 = arith.constant 0 : i32
      %dma_wait3A_58 = tpu.memref_slice %arg5[%run_scoped3A, %dma_wait3A_57] : memref<2x80xi32, #tpu.memory_space<vmem>> -> memref<1x80xi32, #tpu.memory_space<vmem>>
      %dma_wait3A_59 = tpu.memref_squeeze %dma_wait3A_58 : memref<1x80xi32, #tpu.memory_space<vmem>> -> memref<80xi32, #tpu.memory_space<vmem>>
      %dma_wait3A_60 = tpu.memref_slice %arg3[%mul3A_2] : memref<5120xi32, #tpu.memory_space<hbm>> -> memref<80xi32, #tpu.memory_space<hbm>>
      tpu.wait_dma2 semaphore(%run_scoped3A_44 : memref<!tpu.dma_semaphore, #tpu.memory_space<semaphore_mem>>) src(%dma_wait3A_60 : memref<80xi32, #tpu.memory_space<hbm>>) dst(%dma_wait3A_59 : memref<80xi32, #tpu.memory_space<vmem>>)
      tpu.yield
    }) : () -> ()
    %add3A_3 = arith.constant 80 : i32
    %add3A_4 = arith.addi %mul3A_2, %add3A_3 : i32
    %run_scoped3A_5 = arith.constant 1 : i32
    "tpu.region"() ({
      %run_scoped3A_44 = tpu.sem_alloc : memref<!tpu.dma_semaphore, #tpu.memory_space<semaphore_mem>>
      %dma_start3A_45 = arith.constant 0 : i32
      %dma_start3A_46 = tpu.memref_slice %arg5[%run_scoped3A_5, %dma_start3A_45] : memref<2x80xi32, #tpu.memory_space<vmem>> -> memref<1x80xi32, #tpu.memory_space<vmem>>
      %dma_start3A_47 = tpu.memref_squeeze %dma_start3A_46 : memref<1x80xi32, #tpu.memory_space<vmem>> -> memref<80xi32, #tpu.memory_space<vmem>>
      %dma_start3A_48 = tpu.memref_slice %arg3[%add3A_4] : memref<5120xi32, #tpu.memory_space<hbm>> -> memref<80xi32, #tpu.memory_space<hbm>>
      %dma_start3A_49 = arith.constant 0 : i32
      %dma_start3A_50 = tpu.memref_slice %arg5[%run_scoped3A_5, %dma_start3A_49] : memref<2x80xi32, #tpu.memory_space<vmem>> -> memref<1x80xi32, #tpu.memory_space<vmem>>
      %dma_start3A_51 = tpu.memref_squeeze %dma_start3A_50 : memref<1x80xi32, #tpu.memory_space<vmem>> -> memref<80xi32, #tpu.memory_space<vmem>>
      %dma_start3A_52 = tpu.memref_slice %arg3[%add3A_4] : memref<5120xi32, #tpu.memory_space<hbm>> -> memref<80xi32, #tpu.memory_space<hbm>>
      tpu.enqueue_dma source(%dma_start3A_52 : memref<80xi32, #tpu.memory_space<hbm>>) target(%dma_start3A_51 : memref<80xi32, #tpu.memory_space<vmem>>) target_semaphore(%run_scoped3A_44 : memref<!tpu.dma_semaphore, #tpu.memory_space<semaphore_mem>>)
      %dma_wait3A_53 = arith.constant 0 : i32
      %dma_wait3A_54 = tpu.memref_slice %arg5[%run_scoped3A_5, %dma_wait3A_53] : memref<2x80xi32, #tpu.memory_space<vmem>> -> memref<1x80xi32, #tpu.memory_space<vmem>>
      %dma_wait3A_55 = tpu.memref_squeeze %dma_wait3A_54 : memref<1x80xi32, #tpu.memory_space<vmem>> -> memref<80xi32, #tpu.memory_space<vmem>>
      %dma_wait3A_56 = tpu.memref_slice %arg3[%add3A_4] : memref<5120xi32, #tpu.memory_space<hbm>> -> memref<80xi32, #tpu.memory_space<hbm>>
      %dma_wait3A_57 = arith.constant 0 : i32
      %dma_wait3A_58 = tpu.memref_slice %arg5[%run_scoped3A_5, %dma_wait3A_57] : memref<2x80xi32, #tpu.memory_space<vmem>> -> memref<1x80xi32, #tpu.memory_space<vmem>>
      %dma_wait3A_59 = tpu.memref_squeeze %dma_wait3A_58 : memref<1x80xi32, #tpu.memory_space<vmem>> -> memref<80xi32, #tpu.memory_space<vmem>>
      %dma_wait3A_60 = tpu.memref_slice %arg3[%add3A_4] : memref<5120xi32, #tpu.memory_space<hbm>> -> memref<80xi32, #tpu.memory_space<hbm>>
      tpu.wait_dma2 semaphore(%run_scoped3A_44 : memref<!tpu.dma_semaphore, #tpu.memory_space<semaphore_mem>>) src(%dma_wait3A_60 : memref<80xi32, #tpu.memory_space<hbm>>) dst(%dma_wait3A_59 : memref<80xi32, #tpu.memory_space<vmem>>)
      tpu.yield
    }) : () -> ()
    %dma_start3A = arith.constant 0 : i32
    %dma_start3A_6 = arith.constant 0 : i32
    %dma_start3A_7 = arith.constant 0 : i32
    %dma_start3A_8 = tpu.memref_slice %arg6[%dma_start3A_6, %dma_start3A_7] : memref<160x128xf32, #tpu.memory_space<vmem>> -> memref<80x128xf32, #tpu.memory_space<vmem>>
    %dma_start3A_9 = arith.constant 0 : i32
    %dma_start3A_10 = tpu.memref_slice %arg5[%dma_start3A, %dma_start3A_9] : memref<2x80xi32, #tpu.memory_space<vmem>> -> memref<1x80xi32, #tpu.memory_space<vmem>>
    %dma_start3A_11 = tpu.memref_squeeze %dma_start3A_10 : memref<1x80xi32, #tpu.memory_space<vmem>> -> memref<80xi32, #tpu.memory_space<vmem>>
    %dma_start3A_12 = arith.constant 0 : i32
    %dma_start3A_13 = arith.constant 0 : i32
    %dma_start3A_14 = tpu.memref_slice %arg2[%dma_start3A_12, %dma_start3A_13] : memref<5008x128xf32, #tpu.memory_space<hbm>> -> memref<5008x128xf32, #tpu.memory_space<hbm>>
    tpu.enqueue_indirect_dma source(%dma_start3A_14 : memref<5008x128xf32, #tpu.memory_space<hbm>>) target(%dma_start3A_8 : memref<80x128xf32, #tpu.memory_space<vmem>>) offsets(%dma_start3A_11 : memref<80xi32, #tpu.memory_space<vmem>>) semaphore(%arg7 : memref<!tpu.dma_semaphore, #tpu.memory_space<semaphore_mem>>)
    %dma_start3A_15 = arith.constant 1 : i32
    %dma_start3A_16 = arith.constant 80 : i32
    %dma_start3A_17 = arith.constant 0 : i32
    %dma_start3A_18 = tpu.memref_slice %arg6[%dma_start3A_16, %dma_start3A_17] : memref<160x128xf32, #tpu.memory_space<vmem>> -> memref<80x128xf32, #tpu.memory_space<vmem>>
    %dma_start3A_19 = arith.constant 0 : i32
    %dma_start3A_20 = tpu.memref_slice %arg5[%dma_start3A_15, %dma_start3A_19] : memref<2x80xi32, #tpu.memory_space<vmem>> -> memref<1x80xi32, #tpu.memory_space<vmem>>
    %dma_start3A_21 = tpu.memref_squeeze %dma_start3A_20 : memref<1x80xi32, #tpu.memory_space<vmem>> -> memref<80xi32, #tpu.memory_space<vmem>>
    %dma_start3A_22 = arith.constant 0 : i32
    %dma_start3A_23 = arith.constant 0 : i32
    %dma_start3A_24 = tpu.memref_slice %arg2[%dma_start3A_22, %dma_start3A_23] : memref<5008x128xf32, #tpu.memory_space<hbm>> -> memref<5008x128xf32, #tpu.memory_space<hbm>>
    tpu.enqueue_indirect_dma source(%dma_start3A_24 : memref<5008x128xf32, #tpu.memory_space<hbm>>) target(%dma_start3A_18 : memref<80x128xf32, #tpu.memory_space<vmem>>) offsets(%dma_start3A_21 : memref<80xi32, #tpu.memory_space<vmem>>) semaphore(%arg7 : memref<!tpu.dma_semaphore, #tpu.memory_space<semaphore_mem>>)
    %dma_wait3A = arith.constant 0 : i32
    %dma_wait3A_25 = arith.constant 0 : i32
    %dma_wait3A_26 = arith.constant 0 : i32
    %dma_wait3A_27 = tpu.memref_slice %arg6[%dma_wait3A_25, %dma_wait3A_26] : memref<160x128xf32, #tpu.memory_space<vmem>> -> memref<80x128xf32, #tpu.memory_space<vmem>>
    %dma_wait3A_28 = arith.constant 0 : i32
    %dma_wait3A_29 = tpu.memref_slice %arg5[%dma_wait3A, %dma_wait3A_28] : memref<2x80xi32, #tpu.memory_space<vmem>> -> memref<1x80xi32, #tpu.memory_space<vmem>>
    %dma_wait3A_30 = tpu.memref_squeeze %dma_wait3A_29 : memref<1x80xi32, #tpu.memory_space<vmem>> -> memref<80xi32, #tpu.memory_space<vmem>>
    %dma_wait3A_31 = arith.constant 0 : i32
    %dma_wait3A_32 = arith.constant 0 : i32
    %dma_wait3A_33 = tpu.memref_slice %arg2[%dma_wait3A_31, %dma_wait3A_32] : memref<5008x128xf32, #tpu.memory_space<hbm>> -> memref<5008x128xf32, #tpu.memory_space<hbm>>
    tpu.wait_indirect_dma semaphore(%arg7 : memref<!tpu.dma_semaphore, #tpu.memory_space<semaphore_mem>>) src(%dma_wait3A_33 : memref<5008x128xf32, #tpu.memory_space<hbm>>) dst(%dma_wait3A_27 : memref<80x128xf32, #tpu.memory_space<vmem>>)
    %dma_wait3A_34 = arith.constant 1 : i32
    %dma_wait3A_35 = arith.constant 80 : i32
    %dma_wait3A_36 = arith.constant 0 : i32
    %dma_wait3A_37 = tpu.memref_slice %arg6[%dma_wait3A_35, %dma_wait3A_36] : memref<160x128xf32, #tpu.memory_space<vmem>> -> memref<80x128xf32, #tpu.memory_space<vmem>>
    %dma_wait3A_38 = arith.constant 0 : i32
    %dma_wait3A_39 = tpu.memref_slice %arg5[%dma_wait3A_34, %dma_wait3A_38] : memref<2x80xi32, #tpu.memory_space<vmem>> -> memref<1x80xi32, #tpu.memory_space<vmem>>
    %dma_wait3A_40 = tpu.memref_squeeze %dma_wait3A_39 : memref<1x80xi32, #tpu.memory_space<vmem>> -> memref<80xi32, #tpu.memory_space<vmem>>
    %dma_wait3A_41 = arith.constant 0 : i32
    %dma_wait3A_42 = arith.constant 0 : i32
    %dma_wait3A_43 = tpu.memref_slice %arg2[%dma_wait3A_41, %dma_wait3A_42] : memref<5008x128xf32, #tpu.memory_space<hbm>> -> memref<5008x128xf32, #tpu.memory_space<hbm>>
    tpu.wait_indirect_dma semaphore(%arg7 : memref<!tpu.dma_semaphore, #tpu.memory_space<semaphore_mem>>) src(%dma_wait3A_43 : memref<5008x128xf32, #tpu.memory_space<hbm>>) dst(%dma_wait3A_37 : memref<80x128xf32, #tpu.memory_space<vmem>>)
    "tpu.region"() ({
      %run_scoped3A_44 = tpu.sem_alloc : memref<!tpu.dma_semaphore, #tpu.memory_space<semaphore_mem>>
      %dma_start3A_45 = arith.constant 0 : i32
      %dma_start3A_46 = tpu.memref_slice %arg4[%mul3A_2, %dma_start3A_45] : memref<5120x128xf32, #tpu.memory_space<hbm>> -> memref<160x128xf32, #tpu.memory_space<hbm>>
      %dma_start3A_47 = arith.constant 0 : i32
      %dma_start3A_48 = tpu.memref_slice %arg4[%mul3A_2, %dma_start3A_47] : memref<5120x128xf32, #tpu.memory_space<hbm>> -> memref<160x128xf32, #tpu.memory_space<hbm>>
      tpu.enqueue_dma source(%arg6 : memref<160x128xf32, #tpu.memory_space<vmem>>) target(%dma_start3A_48 : memref<160x128xf32, #tpu.memory_space<hbm>>) target_semaphore(%run_scoped3A_44 : memref<!tpu.dma_semaphore, #tpu.memory_space<semaphore_mem>>)
      %dma_wait3A_49 = arith.constant 0 : i32
      %dma_wait3A_50 = tpu.memref_slice %arg4[%mul3A_2, %dma_wait3A_49] : memref<5120x128xf32, #tpu.memory_space<hbm>> -> memref<160x128xf32, #tpu.memory_space<hbm>>
      %dma_wait3A_51 = arith.constant 0 : i32
      %dma_wait3A_52 = tpu.memref_slice %arg4[%mul3A_2, %dma_wait3A_51] : memref<5120x128xf32, #tpu.memory_space<hbm>> -> memref<160x128xf32, #tpu.memory_space<hbm>>
      tpu.wait_dma2 semaphore(%run_scoped3A_44 : memref<!tpu.dma_semaphore, #tpu.memory_space<semaphore_mem>>) src(%arg6 : memref<160x128xf32, #tpu.memory_space<vmem>>) dst(%dma_wait3A_52 : memref<160x128xf32, #tpu.memory_space<hbm>>)
      tpu.yield
    }) : () -> ()
    return
  }
}

module attributes {stable_mosaic.version = 14 : i64} {
  func.func @_nms_body(%arg0: memref<5120x128xf32, #tpu.memory_space<vmem>>, %arg1: memref<5120x1xf32, #tpu.memory_space<vmem>>) attributes {dimension_semantics = [], scalar_prefetch = 0 : i64, scratch_operands = 0 : i64, tpu.core_type = #tpu.core_type<tc>} {
    %broadcast_in_dim3A = arith.constant 1.000000e+00 : f32
    %broadcast_in_dim3A_0 = vector.broadcast %broadcast_in_dim3A : f32 to vector<5120x1xf32>
    %swap3A = arith.constant 0 : index
    %swap3A_1 = arith.constant 0 : index
    %swap3A_2 = vector.load %arg1[%swap3A, %swap3A_1] : memref<5120x1xf32, #tpu.memory_space<vmem>>, vector<5120x1xf32>
    tpu.vector_store %arg1[%swap3A, %swap3A_1], %broadcast_in_dim3A_0 {strides = array<i32>} : memref<5120x1xf32, #tpu.memory_space<vmem>>, vector<5120x1xf32>,
    %iota3A = tpu.iota {dimensions = array<i32: 0>} : vector<512x512xi32>
    %iota3A_3 = tpu.iota {dimensions = array<i32: 1>} : vector<512x512xi32>
    %lt3A = arith.cmpi slt, %iota3A, %iota3A_3 : vector<512x512xi32>
    %convert_element_type3A = arith.extui %lt3A : vector<512x512xi1> to vector<512x512xi32>
    %convert_element_type3A_4 = arith.sitofp %convert_element_type3A : vector<512x512xi32> to vector<512x512xf32>
    %eq3A = arith.cmpi eq, %iota3A, %iota3A_3 : vector<512x512xi32>
    %convert_element_type3A_5 = arith.extui %eq3A : vector<512x512xi1> to vector<512x512xi32>
    %convert_element_type3A_6 = arith.sitofp %convert_element_type3A_5 : vector<512x512xi32> to vector<512x512xf32>
    %get3A = arith.constant 0 : index
    %get3A_7 = arith.constant 0 : index
    %get3A_8 = vector.load %arg0[%get3A, %get3A_7] : memref<5120x128xf32, #tpu.memory_space<vmem>>, vector<512x4xf32>
    %slice3A = vector.extract_strided_slice %get3A_8 {offsets = [0, 2], sizes = [512, 1], strides = [1, 1]} : vector<512x4xf32> to vector<512x1xf32>
    %slice3A_9 = vector.extract_strided_slice %get3A_8 {offsets = [0, 0], sizes = [512, 1], strides = [1, 1]} : vector<512x4xf32> to vector<512x1xf32>
    %sub3A = arith.subf %slice3A, %slice3A_9 : vector<512x1xf32>
    %slice3A_10 = vector.extract_strided_slice %get3A_8 {offsets = [0, 3], sizes = [512, 1], strides = [1, 1]} : vector<512x4xf32> to vector<512x1xf32>
    %slice3A_11 = vector.extract_strided_slice %get3A_8 {offsets = [0, 1], sizes = [512, 1], strides = [1, 1]} : vector<512x4xf32> to vector<512x1xf32>
    %sub3A_12 = arith.subf %slice3A_10, %slice3A_11 : vector<512x1xf32>
    %mul3A = arith.mulf %sub3A, %sub3A_12 : vector<512x1xf32>
    %concatenate3A = tpu.concatenate %get3A_8, %mul3A in 1 : vector<512x4xf32>, vector<512x1xf32> -> vector<512x5xf32>
    %dot_general3A = arith.constant dense<0.000000e+00> : vector<5x512xf32>
    %dot_general3A_13 = tpu.matmul %concatenate3A, %convert_element_type3A_6, %dot_general3A {dimension_numbers = #tpu.dot_dimension_numbers<[0], [0], [1], [1], [0, 1, 1, 1], [], []>, precision = #tpu.contract_precision<fp32>, transpose_lhs_hint = false} : vector<512x5xf32>, vector<512x512xf32>, vector<5x512xf32> -> vector<5x512xf32>
    %get3A_14 = arith.constant 512 : index
    %get3A_15 = arith.constant 0 : index
    %get3A_16 = vector.load %arg0[%get3A_14, %get3A_15] : memref<5120x128xf32, #tpu.memory_space<vmem>>, vector<512x4xf32>
    %slice3A_17 = vector.extract_strided_slice %get3A_16 {offsets = [0, 2], sizes = [512, 1], strides = [1, 1]} : vector<512x4xf32> to vector<512x1xf32>
    %slice3A_18 = vector.extract_strided_slice %get3A_16 {offsets = [0, 0], sizes = [512, 1], strides = [1, 1]} : vector<512x4xf32> to vector<512x1xf32>
    %sub3A_19 = arith.subf %slice3A_17, %slice3A_18 : vector<512x1xf32>
    %slice3A_20 = vector.extract_strided_slice %get3A_16 {offsets = [0, 3], sizes = [512, 1], strides = [1, 1]} : vector<512x4xf32> to vector<512x1xf32>
    %slice3A_21 = vector.extract_strided_slice %get3A_16 {offsets = [0, 1], sizes = [512, 1], strides = [1, 1]} : vector<512x4xf32> to vector<512x1xf32>
    %sub3A_22 = arith.subf %slice3A_20, %slice3A_21 : vector<512x1xf32>
    %mul3A_23 = arith.mulf %sub3A_19, %sub3A_22 : vector<512x1xf32>
    %concatenate3A_24 = tpu.concatenate %get3A_16, %mul3A_23 in 1 : vector<512x4xf32>, vector<512x1xf32> -> vector<512x5xf32>
    %dot_general3A_25 = arith.constant dense<0.000000e+00> : vector<5x512xf32>
    %dot_general3A_26 = tpu.matmul %concatenate3A_24, %convert_element_type3A_6, %dot_general3A_25 {dimension_numbers = #tpu.dot_dimension_numbers<[0], [0], [1], [1], [0, 1, 1, 1], [], []>, precision = #tpu.contract_precision<fp32>, transpose_lhs_hint = false} : vector<512x5xf32>, vector<512x512xf32>, vector<5x512xf32> -> vector<5x512xf32>
    %get3A_27 = arith.constant 1024 : index
    %get3A_28 = arith.constant 0 : index
    %get3A_29 = vector.load %arg0[%get3A_27, %get3A_28] : memref<5120x128xf32, #tpu.memory_space<vmem>>, vector<512x4xf32>
    %slice3A_30 = vector.extract_strided_slice %get3A_29 {offsets = [0, 2], sizes = [512, 1], strides = [1, 1]} : vector<512x4xf32> to vector<512x1xf32>
    %slice3A_31 = vector.extract_strided_slice %get3A_29 {offsets = [0, 0], sizes = [512, 1], strides = [1, 1]} : vector<512x4xf32> to vector<512x1xf32>
    %sub3A_32 = arith.subf %slice3A_30, %slice3A_31 : vector<512x1xf32>
    %slice3A_33 = vector.extract_strided_slice %get3A_29 {offsets = [0, 3], sizes = [512, 1], strides = [1, 1]} : vector<512x4xf32> to vector<512x1xf32>
    %slice3A_34 = vector.extract_strided_slice %get3A_29 {offsets = [0, 1], sizes = [512, 1], strides = [1, 1]} : vector<512x4xf32> to vector<512x1xf32>
    %sub3A_35 = arith.subf %slice3A_33, %slice3A_34 : vector<512x1xf32>
    %mul3A_36 = arith.mulf %sub3A_32, %sub3A_35 : vector<512x1xf32>
    %concatenate3A_37 = tpu.concatenate %get3A_29, %mul3A_36 in 1 : vector<512x4xf32>, vector<512x1xf32> -> vector<512x5xf32>
    %dot_general3A_38 = arith.constant dense<0.000000e+00> : vector<5x512xf32>
    %dot_general3A_39 = tpu.matmul %concatenate3A_37, %convert_element_type3A_6, %dot_general3A_38 {dimension_numbers = #tpu.dot_dimension_numbers<[0], [0], [1], [1], [0, 1, 1, 1], [], []>, precision = #tpu.contract_precision<fp32>, transpose_lhs_hint = false} : vector<512x5xf32>, vector<512x512xf32>, vector<5x512xf32> -> vector<5x512xf32>
    %get3A_40 = arith.constant 1536 : index
    %get3A_41 = arith.constant 0 : index
    %get3A_42 = vector.load %arg0[%get3A_40, %get3A_41] : memref<5120x128xf32, #tpu.memory_space<vmem>>, vector<512x4xf32>
    %slice3A_43 = vector.extract_strided_slice %get3A_42 {offsets = [0, 2], sizes = [512, 1], strides = [1, 1]} : vector<512x4xf32> to vector<512x1xf32>
    %slice3A_44 = vector.extract_strided_slice %get3A_42 {offsets = [0, 0], sizes = [512, 1], strides = [1, 1]} : vector<512x4xf32> to vector<512x1xf32>
    %sub3A_45 = arith.subf %slice3A_43, %slice3A_44 : vector<512x1xf32>
    %slice3A_46 = vector.extract_strided_slice %get3A_42 {offsets = [0, 3], sizes = [512, 1], strides = [1, 1]} : vector<512x4xf32> to vector<512x1xf32>
    %slice3A_47 = vector.extract_strided_slice %get3A_42 {offsets = [0, 1], sizes = [512, 1], strides = [1, 1]} : vector<512x4xf32> to vector<512x1xf32>
    %sub3A_48 = arith.subf %slice3A_46, %slice3A_47 : vector<512x1xf32>
    %mul3A_49 = arith.mulf %sub3A_45, %sub3A_48 : vector<512x1xf32>
    %concatenate3A_50 = tpu.concatenate %get3A_42, %mul3A_49 in 1 : vector<512x4xf32>, vector<512x1xf32> -> vector<512x5xf32>
    %dot_general3A_51 = arith.constant dense<0.000000e+00> : vector<5x512xf32>
    %dot_general3A_52 = tpu.matmul %concatenate3A_50, %convert_element_type3A_6, %dot_general3A_51 {dimension_numbers = #tpu.dot_dimension_numbers<[0], [0], [1], [1], [0, 1, 1, 1], [], []>, precision = #tpu.contract_precision<fp32>, transpose_lhs_hint = false} : vector<512x5xf32>, vector<512x512xf32>, vector<5x512xf32> -> vector<5x512xf32>
    %get3A_53 = arith.constant 2048 : index
    %get3A_54 = arith.constant 0 : index
    %get3A_55 = vector.load %arg0[%get3A_53, %get3A_54] : memref<5120x128xf32, #tpu.memory_space<vmem>>, vector<512x4xf32>
    %slice3A_56 = vector.extract_strided_slice %get3A_55 {offsets = [0, 2], sizes = [512, 1], strides = [1, 1]} : vector<512x4xf32> to vector<512x1xf32>
    %slice3A_57 = vector.extract_strided_slice %get3A_55 {offsets = [0, 0], sizes = [512, 1], strides = [1, 1]} : vector<512x4xf32> to vector<512x1xf32>
    %sub3A_58 = arith.subf %slice3A_56, %slice3A_57 : vector<512x1xf32>
    %slice3A_59 = vector.extract_strided_slice %get3A_55 {offsets = [0, 3], sizes = [512, 1], strides = [1, 1]} : vector<512x4xf32> to vector<512x1xf32>
    %slice3A_60 = vector.extract_strided_slice %get3A_55 {offsets = [0, 1], sizes = [512, 1], strides = [1, 1]} : vector<512x4xf32> to vector<512x1xf32>
    %sub3A_61 = arith.subf %slice3A_59, %slice3A_60 : vector<512x1xf32>
    %mul3A_62 = arith.mulf %sub3A_58, %sub3A_61 : vector<512x1xf32>
    %concatenate3A_63 = tpu.concatenate %get3A_55, %mul3A_62 in 1 : vector<512x4xf32>, vector<512x1xf32> -> vector<512x5xf32>
    %dot_general3A_64 = arith.constant dense<0.000000e+00> : vector<5x512xf32>
    %dot_general3A_65 = tpu.matmul %concatenate3A_63, %convert_element_type3A_6, %dot_general3A_64 {dimension_numbers = #tpu.dot_dimension_numbers<[0], [0], [1], [1], [0, 1, 1, 1], [], []>, precision = #tpu.contract_precision<fp32>, transpose_lhs_hint = false} : vector<512x5xf32>, vector<512x512xf32>, vector<5x512xf32> -> vector<5x512xf32>
    %get3A_66 = arith.constant 2560 : index
    %get3A_67 = arith.constant 0 : index
    %get3A_68 = vector.load %arg0[%get3A_66, %get3A_67] : memref<5120x128xf32, #tpu.memory_space<vmem>>, vector<512x4xf32>
    %slice3A_69 = vector.extract_strided_slice %get3A_68 {offsets = [0, 2], sizes = [512, 1], strides = [1, 1]} : vector<512x4xf32> to vector<512x1xf32>
    %slice3A_70 = vector.extract_strided_slice %get3A_68 {offsets = [0, 0], sizes = [512, 1], strides = [1, 1]} : vector<512x4xf32> to vector<512x1xf32>
    %sub3A_71 = arith.subf %slice3A_69, %slice3A_70 : vector<512x1xf32>
    %slice3A_72 = vector.extract_strided_slice %get3A_68 {offsets = [0, 3], sizes = [512, 1], strides = [1, 1]} : vector<512x4xf32> to vector<512x1xf32>
    %slice3A_73 = vector.extract_strided_slice %get3A_68 {offsets = [0, 1], sizes = [512, 1], strides = [1, 1]} : vector<512x4xf32> to vector<512x1xf32>
    %sub3A_74 = arith.subf %slice3A_72, %slice3A_73 : vector<512x1xf32>
    %mul3A_75 = arith.mulf %sub3A_71, %sub3A_74 : vector<512x1xf32>
    %concatenate3A_76 = tpu.concatenate %get3A_68, %mul3A_75 in 1 : vector<512x4xf32>, vector<512x1xf32> -> vector<512x5xf32>
    %dot_general3A_77 = arith.constant dense<0.000000e+00> : vector<5x512xf32>
    %dot_general3A_78 = tpu.matmul %concatenate3A_76, %convert_element_type3A_6, %dot_general3A_77 {dimension_numbers = #tpu.dot_dimension_numbers<[0], [0], [1], [1], [0, 1, 1, 1], [], []>, precision = #tpu.contract_precision<fp32>, transpose_lhs_hint = false} : vector<512x5xf32>, vector<512x512xf32>, vector<5x512xf32> -> vector<5x512xf32>
    %get3A_79 = arith.constant 3072 : index
    %get3A_80 = arith.constant 0 : index
    %get3A_81 = vector.load %arg0[%get3A_79, %get3A_80] : memref<5120x128xf32, #tpu.memory_space<vmem>>, vector<512x4xf32>
    %slice3A_82 = vector.extract_strided_slice %get3A_81 {offsets = [0, 2], sizes = [512, 1], strides = [1, 1]} : vector<512x4xf32> to vector<512x1xf32>
    %slice3A_83 = vector.extract_strided_slice %get3A_81 {offsets = [0, 0], sizes = [512, 1], strides = [1, 1]} : vector<512x4xf32> to vector<512x1xf32>
    %sub3A_84 = arith.subf %slice3A_82, %slice3A_83 : vector<512x1xf32>
    %slice3A_85 = vector.extract_strided_slice %get3A_81 {offsets = [0, 3], sizes = [512, 1], strides = [1, 1]} : vector<512x4xf32> to vector<512x1xf32>
    %slice3A_86 = vector.extract_strided_slice %get3A_81 {offsets = [0, 1], sizes = [512, 1], strides = [1, 1]} : vector<512x4xf32> to vector<512x1xf32>
    %sub3A_87 = arith.subf %slice3A_85, %slice3A_86 : vector<512x1xf32>
    %mul3A_88 = arith.mulf %sub3A_84, %sub3A_87 : vector<512x1xf32>
    %concatenate3A_89 = tpu.concatenate %get3A_81, %mul3A_88 in 1 : vector<512x4xf32>, vector<512x1xf32> -> vector<512x5xf32>
    %dot_general3A_90 = arith.constant dense<0.000000e+00> : vector<5x512xf32>
    %dot_general3A_91 = tpu.matmul %concatenate3A_89, %convert_element_type3A_6, %dot_general3A_90 {dimension_numbers = #tpu.dot_dimension_numbers<[0], [0], [1], [1], [0, 1, 1, 1], [], []>, precision = #tpu.contract_precision<fp32>, transpose_lhs_hint = false} : vector<512x5xf32>, vector<512x512xf32>, vector<5x512xf32> -> vector<5x512xf32>
    %get3A_92 = arith.constant 3584 : index
    %get3A_93 = arith.constant 0 : index
    %get3A_94 = vector.load %arg0[%get3A_92, %get3A_93] : memref<5120x128xf32, #tpu.memory_space<vmem>>, vector<512x4xf32>
    %slice3A_95 = vector.extract_strided_slice %get3A_94 {offsets = [0, 2], sizes = [512, 1], strides = [1, 1]} : vector<512x4xf32> to vector<512x1xf32>
    %slice3A_96 = vector.extract_strided_slice %get3A_94 {offsets = [0, 0], sizes = [512, 1], strides = [1, 1]} : vector<512x4xf32> to vector<512x1xf32>
    %sub3A_97 = arith.subf %slice3A_95, %slice3A_96 : vector<512x1xf32>
    %slice3A_98 = vector.extract_strided_slice %get3A_94 {offsets = [0, 3], sizes = [512, 1], strides = [1, 1]} : vector<512x4xf32> to vector<512x1xf32>
    %slice3A_99 = vector.extract_strided_slice %get3A_94 {offsets = [0, 1], sizes = [512, 1], strides = [1, 1]} : vector<512x4xf32> to vector<512x1xf32>
    %sub3A_100 = arith.subf %slice3A_98, %slice3A_99 : vector<512x1xf32>
    %mul3A_101 = arith.mulf %sub3A_97, %sub3A_100 : vector<512x1xf32>
    %concatenate3A_102 = tpu.concatenate %get3A_94, %mul3A_101 in 1 : vector<512x4xf32>, vector<512x1xf32> -> vector<512x5xf32>
    %dot_general3A_103 = arith.constant dense<0.000000e+00> : vector<5x512xf32>
    %dot_general3A_104 = tpu.matmul %concatenate3A_102, %convert_element_type3A_6, %dot_general3A_103 {dimension_numbers = #tpu.dot_dimension_numbers<[0], [0], [1], [1], [0, 1, 1, 1], [], []>, precision = #tpu.contract_precision<fp32>, transpose_lhs_hint = false} : vector<512x5xf32>, vector<512x512xf32>, vector<5x512xf32> -> vector<5x512xf32>
    %get3A_105 = arith.constant 4096 : index
    %get3A_106 = arith.constant 0 : index
    %get3A_107 = vector.load %arg0[%get3A_105, %get3A_106] : memref<5120x128xf32, #tpu.memory_space<vmem>>, vector<512x4xf32>
    %slice3A_108 = vector.extract_strided_slice %get3A_107 {offsets = [0, 2], sizes = [512, 1], strides = [1, 1]} : vector<512x4xf32> to vector<512x1xf32>
    %slice3A_109 = vector.extract_strided_slice %get3A_107 {offsets = [0, 0], sizes = [512, 1], strides = [1, 1]} : vector<512x4xf32> to vector<512x1xf32>
    %sub3A_110 = arith.subf %slice3A_108, %slice3A_109 : vector<512x1xf32>
    %slice3A_111 = vector.extract_strided_slice %get3A_107 {offsets = [0, 3], sizes = [512, 1], strides = [1, 1]} : vector<512x4xf32> to vector<512x1xf32>
    %slice3A_112 = vector.extract_strided_slice %get3A_107 {offsets = [0, 1], sizes = [512, 1], strides = [1, 1]} : vector<512x4xf32> to vector<512x1xf32>
    %sub3A_113 = arith.subf %slice3A_111, %slice3A_112 : vector<512x1xf32>
    %mul3A_114 = arith.mulf %sub3A_110, %sub3A_113 : vector<512x1xf32>
    %concatenate3A_115 = tpu.concatenate %get3A_107, %mul3A_114 in 1 : vector<512x4xf32>, vector<512x1xf32> -> vector<512x5xf32>
    %dot_general3A_116 = arith.constant dense<0.000000e+00> : vector<5x512xf32>
    %dot_general3A_117 = tpu.matmul %concatenate3A_115, %convert_element_type3A_6, %dot_general3A_116 {dimension_numbers = #tpu.dot_dimension_numbers<[0], [0], [1], [1], [0, 1, 1, 1], [], []>, precision = #tpu.contract_precision<fp32>, transpose_lhs_hint = false} : vector<512x5xf32>, vector<512x512xf32>, vector<5x512xf32> -> vector<5x512xf32>
    %get3A_118 = arith.constant 4608 : index
    %get3A_119 = arith.constant 0 : index
    %get3A_120 = vector.load %arg0[%get3A_118, %get3A_119] : memref<5120x128xf32, #tpu.memory_space<vmem>>, vector<512x4xf32>
    %slice3A_121 = vector.extract_strided_slice %get3A_120 {offsets = [0, 2], sizes = [512, 1], strides = [1, 1]} : vector<512x4xf32> to vector<512x1xf32>
    %slice3A_122 = vector.extract_strided_slice %get3A_120 {offsets = [0, 0], sizes = [512, 1], strides = [1, 1]} : vector<512x4xf32> to vector<512x1xf32>
    %sub3A_123 = arith.subf %slice3A_121, %slice3A_122 : vector<512x1xf32>
    %slice3A_124 = vector.extract_strided_slice %get3A_120 {offsets = [0, 3], sizes = [512, 1], strides = [1, 1]} : vector<512x4xf32> to vector<512x1xf32>
    %slice3A_125 = vector.extract_strided_slice %get3A_120 {offsets = [0, 1], sizes = [512, 1], strides = [1, 1]} : vector<512x4xf32> to vector<512x1xf32>
    %sub3A_126 = arith.subf %slice3A_124, %slice3A_125 : vector<512x1xf32>
    %mul3A_127 = arith.mulf %sub3A_123, %sub3A_126 : vector<512x1xf32>
    %concatenate3A_128 = tpu.concatenate %get3A_120, %mul3A_127 in 1 : vector<512x4xf32>, vector<512x1xf32> -> vector<512x5xf32>
    %dot_general3A_129 = arith.constant dense<0.000000e+00> : vector<5x512xf32>
    %dot_general3A_130 = tpu.matmul %concatenate3A_128, %convert_element_type3A_6, %dot_general3A_129 {dimension_numbers = #tpu.dot_dimension_numbers<[0], [0], [1], [1], [0, 1, 1, 1], [], []>, precision = #tpu.contract_precision<fp32>, transpose_lhs_hint = false} : vector<512x5xf32>, vector<512x512xf32>, vector<5x512xf32> -> vector<5x512xf32>
    %slice3A_131 = vector.extract_strided_slice %concatenate3A {offsets = [0, 0], sizes = [512, 1], strides = [1, 1]} : vector<512x5xf32> to vector<512x1xf32>
    %slice3A_132 = vector.extract_strided_slice %concatenate3A {offsets = [0, 1], sizes = [512, 1], strides = [1, 1]} : vector<512x5xf32> to vector<512x1xf32>
    %slice3A_133 = vector.extract_strided_slice %concatenate3A {offsets = [0, 2], sizes = [512, 1], strides = [1, 1]} : vector<512x5xf32> to vector<512x1xf32>
    %slice3A_134 = vector.extract_strided_slice %concatenate3A {offsets = [0, 3], sizes = [512, 1], strides = [1, 1]} : vector<512x5xf32> to vector<512x1xf32>
    %slice3A_135 = vector.extract_strided_slice %concatenate3A {offsets = [0, 4], sizes = [512, 1], strides = [1, 1]} : vector<512x5xf32> to vector<512x1xf32>
    %slice3A_136 = vector.extract_strided_slice %dot_general3A_13 {offsets = [0, 0], sizes = [1, 512], strides = [1, 1]} : vector<5x512xf32> to vector<1x512xf32>
    %slice3A_137 = vector.extract_strided_slice %dot_general3A_13 {offsets = [1, 0], sizes = [1, 512], strides = [1, 1]} : vector<5x512xf32> to vector<1x512xf32>
    %slice3A_138 = vector.extract_strided_slice %dot_general3A_13 {offsets = [2, 0], sizes = [1, 512], strides = [1, 1]} : vector<5x512xf32> to vector<1x512xf32>
    %slice3A_139 = vector.extract_strided_slice %dot_general3A_13 {offsets = [3, 0], sizes = [1, 512], strides = [1, 1]} : vector<5x512xf32> to vector<1x512xf32>
    %slice3A_140 = vector.extract_strided_slice %dot_general3A_13 {offsets = [4, 0], sizes = [1, 512], strides = [1, 1]} : vector<5x512xf32> to vector<1x512xf32>
    %max3A = vector.broadcast %slice3A_131 : vector<512x1xf32> to vector<512x512xf32>
    %max3A_141 = vector.broadcast %slice3A_136 : vector<1x512xf32> to vector<512x512xf32>
    %max3A_142 = arith.maximumf %max3A, %max3A_141 : vector<512x512xf32>
    %max3A_143 = vector.broadcast %slice3A_132 : vector<512x1xf32> to vector<512x512xf32>
    %max3A_144 = vector.broadcast %slice3A_137 : vector<1x512xf32> to vector<512x512xf32>
    %max3A_145 = arith.maximumf %max3A_143, %max3A_144 : vector<512x512xf32>
    %min3A = vector.broadcast %slice3A_133 : vector<512x1xf32> to vector<512x512xf32>
    %min3A_146 = vector.broadcast %slice3A_138 : vector<1x512xf32> to vector<512x512xf32>
    %min3A_147 = arith.minimumf %min3A, %min3A_146 : vector<512x512xf32>
    %min3A_148 = vector.broadcast %slice3A_134 : vector<512x1xf32> to vector<512x512xf32>
    %min3A_149 = vector.broadcast %slice3A_139 : vector<1x512xf32> to vector<512x512xf32>
    %min3A_150 = arith.minimumf %min3A_148, %min3A_149 : vector<512x512xf32>
    %sub3A_151 = arith.subf %min3A_147, %max3A_142 : vector<512x512xf32>
    %max3A_152 = arith.constant 0.000000e+00 : f32
    %max3A_153 = vector.broadcast %max3A_152 : f32 to vector<512x512xf32>
    %max3A_154 = arith.maximumf %sub3A_151, %max3A_153 : vector<512x512xf32>
    %sub3A_155 = arith.subf %min3A_150, %max3A_145 : vector<512x512xf32>
    %max3A_156 = arith.constant 0.000000e+00 : f32
    %max3A_157 = vector.broadcast %max3A_156 : f32 to vector<512x512xf32>
    %max3A_158 = arith.maximumf %sub3A_155, %max3A_157 : vector<512x512xf32>
    %mul3A_159 = arith.mulf %max3A_154, %max3A_158 : vector<512x512xf32>
    %add3A = vector.broadcast %slice3A_135 : vector<512x1xf32> to vector<512x512xf32>
    %add3A_160 = vector.broadcast %slice3A_140 : vector<1x512xf32> to vector<512x512xf32>
    %add3A_161 = arith.addf %add3A, %add3A_160 : vector<512x512xf32>
    %sub3A_162 = arith.subf %add3A_161, %mul3A_159 : vector<512x512xf32>
    %add3A_163 = arith.constant 9.99999971E-10 : f32
    %add3A_164 = vector.broadcast %add3A_163 : f32 to vector<512x512xf32>
    %add3A_165 = arith.addf %sub3A_162, %add3A_164 : vector<512x512xf32>
    %div3A = arith.divf %mul3A_159, %add3A_165 : vector<512x512xf32>
    %gt3A = arith.constant 5.000000e-01 : f32
    %gt3A_166 = vector.broadcast %gt3A : f32 to vector<512x512xf32>
    %gt3A_167 = arith.cmpf ogt, %div3A, %gt3A_166 : vector<512x512xf32>
    %convert_element_type3A_168 = arith.extui %gt3A_167 : vector<512x512xi1> to vector<512x512xi32>
    %convert_element_type3A_169 = arith.sitofp %convert_element_type3A_168 : vector<512x512xi32> to vector<512x512xf32>
    %mul3A_170 = arith.mulf %convert_element_type3A_169, %convert_element_type3A_4 : vector<512x512xf32>
    %get3A_171 = arith.constant 0 : index
    %get3A_172 = arith.constant 0 : index
    %get3A_173 = vector.load %arg1[%get3A_171, %get3A_172] : memref<5120x1xf32, #tpu.memory_space<vmem>>, vector<512x1xf32>
    %sub3A_174 = arith.constant 1.000000e+00 : f32
    %sub3A_175 = vector.broadcast %sub3A_174 : f32 to vector<512x1xf32>
    %sub3A_176 = arith.subf %get3A_173, %sub3A_175 : vector<512x1xf32>
    %while3A:2 = scf.while (%while3A_3060 = %sub3A_176, %while3A_3061 = %get3A_173) : (vector<512x1xf32>, vector<512x1xf32>) -> (vector<512x1xf32>, vector<512x1xf32>) {
      %ne3A = arith.cmpf one, %while3A_3060, %while3A_3061 : vector<512x1xf32>
      %reduce_or3A = arith.constant 1.000000e+00 : f32
      %reduce_or3A_3062 = arith.constant 0.000000e+00 : f32
      %reduce_or3A_3063 = vector.broadcast %reduce_or3A : f32 to vector<512x1xf32>
      %reduce_or3A_3064 = vector.broadcast %reduce_or3A_3062 : f32 to vector<512x1xf32>
      %reduce_or3A_3065 = arith.select %ne3A, %reduce_or3A_3063, %reduce_or3A_3064 : vector<512x1xi1>, vector<512x1xf32>
      %reduce_or3A_3066 = vector.shape_cast %reduce_or3A_3065 : vector<512x1xf32> to vector<1x512x1xf32>
      %reduce_or3A_3067 = arith.constant dense<0xFF800000> : vector<1xf32>
      %reduce_or3A_3068 = vector.multi_reduction <maximumf>, %reduce_or3A_3066, %reduce_or3A_3067 [1, 2] : vector<1x512x1xf32> to vector<1xf32>
      %reduce_or3A_3069 = vector.shape_cast %reduce_or3A_3068 : vector<1xf32> to vector<1x1x1xf32>
      %reduce_or3A_3070 = vector.extract %reduce_or3A_3069[0, 0, 0] : f32 from vector<1x1x1xf32>
      %reduce_or3A_3071 = arith.constant 0.000000e+00 : f32
      %reduce_or3A_3072 = arith.cmpf ogt, %reduce_or3A_3070, %reduce_or3A_3071 : f32
      scf.condition(%reduce_or3A_3072) %while3A_3060, %while3A_3061 : vector<512x1xf32>, vector<512x1xf32>
    } do {
    ^bb0(%while3A_3060: vector<512x1xf32>, %while3A_3061: vector<512x1xf32>):
      %dot_general3A_3062 = arith.constant dense<0.000000e+00> : vector<512x1xf32>
      %dot_general3A_3063 = tpu.matmul %mul3A_170, %while3A_3061, %dot_general3A_3062 {dimension_numbers = #tpu.dot_dimension_numbers<[0], [0], [1], [1], [0, 1, 1, 1], [], []>, transpose_lhs_hint = false} : vector<512x512xf32>, vector<512x1xf32>, vector<512x1xf32> -> vector<512x1xf32>
      %eq3A_3064 = arith.constant 0.000000e+00 : f32
      %eq3A_3065 = vector.broadcast %eq3A_3064 : f32 to vector<512x1xf32>
      %eq3A_3066 = arith.cmpf oeq, %dot_general3A_3063, %eq3A_3065 : vector<512x1xf32>
      %convert_element_type3A_3067 = arith.extui %eq3A_3066 : vector<512x1xi1> to vector<512x1xi32>
      %convert_element_type3A_3068 = arith.sitofp %convert_element_type3A_3067 : vector<512x1xi32> to vector<512x1xf32>
      %mul3A_3069 = arith.mulf %get3A_173, %convert_element_type3A_3068 : vector<512x1xf32>
      scf.yield %while3A_3061, %mul3A_3069 : vector<512x1xf32>, vector<512x1xf32>
    }
    %swap3A_177 = arith.constant 0 : index
    %swap3A_178 = arith.constant 0 : index
    %swap3A_179 = vector.load %arg1[%swap3A_177, %swap3A_178] : memref<5120x1xf32, #tpu.memory_space<vmem>>, vector<512x1xf32>
    tpu.vector_store %arg1[%swap3A_177, %swap3A_178], %while3A#1 {strides = array<i32>} : memref<5120x1xf32, #tpu.memory_space<vmem>>, vector<512x1xf32>,
    %slice3A_180 = vector.extract_strided_slice %dot_general3A_26 {offsets = [0, 0], sizes = [1, 512], strides = [1, 1]} : vector<5x512xf32> to vector<1x512xf32>
    %slice3A_181 = vector.extract_strided_slice %dot_general3A_26 {offsets = [1, 0], sizes = [1, 512], strides = [1, 1]} : vector<5x512xf32> to vector<1x512xf32>
    %slice3A_182 = vector.extract_strided_slice %dot_general3A_26 {offsets = [2, 0], sizes = [1, 512], strides = [1, 1]} : vector<5x512xf32> to vector<1x512xf32>
    %slice3A_183 = vector.extract_strided_slice %dot_general3A_26 {offsets = [3, 0], sizes = [1, 512], strides = [1, 1]} : vector<5x512xf32> to vector<1x512xf32>
    %slice3A_184 = vector.extract_strided_slice %dot_general3A_26 {offsets = [4, 0], sizes = [1, 512], strides = [1, 1]} : vector<5x512xf32> to vector<1x512xf32>
    %max3A_185 = vector.broadcast %slice3A_131 : vector<512x1xf32> to vector<512x512xf32>
    %max3A_186 = vector.broadcast %slice3A_180 : vector<1x512xf32> to vector<512x512xf32>
    %max3A_187 = arith.maximumf %max3A_185, %max3A_186 : vector<512x512xf32>
    %max3A_188 = vector.broadcast %slice3A_132 : vector<512x1xf32> to vector<512x512xf32>
    %max3A_189 = vector.broadcast %slice3A_181 : vector<1x512xf32> to vector<512x512xf32>
    %max3A_190 = arith.maximumf %max3A_188, %max3A_189 : vector<512x512xf32>
    %min3A_191 = vector.broadcast %slice3A_133 : vector<512x1xf32> to vector<512x512xf32>
    %min3A_192 = vector.broadcast %slice3A_182 : vector<1x512xf32> to vector<512x512xf32>
    %min3A_193 = arith.minimumf %min3A_191, %min3A_192 : vector<512x512xf32>
    %min3A_194 = vector.broadcast %slice3A_134 : vector<512x1xf32> to vector<512x512xf32>
    %min3A_195 = vector.broadcast %slice3A_183 : vector<1x512xf32> to vector<512x512xf32>
    %min3A_196 = arith.minimumf %min3A_194, %min3A_195 : vector<512x512xf32>
    %sub3A_197 = arith.subf %min3A_193, %max3A_187 : vector<512x512xf32>
    %max3A_198 = arith.constant 0.000000e+00 : f32
    %max3A_199 = vector.broadcast %max3A_198 : f32 to vector<512x512xf32>
    %max3A_200 = arith.maximumf %sub3A_197, %max3A_199 : vector<512x512xf32>
    %sub3A_201 = arith.subf %min3A_196, %max3A_190 : vector<512x512xf32>
    %max3A_202 = arith.constant 0.000000e+00 : f32
    %max3A_203 = vector.broadcast %max3A_202 : f32 to vector<512x512xf32>
    %max3A_204 = arith.maximumf %sub3A_201, %max3A_203 : vector<512x512xf32>
    %mul3A_205 = arith.mulf %max3A_200, %max3A_204 : vector<512x512xf32>
    %add3A_206 = vector.broadcast %slice3A_135 : vector<512x1xf32> to vector<512x512xf32>
    %add3A_207 = vector.broadcast %slice3A_184 : vector<1x512xf32> to vector<512x512xf32>
    %add3A_208 = arith.addf %add3A_206, %add3A_207 : vector<512x512xf32>
    %sub3A_209 = arith.subf %add3A_208, %mul3A_205 : vector<512x512xf32>
    %add3A_210 = arith.constant 9.99999971E-10 : f32
    %add3A_211 = vector.broadcast %add3A_210 : f32 to vector<512x512xf32>
    %add3A_212 = arith.addf %sub3A_209, %add3A_211 : vector<512x512xf32>
    %div3A_213 = arith.divf %mul3A_205, %add3A_212 : vector<512x512xf32>
    %gt3A_214 = arith.constant 5.000000e-01 : f32
    %gt3A_215 = vector.broadcast %gt3A_214 : f32 to vector<512x512xf32>
    %gt3A_216 = arith.cmpf ogt, %div3A_213, %gt3A_215 : vector<512x512xf32>
    %convert_element_type3A_217 = arith.extui %gt3A_216 : vector<512x512xi1> to vector<512x512xi32>
    %convert_element_type3A_218 = arith.sitofp %convert_element_type3A_217 : vector<512x512xi32> to vector<512x512xf32>
    %dot_general3A_219 = arith.constant dense<0.000000e+00> : vector<512x1xf32>
    %dot_general3A_220 = tpu.matmul %convert_element_type3A_218, %while3A#1, %dot_general3A_219 {dimension_numbers = #tpu.dot_dimension_numbers<[0], [0], [1], [1], [0, 1, 1, 1], [], []>, transpose_lhs_hint = false} : vector<512x512xf32>, vector<512x1xf32>, vector<512x1xf32> -> vector<512x1xf32>
    %get3A_221 = arith.constant 512 : index
    %get3A_222 = arith.constant 0 : index
    %get3A_223 = vector.load %arg1[%get3A_221, %get3A_222] : memref<5120x1xf32, #tpu.memory_space<vmem>>, vector<512x1xf32>
    %eq3A_224 = arith.constant 0.000000e+00 : f32
    %eq3A_225 = vector.broadcast %eq3A_224 : f32 to vector<512x1xf32>
    %eq3A_226 = arith.cmpf oeq, %dot_general3A_220, %eq3A_225 : vector<512x1xf32>
    %convert_element_type3A_227 = arith.extui %eq3A_226 : vector<512x1xi1> to vector<512x1xi32>
    %convert_element_type3A_228 = arith.sitofp %convert_element_type3A_227 : vector<512x1xi32> to vector<512x1xf32>
    %mul3A_229 = arith.mulf %get3A_223, %convert_element_type3A_228 : vector<512x1xf32>
    %swap3A_230 = arith.constant 512 : index
    %swap3A_231 = arith.constant 0 : index
    %swap3A_232 = vector.load %arg1[%swap3A_230, %swap3A_231] : memref<5120x1xf32, #tpu.memory_space<vmem>>, vector<512x1xf32>
    tpu.vector_store %arg1[%swap3A_230, %swap3A_231], %mul3A_229 {strides = array<i32>} : memref<5120x1xf32, #tpu.memory_space<vmem>>, vector<512x1xf32>,
    %slice3A_233 = vector.extract_strided_slice %dot_general3A_39 {offsets = [0, 0], sizes = [1, 512], strides = [1, 1]} : vector<5x512xf32> to vector<1x512xf32>
    %slice3A_234 = vector.extract_strided_slice %dot_general3A_39 {offsets = [1, 0], sizes = [1, 512], strides = [1, 1]} : vector<5x512xf32> to vector<1x512xf32>
    %slice3A_235 = vector.extract_strided_slice %dot_general3A_39 {offsets = [2, 0], sizes = [1, 512], strides = [1, 1]} : vector<5x512xf32> to vector<1x512xf32>
    %slice3A_236 = vector.extract_strided_slice %dot_general3A_39 {offsets = [3, 0], sizes = [1, 512], strides = [1, 1]} : vector<5x512xf32> to vector<1x512xf32>
    %slice3A_237 = vector.extract_strided_slice %dot_general3A_39 {offsets = [4, 0], sizes = [1, 512], strides = [1, 1]} : vector<5x512xf32> to vector<1x512xf32>
    %max3A_238 = vector.broadcast %slice3A_131 : vector<512x1xf32> to vector<512x512xf32>
    %max3A_239 = vector.broadcast %slice3A_233 : vector<1x512xf32> to vector<512x512xf32>
    %max3A_240 = arith.maximumf %max3A_238, %max3A_239 : vector<512x512xf32>
    %max3A_241 = vector.broadcast %slice3A_132 : vector<512x1xf32> to vector<512x512xf32>
    %max3A_242 = vector.broadcast %slice3A_234 : vector<1x512xf32> to vector<512x512xf32>
    %max3A_243 = arith.maximumf %max3A_241, %max3A_242 : vector<512x512xf32>
    %min3A_244 = vector.broadcast %slice3A_133 : vector<512x1xf32> to vector<512x512xf32>
    %min3A_245 = vector.broadcast %slice3A_235 : vector<1x512xf32> to vector<512x512xf32>
    %min3A_246 = arith.minimumf %min3A_244, %min3A_245 : vector<512x512xf32>
    %min3A_247 = vector.broadcast %slice3A_134 : vector<512x1xf32> to vector<512x512xf32>
    %min3A_248 = vector.broadcast %slice3A_236 : vector<1x512xf32> to vector<512x512xf32>
    %min3A_249 = arith.minimumf %min3A_247, %min3A_248 : vector<512x512xf32>
    %sub3A_250 = arith.subf %min3A_246, %max3A_240 : vector<512x512xf32>
    %max3A_251 = arith.constant 0.000000e+00 : f32
    %max3A_252 = vector.broadcast %max3A_251 : f32 to vector<512x512xf32>
    %max3A_253 = arith.maximumf %sub3A_250, %max3A_252 : vector<512x512xf32>
    %sub3A_254 = arith.subf %min3A_249, %max3A_243 : vector<512x512xf32>
    %max3A_255 = arith.constant 0.000000e+00 : f32
    %max3A_256 = vector.broadcast %max3A_255 : f32 to vector<512x512xf32>
    %max3A_257 = arith.maximumf %sub3A_254, %max3A_256 : vector<512x512xf32>
    %mul3A_258 = arith.mulf %max3A_253, %max3A_257 : vector<512x512xf32>
    %add3A_259 = vector.broadcast %slice3A_135 : vector<512x1xf32> to vector<512x512xf32>
    %add3A_260 = vector.broadcast %slice3A_237 : vector<1x512xf32> to vector<512x512xf32>
    %add3A_261 = arith.addf %add3A_259, %add3A_260 : vector<512x512xf32>
    %sub3A_262 = arith.subf %add3A_261, %mul3A_258 : vector<512x512xf32>
    %add3A_263 = arith.constant 9.99999971E-10 : f32
    %add3A_264 = vector.broadcast %add3A_263 : f32 to vector<512x512xf32>
    %add3A_265 = arith.addf %sub3A_262, %add3A_264 : vector<512x512xf32>
    %div3A_266 = arith.divf %mul3A_258, %add3A_265 : vector<512x512xf32>
    %gt3A_267 = arith.constant 5.000000e-01 : f32
    %gt3A_268 = vector.broadcast %gt3A_267 : f32 to vector<512x512xf32>
    %gt3A_269 = arith.cmpf ogt, %div3A_266, %gt3A_268 : vector<512x512xf32>
    %convert_element_type3A_270 = arith.extui %gt3A_269 : vector<512x512xi1> to vector<512x512xi32>
    %convert_element_type3A_271 = arith.sitofp %convert_element_type3A_270 : vector<512x512xi32> to vector<512x512xf32>
    %dot_general3A_272 = arith.constant dense<0.000000e+00> : vector<512x1xf32>
    %dot_general3A_273 = tpu.matmul %convert_element_type3A_271, %while3A#1, %dot_general3A_272 {dimension_numbers = #tpu.dot_dimension_numbers<[0], [0], [1], [1], [0, 1, 1, 1], [], []>, transpose_lhs_hint = false} : vector<512x512xf32>, vector<512x1xf32>, vector<512x1xf32> -> vector<512x1xf32>
    %get3A_274 = arith.constant 1024 : index
    %get3A_275 = arith.constant 0 : index
    %get3A_276 = vector.load %arg1[%get3A_274, %get3A_275] : memref<5120x1xf32, #tpu.memory_space<vmem>>, vector<512x1xf32>
    %eq3A_277 = arith.constant 0.000000e+00 : f32
    %eq3A_278 = vector.broadcast %eq3A_277 : f32 to vector<512x1xf32>
    %eq3A_279 = arith.cmpf oeq, %dot_general3A_273, %eq3A_278 : vector<512x1xf32>
    %convert_element_type3A_280 = arith.extui %eq3A_279 : vector<512x1xi1> to vector<512x1xi32>
    %convert_element_type3A_281 = arith.sitofp %convert_element_type3A_280 : vector<512x1xi32> to vector<512x1xf32>
    %mul3A_282 = arith.mulf %get3A_276, %convert_element_type3A_281 : vector<512x1xf32>
    %swap3A_283 = arith.constant 1024 : index
    %swap3A_284 = arith.constant 0 : index
    %swap3A_285 = vector.load %arg1[%swap3A_283, %swap3A_284] : memref<5120x1xf32, #tpu.memory_space<vmem>>, vector<512x1xf32>
    tpu.vector_store %arg1[%swap3A_283, %swap3A_284], %mul3A_282 {strides = array<i32>} : memref<5120x1xf32, #tpu.memory_space<vmem>>, vector<512x1xf32>,
    %slice3A_286 = vector.extract_strided_slice %dot_general3A_52 {offsets = [0, 0], sizes = [1, 512], strides = [1, 1]} : vector<5x512xf32> to vector<1x512xf32>
    %slice3A_287 = vector.extract_strided_slice %dot_general3A_52 {offsets = [1, 0], sizes = [1, 512], strides = [1, 1]} : vector<5x512xf32> to vector<1x512xf32>
    %slice3A_288 = vector.extract_strided_slice %dot_general3A_52 {offsets = [2, 0], sizes = [1, 512], strides = [1, 1]} : vector<5x512xf32> to vector<1x512xf32>
    %slice3A_289 = vector.extract_strided_slice %dot_general3A_52 {offsets = [3, 0], sizes = [1, 512], strides = [1, 1]} : vector<5x512xf32> to vector<1x512xf32>
    %slice3A_290 = vector.extract_strided_slice %dot_general3A_52 {offsets = [4, 0], sizes = [1, 512], strides = [1, 1]} : vector<5x512xf32> to vector<1x512xf32>
    %max3A_291 = vector.broadcast %slice3A_131 : vector<512x1xf32> to vector<512x512xf32>
    %max3A_292 = vector.broadcast %slice3A_286 : vector<1x512xf32> to vector<512x512xf32>
    %max3A_293 = arith.maximumf %max3A_291, %max3A_292 : vector<512x512xf32>
    %max3A_294 = vector.broadcast %slice3A_132 : vector<512x1xf32> to vector<512x512xf32>
    %max3A_295 = vector.broadcast %slice3A_287 : vector<1x512xf32> to vector<512x512xf32>
    %max3A_296 = arith.maximumf %max3A_294, %max3A_295 : vector<512x512xf32>
    %min3A_297 = vector.broadcast %slice3A_133 : vector<512x1xf32> to vector<512x512xf32>
    %min3A_298 = vector.broadcast %slice3A_288 : vector<1x512xf32> to vector<512x512xf32>
    %min3A_299 = arith.minimumf %min3A_297, %min3A_298 : vector<512x512xf32>
    %min3A_300 = vector.broadcast %slice3A_134 : vector<512x1xf32> to vector<512x512xf32>
    %min3A_301 = vector.broadcast %slice3A_289 : vector<1x512xf32> to vector<512x512xf32>
    %min3A_302 = arith.minimumf %min3A_300, %min3A_301 : vector<512x512xf32>
    %sub3A_303 = arith.subf %min3A_299, %max3A_293 : vector<512x512xf32>
    %max3A_304 = arith.constant 0.000000e+00 : f32
    %max3A_305 = vector.broadcast %max3A_304 : f32 to vector<512x512xf32>
    %max3A_306 = arith.maximumf %sub3A_303, %max3A_305 : vector<512x512xf32>
    %sub3A_307 = arith.subf %min3A_302, %max3A_296 : vector<512x512xf32>
    %max3A_308 = arith.constant 0.000000e+00 : f32
    %max3A_309 = vector.broadcast %max3A_308 : f32 to vector<512x512xf32>
    %max3A_310 = arith.maximumf %sub3A_307, %max3A_309 : vector<512x512xf32>
    %mul3A_311 = arith.mulf %max3A_306, %max3A_310 : vector<512x512xf32>
    %add3A_312 = vector.broadcast %slice3A_135 : vector<512x1xf32> to vector<512x512xf32>
    %add3A_313 = vector.broadcast %slice3A_290 : vector<1x512xf32> to vector<512x512xf32>
    %add3A_314 = arith.addf %add3A_312, %add3A_313 : vector<512x512xf32>
    %sub3A_315 = arith.subf %add3A_314, %mul3A_311 : vector<512x512xf32>
    %add3A_316 = arith.constant 9.99999971E-10 : f32
    %add3A_317 = vector.broadcast %add3A_316 : f32 to vector<512x512xf32>
    %add3A_318 = arith.addf %sub3A_315, %add3A_317 : vector<512x512xf32>
    %div3A_319 = arith.divf %mul3A_311, %add3A_318 : vector<512x512xf32>
    %gt3A_320 = arith.constant 5.000000e-01 : f32
    %gt3A_321 = vector.broadcast %gt3A_320 : f32 to vector<512x512xf32>
    %gt3A_322 = arith.cmpf ogt, %div3A_319, %gt3A_321 : vector<512x512xf32>
    %convert_element_type3A_323 = arith.extui %gt3A_322 : vector<512x512xi1> to vector<512x512xi32>
    %convert_element_type3A_324 = arith.sitofp %convert_element_type3A_323 : vector<512x512xi32> to vector<512x512xf32>
    %dot_general3A_325 = arith.constant dense<0.000000e+00> : vector<512x1xf32>
    %dot_general3A_326 = tpu.matmul %convert_element_type3A_324, %while3A#1, %dot_general3A_325 {dimension_numbers = #tpu.dot_dimension_numbers<[0], [0], [1], [1], [0, 1, 1, 1], [], []>, transpose_lhs_hint = false} : vector<512x512xf32>, vector<512x1xf32>, vector<512x1xf32> -> vector<512x1xf32>
    %get3A_327 = arith.constant 1536 : index
    %get3A_328 = arith.constant 0 : index
    %get3A_329 = vector.load %arg1[%get3A_327, %get3A_328] : memref<5120x1xf32, #tpu.memory_space<vmem>>, vector<512x1xf32>
    %eq3A_330 = arith.constant 0.000000e+00 : f32
    %eq3A_331 = vector.broadcast %eq3A_330 : f32 to vector<512x1xf32>
    %eq3A_332 = arith.cmpf oeq, %dot_general3A_326, %eq3A_331 : vector<512x1xf32>
    %convert_element_type3A_333 = arith.extui %eq3A_332 : vector<512x1xi1> to vector<512x1xi32>
    %convert_element_type3A_334 = arith.sitofp %convert_element_type3A_333 : vector<512x1xi32> to vector<512x1xf32>
    %mul3A_335 = arith.mulf %get3A_329, %convert_element_type3A_334 : vector<512x1xf32>
    %swap3A_336 = arith.constant 1536 : index
    %swap3A_337 = arith.constant 0 : index
    %swap3A_338 = vector.load %arg1[%swap3A_336, %swap3A_337] : memref<5120x1xf32, #tpu.memory_space<vmem>>, vector<512x1xf32>
    tpu.vector_store %arg1[%swap3A_336, %swap3A_337], %mul3A_335 {strides = array<i32>} : memref<5120x1xf32, #tpu.memory_space<vmem>>, vector<512x1xf32>,
    %slice3A_339 = vector.extract_strided_slice %dot_general3A_65 {offsets = [0, 0], sizes = [1, 512], strides = [1, 1]} : vector<5x512xf32> to vector<1x512xf32>
    %slice3A_340 = vector.extract_strided_slice %dot_general3A_65 {offsets = [1, 0], sizes = [1, 512], strides = [1, 1]} : vector<5x512xf32> to vector<1x512xf32>
    %slice3A_341 = vector.extract_strided_slice %dot_general3A_65 {offsets = [2, 0], sizes = [1, 512], strides = [1, 1]} : vector<5x512xf32> to vector<1x512xf32>
    %slice3A_342 = vector.extract_strided_slice %dot_general3A_65 {offsets = [3, 0], sizes = [1, 512], strides = [1, 1]} : vector<5x512xf32> to vector<1x512xf32>
    %slice3A_343 = vector.extract_strided_slice %dot_general3A_65 {offsets = [4, 0], sizes = [1, 512], strides = [1, 1]} : vector<5x512xf32> to vector<1x512xf32>
    %max3A_344 = vector.broadcast %slice3A_131 : vector<512x1xf32> to vector<512x512xf32>
    %max3A_345 = vector.broadcast %slice3A_339 : vector<1x512xf32> to vector<512x512xf32>
    %max3A_346 = arith.maximumf %max3A_344, %max3A_345 : vector<512x512xf32>
    %max3A_347 = vector.broadcast %slice3A_132 : vector<512x1xf32> to vector<512x512xf32>
    %max3A_348 = vector.broadcast %slice3A_340 : vector<1x512xf32> to vector<512x512xf32>
    %max3A_349 = arith.maximumf %max3A_347, %max3A_348 : vector<512x512xf32>
    %min3A_350 = vector.broadcast %slice3A_133 : vector<512x1xf32> to vector<512x512xf32>
    %min3A_351 = vector.broadcast %slice3A_341 : vector<1x512xf32> to vector<512x512xf32>
    %min3A_352 = arith.minimumf %min3A_350, %min3A_351 : vector<512x512xf32>
    %min3A_353 = vector.broadcast %slice3A_134 : vector<512x1xf32> to vector<512x512xf32>
    %min3A_354 = vector.broadcast %slice3A_342 : vector<1x512xf32> to vector<512x512xf32>
    %min3A_355 = arith.minimumf %min3A_353, %min3A_354 : vector<512x512xf32>
    %sub3A_356 = arith.subf %min3A_352, %max3A_346 : vector<512x512xf32>
    %max3A_357 = arith.constant 0.000000e+00 : f32
    %max3A_358 = vector.broadcast %max3A_357 : f32 to vector<512x512xf32>
    %max3A_359 = arith.maximumf %sub3A_356, %max3A_358 : vector<512x512xf32>
    %sub3A_360 = arith.subf %min3A_355, %max3A_349 : vector<512x512xf32>
    %max3A_361 = arith.constant 0.000000e+00 : f32
    %max3A_362 = vector.broadcast %max3A_361 : f32 to vector<512x512xf32>
    %max3A_363 = arith.maximumf %sub3A_360, %max3A_362 : vector<512x512xf32>
    %mul3A_364 = arith.mulf %max3A_359, %max3A_363 : vector<512x512xf32>
    %add3A_365 = vector.broadcast %slice3A_135 : vector<512x1xf32> to vector<512x512xf32>
    %add3A_366 = vector.broadcast %slice3A_343 : vector<1x512xf32> to vector<512x512xf32>
    %add3A_367 = arith.addf %add3A_365, %add3A_366 : vector<512x512xf32>
    %sub3A_368 = arith.subf %add3A_367, %mul3A_364 : vector<512x512xf32>
    %add3A_369 = arith.constant 9.99999971E-10 : f32
    %add3A_370 = vector.broadcast %add3A_369 : f32 to vector<512x512xf32>
    %add3A_371 = arith.addf %sub3A_368, %add3A_370 : vector<512x512xf32>
    %div3A_372 = arith.divf %mul3A_364, %add3A_371 : vector<512x512xf32>
    %gt3A_373 = arith.constant 5.000000e-01 : f32
    %gt3A_374 = vector.broadcast %gt3A_373 : f32 to vector<512x512xf32>
    %gt3A_375 = arith.cmpf ogt, %div3A_372, %gt3A_374 : vector<512x512xf32>
    %convert_element_type3A_376 = arith.extui %gt3A_375 : vector<512x512xi1> to vector<512x512xi32>
    %convert_element_type3A_377 = arith.sitofp %convert_element_type3A_376 : vector<512x512xi32> to vector<512x512xf32>
    %dot_general3A_378 = arith.constant dense<0.000000e+00> : vector<512x1xf32>
    %dot_general3A_379 = tpu.matmul %convert_element_type3A_377, %while3A#1, %dot_general3A_378 {dimension_numbers = #tpu.dot_dimension_numbers<[0], [0], [1], [1], [0, 1, 1, 1], [], []>, transpose_lhs_hint = false} : vector<512x512xf32>, vector<512x1xf32>, vector<512x1xf32> -> vector<512x1xf32>
    %get3A_380 = arith.constant 2048 : index
    %get3A_381 = arith.constant 0 : index
    %get3A_382 = vector.load %arg1[%get3A_380, %get3A_381] : memref<5120x1xf32, #tpu.memory_space<vmem>>, vector<512x1xf32>
    %eq3A_383 = arith.constant 0.000000e+00 : f32
    %eq3A_384 = vector.broadcast %eq3A_383 : f32 to vector<512x1xf32>
    %eq3A_385 = arith.cmpf oeq, %dot_general3A_379, %eq3A_384 : vector<512x1xf32>
    %convert_element_type3A_386 = arith.extui %eq3A_385 : vector<512x1xi1> to vector<512x1xi32>
    %convert_element_type3A_387 = arith.sitofp %convert_element_type3A_386 : vector<512x1xi32> to vector<512x1xf32>
    %mul3A_388 = arith.mulf %get3A_382, %convert_element_type3A_387 : vector<512x1xf32>
    %swap3A_389 = arith.constant 2048 : index
    %swap3A_390 = arith.constant 0 : index
    %swap3A_391 = vector.load %arg1[%swap3A_389, %swap3A_390] : memref<5120x1xf32, #tpu.memory_space<vmem>>, vector<512x1xf32>
    tpu.vector_store %arg1[%swap3A_389, %swap3A_390], %mul3A_388 {strides = array<i32>} : memref<5120x1xf32, #tpu.memory_space<vmem>>, vector<512x1xf32>,
    %slice3A_392 = vector.extract_strided_slice %dot_general3A_78 {offsets = [0, 0], sizes = [1, 512], strides = [1, 1]} : vector<5x512xf32> to vector<1x512xf32>
    %slice3A_393 = vector.extract_strided_slice %dot_general3A_78 {offsets = [1, 0], sizes = [1, 512], strides = [1, 1]} : vector<5x512xf32> to vector<1x512xf32>
    %slice3A_394 = vector.extract_strided_slice %dot_general3A_78 {offsets = [2, 0], sizes = [1, 512], strides = [1, 1]} : vector<5x512xf32> to vector<1x512xf32>
    %slice3A_395 = vector.extract_strided_slice %dot_general3A_78 {offsets = [3, 0], sizes = [1, 512], strides = [1, 1]} : vector<5x512xf32> to vector<1x512xf32>
    %slice3A_396 = vector.extract_strided_slice %dot_general3A_78 {offsets = [4, 0], sizes = [1, 512], strides = [1, 1]} : vector<5x512xf32> to vector<1x512xf32>
    %max3A_397 = vector.broadcast %slice3A_131 : vector<512x1xf32> to vector<512x512xf32>
    %max3A_398 = vector.broadcast %slice3A_392 : vector<1x512xf32> to vector<512x512xf32>
    %max3A_399 = arith.maximumf %max3A_397, %max3A_398 : vector<512x512xf32>
    %max3A_400 = vector.broadcast %slice3A_132 : vector<512x1xf32> to vector<512x512xf32>
    %max3A_401 = vector.broadcast %slice3A_393 : vector<1x512xf32> to vector<512x512xf32>
    %max3A_402 = arith.maximumf %max3A_400, %max3A_401 : vector<512x512xf32>
    %min3A_403 = vector.broadcast %slice3A_133 : vector<512x1xf32> to vector<512x512xf32>
    %min3A_404 = vector.broadcast %slice3A_394 : vector<1x512xf32> to vector<512x512xf32>
    %min3A_405 = arith.minimumf %min3A_403, %min3A_404 : vector<512x512xf32>
    %min3A_406 = vector.broadcast %slice3A_134 : vector<512x1xf32> to vector<512x512xf32>
    %min3A_407 = vector.broadcast %slice3A_395 : vector<1x512xf32> to vector<512x512xf32>
    %min3A_408 = arith.minimumf %min3A_406, %min3A_407 : vector<512x512xf32>
    %sub3A_409 = arith.subf %min3A_405, %max3A_399 : vector<512x512xf32>
    %max3A_410 = arith.constant 0.000000e+00 : f32
    %max3A_411 = vector.broadcast %max3A_410 : f32 to vector<512x512xf32>
    %max3A_412 = arith.maximumf %sub3A_409, %max3A_411 : vector<512x512xf32>
    %sub3A_413 = arith.subf %min3A_408, %max3A_402 : vector<512x512xf32>
    %max3A_414 = arith.constant 0.000000e+00 : f32
    %max3A_415 = vector.broadcast %max3A_414 : f32 to vector<512x512xf32>
    %max3A_416 = arith.maximumf %sub3A_413, %max3A_415 : vector<512x512xf32>
    %mul3A_417 = arith.mulf %max3A_412, %max3A_416 : vector<512x512xf32>
    %add3A_418 = vector.broadcast %slice3A_135 : vector<512x1xf32> to vector<512x512xf32>
    %add3A_419 = vector.broadcast %slice3A_396 : vector<1x512xf32> to vector<512x512xf32>
    %add3A_420 = arith.addf %add3A_418, %add3A_419 : vector<512x512xf32>
    %sub3A_421 = arith.subf %add3A_420, %mul3A_417 : vector<512x512xf32>
    %add3A_422 = arith.constant 9.99999971E-10 : f32
    %add3A_423 = vector.broadcast %add3A_422 : f32 to vector<512x512xf32>
    %add3A_424 = arith.addf %sub3A_421, %add3A_423 : vector<512x512xf32>
    %div3A_425 = arith.divf %mul3A_417, %add3A_424 : vector<512x512xf32>
    %gt3A_426 = arith.constant 5.000000e-01 : f32
    %gt3A_427 = vector.broadcast %gt3A_426 : f32 to vector<512x512xf32>
    %gt3A_428 = arith.cmpf ogt, %div3A_425, %gt3A_427 : vector<512x512xf32>
    %convert_element_type3A_429 = arith.extui %gt3A_428 : vector<512x512xi1> to vector<512x512xi32>
    %convert_element_type3A_430 = arith.sitofp %convert_element_type3A_429 : vector<512x512xi32> to vector<512x512xf32>
    %dot_general3A_431 = arith.constant dense<0.000000e+00> : vector<512x1xf32>
    %dot_general3A_432 = tpu.matmul %convert_element_type3A_430, %while3A#1, %dot_general3A_431 {dimension_numbers = #tpu.dot_dimension_numbers<[0], [0], [1], [1], [0, 1, 1, 1], [], []>, transpose_lhs_hint = false} : vector<512x512xf32>, vector<512x1xf32>, vector<512x1xf32> -> vector<512x1xf32>
    %get3A_433 = arith.constant 2560 : index
    %get3A_434 = arith.constant 0 : index
    %get3A_435 = vector.load %arg1[%get3A_433, %get3A_434] : memref<5120x1xf32, #tpu.memory_space<vmem>>, vector<512x1xf32>
    %eq3A_436 = arith.constant 0.000000e+00 : f32
    %eq3A_437 = vector.broadcast %eq3A_436 : f32 to vector<512x1xf32>
    %eq3A_438 = arith.cmpf oeq, %dot_general3A_432, %eq3A_437 : vector<512x1xf32>
    %convert_element_type3A_439 = arith.extui %eq3A_438 : vector<512x1xi1> to vector<512x1xi32>
    %convert_element_type3A_440 = arith.sitofp %convert_element_type3A_439 : vector<512x1xi32> to vector<512x1xf32>
    %mul3A_441 = arith.mulf %get3A_435, %convert_element_type3A_440 : vector<512x1xf32>
    %swap3A_442 = arith.constant 2560 : index
    %swap3A_443 = arith.constant 0 : index
    %swap3A_444 = vector.load %arg1[%swap3A_442, %swap3A_443] : memref<5120x1xf32, #tpu.memory_space<vmem>>, vector<512x1xf32>
    tpu.vector_store %arg1[%swap3A_442, %swap3A_443], %mul3A_441 {strides = array<i32>} : memref<5120x1xf32, #tpu.memory_space<vmem>>, vector<512x1xf32>,
    %slice3A_445 = vector.extract_strided_slice %dot_general3A_91 {offsets = [0, 0], sizes = [1, 512], strides = [1, 1]} : vector<5x512xf32> to vector<1x512xf32>
    %slice3A_446 = vector.extract_strided_slice %dot_general3A_91 {offsets = [1, 0], sizes = [1, 512], strides = [1, 1]} : vector<5x512xf32> to vector<1x512xf32>
    %slice3A_447 = vector.extract_strided_slice %dot_general3A_91 {offsets = [2, 0], sizes = [1, 512], strides = [1, 1]} : vector<5x512xf32> to vector<1x512xf32>
    %slice3A_448 = vector.extract_strided_slice %dot_general3A_91 {offsets = [3, 0], sizes = [1, 512], strides = [1, 1]} : vector<5x512xf32> to vector<1x512xf32>
    %slice3A_449 = vector.extract_strided_slice %dot_general3A_91 {offsets = [4, 0], sizes = [1, 512], strides = [1, 1]} : vector<5x512xf32> to vector<1x512xf32>
    %max3A_450 = vector.broadcast %slice3A_131 : vector<512x1xf32> to vector<512x512xf32>
    %max3A_451 = vector.broadcast %slice3A_445 : vector<1x512xf32> to vector<512x512xf32>
    %max3A_452 = arith.maximumf %max3A_450, %max3A_451 : vector<512x512xf32>
    %max3A_453 = vector.broadcast %slice3A_132 : vector<512x1xf32> to vector<512x512xf32>
    %max3A_454 = vector.broadcast %slice3A_446 : vector<1x512xf32> to vector<512x512xf32>
    %max3A_455 = arith.maximumf %max3A_453, %max3A_454 : vector<512x512xf32>
    %min3A_456 = vector.broadcast %slice3A_133 : vector<512x1xf32> to vector<512x512xf32>
    %min3A_457 = vector.broadcast %slice3A_447 : vector<1x512xf32> to vector<512x512xf32>
    %min3A_458 = arith.minimumf %min3A_456, %min3A_457 : vector<512x512xf32>
    %min3A_459 = vector.broadcast %slice3A_134 : vector<512x1xf32> to vector<512x512xf32>
    %min3A_460 = vector.broadcast %slice3A_448 : vector<1x512xf32> to vector<512x512xf32>
    %min3A_461 = arith.minimumf %min3A_459, %min3A_460 : vector<512x512xf32>
    %sub3A_462 = arith.subf %min3A_458, %max3A_452 : vector<512x512xf32>
    %max3A_463 = arith.constant 0.000000e+00 : f32
    %max3A_464 = vector.broadcast %max3A_463 : f32 to vector<512x512xf32>
    %max3A_465 = arith.maximumf %sub3A_462, %max3A_464 : vector<512x512xf32>
    %sub3A_466 = arith.subf %min3A_461, %max3A_455 : vector<512x512xf32>
    %max3A_467 = arith.constant 0.000000e+00 : f32
    %max3A_468 = vector.broadcast %max3A_467 : f32 to vector<512x512xf32>
    %max3A_469 = arith.maximumf %sub3A_466, %max3A_468 : vector<512x512xf32>
    %mul3A_470 = arith.mulf %max3A_465, %max3A_469 : vector<512x512xf32>
    %add3A_471 = vector.broadcast %slice3A_135 : vector<512x1xf32> to vector<512x512xf32>
    %add3A_472 = vector.broadcast %slice3A_449 : vector<1x512xf32> to vector<512x512xf32>
    %add3A_473 = arith.addf %add3A_471, %add3A_472 : vector<512x512xf32>
    %sub3A_474 = arith.subf %add3A_473, %mul3A_470 : vector<512x512xf32>
    %add3A_475 = arith.constant 9.99999971E-10 : f32
    %add3A_476 = vector.broadcast %add3A_475 : f32 to vector<512x512xf32>
    %add3A_477 = arith.addf %sub3A_474, %add3A_476 : vector<512x512xf32>
    %div3A_478 = arith.divf %mul3A_470, %add3A_477 : vector<512x512xf32>
    %gt3A_479 = arith.constant 5.000000e-01 : f32
    %gt3A_480 = vector.broadcast %gt3A_479 : f32 to vector<512x512xf32>
    %gt3A_481 = arith.cmpf ogt, %div3A_478, %gt3A_480 : vector<512x512xf32>
    %convert_element_type3A_482 = arith.extui %gt3A_481 : vector<512x512xi1> to vector<512x512xi32>
    %convert_element_type3A_483 = arith.sitofp %convert_element_type3A_482 : vector<512x512xi32> to vector<512x512xf32>
    %dot_general3A_484 = arith.constant dense<0.000000e+00> : vector<512x1xf32>
    %dot_general3A_485 = tpu.matmul %convert_element_type3A_483, %while3A#1, %dot_general3A_484 {dimension_numbers = #tpu.dot_dimension_numbers<[0], [0], [1], [1], [0, 1, 1, 1], [], []>, transpose_lhs_hint = false} : vector<512x512xf32>, vector<512x1xf32>, vector<512x1xf32> -> vector<512x1xf32>
    %get3A_486 = arith.constant 3072 : index
    %get3A_487 = arith.constant 0 : index
    %get3A_488 = vector.load %arg1[%get3A_486, %get3A_487] : memref<5120x1xf32, #tpu.memory_space<vmem>>, vector<512x1xf32>
    %eq3A_489 = arith.constant 0.000000e+00 : f32
    %eq3A_490 = vector.broadcast %eq3A_489 : f32 to vector<512x1xf32>
    %eq3A_491 = arith.cmpf oeq, %dot_general3A_485, %eq3A_490 : vector<512x1xf32>
    %convert_element_type3A_492 = arith.extui %eq3A_491 : vector<512x1xi1> to vector<512x1xi32>
    %convert_element_type3A_493 = arith.sitofp %convert_element_type3A_492 : vector<512x1xi32> to vector<512x1xf32>
    %mul3A_494 = arith.mulf %get3A_488, %convert_element_type3A_493 : vector<512x1xf32>
    %swap3A_495 = arith.constant 3072 : index
    %swap3A_496 = arith.constant 0 : index
    %swap3A_497 = vector.load %arg1[%swap3A_495, %swap3A_496] : memref<5120x1xf32, #tpu.memory_space<vmem>>, vector<512x1xf32>
    tpu.vector_store %arg1[%swap3A_495, %swap3A_496], %mul3A_494 {strides = array<i32>} : memref<5120x1xf32, #tpu.memory_space<vmem>>, vector<512x1xf32>,
    %slice3A_498 = vector.extract_strided_slice %dot_general3A_104 {offsets = [0, 0], sizes = [1, 512], strides = [1, 1]} : vector<5x512xf32> to vector<1x512xf32>
    %slice3A_499 = vector.extract_strided_slice %dot_general3A_104 {offsets = [1, 0], sizes = [1, 512], strides = [1, 1]} : vector<5x512xf32> to vector<1x512xf32>
    %slice3A_500 = vector.extract_strided_slice %dot_general3A_104 {offsets = [2, 0], sizes = [1, 512], strides = [1, 1]} : vector<5x512xf32> to vector<1x512xf32>
    %slice3A_501 = vector.extract_strided_slice %dot_general3A_104 {offsets = [3, 0], sizes = [1, 512], strides = [1, 1]} : vector<5x512xf32> to vector<1x512xf32>
    %slice3A_502 = vector.extract_strided_slice %dot_general3A_104 {offsets = [4, 0], sizes = [1, 512], strides = [1, 1]} : vector<5x512xf32> to vector<1x512xf32>
    %max3A_503 = vector.broadcast %slice3A_131 : vector<512x1xf32> to vector<512x512xf32>
    %max3A_504 = vector.broadcast %slice3A_498 : vector<1x512xf32> to vector<512x512xf32>
    %max3A_505 = arith.maximumf %max3A_503, %max3A_504 : vector<512x512xf32>
    %max3A_506 = vector.broadcast %slice3A_132 : vector<512x1xf32> to vector<512x512xf32>
    %max3A_507 = vector.broadcast %slice3A_499 : vector<1x512xf32> to vector<512x512xf32>
    %max3A_508 = arith.maximumf %max3A_506, %max3A_507 : vector<512x512xf32>
    %min3A_509 = vector.broadcast %slice3A_133 : vector<512x1xf32> to vector<512x512xf32>
    %min3A_510 = vector.broadcast %slice3A_500 : vector<1x512xf32> to vector<512x512xf32>
    %min3A_511 = arith.minimumf %min3A_509, %min3A_510 : vector<512x512xf32>
    %min3A_512 = vector.broadcast %slice3A_134 : vector<512x1xf32> to vector<512x512xf32>
    %min3A_513 = vector.broadcast %slice3A_501 : vector<1x512xf32> to vector<512x512xf32>
    %min3A_514 = arith.minimumf %min3A_512, %min3A_513 : vector<512x512xf32>
    %sub3A_515 = arith.subf %min3A_511, %max3A_505 : vector<512x512xf32>
    %max3A_516 = arith.constant 0.000000e+00 : f32
    %max3A_517 = vector.broadcast %max3A_516 : f32 to vector<512x512xf32>
    %max3A_518 = arith.maximumf %sub3A_515, %max3A_517 : vector<512x512xf32>
    %sub3A_519 = arith.subf %min3A_514, %max3A_508 : vector<512x512xf32>
    %max3A_520 = arith.constant 0.000000e+00 : f32
    %max3A_521 = vector.broadcast %max3A_520 : f32 to vector<512x512xf32>
    %max3A_522 = arith.maximumf %sub3A_519, %max3A_521 : vector<512x512xf32>
    %mul3A_523 = arith.mulf %max3A_518, %max3A_522 : vector<512x512xf32>
    %add3A_524 = vector.broadcast %slice3A_135 : vector<512x1xf32> to vector<512x512xf32>
    %add3A_525 = vector.broadcast %slice3A_502 : vector<1x512xf32> to vector<512x512xf32>
    %add3A_526 = arith.addf %add3A_524, %add3A_525 : vector<512x512xf32>
    %sub3A_527 = arith.subf %add3A_526, %mul3A_523 : vector<512x512xf32>
    %add3A_528 = arith.constant 9.99999971E-10 : f32
    %add3A_529 = vector.broadcast %add3A_528 : f32 to vector<512x512xf32>
    %add3A_530 = arith.addf %sub3A_527, %add3A_529 : vector<512x512xf32>
    %div3A_531 = arith.divf %mul3A_523, %add3A_530 : vector<512x512xf32>
    %gt3A_532 = arith.constant 5.000000e-01 : f32
    %gt3A_533 = vector.broadcast %gt3A_532 : f32 to vector<512x512xf32>
    %gt3A_534 = arith.cmpf ogt, %div3A_531, %gt3A_533 : vector<512x512xf32>
    %convert_element_type3A_535 = arith.extui %gt3A_534 : vector<512x512xi1> to vector<512x512xi32>
    %convert_element_type3A_536 = arith.sitofp %convert_element_type3A_535 : vector<512x512xi32> to vector<512x512xf32>
    %dot_general3A_537 = arith.constant dense<0.000000e+00> : vector<512x1xf32>
    %dot_general3A_538 = tpu.matmul %convert_element_type3A_536, %while3A#1, %dot_general3A_537 {dimension_numbers = #tpu.dot_dimension_numbers<[0], [0], [1], [1], [0, 1, 1, 1], [], []>, transpose_lhs_hint = false} : vector<512x512xf32>, vector<512x1xf32>, vector<512x1xf32> -> vector<512x1xf32>
    %get3A_539 = arith.constant 3584 : index
    %get3A_540 = arith.constant 0 : index
    %get3A_541 = vector.load %arg1[%get3A_539, %get3A_540] : memref<5120x1xf32, #tpu.memory_space<vmem>>, vector<512x1xf32>
    %eq3A_542 = arith.constant 0.000000e+00 : f32
    %eq3A_543 = vector.broadcast %eq3A_542 : f32 to vector<512x1xf32>
    %eq3A_544 = arith.cmpf oeq, %dot_general3A_538, %eq3A_543 : vector<512x1xf32>
    %convert_element_type3A_545 = arith.extui %eq3A_544 : vector<512x1xi1> to vector<512x1xi32>
    %convert_element_type3A_546 = arith.sitofp %convert_element_type3A_545 : vector<512x1xi32> to vector<512x1xf32>
    %mul3A_547 = arith.mulf %get3A_541, %convert_element_type3A_546 : vector<512x1xf32>
    %swap3A_548 = arith.constant 3584 : index
    %swap3A_549 = arith.constant 0 : index
    %swap3A_550 = vector.load %arg1[%swap3A_548, %swap3A_549] : memref<5120x1xf32, #tpu.memory_space<vmem>>, vector<512x1xf32>
    tpu.vector_store %arg1[%swap3A_548, %swap3A_549], %mul3A_547 {strides = array<i32>} : memref<5120x1xf32, #tpu.memory_space<vmem>>, vector<512x1xf32>,
    %slice3A_551 = vector.extract_strided_slice %dot_general3A_117 {offsets = [0, 0], sizes = [1, 512], strides = [1, 1]} : vector<5x512xf32> to vector<1x512xf32>
    %slice3A_552 = vector.extract_strided_slice %dot_general3A_117 {offsets = [1, 0], sizes = [1, 512], strides = [1, 1]} : vector<5x512xf32> to vector<1x512xf32>
    %slice3A_553 = vector.extract_strided_slice %dot_general3A_117 {offsets = [2, 0], sizes = [1, 512], strides = [1, 1]} : vector<5x512xf32> to vector<1x512xf32>
    %slice3A_554 = vector.extract_strided_slice %dot_general3A_117 {offsets = [3, 0], sizes = [1, 512], strides = [1, 1]} : vector<5x512xf32> to vector<1x512xf32>
    %slice3A_555 = vector.extract_strided_slice %dot_general3A_117 {offsets = [4, 0], sizes = [1, 512], strides = [1, 1]} : vector<5x512xf32> to vector<1x512xf32>
    %max3A_556 = vector.broadcast %slice3A_131 : vector<512x1xf32> to vector<512x512xf32>
    %max3A_557 = vector.broadcast %slice3A_551 : vector<1x512xf32> to vector<512x512xf32>
    %max3A_558 = arith.maximumf %max3A_556, %max3A_557 : vector<512x512xf32>
    %max3A_559 = vector.broadcast %slice3A_132 : vector<512x1xf32> to vector<512x512xf32>
    %max3A_560 = vector.broadcast %slice3A_552 : vector<1x512xf32> to vector<512x512xf32>
    %max3A_561 = arith.maximumf %max3A_559, %max3A_560 : vector<512x512xf32>
    %min3A_562 = vector.broadcast %slice3A_133 : vector<512x1xf32> to vector<512x512xf32>
    %min3A_563 = vector.broadcast %slice3A_553 : vector<1x512xf32> to vector<512x512xf32>
    %min3A_564 = arith.minimumf %min3A_562, %min3A_563 : vector<512x512xf32>
    %min3A_565 = vector.broadcast %slice3A_134 : vector<512x1xf32> to vector<512x512xf32>
    %min3A_566 = vector.broadcast %slice3A_554 : vector<1x512xf32> to vector<512x512xf32>
    %min3A_567 = arith.minimumf %min3A_565, %min3A_566 : vector<512x512xf32>
    %sub3A_568 = arith.subf %min3A_564, %max3A_558 : vector<512x512xf32>
    %max3A_569 = arith.constant 0.000000e+00 : f32
    %max3A_570 = vector.broadcast %max3A_569 : f32 to vector<512x512xf32>
    %max3A_571 = arith.maximumf %sub3A_568, %max3A_570 : vector<512x512xf32>
    %sub3A_572 = arith.subf %min3A_567, %max3A_561 : vector<512x512xf32>
    %max3A_573 = arith.constant 0.000000e+00 : f32
    %max3A_574 = vector.broadcast %max3A_573 : f32 to vector<512x512xf32>
    %max3A_575 = arith.maximumf %sub3A_572, %max3A_574 : vector<512x512xf32>
    %mul3A_576 = arith.mulf %max3A_571, %max3A_575 : vector<512x512xf32>
    %add3A_577 = vector.broadcast %slice3A_135 : vector<512x1xf32> to vector<512x512xf32>
    %add3A_578 = vector.broadcast %slice3A_555 : vector<1x512xf32> to vector<512x512xf32>
    %add3A_579 = arith.addf %add3A_577, %add3A_578 : vector<512x512xf32>
    %sub3A_580 = arith.subf %add3A_579, %mul3A_576 : vector<512x512xf32>
    %add3A_581 = arith.constant 9.99999971E-10 : f32
    %add3A_582 = vector.broadcast %add3A_581 : f32 to vector<512x512xf32>
    %add3A_583 = arith.addf %sub3A_580, %add3A_582 : vector<512x512xf32>
    %div3A_584 = arith.divf %mul3A_576, %add3A_583 : vector<512x512xf32>
    %gt3A_585 = arith.constant 5.000000e-01 : f32
    %gt3A_586 = vector.broadcast %gt3A_585 : f32 to vector<512x512xf32>
    %gt3A_587 = arith.cmpf ogt, %div3A_584, %gt3A_586 : vector<512x512xf32>
    %convert_element_type3A_588 = arith.extui %gt3A_587 : vector<512x512xi1> to vector<512x512xi32>
    %convert_element_type3A_589 = arith.sitofp %convert_element_type3A_588 : vector<512x512xi32> to vector<512x512xf32>
    %dot_general3A_590 = arith.constant dense<0.000000e+00> : vector<512x1xf32>
    %dot_general3A_591 = tpu.matmul %convert_element_type3A_589, %while3A#1, %dot_general3A_590 {dimension_numbers = #tpu.dot_dimension_numbers<[0], [0], [1], [1], [0, 1, 1, 1], [], []>, transpose_lhs_hint = false} : vector<512x512xf32>, vector<512x1xf32>, vector<512x1xf32> -> vector<512x1xf32>
    %get3A_592 = arith.constant 4096 : index
    %get3A_593 = arith.constant 0 : index
    %get3A_594 = vector.load %arg1[%get3A_592, %get3A_593] : memref<5120x1xf32, #tpu.memory_space<vmem>>, vector<512x1xf32>
    %eq3A_595 = arith.constant 0.000000e+00 : f32
    %eq3A_596 = vector.broadcast %eq3A_595 : f32 to vector<512x1xf32>
    %eq3A_597 = arith.cmpf oeq, %dot_general3A_591, %eq3A_596 : vector<512x1xf32>
    %convert_element_type3A_598 = arith.extui %eq3A_597 : vector<512x1xi1> to vector<512x1xi32>
    %convert_element_type3A_599 = arith.sitofp %convert_element_type3A_598 : vector<512x1xi32> to vector<512x1xf32>
    %mul3A_600 = arith.mulf %get3A_594, %convert_element_type3A_599 : vector<512x1xf32>
    %swap3A_601 = arith.constant 4096 : index
    %swap3A_602 = arith.constant 0 : index
    %swap3A_603 = vector.load %arg1[%swap3A_601, %swap3A_602] : memref<5120x1xf32, #tpu.memory_space<vmem>>, vector<512x1xf32>
    tpu.vector_store %arg1[%swap3A_601, %swap3A_602], %mul3A_600 {strides = array<i32>} : memref<5120x1xf32, #tpu.memory_space<vmem>>, vector<512x1xf32>,
    %slice3A_604 = vector.extract_strided_slice %dot_general3A_130 {offsets = [0, 0], sizes = [1, 512], strides = [1, 1]} : vector<5x512xf32> to vector<1x512xf32>
    %slice3A_605 = vector.extract_strided_slice %dot_general3A_130 {offsets = [1, 0], sizes = [1, 512], strides = [1, 1]} : vector<5x512xf32> to vector<1x512xf32>
    %slice3A_606 = vector.extract_strided_slice %dot_general3A_130 {offsets = [2, 0], sizes = [1, 512], strides = [1, 1]} : vector<5x512xf32> to vector<1x512xf32>
    %slice3A_607 = vector.extract_strided_slice %dot_general3A_130 {offsets = [3, 0], sizes = [1, 512], strides = [1, 1]} : vector<5x512xf32> to vector<1x512xf32>
    %slice3A_608 = vector.extract_strided_slice %dot_general3A_130 {offsets = [4, 0], sizes = [1, 512], strides = [1, 1]} : vector<5x512xf32> to vector<1x512xf32>
    %max3A_609 = vector.broadcast %slice3A_131 : vector<512x1xf32> to vector<512x512xf32>
    %max3A_610 = vector.broadcast %slice3A_604 : vector<1x512xf32> to vector<512x512xf32>
    %max3A_611 = arith.maximumf %max3A_609, %max3A_610 : vector<512x512xf32>
    %max3A_612 = vector.broadcast %slice3A_132 : vector<512x1xf32> to vector<512x512xf32>
    %max3A_613 = vector.broadcast %slice3A_605 : vector<1x512xf32> to vector<512x512xf32>
    %max3A_614 = arith.maximumf %max3A_612, %max3A_613 : vector<512x512xf32>
    %min3A_615 = vector.broadcast %slice3A_133 : vector<512x1xf32> to vector<512x512xf32>
    %min3A_616 = vector.broadcast %slice3A_606 : vector<1x512xf32> to vector<512x512xf32>
    %min3A_617 = arith.minimumf %min3A_615, %min3A_616 : vector<512x512xf32>
    %min3A_618 = vector.broadcast %slice3A_134 : vector<512x1xf32> to vector<512x512xf32>
    %min3A_619 = vector.broadcast %slice3A_607 : vector<1x512xf32> to vector<512x512xf32>
    %min3A_620 = arith.minimumf %min3A_618, %min3A_619 : vector<512x512xf32>
    %sub3A_621 = arith.subf %min3A_617, %max3A_611 : vector<512x512xf32>
    %max3A_622 = arith.constant 0.000000e+00 : f32
    %max3A_623 = vector.broadcast %max3A_622 : f32 to vector<512x512xf32>
    %max3A_624 = arith.maximumf %sub3A_621, %max3A_623 : vector<512x512xf32>
    %sub3A_625 = arith.subf %min3A_620, %max3A_614 : vector<512x512xf32>
    %max3A_626 = arith.constant 0.000000e+00 : f32
    %max3A_627 = vector.broadcast %max3A_626 : f32 to vector<512x512xf32>
    %max3A_628 = arith.maximumf %sub3A_625, %max3A_627 : vector<512x512xf32>
    %mul3A_629 = arith.mulf %max3A_624, %max3A_628 : vector<512x512xf32>
    %add3A_630 = vector.broadcast %slice3A_135 : vector<512x1xf32> to vector<512x512xf32>
    %add3A_631 = vector.broadcast %slice3A_608 : vector<1x512xf32> to vector<512x512xf32>
    %add3A_632 = arith.addf %add3A_630, %add3A_631 : vector<512x512xf32>
    %sub3A_633 = arith.subf %add3A_632, %mul3A_629 : vector<512x512xf32>
    %add3A_634 = arith.constant 9.99999971E-10 : f32
    %add3A_635 = vector.broadcast %add3A_634 : f32 to vector<512x512xf32>
    %add3A_636 = arith.addf %sub3A_633, %add3A_635 : vector<512x512xf32>
    %div3A_637 = arith.divf %mul3A_629, %add3A_636 : vector<512x512xf32>
    %gt3A_638 = arith.constant 5.000000e-01 : f32
    %gt3A_639 = vector.broadcast %gt3A_638 : f32 to vector<512x512xf32>
    %gt3A_640 = arith.cmpf ogt, %div3A_637, %gt3A_639 : vector<512x512xf32>
    %convert_element_type3A_641 = arith.extui %gt3A_640 : vector<512x512xi1> to vector<512x512xi32>
    %convert_element_type3A_642 = arith.sitofp %convert_element_type3A_641 : vector<512x512xi32> to vector<512x512xf32>
    %dot_general3A_643 = arith.constant dense<0.000000e+00> : vector<512x1xf32>
    %dot_general3A_644 = tpu.matmul %convert_element_type3A_642, %while3A#1, %dot_general3A_643 {dimension_numbers = #tpu.dot_dimension_numbers<[0], [0], [1], [1], [0, 1, 1, 1], [], []>, transpose_lhs_hint = false} : vector<512x512xf32>, vector<512x1xf32>, vector<512x1xf32> -> vector<512x1xf32>
    %get3A_645 = arith.constant 4608 : index
    %get3A_646 = arith.constant 0 : index
    %get3A_647 = vector.load %arg1[%get3A_645, %get3A_646] : memref<5120x1xf32, #tpu.memory_space<vmem>>, vector<512x1xf32>
    %eq3A_648 = arith.constant 0.000000e+00 : f32
    %eq3A_649 = vector.broadcast %eq3A_648 : f32 to vector<512x1xf32>
    %eq3A_650 = arith.cmpf oeq, %dot_general3A_644, %eq3A_649 : vector<512x1xf32>
    %convert_element_type3A_651 = arith.extui %eq3A_650 : vector<512x1xi1> to vector<512x1xi32>
    %convert_element_type3A_652 = arith.sitofp %convert_element_type3A_651 : vector<512x1xi32> to vector<512x1xf32>
    %mul3A_653 = arith.mulf %get3A_647, %convert_element_type3A_652 : vector<512x1xf32>
    %swap3A_654 = arith.constant 4608 : index
    %swap3A_655 = arith.constant 0 : index
    %swap3A_656 = vector.load %arg1[%swap3A_654, %swap3A_655] : memref<5120x1xf32, #tpu.memory_space<vmem>>, vector<512x1xf32>
    tpu.vector_store %arg1[%swap3A_654, %swap3A_655], %mul3A_653 {strides = array<i32>} : memref<5120x1xf32, #tpu.memory_space<vmem>>, vector<512x1xf32>,
    %slice3A_657 = vector.extract_strided_slice %concatenate3A_24 {offsets = [0, 0], sizes = [512, 1], strides = [1, 1]} : vector<512x5xf32> to vector<512x1xf32>
    %slice3A_658 = vector.extract_strided_slice %concatenate3A_24 {offsets = [0, 1], sizes = [512, 1], strides = [1, 1]} : vector<512x5xf32> to vector<512x1xf32>
    %slice3A_659 = vector.extract_strided_slice %concatenate3A_24 {offsets = [0, 2], sizes = [512, 1], strides = [1, 1]} : vector<512x5xf32> to vector<512x1xf32>
    %slice3A_660 = vector.extract_strided_slice %concatenate3A_24 {offsets = [0, 3], sizes = [512, 1], strides = [1, 1]} : vector<512x5xf32> to vector<512x1xf32>
    %slice3A_661 = vector.extract_strided_slice %concatenate3A_24 {offsets = [0, 4], sizes = [512, 1], strides = [1, 1]} : vector<512x5xf32> to vector<512x1xf32>
    %slice3A_662 = vector.extract_strided_slice %dot_general3A_26 {offsets = [0, 0], sizes = [1, 512], strides = [1, 1]} : vector<5x512xf32> to vector<1x512xf32>
    %slice3A_663 = vector.extract_strided_slice %dot_general3A_26 {offsets = [1, 0], sizes = [1, 512], strides = [1, 1]} : vector<5x512xf32> to vector<1x512xf32>
    %slice3A_664 = vector.extract_strided_slice %dot_general3A_26 {offsets = [2, 0], sizes = [1, 512], strides = [1, 1]} : vector<5x512xf32> to vector<1x512xf32>
    %slice3A_665 = vector.extract_strided_slice %dot_general3A_26 {offsets = [3, 0], sizes = [1, 512], strides = [1, 1]} : vector<5x512xf32> to vector<1x512xf32>
    %slice3A_666 = vector.extract_strided_slice %dot_general3A_26 {offsets = [4, 0], sizes = [1, 512], strides = [1, 1]} : vector<5x512xf32> to vector<1x512xf32>
    %max3A_667 = vector.broadcast %slice3A_657 : vector<512x1xf32> to vector<512x512xf32>
    %max3A_668 = vector.broadcast %slice3A_662 : vector<1x512xf32> to vector<512x512xf32>
    %max3A_669 = arith.maximumf %max3A_667, %max3A_668 : vector<512x512xf32>
    %max3A_670 = vector.broadcast %slice3A_658 : vector<512x1xf32> to vector<512x512xf32>
    %max3A_671 = vector.broadcast %slice3A_663 : vector<1x512xf32> to vector<512x512xf32>
    %max3A_672 = arith.maximumf %max3A_670, %max3A_671 : vector<512x512xf32>
    %min3A_673 = vector.broadcast %slice3A_659 : vector<512x1xf32> to vector<512x512xf32>
    %min3A_674 = vector.broadcast %slice3A_664 : vector<1x512xf32> to vector<512x512xf32>
    %min3A_675 = arith.minimumf %min3A_673, %min3A_674 : vector<512x512xf32>
    %min3A_676 = vector.broadcast %slice3A_660 : vector<512x1xf32> to vector<512x512xf32>
    %min3A_677 = vector.broadcast %slice3A_665 : vector<1x512xf32> to vector<512x512xf32>
    %min3A_678 = arith.minimumf %min3A_676, %min3A_677 : vector<512x512xf32>
    %sub3A_679 = arith.subf %min3A_675, %max3A_669 : vector<512x512xf32>
    %max3A_680 = arith.constant 0.000000e+00 : f32
    %max3A_681 = vector.broadcast %max3A_680 : f32 to vector<512x512xf32>
    %max3A_682 = arith.maximumf %sub3A_679, %max3A_681 : vector<512x512xf32>
    %sub3A_683 = arith.subf %min3A_678, %max3A_672 : vector<512x512xf32>
    %max3A_684 = arith.constant 0.000000e+00 : f32
    %max3A_685 = vector.broadcast %max3A_684 : f32 to vector<512x512xf32>
    %max3A_686 = arith.maximumf %sub3A_683, %max3A_685 : vector<512x512xf32>
    %mul3A_687 = arith.mulf %max3A_682, %max3A_686 : vector<512x512xf32>
    %add3A_688 = vector.broadcast %slice3A_661 : vector<512x1xf32> to vector<512x512xf32>
    %add3A_689 = vector.broadcast %slice3A_666 : vector<1x512xf32> to vector<512x512xf32>
    %add3A_690 = arith.addf %add3A_688, %add3A_689 : vector<512x512xf32>
    %sub3A_691 = arith.subf %add3A_690, %mul3A_687 : vector<512x512xf32>
    %add3A_692 = arith.constant 9.99999971E-10 : f32
    %add3A_693 = vector.broadcast %add3A_692 : f32 to vector<512x512xf32>
    %add3A_694 = arith.addf %sub3A_691, %add3A_693 : vector<512x512xf32>
    %div3A_695 = arith.divf %mul3A_687, %add3A_694 : vector<512x512xf32>
    %gt3A_696 = arith.constant 5.000000e-01 : f32
    %gt3A_697 = vector.broadcast %gt3A_696 : f32 to vector<512x512xf32>
    %gt3A_698 = arith.cmpf ogt, %div3A_695, %gt3A_697 : vector<512x512xf32>
    %convert_element_type3A_699 = arith.extui %gt3A_698 : vector<512x512xi1> to vector<512x512xi32>
    %convert_element_type3A_700 = arith.sitofp %convert_element_type3A_699 : vector<512x512xi32> to vector<512x512xf32>
    %mul3A_701 = arith.mulf %convert_element_type3A_700, %convert_element_type3A_4 : vector<512x512xf32>
    %get3A_702 = arith.constant 512 : index
    %get3A_703 = arith.constant 0 : index
    %get3A_704 = vector.load %arg1[%get3A_702, %get3A_703] : memref<5120x1xf32, #tpu.memory_space<vmem>>, vector<512x1xf32>
    %sub3A_705 = arith.constant 1.000000e+00 : f32
    %sub3A_706 = vector.broadcast %sub3A_705 : f32 to vector<512x1xf32>
    %sub3A_707 = arith.subf %get3A_704, %sub3A_706 : vector<512x1xf32>
    %while3A_708:2 = scf.while (%while3A_3060 = %sub3A_707, %while3A_3061 = %get3A_704) : (vector<512x1xf32>, vector<512x1xf32>) -> (vector<512x1xf32>, vector<512x1xf32>) {
      %ne3A = arith.cmpf one, %while3A_3060, %while3A_3061 : vector<512x1xf32>
      %reduce_or3A = arith.constant 1.000000e+00 : f32
      %reduce_or3A_3062 = arith.constant 0.000000e+00 : f32
      %reduce_or3A_3063 = vector.broadcast %reduce_or3A : f32 to vector<512x1xf32>
      %reduce_or3A_3064 = vector.broadcast %reduce_or3A_3062 : f32 to vector<512x1xf32>
      %reduce_or3A_3065 = arith.select %ne3A, %reduce_or3A_3063, %reduce_or3A_3064 : vector<512x1xi1>, vector<512x1xf32>
      %reduce_or3A_3066 = vector.shape_cast %reduce_or3A_3065 : vector<512x1xf32> to vector<1x512x1xf32>
      %reduce_or3A_3067 = arith.constant dense<0xFF800000> : vector<1xf32>
      %reduce_or3A_3068 = vector.multi_reduction <maximumf>, %reduce_or3A_3066, %reduce_or3A_3067 [1, 2] : vector<1x512x1xf32> to vector<1xf32>
      %reduce_or3A_3069 = vector.shape_cast %reduce_or3A_3068 : vector<1xf32> to vector<1x1x1xf32>
      %reduce_or3A_3070 = vector.extract %reduce_or3A_3069[0, 0, 0] : f32 from vector<1x1x1xf32>
      %reduce_or3A_3071 = arith.constant 0.000000e+00 : f32
      %reduce_or3A_3072 = arith.cmpf ogt, %reduce_or3A_3070, %reduce_or3A_3071 : f32
      scf.condition(%reduce_or3A_3072) %while3A_3060, %while3A_3061 : vector<512x1xf32>, vector<512x1xf32>
    } do {
    ^bb0(%while3A_3060: vector<512x1xf32>, %while3A_3061: vector<512x1xf32>):
      %dot_general3A_3062 = arith.constant dense<0.000000e+00> : vector<512x1xf32>
      %dot_general3A_3063 = tpu.matmul %mul3A_701, %while3A_3061, %dot_general3A_3062 {dimension_numbers = #tpu.dot_dimension_numbers<[0], [0], [1], [1], [0, 1, 1, 1], [], []>, transpose_lhs_hint = false} : vector<512x512xf32>, vector<512x1xf32>, vector<512x1xf32> -> vector<512x1xf32>
      %eq3A_3064 = arith.constant 0.000000e+00 : f32
      %eq3A_3065 = vector.broadcast %eq3A_3064 : f32 to vector<512x1xf32>
      %eq3A_3066 = arith.cmpf oeq, %dot_general3A_3063, %eq3A_3065 : vector<512x1xf32>
      %convert_element_type3A_3067 = arith.extui %eq3A_3066 : vector<512x1xi1> to vector<512x1xi32>
      %convert_element_type3A_3068 = arith.sitofp %convert_element_type3A_3067 : vector<512x1xi32> to vector<512x1xf32>
      %mul3A_3069 = arith.mulf %get3A_704, %convert_element_type3A_3068 : vector<512x1xf32>
      scf.yield %while3A_3061, %mul3A_3069 : vector<512x1xf32>, vector<512x1xf32>
    }
    %swap3A_709 = arith.constant 512 : index
    %swap3A_710 = arith.constant 0 : index
    %swap3A_711 = vector.load %arg1[%swap3A_709, %swap3A_710] : memref<5120x1xf32, #tpu.memory_space<vmem>>, vector<512x1xf32>
    tpu.vector_store %arg1[%swap3A_709, %swap3A_710], %while3A_708#1 {strides = array<i32>} : memref<5120x1xf32, #tpu.memory_space<vmem>>, vector<512x1xf32>,
    %slice3A_712 = vector.extract_strided_slice %dot_general3A_39 {offsets = [0, 0], sizes = [1, 512], strides = [1, 1]} : vector<5x512xf32> to vector<1x512xf32>
    %slice3A_713 = vector.extract_strided_slice %dot_general3A_39 {offsets = [1, 0], sizes = [1, 512], strides = [1, 1]} : vector<5x512xf32> to vector<1x512xf32>
    %slice3A_714 = vector.extract_strided_slice %dot_general3A_39 {offsets = [2, 0], sizes = [1, 512], strides = [1, 1]} : vector<5x512xf32> to vector<1x512xf32>
    %slice3A_715 = vector.extract_strided_slice %dot_general3A_39 {offsets = [3, 0], sizes = [1, 512], strides = [1, 1]} : vector<5x512xf32> to vector<1x512xf32>
    %slice3A_716 = vector.extract_strided_slice %dot_general3A_39 {offsets = [4, 0], sizes = [1, 512], strides = [1, 1]} : vector<5x512xf32> to vector<1x512xf32>
    %max3A_717 = vector.broadcast %slice3A_657 : vector<512x1xf32> to vector<512x512xf32>
    %max3A_718 = vector.broadcast %slice3A_712 : vector<1x512xf32> to vector<512x512xf32>
    %max3A_719 = arith.maximumf %max3A_717, %max3A_718 : vector<512x512xf32>
    %max3A_720 = vector.broadcast %slice3A_658 : vector<512x1xf32> to vector<512x512xf32>
    %max3A_721 = vector.broadcast %slice3A_713 : vector<1x512xf32> to vector<512x512xf32>
    %max3A_722 = arith.maximumf %max3A_720, %max3A_721 : vector<512x512xf32>
    %min3A_723 = vector.broadcast %slice3A_659 : vector<512x1xf32> to vector<512x512xf32>
    %min3A_724 = vector.broadcast %slice3A_714 : vector<1x512xf32> to vector<512x512xf32>
    %min3A_725 = arith.minimumf %min3A_723, %min3A_724 : vector<512x512xf32>
    %min3A_726 = vector.broadcast %slice3A_660 : vector<512x1xf32> to vector<512x512xf32>
    %min3A_727 = vector.broadcast %slice3A_715 : vector<1x512xf32> to vector<512x512xf32>
    %min3A_728 = arith.minimumf %min3A_726, %min3A_727 : vector<512x512xf32>
    %sub3A_729 = arith.subf %min3A_725, %max3A_719 : vector<512x512xf32>
    %max3A_730 = arith.constant 0.000000e+00 : f32
    %max3A_731 = vector.broadcast %max3A_730 : f32 to vector<512x512xf32>
    %max3A_732 = arith.maximumf %sub3A_729, %max3A_731 : vector<512x512xf32>
    %sub3A_733 = arith.subf %min3A_728, %max3A_722 : vector<512x512xf32>
    %max3A_734 = arith.constant 0.000000e+00 : f32
    %max3A_735 = vector.broadcast %max3A_734 : f32 to vector<512x512xf32>
    %max3A_736 = arith.maximumf %sub3A_733, %max3A_735 : vector<512x512xf32>
    %mul3A_737 = arith.mulf %max3A_732, %max3A_736 : vector<512x512xf32>
    %add3A_738 = vector.broadcast %slice3A_661 : vector<512x1xf32> to vector<512x512xf32>
    %add3A_739 = vector.broadcast %slice3A_716 : vector<1x512xf32> to vector<512x512xf32>
    %add3A_740 = arith.addf %add3A_738, %add3A_739 : vector<512x512xf32>
    %sub3A_741 = arith.subf %add3A_740, %mul3A_737 : vector<512x512xf32>
    %add3A_742 = arith.constant 9.99999971E-10 : f32
    %add3A_743 = vector.broadcast %add3A_742 : f32 to vector<512x512xf32>
    %add3A_744 = arith.addf %sub3A_741, %add3A_743 : vector<512x512xf32>
    %div3A_745 = arith.divf %mul3A_737, %add3A_744 : vector<512x512xf32>
    %gt3A_746 = arith.constant 5.000000e-01 : f32
    %gt3A_747 = vector.broadcast %gt3A_746 : f32 to vector<512x512xf32>
    %gt3A_748 = arith.cmpf ogt, %div3A_745, %gt3A_747 : vector<512x512xf32>
    %convert_element_type3A_749 = arith.extui %gt3A_748 : vector<512x512xi1> to vector<512x512xi32>
    %convert_element_type3A_750 = arith.sitofp %convert_element_type3A_749 : vector<512x512xi32> to vector<512x512xf32>
    %dot_general3A_751 = arith.constant dense<0.000000e+00> : vector<512x1xf32>
    %dot_general3A_752 = tpu.matmul %convert_element_type3A_750, %while3A_708#1, %dot_general3A_751 {dimension_numbers = #tpu.dot_dimension_numbers<[0], [0], [1], [1], [0, 1, 1, 1], [], []>, transpose_lhs_hint = false} : vector<512x512xf32>, vector<512x1xf32>, vector<512x1xf32> -> vector<512x1xf32>
    %get3A_753 = arith.constant 1024 : index
    %get3A_754 = arith.constant 0 : index
    %get3A_755 = vector.load %arg1[%get3A_753, %get3A_754] : memref<5120x1xf32, #tpu.memory_space<vmem>>, vector<512x1xf32>
    %eq3A_756 = arith.constant 0.000000e+00 : f32
    %eq3A_757 = vector.broadcast %eq3A_756 : f32 to vector<512x1xf32>
    %eq3A_758 = arith.cmpf oeq, %dot_general3A_752, %eq3A_757 : vector<512x1xf32>
    %convert_element_type3A_759 = arith.extui %eq3A_758 : vector<512x1xi1> to vector<512x1xi32>
    %convert_element_type3A_760 = arith.sitofp %convert_element_type3A_759 : vector<512x1xi32> to vector<512x1xf32>
    %mul3A_761 = arith.mulf %get3A_755, %convert_element_type3A_760 : vector<512x1xf32>
    %swap3A_762 = arith.constant 1024 : index
    %swap3A_763 = arith.constant 0 : index
    %swap3A_764 = vector.load %arg1[%swap3A_762, %swap3A_763] : memref<5120x1xf32, #tpu.memory_space<vmem>>, vector<512x1xf32>
    tpu.vector_store %arg1[%swap3A_762, %swap3A_763], %mul3A_761 {strides = array<i32>} : memref<5120x1xf32, #tpu.memory_space<vmem>>, vector<512x1xf32>,
    %slice3A_765 = vector.extract_strided_slice %dot_general3A_52 {offsets = [0, 0], sizes = [1, 512], strides = [1, 1]} : vector<5x512xf32> to vector<1x512xf32>
    %slice3A_766 = vector.extract_strided_slice %dot_general3A_52 {offsets = [1, 0], sizes = [1, 512], strides = [1, 1]} : vector<5x512xf32> to vector<1x512xf32>
    %slice3A_767 = vector.extract_strided_slice %dot_general3A_52 {offsets = [2, 0], sizes = [1, 512], strides = [1, 1]} : vector<5x512xf32> to vector<1x512xf32>
    %slice3A_768 = vector.extract_strided_slice %dot_general3A_52 {offsets = [3, 0], sizes = [1, 512], strides = [1, 1]} : vector<5x512xf32> to vector<1x512xf32>
    %slice3A_769 = vector.extract_strided_slice %dot_general3A_52 {offsets = [4, 0], sizes = [1, 512], strides = [1, 1]} : vector<5x512xf32> to vector<1x512xf32>
    %max3A_770 = vector.broadcast %slice3A_657 : vector<512x1xf32> to vector<512x512xf32>
    %max3A_771 = vector.broadcast %slice3A_765 : vector<1x512xf32> to vector<512x512xf32>
    %max3A_772 = arith.maximumf %max3A_770, %max3A_771 : vector<512x512xf32>
    %max3A_773 = vector.broadcast %slice3A_658 : vector<512x1xf32> to vector<512x512xf32>
    %max3A_774 = vector.broadcast %slice3A_766 : vector<1x512xf32> to vector<512x512xf32>
    %max3A_775 = arith.maximumf %max3A_773, %max3A_774 : vector<512x512xf32>
    %min3A_776 = vector.broadcast %slice3A_659 : vector<512x1xf32> to vector<512x512xf32>
    %min3A_777 = vector.broadcast %slice3A_767 : vector<1x512xf32> to vector<512x512xf32>
    %min3A_778 = arith.minimumf %min3A_776, %min3A_777 : vector<512x512xf32>
    %min3A_779 = vector.broadcast %slice3A_660 : vector<512x1xf32> to vector<512x512xf32>
    %min3A_780 = vector.broadcast %slice3A_768 : vector<1x512xf32> to vector<512x512xf32>
    %min3A_781 = arith.minimumf %min3A_779, %min3A_780 : vector<512x512xf32>
    %sub3A_782 = arith.subf %min3A_778, %max3A_772 : vector<512x512xf32>
    %max3A_783 = arith.constant 0.000000e+00 : f32
    %max3A_784 = vector.broadcast %max3A_783 : f32 to vector<512x512xf32>
    %max3A_785 = arith.maximumf %sub3A_782, %max3A_784 : vector<512x512xf32>
    %sub3A_786 = arith.subf %min3A_781, %max3A_775 : vector<512x512xf32>
    %max3A_787 = arith.constant 0.000000e+00 : f32
    %max3A_788 = vector.broadcast %max3A_787 : f32 to vector<512x512xf32>
    %max3A_789 = arith.maximumf %sub3A_786, %max3A_788 : vector<512x512xf32>
    %mul3A_790 = arith.mulf %max3A_785, %max3A_789 : vector<512x512xf32>
    %add3A_791 = vector.broadcast %slice3A_661 : vector<512x1xf32> to vector<512x512xf32>
    %add3A_792 = vector.broadcast %slice3A_769 : vector<1x512xf32> to vector<512x512xf32>
    %add3A_793 = arith.addf %add3A_791, %add3A_792 : vector<512x512xf32>
    %sub3A_794 = arith.subf %add3A_793, %mul3A_790 : vector<512x512xf32>
    %add3A_795 = arith.constant 9.99999971E-10 : f32
    %add3A_796 = vector.broadcast %add3A_795 : f32 to vector<512x512xf32>
    %add3A_797 = arith.addf %sub3A_794, %add3A_796 : vector<512x512xf32>
    %div3A_798 = arith.divf %mul3A_790, %add3A_797 : vector<512x512xf32>
    %gt3A_799 = arith.constant 5.000000e-01 : f32
    %gt3A_800 = vector.broadcast %gt3A_799 : f32 to vector<512x512xf32>
    %gt3A_801 = arith.cmpf ogt, %div3A_798, %gt3A_800 : vector<512x512xf32>
    %convert_element_type3A_802 = arith.extui %gt3A_801 : vector<512x512xi1> to vector<512x512xi32>
    %convert_element_type3A_803 = arith.sitofp %convert_element_type3A_802 : vector<512x512xi32> to vector<512x512xf32>
    %dot_general3A_804 = arith.constant dense<0.000000e+00> : vector<512x1xf32>
    %dot_general3A_805 = tpu.matmul %convert_element_type3A_803, %while3A_708#1, %dot_general3A_804 {dimension_numbers = #tpu.dot_dimension_numbers<[0], [0], [1], [1], [0, 1, 1, 1], [], []>, transpose_lhs_hint = false} : vector<512x512xf32>, vector<512x1xf32>, vector<512x1xf32> -> vector<512x1xf32>
    %get3A_806 = arith.constant 1536 : index
    %get3A_807 = arith.constant 0 : index
    %get3A_808 = vector.load %arg1[%get3A_806, %get3A_807] : memref<5120x1xf32, #tpu.memory_space<vmem>>, vector<512x1xf32>
    %eq3A_809 = arith.constant 0.000000e+00 : f32
    %eq3A_810 = vector.broadcast %eq3A_809 : f32 to vector<512x1xf32>
    %eq3A_811 = arith.cmpf oeq, %dot_general3A_805, %eq3A_810 : vector<512x1xf32>
    %convert_element_type3A_812 = arith.extui %eq3A_811 : vector<512x1xi1> to vector<512x1xi32>
    %convert_element_type3A_813 = arith.sitofp %convert_element_type3A_812 : vector<512x1xi32> to vector<512x1xf32>
    %mul3A_814 = arith.mulf %get3A_808, %convert_element_type3A_813 : vector<512x1xf32>
    %swap3A_815 = arith.constant 1536 : index
    %swap3A_816 = arith.constant 0 : index
    %swap3A_817 = vector.load %arg1[%swap3A_815, %swap3A_816] : memref<5120x1xf32, #tpu.memory_space<vmem>>, vector<512x1xf32>
    tpu.vector_store %arg1[%swap3A_815, %swap3A_816], %mul3A_814 {strides = array<i32>} : memref<5120x1xf32, #tpu.memory_space<vmem>>, vector<512x1xf32>,
    %slice3A_818 = vector.extract_strided_slice %dot_general3A_65 {offsets = [0, 0], sizes = [1, 512], strides = [1, 1]} : vector<5x512xf32> to vector<1x512xf32>
    %slice3A_819 = vector.extract_strided_slice %dot_general3A_65 {offsets = [1, 0], sizes = [1, 512], strides = [1, 1]} : vector<5x512xf32> to vector<1x512xf32>
    %slice3A_820 = vector.extract_strided_slice %dot_general3A_65 {offsets = [2, 0], sizes = [1, 512], strides = [1, 1]} : vector<5x512xf32> to vector<1x512xf32>
    %slice3A_821 = vector.extract_strided_slice %dot_general3A_65 {offsets = [3, 0], sizes = [1, 512], strides = [1, 1]} : vector<5x512xf32> to vector<1x512xf32>
    %slice3A_822 = vector.extract_strided_slice %dot_general3A_65 {offsets = [4, 0], sizes = [1, 512], strides = [1, 1]} : vector<5x512xf32> to vector<1x512xf32>
    %max3A_823 = vector.broadcast %slice3A_657 : vector<512x1xf32> to vector<512x512xf32>
    %max3A_824 = vector.broadcast %slice3A_818 : vector<1x512xf32> to vector<512x512xf32>
    %max3A_825 = arith.maximumf %max3A_823, %max3A_824 : vector<512x512xf32>
    %max3A_826 = vector.broadcast %slice3A_658 : vector<512x1xf32> to vector<512x512xf32>
    %max3A_827 = vector.broadcast %slice3A_819 : vector<1x512xf32> to vector<512x512xf32>
    %max3A_828 = arith.maximumf %max3A_826, %max3A_827 : vector<512x512xf32>
    %min3A_829 = vector.broadcast %slice3A_659 : vector<512x1xf32> to vector<512x512xf32>
    %min3A_830 = vector.broadcast %slice3A_820 : vector<1x512xf32> to vector<512x512xf32>
    %min3A_831 = arith.minimumf %min3A_829, %min3A_830 : vector<512x512xf32>
    %min3A_832 = vector.broadcast %slice3A_660 : vector<512x1xf32> to vector<512x512xf32>
    %min3A_833 = vector.broadcast %slice3A_821 : vector<1x512xf32> to vector<512x512xf32>
    %min3A_834 = arith.minimumf %min3A_832, %min3A_833 : vector<512x512xf32>
    %sub3A_835 = arith.subf %min3A_831, %max3A_825 : vector<512x512xf32>
    %max3A_836 = arith.constant 0.000000e+00 : f32
    %max3A_837 = vector.broadcast %max3A_836 : f32 to vector<512x512xf32>
    %max3A_838 = arith.maximumf %sub3A_835, %max3A_837 : vector<512x512xf32>
    %sub3A_839 = arith.subf %min3A_834, %max3A_828 : vector<512x512xf32>
    %max3A_840 = arith.constant 0.000000e+00 : f32
    %max3A_841 = vector.broadcast %max3A_840 : f32 to vector<512x512xf32>
    %max3A_842 = arith.maximumf %sub3A_839, %max3A_841 : vector<512x512xf32>
    %mul3A_843 = arith.mulf %max3A_838, %max3A_842 : vector<512x512xf32>
    %add3A_844 = vector.broadcast %slice3A_661 : vector<512x1xf32> to vector<512x512xf32>
    %add3A_845 = vector.broadcast %slice3A_822 : vector<1x512xf32> to vector<512x512xf32>
    %add3A_846 = arith.addf %add3A_844, %add3A_845 : vector<512x512xf32>
    %sub3A_847 = arith.subf %add3A_846, %mul3A_843 : vector<512x512xf32>
    %add3A_848 = arith.constant 9.99999971E-10 : f32
    %add3A_849 = vector.broadcast %add3A_848 : f32 to vector<512x512xf32>
    %add3A_850 = arith.addf %sub3A_847, %add3A_849 : vector<512x512xf32>
    %div3A_851 = arith.divf %mul3A_843, %add3A_850 : vector<512x512xf32>
    %gt3A_852 = arith.constant 5.000000e-01 : f32
    %gt3A_853 = vector.broadcast %gt3A_852 : f32 to vector<512x512xf32>
    %gt3A_854 = arith.cmpf ogt, %div3A_851, %gt3A_853 : vector<512x512xf32>
    %convert_element_type3A_855 = arith.extui %gt3A_854 : vector<512x512xi1> to vector<512x512xi32>
    %convert_element_type3A_856 = arith.sitofp %convert_element_type3A_855 : vector<512x512xi32> to vector<512x512xf32>
    %dot_general3A_857 = arith.constant dense<0.000000e+00> : vector<512x1xf32>
    %dot_general3A_858 = tpu.matmul %convert_element_type3A_856, %while3A_708#1, %dot_general3A_857 {dimension_numbers = #tpu.dot_dimension_numbers<[0], [0], [1], [1], [0, 1, 1, 1], [], []>, transpose_lhs_hint = false} : vector<512x512xf32>, vector<512x1xf32>, vector<512x1xf32> -> vector<512x1xf32>
    %get3A_859 = arith.constant 2048 : index
    %get3A_860 = arith.constant 0 : index
    %get3A_861 = vector.load %arg1[%get3A_859, %get3A_860] : memref<5120x1xf32, #tpu.memory_space<vmem>>, vector<512x1xf32>
    %eq3A_862 = arith.constant 0.000000e+00 : f32
    %eq3A_863 = vector.broadcast %eq3A_862 : f32 to vector<512x1xf32>
    %eq3A_864 = arith.cmpf oeq, %dot_general3A_858, %eq3A_863 : vector<512x1xf32>
    %convert_element_type3A_865 = arith.extui %eq3A_864 : vector<512x1xi1> to vector<512x1xi32>
    %convert_element_type3A_866 = arith.sitofp %convert_element_type3A_865 : vector<512x1xi32> to vector<512x1xf32>
    %mul3A_867 = arith.mulf %get3A_861, %convert_element_type3A_866 : vector<512x1xf32>
    %swap3A_868 = arith.constant 2048 : index
    %swap3A_869 = arith.constant 0 : index
    %swap3A_870 = vector.load %arg1[%swap3A_868, %swap3A_869] : memref<5120x1xf32, #tpu.memory_space<vmem>>, vector<512x1xf32>
    tpu.vector_store %arg1[%swap3A_868, %swap3A_869], %mul3A_867 {strides = array<i32>} : memref<5120x1xf32, #tpu.memory_space<vmem>>, vector<512x1xf32>,
    %slice3A_871 = vector.extract_strided_slice %dot_general3A_78 {offsets = [0, 0], sizes = [1, 512], strides = [1, 1]} : vector<5x512xf32> to vector<1x512xf32>
    %slice3A_872 = vector.extract_strided_slice %dot_general3A_78 {offsets = [1, 0], sizes = [1, 512], strides = [1, 1]} : vector<5x512xf32> to vector<1x512xf32>
    %slice3A_873 = vector.extract_strided_slice %dot_general3A_78 {offsets = [2, 0], sizes = [1, 512], strides = [1, 1]} : vector<5x512xf32> to vector<1x512xf32>
    %slice3A_874 = vector.extract_strided_slice %dot_general3A_78 {offsets = [3, 0], sizes = [1, 512], strides = [1, 1]} : vector<5x512xf32> to vector<1x512xf32>
    %slice3A_875 = vector.extract_strided_slice %dot_general3A_78 {offsets = [4, 0], sizes = [1, 512], strides = [1, 1]} : vector<5x512xf32> to vector<1x512xf32>
    %max3A_876 = vector.broadcast %slice3A_657 : vector<512x1xf32> to vector<512x512xf32>
    %max3A_877 = vector.broadcast %slice3A_871 : vector<1x512xf32> to vector<512x512xf32>
    %max3A_878 = arith.maximumf %max3A_876, %max3A_877 : vector<512x512xf32>
    %max3A_879 = vector.broadcast %slice3A_658 : vector<512x1xf32> to vector<512x512xf32>
    %max3A_880 = vector.broadcast %slice3A_872 : vector<1x512xf32> to vector<512x512xf32>
    %max3A_881 = arith.maximumf %max3A_879, %max3A_880 : vector<512x512xf32>
    %min3A_882 = vector.broadcast %slice3A_659 : vector<512x1xf32> to vector<512x512xf32>
    %min3A_883 = vector.broadcast %slice3A_873 : vector<1x512xf32> to vector<512x512xf32>
    %min3A_884 = arith.minimumf %min3A_882, %min3A_883 : vector<512x512xf32>
    %min3A_885 = vector.broadcast %slice3A_660 : vector<512x1xf32> to vector<512x512xf32>
    %min3A_886 = vector.broadcast %slice3A_874 : vector<1x512xf32> to vector<512x512xf32>
    %min3A_887 = arith.minimumf %min3A_885, %min3A_886 : vector<512x512xf32>
    %sub3A_888 = arith.subf %min3A_884, %max3A_878 : vector<512x512xf32>
    %max3A_889 = arith.constant 0.000000e+00 : f32
    %max3A_890 = vector.broadcast %max3A_889 : f32 to vector<512x512xf32>
    %max3A_891 = arith.maximumf %sub3A_888, %max3A_890 : vector<512x512xf32>
    %sub3A_892 = arith.subf %min3A_887, %max3A_881 : vector<512x512xf32>
    %max3A_893 = arith.constant 0.000000e+00 : f32
    %max3A_894 = vector.broadcast %max3A_893 : f32 to vector<512x512xf32>
    %max3A_895 = arith.maximumf %sub3A_892, %max3A_894 : vector<512x512xf32>
    %mul3A_896 = arith.mulf %max3A_891, %max3A_895 : vector<512x512xf32>
    %add3A_897 = vector.broadcast %slice3A_661 : vector<512x1xf32> to vector<512x512xf32>
    %add3A_898 = vector.broadcast %slice3A_875 : vector<1x512xf32> to vector<512x512xf32>
    %add3A_899 = arith.addf %add3A_897, %add3A_898 : vector<512x512xf32>
    %sub3A_900 = arith.subf %add3A_899, %mul3A_896 : vector<512x512xf32>
    %add3A_901 = arith.constant 9.99999971E-10 : f32
    %add3A_902 = vector.broadcast %add3A_901 : f32 to vector<512x512xf32>
    %add3A_903 = arith.addf %sub3A_900, %add3A_902 : vector<512x512xf32>
    %div3A_904 = arith.divf %mul3A_896, %add3A_903 : vector<512x512xf32>
    %gt3A_905 = arith.constant 5.000000e-01 : f32
    %gt3A_906 = vector.broadcast %gt3A_905 : f32 to vector<512x512xf32>
    %gt3A_907 = arith.cmpf ogt, %div3A_904, %gt3A_906 : vector<512x512xf32>
    %convert_element_type3A_908 = arith.extui %gt3A_907 : vector<512x512xi1> to vector<512x512xi32>
    %convert_element_type3A_909 = arith.sitofp %convert_element_type3A_908 : vector<512x512xi32> to vector<512x512xf32>
    %dot_general3A_910 = arith.constant dense<0.000000e+00> : vector<512x1xf32>
    %dot_general3A_911 = tpu.matmul %convert_element_type3A_909, %while3A_708#1, %dot_general3A_910 {dimension_numbers = #tpu.dot_dimension_numbers<[0], [0], [1], [1], [0, 1, 1, 1], [], []>, transpose_lhs_hint = false} : vector<512x512xf32>, vector<512x1xf32>, vector<512x1xf32> -> vector<512x1xf32>
    %get3A_912 = arith.constant 2560 : index
    %get3A_913 = arith.constant 0 : index
    %get3A_914 = vector.load %arg1[%get3A_912, %get3A_913] : memref<5120x1xf32, #tpu.memory_space<vmem>>, vector<512x1xf32>
    %eq3A_915 = arith.constant 0.000000e+00 : f32
    %eq3A_916 = vector.broadcast %eq3A_915 : f32 to vector<512x1xf32>
    %eq3A_917 = arith.cmpf oeq, %dot_general3A_911, %eq3A_916 : vector<512x1xf32>
    %convert_element_type3A_918 = arith.extui %eq3A_917 : vector<512x1xi1> to vector<512x1xi32>
    %convert_element_type3A_919 = arith.sitofp %convert_element_type3A_918 : vector<512x1xi32> to vector<512x1xf32>
    %mul3A_920 = arith.mulf %get3A_914, %convert_element_type3A_919 : vector<512x1xf32>
    %swap3A_921 = arith.constant 2560 : index
    %swap3A_922 = arith.constant 0 : index
    %swap3A_923 = vector.load %arg1[%swap3A_921, %swap3A_922] : memref<5120x1xf32, #tpu.memory_space<vmem>>, vector<512x1xf32>
    tpu.vector_store %arg1[%swap3A_921, %swap3A_922], %mul3A_920 {strides = array<i32>} : memref<5120x1xf32, #tpu.memory_space<vmem>>, vector<512x1xf32>,
    %slice3A_924 = vector.extract_strided_slice %dot_general3A_91 {offsets = [0, 0], sizes = [1, 512], strides = [1, 1]} : vector<5x512xf32> to vector<1x512xf32>
    %slice3A_925 = vector.extract_strided_slice %dot_general3A_91 {offsets = [1, 0], sizes = [1, 512], strides = [1, 1]} : vector<5x512xf32> to vector<1x512xf32>
    %slice3A_926 = vector.extract_strided_slice %dot_general3A_91 {offsets = [2, 0], sizes = [1, 512], strides = [1, 1]} : vector<5x512xf32> to vector<1x512xf32>
    %slice3A_927 = vector.extract_strided_slice %dot_general3A_91 {offsets = [3, 0], sizes = [1, 512], strides = [1, 1]} : vector<5x512xf32> to vector<1x512xf32>
    %slice3A_928 = vector.extract_strided_slice %dot_general3A_91 {offsets = [4, 0], sizes = [1, 512], strides = [1, 1]} : vector<5x512xf32> to vector<1x512xf32>
    %max3A_929 = vector.broadcast %slice3A_657 : vector<512x1xf32> to vector<512x512xf32>
    %max3A_930 = vector.broadcast %slice3A_924 : vector<1x512xf32> to vector<512x512xf32>
    %max3A_931 = arith.maximumf %max3A_929, %max3A_930 : vector<512x512xf32>
    %max3A_932 = vector.broadcast %slice3A_658 : vector<512x1xf32> to vector<512x512xf32>
    %max3A_933 = vector.broadcast %slice3A_925 : vector<1x512xf32> to vector<512x512xf32>
    %max3A_934 = arith.maximumf %max3A_932, %max3A_933 : vector<512x512xf32>
    %min3A_935 = vector.broadcast %slice3A_659 : vector<512x1xf32> to vector<512x512xf32>
    %min3A_936 = vector.broadcast %slice3A_926 : vector<1x512xf32> to vector<512x512xf32>
    %min3A_937 = arith.minimumf %min3A_935, %min3A_936 : vector<512x512xf32>
    %min3A_938 = vector.broadcast %slice3A_660 : vector<512x1xf32> to vector<512x512xf32>
    %min3A_939 = vector.broadcast %slice3A_927 : vector<1x512xf32> to vector<512x512xf32>
    %min3A_940 = arith.minimumf %min3A_938, %min3A_939 : vector<512x512xf32>
    %sub3A_941 = arith.subf %min3A_937, %max3A_931 : vector<512x512xf32>
    %max3A_942 = arith.constant 0.000000e+00 : f32
    %max3A_943 = vector.broadcast %max3A_942 : f32 to vector<512x512xf32>
    %max3A_944 = arith.maximumf %sub3A_941, %max3A_943 : vector<512x512xf32>
    %sub3A_945 = arith.subf %min3A_940, %max3A_934 : vector<512x512xf32>
    %max3A_946 = arith.constant 0.000000e+00 : f32
    %max3A_947 = vector.broadcast %max3A_946 : f32 to vector<512x512xf32>
    %max3A_948 = arith.maximumf %sub3A_945, %max3A_947 : vector<512x512xf32>
    %mul3A_949 = arith.mulf %max3A_944, %max3A_948 : vector<512x512xf32>
    %add3A_950 = vector.broadcast %slice3A_661 : vector<512x1xf32> to vector<512x512xf32>
    %add3A_951 = vector.broadcast %slice3A_928 : vector<1x512xf32> to vector<512x512xf32>
    %add3A_952 = arith.addf %add3A_950, %add3A_951 : vector<512x512xf32>
    %sub3A_953 = arith.subf %add3A_952, %mul3A_949 : vector<512x512xf32>
    %add3A_954 = arith.constant 9.99999971E-10 : f32
    %add3A_955 = vector.broadcast %add3A_954 : f32 to vector<512x512xf32>
    %add3A_956 = arith.addf %sub3A_953, %add3A_955 : vector<512x512xf32>
    %div3A_957 = arith.divf %mul3A_949, %add3A_956 : vector<512x512xf32>
    %gt3A_958 = arith.constant 5.000000e-01 : f32
    %gt3A_959 = vector.broadcast %gt3A_958 : f32 to vector<512x512xf32>
    %gt3A_960 = arith.cmpf ogt, %div3A_957, %gt3A_959 : vector<512x512xf32>
    %convert_element_type3A_961 = arith.extui %gt3A_960 : vector<512x512xi1> to vector<512x512xi32>
    %convert_element_type3A_962 = arith.sitofp %convert_element_type3A_961 : vector<512x512xi32> to vector<512x512xf32>
    %dot_general3A_963 = arith.constant dense<0.000000e+00> : vector<512x1xf32>
    %dot_general3A_964 = tpu.matmul %convert_element_type3A_962, %while3A_708#1, %dot_general3A_963 {dimension_numbers = #tpu.dot_dimension_numbers<[0], [0], [1], [1], [0, 1, 1, 1], [], []>, transpose_lhs_hint = false} : vector<512x512xf32>, vector<512x1xf32>, vector<512x1xf32> -> vector<512x1xf32>
    %get3A_965 = arith.constant 3072 : index
    %get3A_966 = arith.constant 0 : index
    %get3A_967 = vector.load %arg1[%get3A_965, %get3A_966] : memref<5120x1xf32, #tpu.memory_space<vmem>>, vector<512x1xf32>
    %eq3A_968 = arith.constant 0.000000e+00 : f32
    %eq3A_969 = vector.broadcast %eq3A_968 : f32 to vector<512x1xf32>
    %eq3A_970 = arith.cmpf oeq, %dot_general3A_964, %eq3A_969 : vector<512x1xf32>
    %convert_element_type3A_971 = arith.extui %eq3A_970 : vector<512x1xi1> to vector<512x1xi32>
    %convert_element_type3A_972 = arith.sitofp %convert_element_type3A_971 : vector<512x1xi32> to vector<512x1xf32>
    %mul3A_973 = arith.mulf %get3A_967, %convert_element_type3A_972 : vector<512x1xf32>
    %swap3A_974 = arith.constant 3072 : index
    %swap3A_975 = arith.constant 0 : index
    %swap3A_976 = vector.load %arg1[%swap3A_974, %swap3A_975] : memref<5120x1xf32, #tpu.memory_space<vmem>>, vector<512x1xf32>
    tpu.vector_store %arg1[%swap3A_974, %swap3A_975], %mul3A_973 {strides = array<i32>} : memref<5120x1xf32, #tpu.memory_space<vmem>>, vector<512x1xf32>,
    %slice3A_977 = vector.extract_strided_slice %dot_general3A_104 {offsets = [0, 0], sizes = [1, 512], strides = [1, 1]} : vector<5x512xf32> to vector<1x512xf32>
    %slice3A_978 = vector.extract_strided_slice %dot_general3A_104 {offsets = [1, 0], sizes = [1, 512], strides = [1, 1]} : vector<5x512xf32> to vector<1x512xf32>
    %slice3A_979 = vector.extract_strided_slice %dot_general3A_104 {offsets = [2, 0], sizes = [1, 512], strides = [1, 1]} : vector<5x512xf32> to vector<1x512xf32>
    %slice3A_980 = vector.extract_strided_slice %dot_general3A_104 {offsets = [3, 0], sizes = [1, 512], strides = [1, 1]} : vector<5x512xf32> to vector<1x512xf32>
    %slice3A_981 = vector.extract_strided_slice %dot_general3A_104 {offsets = [4, 0], sizes = [1, 512], strides = [1, 1]} : vector<5x512xf32> to vector<1x512xf32>
    %max3A_982 = vector.broadcast %slice3A_657 : vector<512x1xf32> to vector<512x512xf32>
    %max3A_983 = vector.broadcast %slice3A_977 : vector<1x512xf32> to vector<512x512xf32>
    %max3A_984 = arith.maximumf %max3A_982, %max3A_983 : vector<512x512xf32>
    %max3A_985 = vector.broadcast %slice3A_658 : vector<512x1xf32> to vector<512x512xf32>
    %max3A_986 = vector.broadcast %slice3A_978 : vector<1x512xf32> to vector<512x512xf32>
    %max3A_987 = arith.maximumf %max3A_985, %max3A_986 : vector<512x512xf32>
    %min3A_988 = vector.broadcast %slice3A_659 : vector<512x1xf32> to vector<512x512xf32>
    %min3A_989 = vector.broadcast %slice3A_979 : vector<1x512xf32> to vector<512x512xf32>
    %min3A_990 = arith.minimumf %min3A_988, %min3A_989 : vector<512x512xf32>
    %min3A_991 = vector.broadcast %slice3A_660 : vector<512x1xf32> to vector<512x512xf32>
    %min3A_992 = vector.broadcast %slice3A_980 : vector<1x512xf32> to vector<512x512xf32>
    %min3A_993 = arith.minimumf %min3A_991, %min3A_992 : vector<512x512xf32>
    %sub3A_994 = arith.subf %min3A_990, %max3A_984 : vector<512x512xf32>
    %max3A_995 = arith.constant 0.000000e+00 : f32
    %max3A_996 = vector.broadcast %max3A_995 : f32 to vector<512x512xf32>
    %max3A_997 = arith.maximumf %sub3A_994, %max3A_996 : vector<512x512xf32>
    %sub3A_998 = arith.subf %min3A_993, %max3A_987 : vector<512x512xf32>
    %max3A_999 = arith.constant 0.000000e+00 : f32
    %max3A_1000 = vector.broadcast %max3A_999 : f32 to vector<512x512xf32>
    %max3A_1001 = arith.maximumf %sub3A_998, %max3A_1000 : vector<512x512xf32>
    %mul3A_1002 = arith.mulf %max3A_997, %max3A_1001 : vector<512x512xf32>
    %add3A_1003 = vector.broadcast %slice3A_661 : vector<512x1xf32> to vector<512x512xf32>
    %add3A_1004 = vector.broadcast %slice3A_981 : vector<1x512xf32> to vector<512x512xf32>
    %add3A_1005 = arith.addf %add3A_1003, %add3A_1004 : vector<512x512xf32>
    %sub3A_1006 = arith.subf %add3A_1005, %mul3A_1002 : vector<512x512xf32>
    %add3A_1007 = arith.constant 9.99999971E-10 : f32
    %add3A_1008 = vector.broadcast %add3A_1007 : f32 to vector<512x512xf32>
    %add3A_1009 = arith.addf %sub3A_1006, %add3A_1008 : vector<512x512xf32>
    %div3A_1010 = arith.divf %mul3A_1002, %add3A_1009 : vector<512x512xf32>
    %gt3A_1011 = arith.constant 5.000000e-01 : f32
    %gt3A_1012 = vector.broadcast %gt3A_1011 : f32 to vector<512x512xf32>
    %gt3A_1013 = arith.cmpf ogt, %div3A_1010, %gt3A_1012 : vector<512x512xf32>
    %convert_element_type3A_1014 = arith.extui %gt3A_1013 : vector<512x512xi1> to vector<512x512xi32>
    %convert_element_type3A_1015 = arith.sitofp %convert_element_type3A_1014 : vector<512x512xi32> to vector<512x512xf32>
    %dot_general3A_1016 = arith.constant dense<0.000000e+00> : vector<512x1xf32>
    %dot_general3A_1017 = tpu.matmul %convert_element_type3A_1015, %while3A_708#1, %dot_general3A_1016 {dimension_numbers = #tpu.dot_dimension_numbers<[0], [0], [1], [1], [0, 1, 1, 1], [], []>, transpose_lhs_hint = false} : vector<512x512xf32>, vector<512x1xf32>, vector<512x1xf32> -> vector<512x1xf32>
    %get3A_1018 = arith.constant 3584 : index
    %get3A_1019 = arith.constant 0 : index
    %get3A_1020 = vector.load %arg1[%get3A_1018, %get3A_1019] : memref<5120x1xf32, #tpu.memory_space<vmem>>, vector<512x1xf32>
    %eq3A_1021 = arith.constant 0.000000e+00 : f32
    %eq3A_1022 = vector.broadcast %eq3A_1021 : f32 to vector<512x1xf32>
    %eq3A_1023 = arith.cmpf oeq, %dot_general3A_1017, %eq3A_1022 : vector<512x1xf32>
    %convert_element_type3A_1024 = arith.extui %eq3A_1023 : vector<512x1xi1> to vector<512x1xi32>
    %convert_element_type3A_1025 = arith.sitofp %convert_element_type3A_1024 : vector<512x1xi32> to vector<512x1xf32>
    %mul3A_1026 = arith.mulf %get3A_1020, %convert_element_type3A_1025 : vector<512x1xf32>
    %swap3A_1027 = arith.constant 3584 : index
    %swap3A_1028 = arith.constant 0 : index
    %swap3A_1029 = vector.load %arg1[%swap3A_1027, %swap3A_1028] : memref<5120x1xf32, #tpu.memory_space<vmem>>, vector<512x1xf32>
    tpu.vector_store %arg1[%swap3A_1027, %swap3A_1028], %mul3A_1026 {strides = array<i32>} : memref<5120x1xf32, #tpu.memory_space<vmem>>, vector<512x1xf32>,
    %slice3A_1030 = vector.extract_strided_slice %dot_general3A_117 {offsets = [0, 0], sizes = [1, 512], strides = [1, 1]} : vector<5x512xf32> to vector<1x512xf32>
    %slice3A_1031 = vector.extract_strided_slice %dot_general3A_117 {offsets = [1, 0], sizes = [1, 512], strides = [1, 1]} : vector<5x512xf32> to vector<1x512xf32>
    %slice3A_1032 = vector.extract_strided_slice %dot_general3A_117 {offsets = [2, 0], sizes = [1, 512], strides = [1, 1]} : vector<5x512xf32> to vector<1x512xf32>
    %slice3A_1033 = vector.extract_strided_slice %dot_general3A_117 {offsets = [3, 0], sizes = [1, 512], strides = [1, 1]} : vector<5x512xf32> to vector<1x512xf32>
    %slice3A_1034 = vector.extract_strided_slice %dot_general3A_117 {offsets = [4, 0], sizes = [1, 512], strides = [1, 1]} : vector<5x512xf32> to vector<1x512xf32>
    %max3A_1035 = vector.broadcast %slice3A_657 : vector<512x1xf32> to vector<512x512xf32>
    %max3A_1036 = vector.broadcast %slice3A_1030 : vector<1x512xf32> to vector<512x512xf32>
    %max3A_1037 = arith.maximumf %max3A_1035, %max3A_1036 : vector<512x512xf32>
    %max3A_1038 = vector.broadcast %slice3A_658 : vector<512x1xf32> to vector<512x512xf32>
    %max3A_1039 = vector.broadcast %slice3A_1031 : vector<1x512xf32> to vector<512x512xf32>
    %max3A_1040 = arith.maximumf %max3A_1038, %max3A_1039 : vector<512x512xf32>
    %min3A_1041 = vector.broadcast %slice3A_659 : vector<512x1xf32> to vector<512x512xf32>
    %min3A_1042 = vector.broadcast %slice3A_1032 : vector<1x512xf32> to vector<512x512xf32>
    %min3A_1043 = arith.minimumf %min3A_1041, %min3A_1042 : vector<512x512xf32>
    %min3A_1044 = vector.broadcast %slice3A_660 : vector<512x1xf32> to vector<512x512xf32>
    %min3A_1045 = vector.broadcast %slice3A_1033 : vector<1x512xf32> to vector<512x512xf32>
    %min3A_1046 = arith.minimumf %min3A_1044, %min3A_1045 : vector<512x512xf32>
    %sub3A_1047 = arith.subf %min3A_1043, %max3A_1037 : vector<512x512xf32>
    %max3A_1048 = arith.constant 0.000000e+00 : f32
    %max3A_1049 = vector.broadcast %max3A_1048 : f32 to vector<512x512xf32>
    %max3A_1050 = arith.maximumf %sub3A_1047, %max3A_1049 : vector<512x512xf32>
    %sub3A_1051 = arith.subf %min3A_1046, %max3A_1040 : vector<512x512xf32>
    %max3A_1052 = arith.constant 0.000000e+00 : f32
    %max3A_1053 = vector.broadcast %max3A_1052 : f32 to vector<512x512xf32>
    %max3A_1054 = arith.maximumf %sub3A_1051, %max3A_1053 : vector<512x512xf32>
    %mul3A_1055 = arith.mulf %max3A_1050, %max3A_1054 : vector<512x512xf32>
    %add3A_1056 = vector.broadcast %slice3A_661 : vector<512x1xf32> to vector<512x512xf32>
    %add3A_1057 = vector.broadcast %slice3A_1034 : vector<1x512xf32> to vector<512x512xf32>
    %add3A_1058 = arith.addf %add3A_1056, %add3A_1057 : vector<512x512xf32>
    %sub3A_1059 = arith.subf %add3A_1058, %mul3A_1055 : vector<512x512xf32>
    %add3A_1060 = arith.constant 9.99999971E-10 : f32
    %add3A_1061 = vector.broadcast %add3A_1060 : f32 to vector<512x512xf32>
    %add3A_1062 = arith.addf %sub3A_1059, %add3A_1061 : vector<512x512xf32>
    %div3A_1063 = arith.divf %mul3A_1055, %add3A_1062 : vector<512x512xf32>
    %gt3A_1064 = arith.constant 5.000000e-01 : f32
    %gt3A_1065 = vector.broadcast %gt3A_1064 : f32 to vector<512x512xf32>
    %gt3A_1066 = arith.cmpf ogt, %div3A_1063, %gt3A_1065 : vector<512x512xf32>
    %convert_element_type3A_1067 = arith.extui %gt3A_1066 : vector<512x512xi1> to vector<512x512xi32>
    %convert_element_type3A_1068 = arith.sitofp %convert_element_type3A_1067 : vector<512x512xi32> to vector<512x512xf32>
    %dot_general3A_1069 = arith.constant dense<0.000000e+00> : vector<512x1xf32>
    %dot_general3A_1070 = tpu.matmul %convert_element_type3A_1068, %while3A_708#1, %dot_general3A_1069 {dimension_numbers = #tpu.dot_dimension_numbers<[0], [0], [1], [1], [0, 1, 1, 1], [], []>, transpose_lhs_hint = false} : vector<512x512xf32>, vector<512x1xf32>, vector<512x1xf32> -> vector<512x1xf32>
    %get3A_1071 = arith.constant 4096 : index
    %get3A_1072 = arith.constant 0 : index
    %get3A_1073 = vector.load %arg1[%get3A_1071, %get3A_1072] : memref<5120x1xf32, #tpu.memory_space<vmem>>, vector<512x1xf32>
    %eq3A_1074 = arith.constant 0.000000e+00 : f32
    %eq3A_1075 = vector.broadcast %eq3A_1074 : f32 to vector<512x1xf32>
    %eq3A_1076 = arith.cmpf oeq, %dot_general3A_1070, %eq3A_1075 : vector<512x1xf32>
    %convert_element_type3A_1077 = arith.extui %eq3A_1076 : vector<512x1xi1> to vector<512x1xi32>
    %convert_element_type3A_1078 = arith.sitofp %convert_element_type3A_1077 : vector<512x1xi32> to vector<512x1xf32>
    %mul3A_1079 = arith.mulf %get3A_1073, %convert_element_type3A_1078 : vector<512x1xf32>
    %swap3A_1080 = arith.constant 4096 : index
    %swap3A_1081 = arith.constant 0 : index
    %swap3A_1082 = vector.load %arg1[%swap3A_1080, %swap3A_1081] : memref<5120x1xf32, #tpu.memory_space<vmem>>, vector<512x1xf32>
    tpu.vector_store %arg1[%swap3A_1080, %swap3A_1081], %mul3A_1079 {strides = array<i32>} : memref<5120x1xf32, #tpu.memory_space<vmem>>, vector<512x1xf32>,
    %slice3A_1083 = vector.extract_strided_slice %dot_general3A_130 {offsets = [0, 0], sizes = [1, 512], strides = [1, 1]} : vector<5x512xf32> to vector<1x512xf32>
    %slice3A_1084 = vector.extract_strided_slice %dot_general3A_130 {offsets = [1, 0], sizes = [1, 512], strides = [1, 1]} : vector<5x512xf32> to vector<1x512xf32>
    %slice3A_1085 = vector.extract_strided_slice %dot_general3A_130 {offsets = [2, 0], sizes = [1, 512], strides = [1, 1]} : vector<5x512xf32> to vector<1x512xf32>
    %slice3A_1086 = vector.extract_strided_slice %dot_general3A_130 {offsets = [3, 0], sizes = [1, 512], strides = [1, 1]} : vector<5x512xf32> to vector<1x512xf32>
    %slice3A_1087 = vector.extract_strided_slice %dot_general3A_130 {offsets = [4, 0], sizes = [1, 512], strides = [1, 1]} : vector<5x512xf32> to vector<1x512xf32>
    %max3A_1088 = vector.broadcast %slice3A_657 : vector<512x1xf32> to vector<512x512xf32>
    %max3A_1089 = vector.broadcast %slice3A_1083 : vector<1x512xf32> to vector<512x512xf32>
    %max3A_1090 = arith.maximumf %max3A_1088, %max3A_1089 : vector<512x512xf32>
    %max3A_1091 = vector.broadcast %slice3A_658 : vector<512x1xf32> to vector<512x512xf32>
    %max3A_1092 = vector.broadcast %slice3A_1084 : vector<1x512xf32> to vector<512x512xf32>
    %max3A_1093 = arith.maximumf %max3A_1091, %max3A_1092 : vector<512x512xf32>
    %min3A_1094 = vector.broadcast %slice3A_659 : vector<512x1xf32> to vector<512x512xf32>
    %min3A_1095 = vector.broadcast %slice3A_1085 : vector<1x512xf32> to vector<512x512xf32>
    %min3A_1096 = arith.minimumf %min3A_1094, %min3A_1095 : vector<512x512xf32>
    %min3A_1097 = vector.broadcast %slice3A_660 : vector<512x1xf32> to vector<512x512xf32>
    %min3A_1098 = vector.broadcast %slice3A_1086 : vector<1x512xf32> to vector<512x512xf32>
    %min3A_1099 = arith.minimumf %min3A_1097, %min3A_1098 : vector<512x512xf32>
    %sub3A_1100 = arith.subf %min3A_1096, %max3A_1090 : vector<512x512xf32>
    %max3A_1101 = arith.constant 0.000000e+00 : f32
    %max3A_1102 = vector.broadcast %max3A_1101 : f32 to vector<512x512xf32>
    %max3A_1103 = arith.maximumf %sub3A_1100, %max3A_1102 : vector<512x512xf32>
    %sub3A_1104 = arith.subf %min3A_1099, %max3A_1093 : vector<512x512xf32>
    %max3A_1105 = arith.constant 0.000000e+00 : f32
    %max3A_1106 = vector.broadcast %max3A_1105 : f32 to vector<512x512xf32>
    %max3A_1107 = arith.maximumf %sub3A_1104, %max3A_1106 : vector<512x512xf32>
    %mul3A_1108 = arith.mulf %max3A_1103, %max3A_1107 : vector<512x512xf32>
    %add3A_1109 = vector.broadcast %slice3A_661 : vector<512x1xf32> to vector<512x512xf32>
    %add3A_1110 = vector.broadcast %slice3A_1087 : vector<1x512xf32> to vector<512x512xf32>
    %add3A_1111 = arith.addf %add3A_1109, %add3A_1110 : vector<512x512xf32>
    %sub3A_1112 = arith.subf %add3A_1111, %mul3A_1108 : vector<512x512xf32>
    %add3A_1113 = arith.constant 9.99999971E-10 : f32
    %add3A_1114 = vector.broadcast %add3A_1113 : f32 to vector<512x512xf32>
    %add3A_1115 = arith.addf %sub3A_1112, %add3A_1114 : vector<512x512xf32>
    %div3A_1116 = arith.divf %mul3A_1108, %add3A_1115 : vector<512x512xf32>
    %gt3A_1117 = arith.constant 5.000000e-01 : f32
    %gt3A_1118 = vector.broadcast %gt3A_1117 : f32 to vector<512x512xf32>
    %gt3A_1119 = arith.cmpf ogt, %div3A_1116, %gt3A_1118 : vector<512x512xf32>
    %convert_element_type3A_1120 = arith.extui %gt3A_1119 : vector<512x512xi1> to vector<512x512xi32>
    %convert_element_type3A_1121 = arith.sitofp %convert_element_type3A_1120 : vector<512x512xi32> to vector<512x512xf32>
    %dot_general3A_1122 = arith.constant dense<0.000000e+00> : vector<512x1xf32>
    %dot_general3A_1123 = tpu.matmul %convert_element_type3A_1121, %while3A_708#1, %dot_general3A_1122 {dimension_numbers = #tpu.dot_dimension_numbers<[0], [0], [1], [1], [0, 1, 1, 1], [], []>, transpose_lhs_hint = false} : vector<512x512xf32>, vector<512x1xf32>, vector<512x1xf32> -> vector<512x1xf32>
    %get3A_1124 = arith.constant 4608 : index
    %get3A_1125 = arith.constant 0 : index
    %get3A_1126 = vector.load %arg1[%get3A_1124, %get3A_1125] : memref<5120x1xf32, #tpu.memory_space<vmem>>, vector<512x1xf32>
    %eq3A_1127 = arith.constant 0.000000e+00 : f32
    %eq3A_1128 = vector.broadcast %eq3A_1127 : f32 to vector<512x1xf32>
    %eq3A_1129 = arith.cmpf oeq, %dot_general3A_1123, %eq3A_1128 : vector<512x1xf32>
    %convert_element_type3A_1130 = arith.extui %eq3A_1129 : vector<512x1xi1> to vector<512x1xi32>
    %convert_element_type3A_1131 = arith.sitofp %convert_element_type3A_1130 : vector<512x1xi32> to vector<512x1xf32>
    %mul3A_1132 = arith.mulf %get3A_1126, %convert_element_type3A_1131 : vector<512x1xf32>
    %swap3A_1133 = arith.constant 4608 : index
    %swap3A_1134 = arith.constant 0 : index
    %swap3A_1135 = vector.load %arg1[%swap3A_1133, %swap3A_1134] : memref<5120x1xf32, #tpu.memory_space<vmem>>, vector<512x1xf32>
    tpu.vector_store %arg1[%swap3A_1133, %swap3A_1134], %mul3A_1132 {strides = array<i32>} : memref<5120x1xf32, #tpu.memory_space<vmem>>, vector<512x1xf32>,
    %slice3A_1136 = vector.extract_strided_slice %concatenate3A_37 {offsets = [0, 0], sizes = [512, 1], strides = [1, 1]} : vector<512x5xf32> to vector<512x1xf32>
    %slice3A_1137 = vector.extract_strided_slice %concatenate3A_37 {offsets = [0, 1], sizes = [512, 1], strides = [1, 1]} : vector<512x5xf32> to vector<512x1xf32>
    %slice3A_1138 = vector.extract_strided_slice %concatenate3A_37 {offsets = [0, 2], sizes = [512, 1], strides = [1, 1]} : vector<512x5xf32> to vector<512x1xf32>
    %slice3A_1139 = vector.extract_strided_slice %concatenate3A_37 {offsets = [0, 3], sizes = [512, 1], strides = [1, 1]} : vector<512x5xf32> to vector<512x1xf32>
    %slice3A_1140 = vector.extract_strided_slice %concatenate3A_37 {offsets = [0, 4], sizes = [512, 1], strides = [1, 1]} : vector<512x5xf32> to vector<512x1xf32>
    %slice3A_1141 = vector.extract_strided_slice %dot_general3A_39 {offsets = [0, 0], sizes = [1, 512], strides = [1, 1]} : vector<5x512xf32> to vector<1x512xf32>
    %slice3A_1142 = vector.extract_strided_slice %dot_general3A_39 {offsets = [1, 0], sizes = [1, 512], strides = [1, 1]} : vector<5x512xf32> to vector<1x512xf32>
    %slice3A_1143 = vector.extract_strided_slice %dot_general3A_39 {offsets = [2, 0], sizes = [1, 512], strides = [1, 1]} : vector<5x512xf32> to vector<1x512xf32>
    %slice3A_1144 = vector.extract_strided_slice %dot_general3A_39 {offsets = [3, 0], sizes = [1, 512], strides = [1, 1]} : vector<5x512xf32> to vector<1x512xf32>
    %slice3A_1145 = vector.extract_strided_slice %dot_general3A_39 {offsets = [4, 0], sizes = [1, 512], strides = [1, 1]} : vector<5x512xf32> to vector<1x512xf32>
    %max3A_1146 = vector.broadcast %slice3A_1136 : vector<512x1xf32> to vector<512x512xf32>
    %max3A_1147 = vector.broadcast %slice3A_1141 : vector<1x512xf32> to vector<512x512xf32>
    %max3A_1148 = arith.maximumf %max3A_1146, %max3A_1147 : vector<512x512xf32>
    %max3A_1149 = vector.broadcast %slice3A_1137 : vector<512x1xf32> to vector<512x512xf32>
    %max3A_1150 = vector.broadcast %slice3A_1142 : vector<1x512xf32> to vector<512x512xf32>
    %max3A_1151 = arith.maximumf %max3A_1149, %max3A_1150 : vector<512x512xf32>
    %min3A_1152 = vector.broadcast %slice3A_1138 : vector<512x1xf32> to vector<512x512xf32>
    %min3A_1153 = vector.broadcast %slice3A_1143 : vector<1x512xf32> to vector<512x512xf32>
    %min3A_1154 = arith.minimumf %min3A_1152, %min3A_1153 : vector<512x512xf32>
    %min3A_1155 = vector.broadcast %slice3A_1139 : vector<512x1xf32> to vector<512x512xf32>
    %min3A_1156 = vector.broadcast %slice3A_1144 : vector<1x512xf32> to vector<512x512xf32>
    %min3A_1157 = arith.minimumf %min3A_1155, %min3A_1156 : vector<512x512xf32>
    %sub3A_1158 = arith.subf %min3A_1154, %max3A_1148 : vector<512x512xf32>
    %max3A_1159 = arith.constant 0.000000e+00 : f32
    %max3A_1160 = vector.broadcast %max3A_1159 : f32 to vector<512x512xf32>
    %max3A_1161 = arith.maximumf %sub3A_1158, %max3A_1160 : vector<512x512xf32>
    %sub3A_1162 = arith.subf %min3A_1157, %max3A_1151 : vector<512x512xf32>
    %max3A_1163 = arith.constant 0.000000e+00 : f32
    %max3A_1164 = vector.broadcast %max3A_1163 : f32 to vector<512x512xf32>
    %max3A_1165 = arith.maximumf %sub3A_1162, %max3A_1164 : vector<512x512xf32>
    %mul3A_1166 = arith.mulf %max3A_1161, %max3A_1165 : vector<512x512xf32>
    %add3A_1167 = vector.broadcast %slice3A_1140 : vector<512x1xf32> to vector<512x512xf32>
    %add3A_1168 = vector.broadcast %slice3A_1145 : vector<1x512xf32> to vector<512x512xf32>
    %add3A_1169 = arith.addf %add3A_1167, %add3A_1168 : vector<512x512xf32>
    %sub3A_1170 = arith.subf %add3A_1169, %mul3A_1166 : vector<512x512xf32>
    %add3A_1171 = arith.constant 9.99999971E-10 : f32
    %add3A_1172 = vector.broadcast %add3A_1171 : f32 to vector<512x512xf32>
    %add3A_1173 = arith.addf %sub3A_1170, %add3A_1172 : vector<512x512xf32>
    %div3A_1174 = arith.divf %mul3A_1166, %add3A_1173 : vector<512x512xf32>
    %gt3A_1175 = arith.constant 5.000000e-01 : f32
    %gt3A_1176 = vector.broadcast %gt3A_1175 : f32 to vector<512x512xf32>
    %gt3A_1177 = arith.cmpf ogt, %div3A_1174, %gt3A_1176 : vector<512x512xf32>
    %convert_element_type3A_1178 = arith.extui %gt3A_1177 : vector<512x512xi1> to vector<512x512xi32>
    %convert_element_type3A_1179 = arith.sitofp %convert_element_type3A_1178 : vector<512x512xi32> to vector<512x512xf32>
    %mul3A_1180 = arith.mulf %convert_element_type3A_1179, %convert_element_type3A_4 : vector<512x512xf32>
    %get3A_1181 = arith.constant 1024 : index
    %get3A_1182 = arith.constant 0 : index
    %get3A_1183 = vector.load %arg1[%get3A_1181, %get3A_1182] : memref<5120x1xf32, #tpu.memory_space<vmem>>, vector<512x1xf32>
    %sub3A_1184 = arith.constant 1.000000e+00 : f32
    %sub3A_1185 = vector.broadcast %sub3A_1184 : f32 to vector<512x1xf32>
    %sub3A_1186 = arith.subf %get3A_1183, %sub3A_1185 : vector<512x1xf32>
    %while3A_1187:2 = scf.while (%while3A_3060 = %sub3A_1186, %while3A_3061 = %get3A_1183) : (vector<512x1xf32>, vector<512x1xf32>) -> (vector<512x1xf32>, vector<512x1xf32>) {
      %ne3A = arith.cmpf one, %while3A_3060, %while3A_3061 : vector<512x1xf32>
      %reduce_or3A = arith.constant 1.000000e+00 : f32
      %reduce_or3A_3062 = arith.constant 0.000000e+00 : f32
      %reduce_or3A_3063 = vector.broadcast %reduce_or3A : f32 to vector<512x1xf32>
      %reduce_or3A_3064 = vector.broadcast %reduce_or3A_3062 : f32 to vector<512x1xf32>
      %reduce_or3A_3065 = arith.select %ne3A, %reduce_or3A_3063, %reduce_or3A_3064 : vector<512x1xi1>, vector<512x1xf32>
      %reduce_or3A_3066 = vector.shape_cast %reduce_or3A_3065 : vector<512x1xf32> to vector<1x512x1xf32>
      %reduce_or3A_3067 = arith.constant dense<0xFF800000> : vector<1xf32>
      %reduce_or3A_3068 = vector.multi_reduction <maximumf>, %reduce_or3A_3066, %reduce_or3A_3067 [1, 2] : vector<1x512x1xf32> to vector<1xf32>
      %reduce_or3A_3069 = vector.shape_cast %reduce_or3A_3068 : vector<1xf32> to vector<1x1x1xf32>
      %reduce_or3A_3070 = vector.extract %reduce_or3A_3069[0, 0, 0] : f32 from vector<1x1x1xf32>
      %reduce_or3A_3071 = arith.constant 0.000000e+00 : f32
      %reduce_or3A_3072 = arith.cmpf ogt, %reduce_or3A_3070, %reduce_or3A_3071 : f32
      scf.condition(%reduce_or3A_3072) %while3A_3060, %while3A_3061 : vector<512x1xf32>, vector<512x1xf32>
    } do {
    ^bb0(%while3A_3060: vector<512x1xf32>, %while3A_3061: vector<512x1xf32>):
      %dot_general3A_3062 = arith.constant dense<0.000000e+00> : vector<512x1xf32>
      %dot_general3A_3063 = tpu.matmul %mul3A_1180, %while3A_3061, %dot_general3A_3062 {dimension_numbers = #tpu.dot_dimension_numbers<[0], [0], [1], [1], [0, 1, 1, 1], [], []>, transpose_lhs_hint = false} : vector<512x512xf32>, vector<512x1xf32>, vector<512x1xf32> -> vector<512x1xf32>
      %eq3A_3064 = arith.constant 0.000000e+00 : f32
      %eq3A_3065 = vector.broadcast %eq3A_3064 : f32 to vector<512x1xf32>
      %eq3A_3066 = arith.cmpf oeq, %dot_general3A_3063, %eq3A_3065 : vector<512x1xf32>
      %convert_element_type3A_3067 = arith.extui %eq3A_3066 : vector<512x1xi1> to vector<512x1xi32>
      %convert_element_type3A_3068 = arith.sitofp %convert_element_type3A_3067 : vector<512x1xi32> to vector<512x1xf32>
      %mul3A_3069 = arith.mulf %get3A_1183, %convert_element_type3A_3068 : vector<512x1xf32>
      scf.yield %while3A_3061, %mul3A_3069 : vector<512x1xf32>, vector<512x1xf32>
    }
    %swap3A_1188 = arith.constant 1024 : index
    %swap3A_1189 = arith.constant 0 : index
    %swap3A_1190 = vector.load %arg1[%swap3A_1188, %swap3A_1189] : memref<5120x1xf32, #tpu.memory_space<vmem>>, vector<512x1xf32>
    tpu.vector_store %arg1[%swap3A_1188, %swap3A_1189], %while3A_1187#1 {strides = array<i32>} : memref<5120x1xf32, #tpu.memory_space<vmem>>, vector<512x1xf32>,
    %slice3A_1191 = vector.extract_strided_slice %dot_general3A_52 {offsets = [0, 0], sizes = [1, 512], strides = [1, 1]} : vector<5x512xf32> to vector<1x512xf32>
    %slice3A_1192 = vector.extract_strided_slice %dot_general3A_52 {offsets = [1, 0], sizes = [1, 512], strides = [1, 1]} : vector<5x512xf32> to vector<1x512xf32>
    %slice3A_1193 = vector.extract_strided_slice %dot_general3A_52 {offsets = [2, 0], sizes = [1, 512], strides = [1, 1]} : vector<5x512xf32> to vector<1x512xf32>
    %slice3A_1194 = vector.extract_strided_slice %dot_general3A_52 {offsets = [3, 0], sizes = [1, 512], strides = [1, 1]} : vector<5x512xf32> to vector<1x512xf32>
    %slice3A_1195 = vector.extract_strided_slice %dot_general3A_52 {offsets = [4, 0], sizes = [1, 512], strides = [1, 1]} : vector<5x512xf32> to vector<1x512xf32>
    %max3A_1196 = vector.broadcast %slice3A_1136 : vector<512x1xf32> to vector<512x512xf32>
    %max3A_1197 = vector.broadcast %slice3A_1191 : vector<1x512xf32> to vector<512x512xf32>
    %max3A_1198 = arith.maximumf %max3A_1196, %max3A_1197 : vector<512x512xf32>
    %max3A_1199 = vector.broadcast %slice3A_1137 : vector<512x1xf32> to vector<512x512xf32>
    %max3A_1200 = vector.broadcast %slice3A_1192 : vector<1x512xf32> to vector<512x512xf32>
    %max3A_1201 = arith.maximumf %max3A_1199, %max3A_1200 : vector<512x512xf32>
    %min3A_1202 = vector.broadcast %slice3A_1138 : vector<512x1xf32> to vector<512x512xf32>
    %min3A_1203 = vector.broadcast %slice3A_1193 : vector<1x512xf32> to vector<512x512xf32>
    %min3A_1204 = arith.minimumf %min3A_1202, %min3A_1203 : vector<512x512xf32>
    %min3A_1205 = vector.broadcast %slice3A_1139 : vector<512x1xf32> to vector<512x512xf32>
    %min3A_1206 = vector.broadcast %slice3A_1194 : vector<1x512xf32> to vector<512x512xf32>
    %min3A_1207 = arith.minimumf %min3A_1205, %min3A_1206 : vector<512x512xf32>
    %sub3A_1208 = arith.subf %min3A_1204, %max3A_1198 : vector<512x512xf32>
    %max3A_1209 = arith.constant 0.000000e+00 : f32
    %max3A_1210 = vector.broadcast %max3A_1209 : f32 to vector<512x512xf32>
    %max3A_1211 = arith.maximumf %sub3A_1208, %max3A_1210 : vector<512x512xf32>
    %sub3A_1212 = arith.subf %min3A_1207, %max3A_1201 : vector<512x512xf32>
    %max3A_1213 = arith.constant 0.000000e+00 : f32
    %max3A_1214 = vector.broadcast %max3A_1213 : f32 to vector<512x512xf32>
    %max3A_1215 = arith.maximumf %sub3A_1212, %max3A_1214 : vector<512x512xf32>
    %mul3A_1216 = arith.mulf %max3A_1211, %max3A_1215 : vector<512x512xf32>
    %add3A_1217 = vector.broadcast %slice3A_1140 : vector<512x1xf32> to vector<512x512xf32>
    %add3A_1218 = vector.broadcast %slice3A_1195 : vector<1x512xf32> to vector<512x512xf32>
    %add3A_1219 = arith.addf %add3A_1217, %add3A_1218 : vector<512x512xf32>
    %sub3A_1220 = arith.subf %add3A_1219, %mul3A_1216 : vector<512x512xf32>
    %add3A_1221 = arith.constant 9.99999971E-10 : f32
    %add3A_1222 = vector.broadcast %add3A_1221 : f32 to vector<512x512xf32>
    %add3A_1223 = arith.addf %sub3A_1220, %add3A_1222 : vector<512x512xf32>
    %div3A_1224 = arith.divf %mul3A_1216, %add3A_1223 : vector<512x512xf32>
    %gt3A_1225 = arith.constant 5.000000e-01 : f32
    %gt3A_1226 = vector.broadcast %gt3A_1225 : f32 to vector<512x512xf32>
    %gt3A_1227 = arith.cmpf ogt, %div3A_1224, %gt3A_1226 : vector<512x512xf32>
    %convert_element_type3A_1228 = arith.extui %gt3A_1227 : vector<512x512xi1> to vector<512x512xi32>
    %convert_element_type3A_1229 = arith.sitofp %convert_element_type3A_1228 : vector<512x512xi32> to vector<512x512xf32>
    %dot_general3A_1230 = arith.constant dense<0.000000e+00> : vector<512x1xf32>
    %dot_general3A_1231 = tpu.matmul %convert_element_type3A_1229, %while3A_1187#1, %dot_general3A_1230 {dimension_numbers = #tpu.dot_dimension_numbers<[0], [0], [1], [1], [0, 1, 1, 1], [], []>, transpose_lhs_hint = false} : vector<512x512xf32>, vector<512x1xf32>, vector<512x1xf32> -> vector<512x1xf32>
    %get3A_1232 = arith.constant 1536 : index
    %get3A_1233 = arith.constant 0 : index
    %get3A_1234 = vector.load %arg1[%get3A_1232, %get3A_1233] : memref<5120x1xf32, #tpu.memory_space<vmem>>, vector<512x1xf32>
    %eq3A_1235 = arith.constant 0.000000e+00 : f32
    %eq3A_1236 = vector.broadcast %eq3A_1235 : f32 to vector<512x1xf32>
    %eq3A_1237 = arith.cmpf oeq, %dot_general3A_1231, %eq3A_1236 : vector<512x1xf32>
    %convert_element_type3A_1238 = arith.extui %eq3A_1237 : vector<512x1xi1> to vector<512x1xi32>
    %convert_element_type3A_1239 = arith.sitofp %convert_element_type3A_1238 : vector<512x1xi32> to vector<512x1xf32>
    %mul3A_1240 = arith.mulf %get3A_1234, %convert_element_type3A_1239 : vector<512x1xf32>
    %swap3A_1241 = arith.constant 1536 : index
    %swap3A_1242 = arith.constant 0 : index
    %swap3A_1243 = vector.load %arg1[%swap3A_1241, %swap3A_1242] : memref<5120x1xf32, #tpu.memory_space<vmem>>, vector<512x1xf32>
    tpu.vector_store %arg1[%swap3A_1241, %swap3A_1242], %mul3A_1240 {strides = array<i32>} : memref<5120x1xf32, #tpu.memory_space<vmem>>, vector<512x1xf32>,
    %slice3A_1244 = vector.extract_strided_slice %dot_general3A_65 {offsets = [0, 0], sizes = [1, 512], strides = [1, 1]} : vector<5x512xf32> to vector<1x512xf32>
    %slice3A_1245 = vector.extract_strided_slice %dot_general3A_65 {offsets = [1, 0], sizes = [1, 512], strides = [1, 1]} : vector<5x512xf32> to vector<1x512xf32>
    %slice3A_1246 = vector.extract_strided_slice %dot_general3A_65 {offsets = [2, 0], sizes = [1, 512], strides = [1, 1]} : vector<5x512xf32> to vector<1x512xf32>
    %slice3A_1247 = vector.extract_strided_slice %dot_general3A_65 {offsets = [3, 0], sizes = [1, 512], strides = [1, 1]} : vector<5x512xf32> to vector<1x512xf32>
    %slice3A_1248 = vector.extract_strided_slice %dot_general3A_65 {offsets = [4, 0], sizes = [1, 512], strides = [1, 1]} : vector<5x512xf32> to vector<1x512xf32>
    %max3A_1249 = vector.broadcast %slice3A_1136 : vector<512x1xf32> to vector<512x512xf32>
    %max3A_1250 = vector.broadcast %slice3A_1244 : vector<1x512xf32> to vector<512x512xf32>
    %max3A_1251 = arith.maximumf %max3A_1249, %max3A_1250 : vector<512x512xf32>
    %max3A_1252 = vector.broadcast %slice3A_1137 : vector<512x1xf32> to vector<512x512xf32>
    %max3A_1253 = vector.broadcast %slice3A_1245 : vector<1x512xf32> to vector<512x512xf32>
    %max3A_1254 = arith.maximumf %max3A_1252, %max3A_1253 : vector<512x512xf32>
    %min3A_1255 = vector.broadcast %slice3A_1138 : vector<512x1xf32> to vector<512x512xf32>
    %min3A_1256 = vector.broadcast %slice3A_1246 : vector<1x512xf32> to vector<512x512xf32>
    %min3A_1257 = arith.minimumf %min3A_1255, %min3A_1256 : vector<512x512xf32>
    %min3A_1258 = vector.broadcast %slice3A_1139 : vector<512x1xf32> to vector<512x512xf32>
    %min3A_1259 = vector.broadcast %slice3A_1247 : vector<1x512xf32> to vector<512x512xf32>
    %min3A_1260 = arith.minimumf %min3A_1258, %min3A_1259 : vector<512x512xf32>
    %sub3A_1261 = arith.subf %min3A_1257, %max3A_1251 : vector<512x512xf32>
    %max3A_1262 = arith.constant 0.000000e+00 : f32
    %max3A_1263 = vector.broadcast %max3A_1262 : f32 to vector<512x512xf32>
    %max3A_1264 = arith.maximumf %sub3A_1261, %max3A_1263 : vector<512x512xf32>
    %sub3A_1265 = arith.subf %min3A_1260, %max3A_1254 : vector<512x512xf32>
    %max3A_1266 = arith.constant 0.000000e+00 : f32
    %max3A_1267 = vector.broadcast %max3A_1266 : f32 to vector<512x512xf32>
    %max3A_1268 = arith.maximumf %sub3A_1265, %max3A_1267 : vector<512x512xf32>
    %mul3A_1269 = arith.mulf %max3A_1264, %max3A_1268 : vector<512x512xf32>
    %add3A_1270 = vector.broadcast %slice3A_1140 : vector<512x1xf32> to vector<512x512xf32>
    %add3A_1271 = vector.broadcast %slice3A_1248 : vector<1x512xf32> to vector<512x512xf32>
    %add3A_1272 = arith.addf %add3A_1270, %add3A_1271 : vector<512x512xf32>
    %sub3A_1273 = arith.subf %add3A_1272, %mul3A_1269 : vector<512x512xf32>
    %add3A_1274 = arith.constant 9.99999971E-10 : f32
    %add3A_1275 = vector.broadcast %add3A_1274 : f32 to vector<512x512xf32>
    %add3A_1276 = arith.addf %sub3A_1273, %add3A_1275 : vector<512x512xf32>
    %div3A_1277 = arith.divf %mul3A_1269, %add3A_1276 : vector<512x512xf32>
    %gt3A_1278 = arith.constant 5.000000e-01 : f32
    %gt3A_1279 = vector.broadcast %gt3A_1278 : f32 to vector<512x512xf32>
    %gt3A_1280 = arith.cmpf ogt, %div3A_1277, %gt3A_1279 : vector<512x512xf32>
    %convert_element_type3A_1281 = arith.extui %gt3A_1280 : vector<512x512xi1> to vector<512x512xi32>
    %convert_element_type3A_1282 = arith.sitofp %convert_element_type3A_1281 : vector<512x512xi32> to vector<512x512xf32>
    %dot_general3A_1283 = arith.constant dense<0.000000e+00> : vector<512x1xf32>
    %dot_general3A_1284 = tpu.matmul %convert_element_type3A_1282, %while3A_1187#1, %dot_general3A_1283 {dimension_numbers = #tpu.dot_dimension_numbers<[0], [0], [1], [1], [0, 1, 1, 1], [], []>, transpose_lhs_hint = false} : vector<512x512xf32>, vector<512x1xf32>, vector<512x1xf32> -> vector<512x1xf32>
    %get3A_1285 = arith.constant 2048 : index
    %get3A_1286 = arith.constant 0 : index
    %get3A_1287 = vector.load %arg1[%get3A_1285, %get3A_1286] : memref<5120x1xf32, #tpu.memory_space<vmem>>, vector<512x1xf32>
    %eq3A_1288 = arith.constant 0.000000e+00 : f32
    %eq3A_1289 = vector.broadcast %eq3A_1288 : f32 to vector<512x1xf32>
    %eq3A_1290 = arith.cmpf oeq, %dot_general3A_1284, %eq3A_1289 : vector<512x1xf32>
    %convert_element_type3A_1291 = arith.extui %eq3A_1290 : vector<512x1xi1> to vector<512x1xi32>
    %convert_element_type3A_1292 = arith.sitofp %convert_element_type3A_1291 : vector<512x1xi32> to vector<512x1xf32>
    %mul3A_1293 = arith.mulf %get3A_1287, %convert_element_type3A_1292 : vector<512x1xf32>
    %swap3A_1294 = arith.constant 2048 : index
    %swap3A_1295 = arith.constant 0 : index
    %swap3A_1296 = vector.load %arg1[%swap3A_1294, %swap3A_1295] : memref<5120x1xf32, #tpu.memory_space<vmem>>, vector<512x1xf32>
    tpu.vector_store %arg1[%swap3A_1294, %swap3A_1295], %mul3A_1293 {strides = array<i32>} : memref<5120x1xf32, #tpu.memory_space<vmem>>, vector<512x1xf32>,
    %slice3A_1297 = vector.extract_strided_slice %dot_general3A_78 {offsets = [0, 0], sizes = [1, 512], strides = [1, 1]} : vector<5x512xf32> to vector<1x512xf32>
    %slice3A_1298 = vector.extract_strided_slice %dot_general3A_78 {offsets = [1, 0], sizes = [1, 512], strides = [1, 1]} : vector<5x512xf32> to vector<1x512xf32>
    %slice3A_1299 = vector.extract_strided_slice %dot_general3A_78 {offsets = [2, 0], sizes = [1, 512], strides = [1, 1]} : vector<5x512xf32> to vector<1x512xf32>
    %slice3A_1300 = vector.extract_strided_slice %dot_general3A_78 {offsets = [3, 0], sizes = [1, 512], strides = [1, 1]} : vector<5x512xf32> to vector<1x512xf32>
    %slice3A_1301 = vector.extract_strided_slice %dot_general3A_78 {offsets = [4, 0], sizes = [1, 512], strides = [1, 1]} : vector<5x512xf32> to vector<1x512xf32>
    %max3A_1302 = vector.broadcast %slice3A_1136 : vector<512x1xf32> to vector<512x512xf32>
    %max3A_1303 = vector.broadcast %slice3A_1297 : vector<1x512xf32> to vector<512x512xf32>
    %max3A_1304 = arith.maximumf %max3A_1302, %max3A_1303 : vector<512x512xf32>
    %max3A_1305 = vector.broadcast %slice3A_1137 : vector<512x1xf32> to vector<512x512xf32>
    %max3A_1306 = vector.broadcast %slice3A_1298 : vector<1x512xf32> to vector<512x512xf32>
    %max3A_1307 = arith.maximumf %max3A_1305, %max3A_1306 : vector<512x512xf32>
    %min3A_1308 = vector.broadcast %slice3A_1138 : vector<512x1xf32> to vector<512x512xf32>
    %min3A_1309 = vector.broadcast %slice3A_1299 : vector<1x512xf32> to vector<512x512xf32>
    %min3A_1310 = arith.minimumf %min3A_1308, %min3A_1309 : vector<512x512xf32>
    %min3A_1311 = vector.broadcast %slice3A_1139 : vector<512x1xf32> to vector<512x512xf32>
    %min3A_1312 = vector.broadcast %slice3A_1300 : vector<1x512xf32> to vector<512x512xf32>
    %min3A_1313 = arith.minimumf %min3A_1311, %min3A_1312 : vector<512x512xf32>
    %sub3A_1314 = arith.subf %min3A_1310, %max3A_1304 : vector<512x512xf32>
    %max3A_1315 = arith.constant 0.000000e+00 : f32
    %max3A_1316 = vector.broadcast %max3A_1315 : f32 to vector<512x512xf32>
    %max3A_1317 = arith.maximumf %sub3A_1314, %max3A_1316 : vector<512x512xf32>
    %sub3A_1318 = arith.subf %min3A_1313, %max3A_1307 : vector<512x512xf32>
    %max3A_1319 = arith.constant 0.000000e+00 : f32
    %max3A_1320 = vector.broadcast %max3A_1319 : f32 to vector<512x512xf32>
    %max3A_1321 = arith.maximumf %sub3A_1318, %max3A_1320 : vector<512x512xf32>
    %mul3A_1322 = arith.mulf %max3A_1317, %max3A_1321 : vector<512x512xf32>
    %add3A_1323 = vector.broadcast %slice3A_1140 : vector<512x1xf32> to vector<512x512xf32>
    %add3A_1324 = vector.broadcast %slice3A_1301 : vector<1x512xf32> to vector<512x512xf32>
    %add3A_1325 = arith.addf %add3A_1323, %add3A_1324 : vector<512x512xf32>
    %sub3A_1326 = arith.subf %add3A_1325, %mul3A_1322 : vector<512x512xf32>
    %add3A_1327 = arith.constant 9.99999971E-10 : f32
    %add3A_1328 = vector.broadcast %add3A_1327 : f32 to vector<512x512xf32>
    %add3A_1329 = arith.addf %sub3A_1326, %add3A_1328 : vector<512x512xf32>
    %div3A_1330 = arith.divf %mul3A_1322, %add3A_1329 : vector<512x512xf32>
    %gt3A_1331 = arith.constant 5.000000e-01 : f32
    %gt3A_1332 = vector.broadcast %gt3A_1331 : f32 to vector<512x512xf32>
    %gt3A_1333 = arith.cmpf ogt, %div3A_1330, %gt3A_1332 : vector<512x512xf32>
    %convert_element_type3A_1334 = arith.extui %gt3A_1333 : vector<512x512xi1> to vector<512x512xi32>
    %convert_element_type3A_1335 = arith.sitofp %convert_element_type3A_1334 : vector<512x512xi32> to vector<512x512xf32>
    %dot_general3A_1336 = arith.constant dense<0.000000e+00> : vector<512x1xf32>
    %dot_general3A_1337 = tpu.matmul %convert_element_type3A_1335, %while3A_1187#1, %dot_general3A_1336 {dimension_numbers = #tpu.dot_dimension_numbers<[0], [0], [1], [1], [0, 1, 1, 1], [], []>, transpose_lhs_hint = false} : vector<512x512xf32>, vector<512x1xf32>, vector<512x1xf32> -> vector<512x1xf32>
    %get3A_1338 = arith.constant 2560 : index
    %get3A_1339 = arith.constant 0 : index
    %get3A_1340 = vector.load %arg1[%get3A_1338, %get3A_1339] : memref<5120x1xf32, #tpu.memory_space<vmem>>, vector<512x1xf32>
    %eq3A_1341 = arith.constant 0.000000e+00 : f32
    %eq3A_1342 = vector.broadcast %eq3A_1341 : f32 to vector<512x1xf32>
    %eq3A_1343 = arith.cmpf oeq, %dot_general3A_1337, %eq3A_1342 : vector<512x1xf32>
    %convert_element_type3A_1344 = arith.extui %eq3A_1343 : vector<512x1xi1> to vector<512x1xi32>
    %convert_element_type3A_1345 = arith.sitofp %convert_element_type3A_1344 : vector<512x1xi32> to vector<512x1xf32>
    %mul3A_1346 = arith.mulf %get3A_1340, %convert_element_type3A_1345 : vector<512x1xf32>
    %swap3A_1347 = arith.constant 2560 : index
    %swap3A_1348 = arith.constant 0 : index
    %swap3A_1349 = vector.load %arg1[%swap3A_1347, %swap3A_1348] : memref<5120x1xf32, #tpu.memory_space<vmem>>, vector<512x1xf32>
    tpu.vector_store %arg1[%swap3A_1347, %swap3A_1348], %mul3A_1346 {strides = array<i32>} : memref<5120x1xf32, #tpu.memory_space<vmem>>, vector<512x1xf32>,
    %slice3A_1350 = vector.extract_strided_slice %dot_general3A_91 {offsets = [0, 0], sizes = [1, 512], strides = [1, 1]} : vector<5x512xf32> to vector<1x512xf32>
    %slice3A_1351 = vector.extract_strided_slice %dot_general3A_91 {offsets = [1, 0], sizes = [1, 512], strides = [1, 1]} : vector<5x512xf32> to vector<1x512xf32>
    %slice3A_1352 = vector.extract_strided_slice %dot_general3A_91 {offsets = [2, 0], sizes = [1, 512], strides = [1, 1]} : vector<5x512xf32> to vector<1x512xf32>
    %slice3A_1353 = vector.extract_strided_slice %dot_general3A_91 {offsets = [3, 0], sizes = [1, 512], strides = [1, 1]} : vector<5x512xf32> to vector<1x512xf32>
    %slice3A_1354 = vector.extract_strided_slice %dot_general3A_91 {offsets = [4, 0], sizes = [1, 512], strides = [1, 1]} : vector<5x512xf32> to vector<1x512xf32>
    %max3A_1355 = vector.broadcast %slice3A_1136 : vector<512x1xf32> to vector<512x512xf32>
    %max3A_1356 = vector.broadcast %slice3A_1350 : vector<1x512xf32> to vector<512x512xf32>
    %max3A_1357 = arith.maximumf %max3A_1355, %max3A_1356 : vector<512x512xf32>
    %max3A_1358 = vector.broadcast %slice3A_1137 : vector<512x1xf32> to vector<512x512xf32>
    %max3A_1359 = vector.broadcast %slice3A_1351 : vector<1x512xf32> to vector<512x512xf32>
    %max3A_1360 = arith.maximumf %max3A_1358, %max3A_1359 : vector<512x512xf32>
    %min3A_1361 = vector.broadcast %slice3A_1138 : vector<512x1xf32> to vector<512x512xf32>
    %min3A_1362 = vector.broadcast %slice3A_1352 : vector<1x512xf32> to vector<512x512xf32>
    %min3A_1363 = arith.minimumf %min3A_1361, %min3A_1362 : vector<512x512xf32>
    %min3A_1364 = vector.broadcast %slice3A_1139 : vector<512x1xf32> to vector<512x512xf32>
    %min3A_1365 = vector.broadcast %slice3A_1353 : vector<1x512xf32> to vector<512x512xf32>
    %min3A_1366 = arith.minimumf %min3A_1364, %min3A_1365 : vector<512x512xf32>
    %sub3A_1367 = arith.subf %min3A_1363, %max3A_1357 : vector<512x512xf32>
    %max3A_1368 = arith.constant 0.000000e+00 : f32
    %max3A_1369 = vector.broadcast %max3A_1368 : f32 to vector<512x512xf32>
    %max3A_1370 = arith.maximumf %sub3A_1367, %max3A_1369 : vector<512x512xf32>
    %sub3A_1371 = arith.subf %min3A_1366, %max3A_1360 : vector<512x512xf32>
    %max3A_1372 = arith.constant 0.000000e+00 : f32
    %max3A_1373 = vector.broadcast %max3A_1372 : f32 to vector<512x512xf32>
    %max3A_1374 = arith.maximumf %sub3A_1371, %max3A_1373 : vector<512x512xf32>
    %mul3A_1375 = arith.mulf %max3A_1370, %max3A_1374 : vector<512x512xf32>
    %add3A_1376 = vector.broadcast %slice3A_1140 : vector<512x1xf32> to vector<512x512xf32>
    %add3A_1377 = vector.broadcast %slice3A_1354 : vector<1x512xf32> to vector<512x512xf32>
    %add3A_1378 = arith.addf %add3A_1376, %add3A_1377 : vector<512x512xf32>
    %sub3A_1379 = arith.subf %add3A_1378, %mul3A_1375 : vector<512x512xf32>
    %add3A_1380 = arith.constant 9.99999971E-10 : f32
    %add3A_1381 = vector.broadcast %add3A_1380 : f32 to vector<512x512xf32>
    %add3A_1382 = arith.addf %sub3A_1379, %add3A_1381 : vector<512x512xf32>
    %div3A_1383 = arith.divf %mul3A_1375, %add3A_1382 : vector<512x512xf32>
    %gt3A_1384 = arith.constant 5.000000e-01 : f32
    %gt3A_1385 = vector.broadcast %gt3A_1384 : f32 to vector<512x512xf32>
    %gt3A_1386 = arith.cmpf ogt, %div3A_1383, %gt3A_1385 : vector<512x512xf32>
    %convert_element_type3A_1387 = arith.extui %gt3A_1386 : vector<512x512xi1> to vector<512x512xi32>
    %convert_element_type3A_1388 = arith.sitofp %convert_element_type3A_1387 : vector<512x512xi32> to vector<512x512xf32>
    %dot_general3A_1389 = arith.constant dense<0.000000e+00> : vector<512x1xf32>
    %dot_general3A_1390 = tpu.matmul %convert_element_type3A_1388, %while3A_1187#1, %dot_general3A_1389 {dimension_numbers = #tpu.dot_dimension_numbers<[0], [0], [1], [1], [0, 1, 1, 1], [], []>, transpose_lhs_hint = false} : vector<512x512xf32>, vector<512x1xf32>, vector<512x1xf32> -> vector<512x1xf32>
    %get3A_1391 = arith.constant 3072 : index
    %get3A_1392 = arith.constant 0 : index
    %get3A_1393 = vector.load %arg1[%get3A_1391, %get3A_1392] : memref<5120x1xf32, #tpu.memory_space<vmem>>, vector<512x1xf32>
    %eq3A_1394 = arith.constant 0.000000e+00 : f32
    %eq3A_1395 = vector.broadcast %eq3A_1394 : f32 to vector<512x1xf32>
    %eq3A_1396 = arith.cmpf oeq, %dot_general3A_1390, %eq3A_1395 : vector<512x1xf32>
    %convert_element_type3A_1397 = arith.extui %eq3A_1396 : vector<512x1xi1> to vector<512x1xi32>
    %convert_element_type3A_1398 = arith.sitofp %convert_element_type3A_1397 : vector<512x1xi32> to vector<512x1xf32>
    %mul3A_1399 = arith.mulf %get3A_1393, %convert_element_type3A_1398 : vector<512x1xf32>
    %swap3A_1400 = arith.constant 3072 : index
    %swap3A_1401 = arith.constant 0 : index
    %swap3A_1402 = vector.load %arg1[%swap3A_1400, %swap3A_1401] : memref<5120x1xf32, #tpu.memory_space<vmem>>, vector<512x1xf32>
    tpu.vector_store %arg1[%swap3A_1400, %swap3A_1401], %mul3A_1399 {strides = array<i32>} : memref<5120x1xf32, #tpu.memory_space<vmem>>, vector<512x1xf32>,
    %slice3A_1403 = vector.extract_strided_slice %dot_general3A_104 {offsets = [0, 0], sizes = [1, 512], strides = [1, 1]} : vector<5x512xf32> to vector<1x512xf32>
    %slice3A_1404 = vector.extract_strided_slice %dot_general3A_104 {offsets = [1, 0], sizes = [1, 512], strides = [1, 1]} : vector<5x512xf32> to vector<1x512xf32>
    %slice3A_1405 = vector.extract_strided_slice %dot_general3A_104 {offsets = [2, 0], sizes = [1, 512], strides = [1, 1]} : vector<5x512xf32> to vector<1x512xf32>
    %slice3A_1406 = vector.extract_strided_slice %dot_general3A_104 {offsets = [3, 0], sizes = [1, 512], strides = [1, 1]} : vector<5x512xf32> to vector<1x512xf32>
    %slice3A_1407 = vector.extract_strided_slice %dot_general3A_104 {offsets = [4, 0], sizes = [1, 512], strides = [1, 1]} : vector<5x512xf32> to vector<1x512xf32>
    %max3A_1408 = vector.broadcast %slice3A_1136 : vector<512x1xf32> to vector<512x512xf32>
    %max3A_1409 = vector.broadcast %slice3A_1403 : vector<1x512xf32> to vector<512x512xf32>
    %max3A_1410 = arith.maximumf %max3A_1408, %max3A_1409 : vector<512x512xf32>
    %max3A_1411 = vector.broadcast %slice3A_1137 : vector<512x1xf32> to vector<512x512xf32>
    %max3A_1412 = vector.broadcast %slice3A_1404 : vector<1x512xf32> to vector<512x512xf32>
    %max3A_1413 = arith.maximumf %max3A_1411, %max3A_1412 : vector<512x512xf32>
    %min3A_1414 = vector.broadcast %slice3A_1138 : vector<512x1xf32> to vector<512x512xf32>
    %min3A_1415 = vector.broadcast %slice3A_1405 : vector<1x512xf32> to vector<512x512xf32>
    %min3A_1416 = arith.minimumf %min3A_1414, %min3A_1415 : vector<512x512xf32>
    %min3A_1417 = vector.broadcast %slice3A_1139 : vector<512x1xf32> to vector<512x512xf32>
    %min3A_1418 = vector.broadcast %slice3A_1406 : vector<1x512xf32> to vector<512x512xf32>
    %min3A_1419 = arith.minimumf %min3A_1417, %min3A_1418 : vector<512x512xf32>
    %sub3A_1420 = arith.subf %min3A_1416, %max3A_1410 : vector<512x512xf32>
    %max3A_1421 = arith.constant 0.000000e+00 : f32
    %max3A_1422 = vector.broadcast %max3A_1421 : f32 to vector<512x512xf32>
    %max3A_1423 = arith.maximumf %sub3A_1420, %max3A_1422 : vector<512x512xf32>
    %sub3A_1424 = arith.subf %min3A_1419, %max3A_1413 : vector<512x512xf32>
    %max3A_1425 = arith.constant 0.000000e+00 : f32
    %max3A_1426 = vector.broadcast %max3A_1425 : f32 to vector<512x512xf32>
    %max3A_1427 = arith.maximumf %sub3A_1424, %max3A_1426 : vector<512x512xf32>
    %mul3A_1428 = arith.mulf %max3A_1423, %max3A_1427 : vector<512x512xf32>
    %add3A_1429 = vector.broadcast %slice3A_1140 : vector<512x1xf32> to vector<512x512xf32>
    %add3A_1430 = vector.broadcast %slice3A_1407 : vector<1x512xf32> to vector<512x512xf32>
    %add3A_1431 = arith.addf %add3A_1429, %add3A_1430 : vector<512x512xf32>
    %sub3A_1432 = arith.subf %add3A_1431, %mul3A_1428 : vector<512x512xf32>
    %add3A_1433 = arith.constant 9.99999971E-10 : f32
    %add3A_1434 = vector.broadcast %add3A_1433 : f32 to vector<512x512xf32>
    %add3A_1435 = arith.addf %sub3A_1432, %add3A_1434 : vector<512x512xf32>
    %div3A_1436 = arith.divf %mul3A_1428, %add3A_1435 : vector<512x512xf32>
    %gt3A_1437 = arith.constant 5.000000e-01 : f32
    %gt3A_1438 = vector.broadcast %gt3A_1437 : f32 to vector<512x512xf32>
    %gt3A_1439 = arith.cmpf ogt, %div3A_1436, %gt3A_1438 : vector<512x512xf32>
    %convert_element_type3A_1440 = arith.extui %gt3A_1439 : vector<512x512xi1> to vector<512x512xi32>
    %convert_element_type3A_1441 = arith.sitofp %convert_element_type3A_1440 : vector<512x512xi32> to vector<512x512xf32>
    %dot_general3A_1442 = arith.constant dense<0.000000e+00> : vector<512x1xf32>
    %dot_general3A_1443 = tpu.matmul %convert_element_type3A_1441, %while3A_1187#1, %dot_general3A_1442 {dimension_numbers = #tpu.dot_dimension_numbers<[0], [0], [1], [1], [0, 1, 1, 1], [], []>, transpose_lhs_hint = false} : vector<512x512xf32>, vector<512x1xf32>, vector<512x1xf32> -> vector<512x1xf32>
    %get3A_1444 = arith.constant 3584 : index
    %get3A_1445 = arith.constant 0 : index
    %get3A_1446 = vector.load %arg1[%get3A_1444, %get3A_1445] : memref<5120x1xf32, #tpu.memory_space<vmem>>, vector<512x1xf32>
    %eq3A_1447 = arith.constant 0.000000e+00 : f32
    %eq3A_1448 = vector.broadcast %eq3A_1447 : f32 to vector<512x1xf32>
    %eq3A_1449 = arith.cmpf oeq, %dot_general3A_1443, %eq3A_1448 : vector<512x1xf32>
    %convert_element_type3A_1450 = arith.extui %eq3A_1449 : vector<512x1xi1> to vector<512x1xi32>
    %convert_element_type3A_1451 = arith.sitofp %convert_element_type3A_1450 : vector<512x1xi32> to vector<512x1xf32>
    %mul3A_1452 = arith.mulf %get3A_1446, %convert_element_type3A_1451 : vector<512x1xf32>
    %swap3A_1453 = arith.constant 3584 : index
    %swap3A_1454 = arith.constant 0 : index
    %swap3A_1455 = vector.load %arg1[%swap3A_1453, %swap3A_1454] : memref<5120x1xf32, #tpu.memory_space<vmem>>, vector<512x1xf32>
    tpu.vector_store %arg1[%swap3A_1453, %swap3A_1454], %mul3A_1452 {strides = array<i32>} : memref<5120x1xf32, #tpu.memory_space<vmem>>, vector<512x1xf32>,
    %slice3A_1456 = vector.extract_strided_slice %dot_general3A_117 {offsets = [0, 0], sizes = [1, 512], strides = [1, 1]} : vector<5x512xf32> to vector<1x512xf32>
    %slice3A_1457 = vector.extract_strided_slice %dot_general3A_117 {offsets = [1, 0], sizes = [1, 512], strides = [1, 1]} : vector<5x512xf32> to vector<1x512xf32>
    %slice3A_1458 = vector.extract_strided_slice %dot_general3A_117 {offsets = [2, 0], sizes = [1, 512], strides = [1, 1]} : vector<5x512xf32> to vector<1x512xf32>
    %slice3A_1459 = vector.extract_strided_slice %dot_general3A_117 {offsets = [3, 0], sizes = [1, 512], strides = [1, 1]} : vector<5x512xf32> to vector<1x512xf32>
    %slice3A_1460 = vector.extract_strided_slice %dot_general3A_117 {offsets = [4, 0], sizes = [1, 512], strides = [1, 1]} : vector<5x512xf32> to vector<1x512xf32>
    %max3A_1461 = vector.broadcast %slice3A_1136 : vector<512x1xf32> to vector<512x512xf32>
    %max3A_1462 = vector.broadcast %slice3A_1456 : vector<1x512xf32> to vector<512x512xf32>
    %max3A_1463 = arith.maximumf %max3A_1461, %max3A_1462 : vector<512x512xf32>
    %max3A_1464 = vector.broadcast %slice3A_1137 : vector<512x1xf32> to vector<512x512xf32>
    %max3A_1465 = vector.broadcast %slice3A_1457 : vector<1x512xf32> to vector<512x512xf32>
    %max3A_1466 = arith.maximumf %max3A_1464, %max3A_1465 : vector<512x512xf32>
    %min3A_1467 = vector.broadcast %slice3A_1138 : vector<512x1xf32> to vector<512x512xf32>
    %min3A_1468 = vector.broadcast %slice3A_1458 : vector<1x512xf32> to vector<512x512xf32>
    %min3A_1469 = arith.minimumf %min3A_1467, %min3A_1468 : vector<512x512xf32>
    %min3A_1470 = vector.broadcast %slice3A_1139 : vector<512x1xf32> to vector<512x512xf32>
    %min3A_1471 = vector.broadcast %slice3A_1459 : vector<1x512xf32> to vector<512x512xf32>
    %min3A_1472 = arith.minimumf %min3A_1470, %min3A_1471 : vector<512x512xf32>
    %sub3A_1473 = arith.subf %min3A_1469, %max3A_1463 : vector<512x512xf32>
    %max3A_1474 = arith.constant 0.000000e+00 : f32
    %max3A_1475 = vector.broadcast %max3A_1474 : f32 to vector<512x512xf32>
    %max3A_1476 = arith.maximumf %sub3A_1473, %max3A_1475 : vector<512x512xf32>
    %sub3A_1477 = arith.subf %min3A_1472, %max3A_1466 : vector<512x512xf32>
    %max3A_1478 = arith.constant 0.000000e+00 : f32
    %max3A_1479 = vector.broadcast %max3A_1478 : f32 to vector<512x512xf32>
    %max3A_1480 = arith.maximumf %sub3A_1477, %max3A_1479 : vector<512x512xf32>
    %mul3A_1481 = arith.mulf %max3A_1476, %max3A_1480 : vector<512x512xf32>
    %add3A_1482 = vector.broadcast %slice3A_1140 : vector<512x1xf32> to vector<512x512xf32>
    %add3A_1483 = vector.broadcast %slice3A_1460 : vector<1x512xf32> to vector<512x512xf32>
    %add3A_1484 = arith.addf %add3A_1482, %add3A_1483 : vector<512x512xf32>
    %sub3A_1485 = arith.subf %add3A_1484, %mul3A_1481 : vector<512x512xf32>
    %add3A_1486 = arith.constant 9.99999971E-10 : f32
    %add3A_1487 = vector.broadcast %add3A_1486 : f32 to vector<512x512xf32>
    %add3A_1488 = arith.addf %sub3A_1485, %add3A_1487 : vector<512x512xf32>
    %div3A_1489 = arith.divf %mul3A_1481, %add3A_1488 : vector<512x512xf32>
    %gt3A_1490 = arith.constant 5.000000e-01 : f32
    %gt3A_1491 = vector.broadcast %gt3A_1490 : f32 to vector<512x512xf32>
    %gt3A_1492 = arith.cmpf ogt, %div3A_1489, %gt3A_1491 : vector<512x512xf32>
    %convert_element_type3A_1493 = arith.extui %gt3A_1492 : vector<512x512xi1> to vector<512x512xi32>
    %convert_element_type3A_1494 = arith.sitofp %convert_element_type3A_1493 : vector<512x512xi32> to vector<512x512xf32>
    %dot_general3A_1495 = arith.constant dense<0.000000e+00> : vector<512x1xf32>
    %dot_general3A_1496 = tpu.matmul %convert_element_type3A_1494, %while3A_1187#1, %dot_general3A_1495 {dimension_numbers = #tpu.dot_dimension_numbers<[0], [0], [1], [1], [0, 1, 1, 1], [], []>, transpose_lhs_hint = false} : vector<512x512xf32>, vector<512x1xf32>, vector<512x1xf32> -> vector<512x1xf32>
    %get3A_1497 = arith.constant 4096 : index
    %get3A_1498 = arith.constant 0 : index
    %get3A_1499 = vector.load %arg1[%get3A_1497, %get3A_1498] : memref<5120x1xf32, #tpu.memory_space<vmem>>, vector<512x1xf32>
    %eq3A_1500 = arith.constant 0.000000e+00 : f32
    %eq3A_1501 = vector.broadcast %eq3A_1500 : f32 to vector<512x1xf32>
    %eq3A_1502 = arith.cmpf oeq, %dot_general3A_1496, %eq3A_1501 : vector<512x1xf32>
    %convert_element_type3A_1503 = arith.extui %eq3A_1502 : vector<512x1xi1> to vector<512x1xi32>
    %convert_element_type3A_1504 = arith.sitofp %convert_element_type3A_1503 : vector<512x1xi32> to vector<512x1xf32>
    %mul3A_1505 = arith.mulf %get3A_1499, %convert_element_type3A_1504 : vector<512x1xf32>
    %swap3A_1506 = arith.constant 4096 : index
    %swap3A_1507 = arith.constant 0 : index
    %swap3A_1508 = vector.load %arg1[%swap3A_1506, %swap3A_1507] : memref<5120x1xf32, #tpu.memory_space<vmem>>, vector<512x1xf32>
    tpu.vector_store %arg1[%swap3A_1506, %swap3A_1507], %mul3A_1505 {strides = array<i32>} : memref<5120x1xf32, #tpu.memory_space<vmem>>, vector<512x1xf32>,
    %slice3A_1509 = vector.extract_strided_slice %dot_general3A_130 {offsets = [0, 0], sizes = [1, 512], strides = [1, 1]} : vector<5x512xf32> to vector<1x512xf32>
    %slice3A_1510 = vector.extract_strided_slice %dot_general3A_130 {offsets = [1, 0], sizes = [1, 512], strides = [1, 1]} : vector<5x512xf32> to vector<1x512xf32>
    %slice3A_1511 = vector.extract_strided_slice %dot_general3A_130 {offsets = [2, 0], sizes = [1, 512], strides = [1, 1]} : vector<5x512xf32> to vector<1x512xf32>
    %slice3A_1512 = vector.extract_strided_slice %dot_general3A_130 {offsets = [3, 0], sizes = [1, 512], strides = [1, 1]} : vector<5x512xf32> to vector<1x512xf32>
    %slice3A_1513 = vector.extract_strided_slice %dot_general3A_130 {offsets = [4, 0], sizes = [1, 512], strides = [1, 1]} : vector<5x512xf32> to vector<1x512xf32>
    %max3A_1514 = vector.broadcast %slice3A_1136 : vector<512x1xf32> to vector<512x512xf32>
    %max3A_1515 = vector.broadcast %slice3A_1509 : vector<1x512xf32> to vector<512x512xf32>
    %max3A_1516 = arith.maximumf %max3A_1514, %max3A_1515 : vector<512x512xf32>
    %max3A_1517 = vector.broadcast %slice3A_1137 : vector<512x1xf32> to vector<512x512xf32>
    %max3A_1518 = vector.broadcast %slice3A_1510 : vector<1x512xf32> to vector<512x512xf32>
    %max3A_1519 = arith.maximumf %max3A_1517, %max3A_1518 : vector<512x512xf32>
    %min3A_1520 = vector.broadcast %slice3A_1138 : vector<512x1xf32> to vector<512x512xf32>
    %min3A_1521 = vector.broadcast %slice3A_1511 : vector<1x512xf32> to vector<512x512xf32>
    %min3A_1522 = arith.minimumf %min3A_1520, %min3A_1521 : vector<512x512xf32>
    %min3A_1523 = vector.broadcast %slice3A_1139 : vector<512x1xf32> to vector<512x512xf32>
    %min3A_1524 = vector.broadcast %slice3A_1512 : vector<1x512xf32> to vector<512x512xf32>
    %min3A_1525 = arith.minimumf %min3A_1523, %min3A_1524 : vector<512x512xf32>
    %sub3A_1526 = arith.subf %min3A_1522, %max3A_1516 : vector<512x512xf32>
    %max3A_1527 = arith.constant 0.000000e+00 : f32
    %max3A_1528 = vector.broadcast %max3A_1527 : f32 to vector<512x512xf32>
    %max3A_1529 = arith.maximumf %sub3A_1526, %max3A_1528 : vector<512x512xf32>
    %sub3A_1530 = arith.subf %min3A_1525, %max3A_1519 : vector<512x512xf32>
    %max3A_1531 = arith.constant 0.000000e+00 : f32
    %max3A_1532 = vector.broadcast %max3A_1531 : f32 to vector<512x512xf32>
    %max3A_1533 = arith.maximumf %sub3A_1530, %max3A_1532 : vector<512x512xf32>
    %mul3A_1534 = arith.mulf %max3A_1529, %max3A_1533 : vector<512x512xf32>
    %add3A_1535 = vector.broadcast %slice3A_1140 : vector<512x1xf32> to vector<512x512xf32>
    %add3A_1536 = vector.broadcast %slice3A_1513 : vector<1x512xf32> to vector<512x512xf32>
    %add3A_1537 = arith.addf %add3A_1535, %add3A_1536 : vector<512x512xf32>
    %sub3A_1538 = arith.subf %add3A_1537, %mul3A_1534 : vector<512x512xf32>
    %add3A_1539 = arith.constant 9.99999971E-10 : f32
    %add3A_1540 = vector.broadcast %add3A_1539 : f32 to vector<512x512xf32>
    %add3A_1541 = arith.addf %sub3A_1538, %add3A_1540 : vector<512x512xf32>
    %div3A_1542 = arith.divf %mul3A_1534, %add3A_1541 : vector<512x512xf32>
    %gt3A_1543 = arith.constant 5.000000e-01 : f32
    %gt3A_1544 = vector.broadcast %gt3A_1543 : f32 to vector<512x512xf32>
    %gt3A_1545 = arith.cmpf ogt, %div3A_1542, %gt3A_1544 : vector<512x512xf32>
    %convert_element_type3A_1546 = arith.extui %gt3A_1545 : vector<512x512xi1> to vector<512x512xi32>
    %convert_element_type3A_1547 = arith.sitofp %convert_element_type3A_1546 : vector<512x512xi32> to vector<512x512xf32>
    %dot_general3A_1548 = arith.constant dense<0.000000e+00> : vector<512x1xf32>
    %dot_general3A_1549 = tpu.matmul %convert_element_type3A_1547, %while3A_1187#1, %dot_general3A_1548 {dimension_numbers = #tpu.dot_dimension_numbers<[0], [0], [1], [1], [0, 1, 1, 1], [], []>, transpose_lhs_hint = false} : vector<512x512xf32>, vector<512x1xf32>, vector<512x1xf32> -> vector<512x1xf32>
    %get3A_1550 = arith.constant 4608 : index
    %get3A_1551 = arith.constant 0 : index
    %get3A_1552 = vector.load %arg1[%get3A_1550, %get3A_1551] : memref<5120x1xf32, #tpu.memory_space<vmem>>, vector<512x1xf32>
    %eq3A_1553 = arith.constant 0.000000e+00 : f32
    %eq3A_1554 = vector.broadcast %eq3A_1553 : f32 to vector<512x1xf32>
    %eq3A_1555 = arith.cmpf oeq, %dot_general3A_1549, %eq3A_1554 : vector<512x1xf32>
    %convert_element_type3A_1556 = arith.extui %eq3A_1555 : vector<512x1xi1> to vector<512x1xi32>
    %convert_element_type3A_1557 = arith.sitofp %convert_element_type3A_1556 : vector<512x1xi32> to vector<512x1xf32>
    %mul3A_1558 = arith.mulf %get3A_1552, %convert_element_type3A_1557 : vector<512x1xf32>
    %swap3A_1559 = arith.constant 4608 : index
    %swap3A_1560 = arith.constant 0 : index
    %swap3A_1561 = vector.load %arg1[%swap3A_1559, %swap3A_1560] : memref<5120x1xf32, #tpu.memory_space<vmem>>, vector<512x1xf32>
    tpu.vector_store %arg1[%swap3A_1559, %swap3A_1560], %mul3A_1558 {strides = array<i32>} : memref<5120x1xf32, #tpu.memory_space<vmem>>, vector<512x1xf32>,
    %slice3A_1562 = vector.extract_strided_slice %concatenate3A_50 {offsets = [0, 0], sizes = [512, 1], strides = [1, 1]} : vector<512x5xf32> to vector<512x1xf32>
    %slice3A_1563 = vector.extract_strided_slice %concatenate3A_50 {offsets = [0, 1], sizes = [512, 1], strides = [1, 1]} : vector<512x5xf32> to vector<512x1xf32>
    %slice3A_1564 = vector.extract_strided_slice %concatenate3A_50 {offsets = [0, 2], sizes = [512, 1], strides = [1, 1]} : vector<512x5xf32> to vector<512x1xf32>
    %slice3A_1565 = vector.extract_strided_slice %concatenate3A_50 {offsets = [0, 3], sizes = [512, 1], strides = [1, 1]} : vector<512x5xf32> to vector<512x1xf32>
    %slice3A_1566 = vector.extract_strided_slice %concatenate3A_50 {offsets = [0, 4], sizes = [512, 1], strides = [1, 1]} : vector<512x5xf32> to vector<512x1xf32>
    %slice3A_1567 = vector.extract_strided_slice %dot_general3A_52 {offsets = [0, 0], sizes = [1, 512], strides = [1, 1]} : vector<5x512xf32> to vector<1x512xf32>
    %slice3A_1568 = vector.extract_strided_slice %dot_general3A_52 {offsets = [1, 0], sizes = [1, 512], strides = [1, 1]} : vector<5x512xf32> to vector<1x512xf32>
    %slice3A_1569 = vector.extract_strided_slice %dot_general3A_52 {offsets = [2, 0], sizes = [1, 512], strides = [1, 1]} : vector<5x512xf32> to vector<1x512xf32>
    %slice3A_1570 = vector.extract_strided_slice %dot_general3A_52 {offsets = [3, 0], sizes = [1, 512], strides = [1, 1]} : vector<5x512xf32> to vector<1x512xf32>
    %slice3A_1571 = vector.extract_strided_slice %dot_general3A_52 {offsets = [4, 0], sizes = [1, 512], strides = [1, 1]} : vector<5x512xf32> to vector<1x512xf32>
    %max3A_1572 = vector.broadcast %slice3A_1562 : vector<512x1xf32> to vector<512x512xf32>
    %max3A_1573 = vector.broadcast %slice3A_1567 : vector<1x512xf32> to vector<512x512xf32>
    %max3A_1574 = arith.maximumf %max3A_1572, %max3A_1573 : vector<512x512xf32>
    %max3A_1575 = vector.broadcast %slice3A_1563 : vector<512x1xf32> to vector<512x512xf32>
    %max3A_1576 = vector.broadcast %slice3A_1568 : vector<1x512xf32> to vector<512x512xf32>
    %max3A_1577 = arith.maximumf %max3A_1575, %max3A_1576 : vector<512x512xf32>
    %min3A_1578 = vector.broadcast %slice3A_1564 : vector<512x1xf32> to vector<512x512xf32>
    %min3A_1579 = vector.broadcast %slice3A_1569 : vector<1x512xf32> to vector<512x512xf32>
    %min3A_1580 = arith.minimumf %min3A_1578, %min3A_1579 : vector<512x512xf32>
    %min3A_1581 = vector.broadcast %slice3A_1565 : vector<512x1xf32> to vector<512x512xf32>
    %min3A_1582 = vector.broadcast %slice3A_1570 : vector<1x512xf32> to vector<512x512xf32>
    %min3A_1583 = arith.minimumf %min3A_1581, %min3A_1582 : vector<512x512xf32>
    %sub3A_1584 = arith.subf %min3A_1580, %max3A_1574 : vector<512x512xf32>
    %max3A_1585 = arith.constant 0.000000e+00 : f32
    %max3A_1586 = vector.broadcast %max3A_1585 : f32 to vector<512x512xf32>
    %max3A_1587 = arith.maximumf %sub3A_1584, %max3A_1586 : vector<512x512xf32>
    %sub3A_1588 = arith.subf %min3A_1583, %max3A_1577 : vector<512x512xf32>
    %max3A_1589 = arith.constant 0.000000e+00 : f32
    %max3A_1590 = vector.broadcast %max3A_1589 : f32 to vector<512x512xf32>
    %max3A_1591 = arith.maximumf %sub3A_1588, %max3A_1590 : vector<512x512xf32>
    %mul3A_1592 = arith.mulf %max3A_1587, %max3A_1591 : vector<512x512xf32>
    %add3A_1593 = vector.broadcast %slice3A_1566 : vector<512x1xf32> to vector<512x512xf32>
    %add3A_1594 = vector.broadcast %slice3A_1571 : vector<1x512xf32> to vector<512x512xf32>
    %add3A_1595 = arith.addf %add3A_1593, %add3A_1594 : vector<512x512xf32>
    %sub3A_1596 = arith.subf %add3A_1595, %mul3A_1592 : vector<512x512xf32>
    %add3A_1597 = arith.constant 9.99999971E-10 : f32
    %add3A_1598 = vector.broadcast %add3A_1597 : f32 to vector<512x512xf32>
    %add3A_1599 = arith.addf %sub3A_1596, %add3A_1598 : vector<512x512xf32>
    %div3A_1600 = arith.divf %mul3A_1592, %add3A_1599 : vector<512x512xf32>
    %gt3A_1601 = arith.constant 5.000000e-01 : f32
    %gt3A_1602 = vector.broadcast %gt3A_1601 : f32 to vector<512x512xf32>
    %gt3A_1603 = arith.cmpf ogt, %div3A_1600, %gt3A_1602 : vector<512x512xf32>
    %convert_element_type3A_1604 = arith.extui %gt3A_1603 : vector<512x512xi1> to vector<512x512xi32>
    %convert_element_type3A_1605 = arith.sitofp %convert_element_type3A_1604 : vector<512x512xi32> to vector<512x512xf32>
    %mul3A_1606 = arith.mulf %convert_element_type3A_1605, %convert_element_type3A_4 : vector<512x512xf32>
    %get3A_1607 = arith.constant 1536 : index
    %get3A_1608 = arith.constant 0 : index
    %get3A_1609 = vector.load %arg1[%get3A_1607, %get3A_1608] : memref<5120x1xf32, #tpu.memory_space<vmem>>, vector<512x1xf32>
    %sub3A_1610 = arith.constant 1.000000e+00 : f32
    %sub3A_1611 = vector.broadcast %sub3A_1610 : f32 to vector<512x1xf32>
    %sub3A_1612 = arith.subf %get3A_1609, %sub3A_1611 : vector<512x1xf32>
    %while3A_1613:2 = scf.while (%while3A_3060 = %sub3A_1612, %while3A_3061 = %get3A_1609) : (vector<512x1xf32>, vector<512x1xf32>) -> (vector<512x1xf32>, vector<512x1xf32>) {
      %ne3A = arith.cmpf one, %while3A_3060, %while3A_3061 : vector<512x1xf32>
      %reduce_or3A = arith.constant 1.000000e+00 : f32
      %reduce_or3A_3062 = arith.constant 0.000000e+00 : f32
      %reduce_or3A_3063 = vector.broadcast %reduce_or3A : f32 to vector<512x1xf32>
      %reduce_or3A_3064 = vector.broadcast %reduce_or3A_3062 : f32 to vector<512x1xf32>
      %reduce_or3A_3065 = arith.select %ne3A, %reduce_or3A_3063, %reduce_or3A_3064 : vector<512x1xi1>, vector<512x1xf32>
      %reduce_or3A_3066 = vector.shape_cast %reduce_or3A_3065 : vector<512x1xf32> to vector<1x512x1xf32>
      %reduce_or3A_3067 = arith.constant dense<0xFF800000> : vector<1xf32>
      %reduce_or3A_3068 = vector.multi_reduction <maximumf>, %reduce_or3A_3066, %reduce_or3A_3067 [1, 2] : vector<1x512x1xf32> to vector<1xf32>
      %reduce_or3A_3069 = vector.shape_cast %reduce_or3A_3068 : vector<1xf32> to vector<1x1x1xf32>
      %reduce_or3A_3070 = vector.extract %reduce_or3A_3069[0, 0, 0] : f32 from vector<1x1x1xf32>
      %reduce_or3A_3071 = arith.constant 0.000000e+00 : f32
      %reduce_or3A_3072 = arith.cmpf ogt, %reduce_or3A_3070, %reduce_or3A_3071 : f32
      scf.condition(%reduce_or3A_3072) %while3A_3060, %while3A_3061 : vector<512x1xf32>, vector<512x1xf32>
    } do {
    ^bb0(%while3A_3060: vector<512x1xf32>, %while3A_3061: vector<512x1xf32>):
      %dot_general3A_3062 = arith.constant dense<0.000000e+00> : vector<512x1xf32>
      %dot_general3A_3063 = tpu.matmul %mul3A_1606, %while3A_3061, %dot_general3A_3062 {dimension_numbers = #tpu.dot_dimension_numbers<[0], [0], [1], [1], [0, 1, 1, 1], [], []>, transpose_lhs_hint = false} : vector<512x512xf32>, vector<512x1xf32>, vector<512x1xf32> -> vector<512x1xf32>
      %eq3A_3064 = arith.constant 0.000000e+00 : f32
      %eq3A_3065 = vector.broadcast %eq3A_3064 : f32 to vector<512x1xf32>
      %eq3A_3066 = arith.cmpf oeq, %dot_general3A_3063, %eq3A_3065 : vector<512x1xf32>
      %convert_element_type3A_3067 = arith.extui %eq3A_3066 : vector<512x1xi1> to vector<512x1xi32>
      %convert_element_type3A_3068 = arith.sitofp %convert_element_type3A_3067 : vector<512x1xi32> to vector<512x1xf32>
      %mul3A_3069 = arith.mulf %get3A_1609, %convert_element_type3A_3068 : vector<512x1xf32>
      scf.yield %while3A_3061, %mul3A_3069 : vector<512x1xf32>, vector<512x1xf32>
    }
    %swap3A_1614 = arith.constant 1536 : index
    %swap3A_1615 = arith.constant 0 : index
    %swap3A_1616 = vector.load %arg1[%swap3A_1614, %swap3A_1615] : memref<5120x1xf32, #tpu.memory_space<vmem>>, vector<512x1xf32>
    tpu.vector_store %arg1[%swap3A_1614, %swap3A_1615], %while3A_1613#1 {strides = array<i32>} : memref<5120x1xf32, #tpu.memory_space<vmem>>, vector<512x1xf32>,
    %slice3A_1617 = vector.extract_strided_slice %dot_general3A_65 {offsets = [0, 0], sizes = [1, 512], strides = [1, 1]} : vector<5x512xf32> to vector<1x512xf32>
    %slice3A_1618 = vector.extract_strided_slice %dot_general3A_65 {offsets = [1, 0], sizes = [1, 512], strides = [1, 1]} : vector<5x512xf32> to vector<1x512xf32>
    %slice3A_1619 = vector.extract_strided_slice %dot_general3A_65 {offsets = [2, 0], sizes = [1, 512], strides = [1, 1]} : vector<5x512xf32> to vector<1x512xf32>
    %slice3A_1620 = vector.extract_strided_slice %dot_general3A_65 {offsets = [3, 0], sizes = [1, 512], strides = [1, 1]} : vector<5x512xf32> to vector<1x512xf32>
    %slice3A_1621 = vector.extract_strided_slice %dot_general3A_65 {offsets = [4, 0], sizes = [1, 512], strides = [1, 1]} : vector<5x512xf32> to vector<1x512xf32>
    %max3A_1622 = vector.broadcast %slice3A_1562 : vector<512x1xf32> to vector<512x512xf32>
    %max3A_1623 = vector.broadcast %slice3A_1617 : vector<1x512xf32> to vector<512x512xf32>
    %max3A_1624 = arith.maximumf %max3A_1622, %max3A_1623 : vector<512x512xf32>
    %max3A_1625 = vector.broadcast %slice3A_1563 : vector<512x1xf32> to vector<512x512xf32>
    %max3A_1626 = vector.broadcast %slice3A_1618 : vector<1x512xf32> to vector<512x512xf32>
    %max3A_1627 = arith.maximumf %max3A_1625, %max3A_1626 : vector<512x512xf32>
    %min3A_1628 = vector.broadcast %slice3A_1564 : vector<512x1xf32> to vector<512x512xf32>
    %min3A_1629 = vector.broadcast %slice3A_1619 : vector<1x512xf32> to vector<512x512xf32>
    %min3A_1630 = arith.minimumf %min3A_1628, %min3A_1629 : vector<512x512xf32>
    %min3A_1631 = vector.broadcast %slice3A_1565 : vector<512x1xf32> to vector<512x512xf32>
    %min3A_1632 = vector.broadcast %slice3A_1620 : vector<1x512xf32> to vector<512x512xf32>
    %min3A_1633 = arith.minimumf %min3A_1631, %min3A_1632 : vector<512x512xf32>
    %sub3A_1634 = arith.subf %min3A_1630, %max3A_1624 : vector<512x512xf32>
    %max3A_1635 = arith.constant 0.000000e+00 : f32
    %max3A_1636 = vector.broadcast %max3A_1635 : f32 to vector<512x512xf32>
    %max3A_1637 = arith.maximumf %sub3A_1634, %max3A_1636 : vector<512x512xf32>
    %sub3A_1638 = arith.subf %min3A_1633, %max3A_1627 : vector<512x512xf32>
    %max3A_1639 = arith.constant 0.000000e+00 : f32
    %max3A_1640 = vector.broadcast %max3A_1639 : f32 to vector<512x512xf32>
    %max3A_1641 = arith.maximumf %sub3A_1638, %max3A_1640 : vector<512x512xf32>
    %mul3A_1642 = arith.mulf %max3A_1637, %max3A_1641 : vector<512x512xf32>
    %add3A_1643 = vector.broadcast %slice3A_1566 : vector<512x1xf32> to vector<512x512xf32>
    %add3A_1644 = vector.broadcast %slice3A_1621 : vector<1x512xf32> to vector<512x512xf32>
    %add3A_1645 = arith.addf %add3A_1643, %add3A_1644 : vector<512x512xf32>
    %sub3A_1646 = arith.subf %add3A_1645, %mul3A_1642 : vector<512x512xf32>
    %add3A_1647 = arith.constant 9.99999971E-10 : f32
    %add3A_1648 = vector.broadcast %add3A_1647 : f32 to vector<512x512xf32>
    %add3A_1649 = arith.addf %sub3A_1646, %add3A_1648 : vector<512x512xf32>
    %div3A_1650 = arith.divf %mul3A_1642, %add3A_1649 : vector<512x512xf32>
    %gt3A_1651 = arith.constant 5.000000e-01 : f32
    %gt3A_1652 = vector.broadcast %gt3A_1651 : f32 to vector<512x512xf32>
    %gt3A_1653 = arith.cmpf ogt, %div3A_1650, %gt3A_1652 : vector<512x512xf32>
    %convert_element_type3A_1654 = arith.extui %gt3A_1653 : vector<512x512xi1> to vector<512x512xi32>
    %convert_element_type3A_1655 = arith.sitofp %convert_element_type3A_1654 : vector<512x512xi32> to vector<512x512xf32>
    %dot_general3A_1656 = arith.constant dense<0.000000e+00> : vector<512x1xf32>
    %dot_general3A_1657 = tpu.matmul %convert_element_type3A_1655, %while3A_1613#1, %dot_general3A_1656 {dimension_numbers = #tpu.dot_dimension_numbers<[0], [0], [1], [1], [0, 1, 1, 1], [], []>, transpose_lhs_hint = false} : vector<512x512xf32>, vector<512x1xf32>, vector<512x1xf32> -> vector<512x1xf32>
    %get3A_1658 = arith.constant 2048 : index
    %get3A_1659 = arith.constant 0 : index
    %get3A_1660 = vector.load %arg1[%get3A_1658, %get3A_1659] : memref<5120x1xf32, #tpu.memory_space<vmem>>, vector<512x1xf32>
    %eq3A_1661 = arith.constant 0.000000e+00 : f32
    %eq3A_1662 = vector.broadcast %eq3A_1661 : f32 to vector<512x1xf32>
    %eq3A_1663 = arith.cmpf oeq, %dot_general3A_1657, %eq3A_1662 : vector<512x1xf32>
    %convert_element_type3A_1664 = arith.extui %eq3A_1663 : vector<512x1xi1> to vector<512x1xi32>
    %convert_element_type3A_1665 = arith.sitofp %convert_element_type3A_1664 : vector<512x1xi32> to vector<512x1xf32>
    %mul3A_1666 = arith.mulf %get3A_1660, %convert_element_type3A_1665 : vector<512x1xf32>
    %swap3A_1667 = arith.constant 2048 : index
    %swap3A_1668 = arith.constant 0 : index
    %swap3A_1669 = vector.load %arg1[%swap3A_1667, %swap3A_1668] : memref<5120x1xf32, #tpu.memory_space<vmem>>, vector<512x1xf32>
    tpu.vector_store %arg1[%swap3A_1667, %swap3A_1668], %mul3A_1666 {strides = array<i32>} : memref<5120x1xf32, #tpu.memory_space<vmem>>, vector<512x1xf32>,
    %slice3A_1670 = vector.extract_strided_slice %dot_general3A_78 {offsets = [0, 0], sizes = [1, 512], strides = [1, 1]} : vector<5x512xf32> to vector<1x512xf32>
    %slice3A_1671 = vector.extract_strided_slice %dot_general3A_78 {offsets = [1, 0], sizes = [1, 512], strides = [1, 1]} : vector<5x512xf32> to vector<1x512xf32>
    %slice3A_1672 = vector.extract_strided_slice %dot_general3A_78 {offsets = [2, 0], sizes = [1, 512], strides = [1, 1]} : vector<5x512xf32> to vector<1x512xf32>
    %slice3A_1673 = vector.extract_strided_slice %dot_general3A_78 {offsets = [3, 0], sizes = [1, 512], strides = [1, 1]} : vector<5x512xf32> to vector<1x512xf32>
    %slice3A_1674 = vector.extract_strided_slice %dot_general3A_78 {offsets = [4, 0], sizes = [1, 512], strides = [1, 1]} : vector<5x512xf32> to vector<1x512xf32>
    %max3A_1675 = vector.broadcast %slice3A_1562 : vector<512x1xf32> to vector<512x512xf32>
    %max3A_1676 = vector.broadcast %slice3A_1670 : vector<1x512xf32> to vector<512x512xf32>
    %max3A_1677 = arith.maximumf %max3A_1675, %max3A_1676 : vector<512x512xf32>
    %max3A_1678 = vector.broadcast %slice3A_1563 : vector<512x1xf32> to vector<512x512xf32>
    %max3A_1679 = vector.broadcast %slice3A_1671 : vector<1x512xf32> to vector<512x512xf32>
    %max3A_1680 = arith.maximumf %max3A_1678, %max3A_1679 : vector<512x512xf32>
    %min3A_1681 = vector.broadcast %slice3A_1564 : vector<512x1xf32> to vector<512x512xf32>
    %min3A_1682 = vector.broadcast %slice3A_1672 : vector<1x512xf32> to vector<512x512xf32>
    %min3A_1683 = arith.minimumf %min3A_1681, %min3A_1682 : vector<512x512xf32>
    %min3A_1684 = vector.broadcast %slice3A_1565 : vector<512x1xf32> to vector<512x512xf32>
    %min3A_1685 = vector.broadcast %slice3A_1673 : vector<1x512xf32> to vector<512x512xf32>
    %min3A_1686 = arith.minimumf %min3A_1684, %min3A_1685 : vector<512x512xf32>
    %sub3A_1687 = arith.subf %min3A_1683, %max3A_1677 : vector<512x512xf32>
    %max3A_1688 = arith.constant 0.000000e+00 : f32
    %max3A_1689 = vector.broadcast %max3A_1688 : f32 to vector<512x512xf32>
    %max3A_1690 = arith.maximumf %sub3A_1687, %max3A_1689 : vector<512x512xf32>
    %sub3A_1691 = arith.subf %min3A_1686, %max3A_1680 : vector<512x512xf32>
    %max3A_1692 = arith.constant 0.000000e+00 : f32
    %max3A_1693 = vector.broadcast %max3A_1692 : f32 to vector<512x512xf32>
    %max3A_1694 = arith.maximumf %sub3A_1691, %max3A_1693 : vector<512x512xf32>
    %mul3A_1695 = arith.mulf %max3A_1690, %max3A_1694 : vector<512x512xf32>
    %add3A_1696 = vector.broadcast %slice3A_1566 : vector<512x1xf32> to vector<512x512xf32>
    %add3A_1697 = vector.broadcast %slice3A_1674 : vector<1x512xf32> to vector<512x512xf32>
    %add3A_1698 = arith.addf %add3A_1696, %add3A_1697 : vector<512x512xf32>
    %sub3A_1699 = arith.subf %add3A_1698, %mul3A_1695 : vector<512x512xf32>
    %add3A_1700 = arith.constant 9.99999971E-10 : f32
    %add3A_1701 = vector.broadcast %add3A_1700 : f32 to vector<512x512xf32>
    %add3A_1702 = arith.addf %sub3A_1699, %add3A_1701 : vector<512x512xf32>
    %div3A_1703 = arith.divf %mul3A_1695, %add3A_1702 : vector<512x512xf32>
    %gt3A_1704 = arith.constant 5.000000e-01 : f32
    %gt3A_1705 = vector.broadcast %gt3A_1704 : f32 to vector<512x512xf32>
    %gt3A_1706 = arith.cmpf ogt, %div3A_1703, %gt3A_1705 : vector<512x512xf32>
    %convert_element_type3A_1707 = arith.extui %gt3A_1706 : vector<512x512xi1> to vector<512x512xi32>
    %convert_element_type3A_1708 = arith.sitofp %convert_element_type3A_1707 : vector<512x512xi32> to vector<512x512xf32>
    %dot_general3A_1709 = arith.constant dense<0.000000e+00> : vector<512x1xf32>
    %dot_general3A_1710 = tpu.matmul %convert_element_type3A_1708, %while3A_1613#1, %dot_general3A_1709 {dimension_numbers = #tpu.dot_dimension_numbers<[0], [0], [1], [1], [0, 1, 1, 1], [], []>, transpose_lhs_hint = false} : vector<512x512xf32>, vector<512x1xf32>, vector<512x1xf32> -> vector<512x1xf32>
    %get3A_1711 = arith.constant 2560 : index
    %get3A_1712 = arith.constant 0 : index
    %get3A_1713 = vector.load %arg1[%get3A_1711, %get3A_1712] : memref<5120x1xf32, #tpu.memory_space<vmem>>, vector<512x1xf32>
    %eq3A_1714 = arith.constant 0.000000e+00 : f32
    %eq3A_1715 = vector.broadcast %eq3A_1714 : f32 to vector<512x1xf32>
    %eq3A_1716 = arith.cmpf oeq, %dot_general3A_1710, %eq3A_1715 : vector<512x1xf32>
    %convert_element_type3A_1717 = arith.extui %eq3A_1716 : vector<512x1xi1> to vector<512x1xi32>
    %convert_element_type3A_1718 = arith.sitofp %convert_element_type3A_1717 : vector<512x1xi32> to vector<512x1xf32>
    %mul3A_1719 = arith.mulf %get3A_1713, %convert_element_type3A_1718 : vector<512x1xf32>
    %swap3A_1720 = arith.constant 2560 : index
    %swap3A_1721 = arith.constant 0 : index
    %swap3A_1722 = vector.load %arg1[%swap3A_1720, %swap3A_1721] : memref<5120x1xf32, #tpu.memory_space<vmem>>, vector<512x1xf32>
    tpu.vector_store %arg1[%swap3A_1720, %swap3A_1721], %mul3A_1719 {strides = array<i32>} : memref<5120x1xf32, #tpu.memory_space<vmem>>, vector<512x1xf32>,
    %slice3A_1723 = vector.extract_strided_slice %dot_general3A_91 {offsets = [0, 0], sizes = [1, 512], strides = [1, 1]} : vector<5x512xf32> to vector<1x512xf32>
    %slice3A_1724 = vector.extract_strided_slice %dot_general3A_91 {offsets = [1, 0], sizes = [1, 512], strides = [1, 1]} : vector<5x512xf32> to vector<1x512xf32>
    %slice3A_1725 = vector.extract_strided_slice %dot_general3A_91 {offsets = [2, 0], sizes = [1, 512], strides = [1, 1]} : vector<5x512xf32> to vector<1x512xf32>
    %slice3A_1726 = vector.extract_strided_slice %dot_general3A_91 {offsets = [3, 0], sizes = [1, 512], strides = [1, 1]} : vector<5x512xf32> to vector<1x512xf32>
    %slice3A_1727 = vector.extract_strided_slice %dot_general3A_91 {offsets = [4, 0], sizes = [1, 512], strides = [1, 1]} : vector<5x512xf32> to vector<1x512xf32>
    %max3A_1728 = vector.broadcast %slice3A_1562 : vector<512x1xf32> to vector<512x512xf32>
    %max3A_1729 = vector.broadcast %slice3A_1723 : vector<1x512xf32> to vector<512x512xf32>
    %max3A_1730 = arith.maximumf %max3A_1728, %max3A_1729 : vector<512x512xf32>
    %max3A_1731 = vector.broadcast %slice3A_1563 : vector<512x1xf32> to vector<512x512xf32>
    %max3A_1732 = vector.broadcast %slice3A_1724 : vector<1x512xf32> to vector<512x512xf32>
    %max3A_1733 = arith.maximumf %max3A_1731, %max3A_1732 : vector<512x512xf32>
    %min3A_1734 = vector.broadcast %slice3A_1564 : vector<512x1xf32> to vector<512x512xf32>
    %min3A_1735 = vector.broadcast %slice3A_1725 : vector<1x512xf32> to vector<512x512xf32>
    %min3A_1736 = arith.minimumf %min3A_1734, %min3A_1735 : vector<512x512xf32>
    %min3A_1737 = vector.broadcast %slice3A_1565 : vector<512x1xf32> to vector<512x512xf32>
    %min3A_1738 = vector.broadcast %slice3A_1726 : vector<1x512xf32> to vector<512x512xf32>
    %min3A_1739 = arith.minimumf %min3A_1737, %min3A_1738 : vector<512x512xf32>
    %sub3A_1740 = arith.subf %min3A_1736, %max3A_1730 : vector<512x512xf32>
    %max3A_1741 = arith.constant 0.000000e+00 : f32
    %max3A_1742 = vector.broadcast %max3A_1741 : f32 to vector<512x512xf32>
    %max3A_1743 = arith.maximumf %sub3A_1740, %max3A_1742 : vector<512x512xf32>
    %sub3A_1744 = arith.subf %min3A_1739, %max3A_1733 : vector<512x512xf32>
    %max3A_1745 = arith.constant 0.000000e+00 : f32
    %max3A_1746 = vector.broadcast %max3A_1745 : f32 to vector<512x512xf32>
    %max3A_1747 = arith.maximumf %sub3A_1744, %max3A_1746 : vector<512x512xf32>
    %mul3A_1748 = arith.mulf %max3A_1743, %max3A_1747 : vector<512x512xf32>
    %add3A_1749 = vector.broadcast %slice3A_1566 : vector<512x1xf32> to vector<512x512xf32>
    %add3A_1750 = vector.broadcast %slice3A_1727 : vector<1x512xf32> to vector<512x512xf32>
    %add3A_1751 = arith.addf %add3A_1749, %add3A_1750 : vector<512x512xf32>
    %sub3A_1752 = arith.subf %add3A_1751, %mul3A_1748 : vector<512x512xf32>
    %add3A_1753 = arith.constant 9.99999971E-10 : f32
    %add3A_1754 = vector.broadcast %add3A_1753 : f32 to vector<512x512xf32>
    %add3A_1755 = arith.addf %sub3A_1752, %add3A_1754 : vector<512x512xf32>
    %div3A_1756 = arith.divf %mul3A_1748, %add3A_1755 : vector<512x512xf32>
    %gt3A_1757 = arith.constant 5.000000e-01 : f32
    %gt3A_1758 = vector.broadcast %gt3A_1757 : f32 to vector<512x512xf32>
    %gt3A_1759 = arith.cmpf ogt, %div3A_1756, %gt3A_1758 : vector<512x512xf32>
    %convert_element_type3A_1760 = arith.extui %gt3A_1759 : vector<512x512xi1> to vector<512x512xi32>
    %convert_element_type3A_1761 = arith.sitofp %convert_element_type3A_1760 : vector<512x512xi32> to vector<512x512xf32>
    %dot_general3A_1762 = arith.constant dense<0.000000e+00> : vector<512x1xf32>
    %dot_general3A_1763 = tpu.matmul %convert_element_type3A_1761, %while3A_1613#1, %dot_general3A_1762 {dimension_numbers = #tpu.dot_dimension_numbers<[0], [0], [1], [1], [0, 1, 1, 1], [], []>, transpose_lhs_hint = false} : vector<512x512xf32>, vector<512x1xf32>, vector<512x1xf32> -> vector<512x1xf32>
    %get3A_1764 = arith.constant 3072 : index
    %get3A_1765 = arith.constant 0 : index
    %get3A_1766 = vector.load %arg1[%get3A_1764, %get3A_1765] : memref<5120x1xf32, #tpu.memory_space<vmem>>, vector<512x1xf32>
    %eq3A_1767 = arith.constant 0.000000e+00 : f32
    %eq3A_1768 = vector.broadcast %eq3A_1767 : f32 to vector<512x1xf32>
    %eq3A_1769 = arith.cmpf oeq, %dot_general3A_1763, %eq3A_1768 : vector<512x1xf32>
    %convert_element_type3A_1770 = arith.extui %eq3A_1769 : vector<512x1xi1> to vector<512x1xi32>
    %convert_element_type3A_1771 = arith.sitofp %convert_element_type3A_1770 : vector<512x1xi32> to vector<512x1xf32>
    %mul3A_1772 = arith.mulf %get3A_1766, %convert_element_type3A_1771 : vector<512x1xf32>
    %swap3A_1773 = arith.constant 3072 : index
    %swap3A_1774 = arith.constant 0 : index
    %swap3A_1775 = vector.load %arg1[%swap3A_1773, %swap3A_1774] : memref<5120x1xf32, #tpu.memory_space<vmem>>, vector<512x1xf32>
    tpu.vector_store %arg1[%swap3A_1773, %swap3A_1774], %mul3A_1772 {strides = array<i32>} : memref<5120x1xf32, #tpu.memory_space<vmem>>, vector<512x1xf32>,
    %slice3A_1776 = vector.extract_strided_slice %dot_general3A_104 {offsets = [0, 0], sizes = [1, 512], strides = [1, 1]} : vector<5x512xf32> to vector<1x512xf32>
    %slice3A_1777 = vector.extract_strided_slice %dot_general3A_104 {offsets = [1, 0], sizes = [1, 512], strides = [1, 1]} : vector<5x512xf32> to vector<1x512xf32>
    %slice3A_1778 = vector.extract_strided_slice %dot_general3A_104 {offsets = [2, 0], sizes = [1, 512], strides = [1, 1]} : vector<5x512xf32> to vector<1x512xf32>
    %slice3A_1779 = vector.extract_strided_slice %dot_general3A_104 {offsets = [3, 0], sizes = [1, 512], strides = [1, 1]} : vector<5x512xf32> to vector<1x512xf32>
    %slice3A_1780 = vector.extract_strided_slice %dot_general3A_104 {offsets = [4, 0], sizes = [1, 512], strides = [1, 1]} : vector<5x512xf32> to vector<1x512xf32>
    %max3A_1781 = vector.broadcast %slice3A_1562 : vector<512x1xf32> to vector<512x512xf32>
    %max3A_1782 = vector.broadcast %slice3A_1776 : vector<1x512xf32> to vector<512x512xf32>
    %max3A_1783 = arith.maximumf %max3A_1781, %max3A_1782 : vector<512x512xf32>
    %max3A_1784 = vector.broadcast %slice3A_1563 : vector<512x1xf32> to vector<512x512xf32>
    %max3A_1785 = vector.broadcast %slice3A_1777 : vector<1x512xf32> to vector<512x512xf32>
    %max3A_1786 = arith.maximumf %max3A_1784, %max3A_1785 : vector<512x512xf32>
    %min3A_1787 = vector.broadcast %slice3A_1564 : vector<512x1xf32> to vector<512x512xf32>
    %min3A_1788 = vector.broadcast %slice3A_1778 : vector<1x512xf32> to vector<512x512xf32>
    %min3A_1789 = arith.minimumf %min3A_1787, %min3A_1788 : vector<512x512xf32>
    %min3A_1790 = vector.broadcast %slice3A_1565 : vector<512x1xf32> to vector<512x512xf32>
    %min3A_1791 = vector.broadcast %slice3A_1779 : vector<1x512xf32> to vector<512x512xf32>
    %min3A_1792 = arith.minimumf %min3A_1790, %min3A_1791 : vector<512x512xf32>
    %sub3A_1793 = arith.subf %min3A_1789, %max3A_1783 : vector<512x512xf32>
    %max3A_1794 = arith.constant 0.000000e+00 : f32
    %max3A_1795 = vector.broadcast %max3A_1794 : f32 to vector<512x512xf32>
    %max3A_1796 = arith.maximumf %sub3A_1793, %max3A_1795 : vector<512x512xf32>
    %sub3A_1797 = arith.subf %min3A_1792, %max3A_1786 : vector<512x512xf32>
    %max3A_1798 = arith.constant 0.000000e+00 : f32
    %max3A_1799 = vector.broadcast %max3A_1798 : f32 to vector<512x512xf32>
    %max3A_1800 = arith.maximumf %sub3A_1797, %max3A_1799 : vector<512x512xf32>
    %mul3A_1801 = arith.mulf %max3A_1796, %max3A_1800 : vector<512x512xf32>
    %add3A_1802 = vector.broadcast %slice3A_1566 : vector<512x1xf32> to vector<512x512xf32>
    %add3A_1803 = vector.broadcast %slice3A_1780 : vector<1x512xf32> to vector<512x512xf32>
    %add3A_1804 = arith.addf %add3A_1802, %add3A_1803 : vector<512x512xf32>
    %sub3A_1805 = arith.subf %add3A_1804, %mul3A_1801 : vector<512x512xf32>
    %add3A_1806 = arith.constant 9.99999971E-10 : f32
    %add3A_1807 = vector.broadcast %add3A_1806 : f32 to vector<512x512xf32>
    %add3A_1808 = arith.addf %sub3A_1805, %add3A_1807 : vector<512x512xf32>
    %div3A_1809 = arith.divf %mul3A_1801, %add3A_1808 : vector<512x512xf32>
    %gt3A_1810 = arith.constant 5.000000e-01 : f32
    %gt3A_1811 = vector.broadcast %gt3A_1810 : f32 to vector<512x512xf32>
    %gt3A_1812 = arith.cmpf ogt, %div3A_1809, %gt3A_1811 : vector<512x512xf32>
    %convert_element_type3A_1813 = arith.extui %gt3A_1812 : vector<512x512xi1> to vector<512x512xi32>
    %convert_element_type3A_1814 = arith.sitofp %convert_element_type3A_1813 : vector<512x512xi32> to vector<512x512xf32>
    %dot_general3A_1815 = arith.constant dense<0.000000e+00> : vector<512x1xf32>
    %dot_general3A_1816 = tpu.matmul %convert_element_type3A_1814, %while3A_1613#1, %dot_general3A_1815 {dimension_numbers = #tpu.dot_dimension_numbers<[0], [0], [1], [1], [0, 1, 1, 1], [], []>, transpose_lhs_hint = false} : vector<512x512xf32>, vector<512x1xf32>, vector<512x1xf32> -> vector<512x1xf32>
    %get3A_1817 = arith.constant 3584 : index
    %get3A_1818 = arith.constant 0 : index
    %get3A_1819 = vector.load %arg1[%get3A_1817, %get3A_1818] : memref<5120x1xf32, #tpu.memory_space<vmem>>, vector<512x1xf32>
    %eq3A_1820 = arith.constant 0.000000e+00 : f32
    %eq3A_1821 = vector.broadcast %eq3A_1820 : f32 to vector<512x1xf32>
    %eq3A_1822 = arith.cmpf oeq, %dot_general3A_1816, %eq3A_1821 : vector<512x1xf32>
    %convert_element_type3A_1823 = arith.extui %eq3A_1822 : vector<512x1xi1> to vector<512x1xi32>
    %convert_element_type3A_1824 = arith.sitofp %convert_element_type3A_1823 : vector<512x1xi32> to vector<512x1xf32>
    %mul3A_1825 = arith.mulf %get3A_1819, %convert_element_type3A_1824 : vector<512x1xf32>
    %swap3A_1826 = arith.constant 3584 : index
    %swap3A_1827 = arith.constant 0 : index
    %swap3A_1828 = vector.load %arg1[%swap3A_1826, %swap3A_1827] : memref<5120x1xf32, #tpu.memory_space<vmem>>, vector<512x1xf32>
    tpu.vector_store %arg1[%swap3A_1826, %swap3A_1827], %mul3A_1825 {strides = array<i32>} : memref<5120x1xf32, #tpu.memory_space<vmem>>, vector<512x1xf32>,
    %slice3A_1829 = vector.extract_strided_slice %dot_general3A_117 {offsets = [0, 0], sizes = [1, 512], strides = [1, 1]} : vector<5x512xf32> to vector<1x512xf32>
    %slice3A_1830 = vector.extract_strided_slice %dot_general3A_117 {offsets = [1, 0], sizes = [1, 512], strides = [1, 1]} : vector<5x512xf32> to vector<1x512xf32>
    %slice3A_1831 = vector.extract_strided_slice %dot_general3A_117 {offsets = [2, 0], sizes = [1, 512], strides = [1, 1]} : vector<5x512xf32> to vector<1x512xf32>
    %slice3A_1832 = vector.extract_strided_slice %dot_general3A_117 {offsets = [3, 0], sizes = [1, 512], strides = [1, 1]} : vector<5x512xf32> to vector<1x512xf32>
    %slice3A_1833 = vector.extract_strided_slice %dot_general3A_117 {offsets = [4, 0], sizes = [1, 512], strides = [1, 1]} : vector<5x512xf32> to vector<1x512xf32>
    %max3A_1834 = vector.broadcast %slice3A_1562 : vector<512x1xf32> to vector<512x512xf32>
    %max3A_1835 = vector.broadcast %slice3A_1829 : vector<1x512xf32> to vector<512x512xf32>
    %max3A_1836 = arith.maximumf %max3A_1834, %max3A_1835 : vector<512x512xf32>
    %max3A_1837 = vector.broadcast %slice3A_1563 : vector<512x1xf32> to vector<512x512xf32>
    %max3A_1838 = vector.broadcast %slice3A_1830 : vector<1x512xf32> to vector<512x512xf32>
    %max3A_1839 = arith.maximumf %max3A_1837, %max3A_1838 : vector<512x512xf32>
    %min3A_1840 = vector.broadcast %slice3A_1564 : vector<512x1xf32> to vector<512x512xf32>
    %min3A_1841 = vector.broadcast %slice3A_1831 : vector<1x512xf32> to vector<512x512xf32>
    %min3A_1842 = arith.minimumf %min3A_1840, %min3A_1841 : vector<512x512xf32>
    %min3A_1843 = vector.broadcast %slice3A_1565 : vector<512x1xf32> to vector<512x512xf32>
    %min3A_1844 = vector.broadcast %slice3A_1832 : vector<1x512xf32> to vector<512x512xf32>
    %min3A_1845 = arith.minimumf %min3A_1843, %min3A_1844 : vector<512x512xf32>
    %sub3A_1846 = arith.subf %min3A_1842, %max3A_1836 : vector<512x512xf32>
    %max3A_1847 = arith.constant 0.000000e+00 : f32
    %max3A_1848 = vector.broadcast %max3A_1847 : f32 to vector<512x512xf32>
    %max3A_1849 = arith.maximumf %sub3A_1846, %max3A_1848 : vector<512x512xf32>
    %sub3A_1850 = arith.subf %min3A_1845, %max3A_1839 : vector<512x512xf32>
    %max3A_1851 = arith.constant 0.000000e+00 : f32
    %max3A_1852 = vector.broadcast %max3A_1851 : f32 to vector<512x512xf32>
    %max3A_1853 = arith.maximumf %sub3A_1850, %max3A_1852 : vector<512x512xf32>
    %mul3A_1854 = arith.mulf %max3A_1849, %max3A_1853 : vector<512x512xf32>
    %add3A_1855 = vector.broadcast %slice3A_1566 : vector<512x1xf32> to vector<512x512xf32>
    %add3A_1856 = vector.broadcast %slice3A_1833 : vector<1x512xf32> to vector<512x512xf32>
    %add3A_1857 = arith.addf %add3A_1855, %add3A_1856 : vector<512x512xf32>
    %sub3A_1858 = arith.subf %add3A_1857, %mul3A_1854 : vector<512x512xf32>
    %add3A_1859 = arith.constant 9.99999971E-10 : f32
    %add3A_1860 = vector.broadcast %add3A_1859 : f32 to vector<512x512xf32>
    %add3A_1861 = arith.addf %sub3A_1858, %add3A_1860 : vector<512x512xf32>
    %div3A_1862 = arith.divf %mul3A_1854, %add3A_1861 : vector<512x512xf32>
    %gt3A_1863 = arith.constant 5.000000e-01 : f32
    %gt3A_1864 = vector.broadcast %gt3A_1863 : f32 to vector<512x512xf32>
    %gt3A_1865 = arith.cmpf ogt, %div3A_1862, %gt3A_1864 : vector<512x512xf32>
    %convert_element_type3A_1866 = arith.extui %gt3A_1865 : vector<512x512xi1> to vector<512x512xi32>
    %convert_element_type3A_1867 = arith.sitofp %convert_element_type3A_1866 : vector<512x512xi32> to vector<512x512xf32>
    %dot_general3A_1868 = arith.constant dense<0.000000e+00> : vector<512x1xf32>
    %dot_general3A_1869 = tpu.matmul %convert_element_type3A_1867, %while3A_1613#1, %dot_general3A_1868 {dimension_numbers = #tpu.dot_dimension_numbers<[0], [0], [1], [1], [0, 1, 1, 1], [], []>, transpose_lhs_hint = false} : vector<512x512xf32>, vector<512x1xf32>, vector<512x1xf32> -> vector<512x1xf32>
    %get3A_1870 = arith.constant 4096 : index
    %get3A_1871 = arith.constant 0 : index
    %get3A_1872 = vector.load %arg1[%get3A_1870, %get3A_1871] : memref<5120x1xf32, #tpu.memory_space<vmem>>, vector<512x1xf32>
    %eq3A_1873 = arith.constant 0.000000e+00 : f32
    %eq3A_1874 = vector.broadcast %eq3A_1873 : f32 to vector<512x1xf32>
    %eq3A_1875 = arith.cmpf oeq, %dot_general3A_1869, %eq3A_1874 : vector<512x1xf32>
    %convert_element_type3A_1876 = arith.extui %eq3A_1875 : vector<512x1xi1> to vector<512x1xi32>
    %convert_element_type3A_1877 = arith.sitofp %convert_element_type3A_1876 : vector<512x1xi32> to vector<512x1xf32>
    %mul3A_1878 = arith.mulf %get3A_1872, %convert_element_type3A_1877 : vector<512x1xf32>
    %swap3A_1879 = arith.constant 4096 : index
    %swap3A_1880 = arith.constant 0 : index
    %swap3A_1881 = vector.load %arg1[%swap3A_1879, %swap3A_1880] : memref<5120x1xf32, #tpu.memory_space<vmem>>, vector<512x1xf32>
    tpu.vector_store %arg1[%swap3A_1879, %swap3A_1880], %mul3A_1878 {strides = array<i32>} : memref<5120x1xf32, #tpu.memory_space<vmem>>, vector<512x1xf32>,
    %slice3A_1882 = vector.extract_strided_slice %dot_general3A_130 {offsets = [0, 0], sizes = [1, 512], strides = [1, 1]} : vector<5x512xf32> to vector<1x512xf32>
    %slice3A_1883 = vector.extract_strided_slice %dot_general3A_130 {offsets = [1, 0], sizes = [1, 512], strides = [1, 1]} : vector<5x512xf32> to vector<1x512xf32>
    %slice3A_1884 = vector.extract_strided_slice %dot_general3A_130 {offsets = [2, 0], sizes = [1, 512], strides = [1, 1]} : vector<5x512xf32> to vector<1x512xf32>
    %slice3A_1885 = vector.extract_strided_slice %dot_general3A_130 {offsets = [3, 0], sizes = [1, 512], strides = [1, 1]} : vector<5x512xf32> to vector<1x512xf32>
    %slice3A_1886 = vector.extract_strided_slice %dot_general3A_130 {offsets = [4, 0], sizes = [1, 512], strides = [1, 1]} : vector<5x512xf32> to vector<1x512xf32>
    %max3A_1887 = vector.broadcast %slice3A_1562 : vector<512x1xf32> to vector<512x512xf32>
    %max3A_1888 = vector.broadcast %slice3A_1882 : vector<1x512xf32> to vector<512x512xf32>
    %max3A_1889 = arith.maximumf %max3A_1887, %max3A_1888 : vector<512x512xf32>
    %max3A_1890 = vector.broadcast %slice3A_1563 : vector<512x1xf32> to vector<512x512xf32>
    %max3A_1891 = vector.broadcast %slice3A_1883 : vector<1x512xf32> to vector<512x512xf32>
    %max3A_1892 = arith.maximumf %max3A_1890, %max3A_1891 : vector<512x512xf32>
    %min3A_1893 = vector.broadcast %slice3A_1564 : vector<512x1xf32> to vector<512x512xf32>
    %min3A_1894 = vector.broadcast %slice3A_1884 : vector<1x512xf32> to vector<512x512xf32>
    %min3A_1895 = arith.minimumf %min3A_1893, %min3A_1894 : vector<512x512xf32>
    %min3A_1896 = vector.broadcast %slice3A_1565 : vector<512x1xf32> to vector<512x512xf32>
    %min3A_1897 = vector.broadcast %slice3A_1885 : vector<1x512xf32> to vector<512x512xf32>
    %min3A_1898 = arith.minimumf %min3A_1896, %min3A_1897 : vector<512x512xf32>
    %sub3A_1899 = arith.subf %min3A_1895, %max3A_1889 : vector<512x512xf32>
    %max3A_1900 = arith.constant 0.000000e+00 : f32
    %max3A_1901 = vector.broadcast %max3A_1900 : f32 to vector<512x512xf32>
    %max3A_1902 = arith.maximumf %sub3A_1899, %max3A_1901 : vector<512x512xf32>
    %sub3A_1903 = arith.subf %min3A_1898, %max3A_1892 : vector<512x512xf32>
    %max3A_1904 = arith.constant 0.000000e+00 : f32
    %max3A_1905 = vector.broadcast %max3A_1904 : f32 to vector<512x512xf32>
    %max3A_1906 = arith.maximumf %sub3A_1903, %max3A_1905 : vector<512x512xf32>
    %mul3A_1907 = arith.mulf %max3A_1902, %max3A_1906 : vector<512x512xf32>
    %add3A_1908 = vector.broadcast %slice3A_1566 : vector<512x1xf32> to vector<512x512xf32>
    %add3A_1909 = vector.broadcast %slice3A_1886 : vector<1x512xf32> to vector<512x512xf32>
    %add3A_1910 = arith.addf %add3A_1908, %add3A_1909 : vector<512x512xf32>
    %sub3A_1911 = arith.subf %add3A_1910, %mul3A_1907 : vector<512x512xf32>
    %add3A_1912 = arith.constant 9.99999971E-10 : f32
    %add3A_1913 = vector.broadcast %add3A_1912 : f32 to vector<512x512xf32>
    %add3A_1914 = arith.addf %sub3A_1911, %add3A_1913 : vector<512x512xf32>
    %div3A_1915 = arith.divf %mul3A_1907, %add3A_1914 : vector<512x512xf32>
    %gt3A_1916 = arith.constant 5.000000e-01 : f32
    %gt3A_1917 = vector.broadcast %gt3A_1916 : f32 to vector<512x512xf32>
    %gt3A_1918 = arith.cmpf ogt, %div3A_1915, %gt3A_1917 : vector<512x512xf32>
    %convert_element_type3A_1919 = arith.extui %gt3A_1918 : vector<512x512xi1> to vector<512x512xi32>
    %convert_element_type3A_1920 = arith.sitofp %convert_element_type3A_1919 : vector<512x512xi32> to vector<512x512xf32>
    %dot_general3A_1921 = arith.constant dense<0.000000e+00> : vector<512x1xf32>
    %dot_general3A_1922 = tpu.matmul %convert_element_type3A_1920, %while3A_1613#1, %dot_general3A_1921 {dimension_numbers = #tpu.dot_dimension_numbers<[0], [0], [1], [1], [0, 1, 1, 1], [], []>, transpose_lhs_hint = false} : vector<512x512xf32>, vector<512x1xf32>, vector<512x1xf32> -> vector<512x1xf32>
    %get3A_1923 = arith.constant 4608 : index
    %get3A_1924 = arith.constant 0 : index
    %get3A_1925 = vector.load %arg1[%get3A_1923, %get3A_1924] : memref<5120x1xf32, #tpu.memory_space<vmem>>, vector<512x1xf32>
    %eq3A_1926 = arith.constant 0.000000e+00 : f32
    %eq3A_1927 = vector.broadcast %eq3A_1926 : f32 to vector<512x1xf32>
    %eq3A_1928 = arith.cmpf oeq, %dot_general3A_1922, %eq3A_1927 : vector<512x1xf32>
    %convert_element_type3A_1929 = arith.extui %eq3A_1928 : vector<512x1xi1> to vector<512x1xi32>
    %convert_element_type3A_1930 = arith.sitofp %convert_element_type3A_1929 : vector<512x1xi32> to vector<512x1xf32>
    %mul3A_1931 = arith.mulf %get3A_1925, %convert_element_type3A_1930 : vector<512x1xf32>
    %swap3A_1932 = arith.constant 4608 : index
    %swap3A_1933 = arith.constant 0 : index
    %swap3A_1934 = vector.load %arg1[%swap3A_1932, %swap3A_1933] : memref<5120x1xf32, #tpu.memory_space<vmem>>, vector<512x1xf32>
    tpu.vector_store %arg1[%swap3A_1932, %swap3A_1933], %mul3A_1931 {strides = array<i32>} : memref<5120x1xf32, #tpu.memory_space<vmem>>, vector<512x1xf32>,
    %slice3A_1935 = vector.extract_strided_slice %concatenate3A_63 {offsets = [0, 0], sizes = [512, 1], strides = [1, 1]} : vector<512x5xf32> to vector<512x1xf32>
    %slice3A_1936 = vector.extract_strided_slice %concatenate3A_63 {offsets = [0, 1], sizes = [512, 1], strides = [1, 1]} : vector<512x5xf32> to vector<512x1xf32>
    %slice3A_1937 = vector.extract_strided_slice %concatenate3A_63 {offsets = [0, 2], sizes = [512, 1], strides = [1, 1]} : vector<512x5xf32> to vector<512x1xf32>
    %slice3A_1938 = vector.extract_strided_slice %concatenate3A_63 {offsets = [0, 3], sizes = [512, 1], strides = [1, 1]} : vector<512x5xf32> to vector<512x1xf32>
    %slice3A_1939 = vector.extract_strided_slice %concatenate3A_63 {offsets = [0, 4], sizes = [512, 1], strides = [1, 1]} : vector<512x5xf32> to vector<512x1xf32>
    %slice3A_1940 = vector.extract_strided_slice %dot_general3A_65 {offsets = [0, 0], sizes = [1, 512], strides = [1, 1]} : vector<5x512xf32> to vector<1x512xf32>
    %slice3A_1941 = vector.extract_strided_slice %dot_general3A_65 {offsets = [1, 0], sizes = [1, 512], strides = [1, 1]} : vector<5x512xf32> to vector<1x512xf32>
    %slice3A_1942 = vector.extract_strided_slice %dot_general3A_65 {offsets = [2, 0], sizes = [1, 512], strides = [1, 1]} : vector<5x512xf32> to vector<1x512xf32>
    %slice3A_1943 = vector.extract_strided_slice %dot_general3A_65 {offsets = [3, 0], sizes = [1, 512], strides = [1, 1]} : vector<5x512xf32> to vector<1x512xf32>
    %slice3A_1944 = vector.extract_strided_slice %dot_general3A_65 {offsets = [4, 0], sizes = [1, 512], strides = [1, 1]} : vector<5x512xf32> to vector<1x512xf32>
    %max3A_1945 = vector.broadcast %slice3A_1935 : vector<512x1xf32> to vector<512x512xf32>
    %max3A_1946 = vector.broadcast %slice3A_1940 : vector<1x512xf32> to vector<512x512xf32>
    %max3A_1947 = arith.maximumf %max3A_1945, %max3A_1946 : vector<512x512xf32>
    %max3A_1948 = vector.broadcast %slice3A_1936 : vector<512x1xf32> to vector<512x512xf32>
    %max3A_1949 = vector.broadcast %slice3A_1941 : vector<1x512xf32> to vector<512x512xf32>
    %max3A_1950 = arith.maximumf %max3A_1948, %max3A_1949 : vector<512x512xf32>
    %min3A_1951 = vector.broadcast %slice3A_1937 : vector<512x1xf32> to vector<512x512xf32>
    %min3A_1952 = vector.broadcast %slice3A_1942 : vector<1x512xf32> to vector<512x512xf32>
    %min3A_1953 = arith.minimumf %min3A_1951, %min3A_1952 : vector<512x512xf32>
    %min3A_1954 = vector.broadcast %slice3A_1938 : vector<512x1xf32> to vector<512x512xf32>
    %min3A_1955 = vector.broadcast %slice3A_1943 : vector<1x512xf32> to vector<512x512xf32>
    %min3A_1956 = arith.minimumf %min3A_1954, %min3A_1955 : vector<512x512xf32>
    %sub3A_1957 = arith.subf %min3A_1953, %max3A_1947 : vector<512x512xf32>
    %max3A_1958 = arith.constant 0.000000e+00 : f32
    %max3A_1959 = vector.broadcast %max3A_1958 : f32 to vector<512x512xf32>
    %max3A_1960 = arith.maximumf %sub3A_1957, %max3A_1959 : vector<512x512xf32>
    %sub3A_1961 = arith.subf %min3A_1956, %max3A_1950 : vector<512x512xf32>
    %max3A_1962 = arith.constant 0.000000e+00 : f32
    %max3A_1963 = vector.broadcast %max3A_1962 : f32 to vector<512x512xf32>
    %max3A_1964 = arith.maximumf %sub3A_1961, %max3A_1963 : vector<512x512xf32>
    %mul3A_1965 = arith.mulf %max3A_1960, %max3A_1964 : vector<512x512xf32>
    %add3A_1966 = vector.broadcast %slice3A_1939 : vector<512x1xf32> to vector<512x512xf32>
    %add3A_1967 = vector.broadcast %slice3A_1944 : vector<1x512xf32> to vector<512x512xf32>
    %add3A_1968 = arith.addf %add3A_1966, %add3A_1967 : vector<512x512xf32>
    %sub3A_1969 = arith.subf %add3A_1968, %mul3A_1965 : vector<512x512xf32>
    %add3A_1970 = arith.constant 9.99999971E-10 : f32
    %add3A_1971 = vector.broadcast %add3A_1970 : f32 to vector<512x512xf32>
    %add3A_1972 = arith.addf %sub3A_1969, %add3A_1971 : vector<512x512xf32>
    %div3A_1973 = arith.divf %mul3A_1965, %add3A_1972 : vector<512x512xf32>
    %gt3A_1974 = arith.constant 5.000000e-01 : f32
    %gt3A_1975 = vector.broadcast %gt3A_1974 : f32 to vector<512x512xf32>
    %gt3A_1976 = arith.cmpf ogt, %div3A_1973, %gt3A_1975 : vector<512x512xf32>
    %convert_element_type3A_1977 = arith.extui %gt3A_1976 : vector<512x512xi1> to vector<512x512xi32>
    %convert_element_type3A_1978 = arith.sitofp %convert_element_type3A_1977 : vector<512x512xi32> to vector<512x512xf32>
    %mul3A_1979 = arith.mulf %convert_element_type3A_1978, %convert_element_type3A_4 : vector<512x512xf32>
    %get3A_1980 = arith.constant 2048 : index
    %get3A_1981 = arith.constant 0 : index
    %get3A_1982 = vector.load %arg1[%get3A_1980, %get3A_1981] : memref<5120x1xf32, #tpu.memory_space<vmem>>, vector<512x1xf32>
    %sub3A_1983 = arith.constant 1.000000e+00 : f32
    %sub3A_1984 = vector.broadcast %sub3A_1983 : f32 to vector<512x1xf32>
    %sub3A_1985 = arith.subf %get3A_1982, %sub3A_1984 : vector<512x1xf32>
    %while3A_1986:2 = scf.while (%while3A_3060 = %sub3A_1985, %while3A_3061 = %get3A_1982) : (vector<512x1xf32>, vector<512x1xf32>) -> (vector<512x1xf32>, vector<512x1xf32>) {
      %ne3A = arith.cmpf one, %while3A_3060, %while3A_3061 : vector<512x1xf32>
      %reduce_or3A = arith.constant 1.000000e+00 : f32
      %reduce_or3A_3062 = arith.constant 0.000000e+00 : f32
      %reduce_or3A_3063 = vector.broadcast %reduce_or3A : f32 to vector<512x1xf32>
      %reduce_or3A_3064 = vector.broadcast %reduce_or3A_3062 : f32 to vector<512x1xf32>
      %reduce_or3A_3065 = arith.select %ne3A, %reduce_or3A_3063, %reduce_or3A_3064 : vector<512x1xi1>, vector<512x1xf32>
      %reduce_or3A_3066 = vector.shape_cast %reduce_or3A_3065 : vector<512x1xf32> to vector<1x512x1xf32>
      %reduce_or3A_3067 = arith.constant dense<0xFF800000> : vector<1xf32>
      %reduce_or3A_3068 = vector.multi_reduction <maximumf>, %reduce_or3A_3066, %reduce_or3A_3067 [1, 2] : vector<1x512x1xf32> to vector<1xf32>
      %reduce_or3A_3069 = vector.shape_cast %reduce_or3A_3068 : vector<1xf32> to vector<1x1x1xf32>
      %reduce_or3A_3070 = vector.extract %reduce_or3A_3069[0, 0, 0] : f32 from vector<1x1x1xf32>
      %reduce_or3A_3071 = arith.constant 0.000000e+00 : f32
      %reduce_or3A_3072 = arith.cmpf ogt, %reduce_or3A_3070, %reduce_or3A_3071 : f32
      scf.condition(%reduce_or3A_3072) %while3A_3060, %while3A_3061 : vector<512x1xf32>, vector<512x1xf32>
    } do {
    ^bb0(%while3A_3060: vector<512x1xf32>, %while3A_3061: vector<512x1xf32>):
      %dot_general3A_3062 = arith.constant dense<0.000000e+00> : vector<512x1xf32>
      %dot_general3A_3063 = tpu.matmul %mul3A_1979, %while3A_3061, %dot_general3A_3062 {dimension_numbers = #tpu.dot_dimension_numbers<[0], [0], [1], [1], [0, 1, 1, 1], [], []>, transpose_lhs_hint = false} : vector<512x512xf32>, vector<512x1xf32>, vector<512x1xf32> -> vector<512x1xf32>
      %eq3A_3064 = arith.constant 0.000000e+00 : f32
      %eq3A_3065 = vector.broadcast %eq3A_3064 : f32 to vector<512x1xf32>
      %eq3A_3066 = arith.cmpf oeq, %dot_general3A_3063, %eq3A_3065 : vector<512x1xf32>
      %convert_element_type3A_3067 = arith.extui %eq3A_3066 : vector<512x1xi1> to vector<512x1xi32>
      %convert_element_type3A_3068 = arith.sitofp %convert_element_type3A_3067 : vector<512x1xi32> to vector<512x1xf32>
      %mul3A_3069 = arith.mulf %get3A_1982, %convert_element_type3A_3068 : vector<512x1xf32>
      scf.yield %while3A_3061, %mul3A_3069 : vector<512x1xf32>, vector<512x1xf32>
    }
    %swap3A_1987 = arith.constant 2048 : index
    %swap3A_1988 = arith.constant 0 : index
    %swap3A_1989 = vector.load %arg1[%swap3A_1987, %swap3A_1988] : memref<5120x1xf32, #tpu.memory_space<vmem>>, vector<512x1xf32>
    tpu.vector_store %arg1[%swap3A_1987, %swap3A_1988], %while3A_1986#1 {strides = array<i32>} : memref<5120x1xf32, #tpu.memory_space<vmem>>, vector<512x1xf32>,
    %slice3A_1990 = vector.extract_strided_slice %dot_general3A_78 {offsets = [0, 0], sizes = [1, 512], strides = [1, 1]} : vector<5x512xf32> to vector<1x512xf32>
    %slice3A_1991 = vector.extract_strided_slice %dot_general3A_78 {offsets = [1, 0], sizes = [1, 512], strides = [1, 1]} : vector<5x512xf32> to vector<1x512xf32>
    %slice3A_1992 = vector.extract_strided_slice %dot_general3A_78 {offsets = [2, 0], sizes = [1, 512], strides = [1, 1]} : vector<5x512xf32> to vector<1x512xf32>
    %slice3A_1993 = vector.extract_strided_slice %dot_general3A_78 {offsets = [3, 0], sizes = [1, 512], strides = [1, 1]} : vector<5x512xf32> to vector<1x512xf32>
    %slice3A_1994 = vector.extract_strided_slice %dot_general3A_78 {offsets = [4, 0], sizes = [1, 512], strides = [1, 1]} : vector<5x512xf32> to vector<1x512xf32>
    %max3A_1995 = vector.broadcast %slice3A_1935 : vector<512x1xf32> to vector<512x512xf32>
    %max3A_1996 = vector.broadcast %slice3A_1990 : vector<1x512xf32> to vector<512x512xf32>
    %max3A_1997 = arith.maximumf %max3A_1995, %max3A_1996 : vector<512x512xf32>
    %max3A_1998 = vector.broadcast %slice3A_1936 : vector<512x1xf32> to vector<512x512xf32>
    %max3A_1999 = vector.broadcast %slice3A_1991 : vector<1x512xf32> to vector<512x512xf32>
    %max3A_2000 = arith.maximumf %max3A_1998, %max3A_1999 : vector<512x512xf32>
    %min3A_2001 = vector.broadcast %slice3A_1937 : vector<512x1xf32> to vector<512x512xf32>
    %min3A_2002 = vector.broadcast %slice3A_1992 : vector<1x512xf32> to vector<512x512xf32>
    %min3A_2003 = arith.minimumf %min3A_2001, %min3A_2002 : vector<512x512xf32>
    %min3A_2004 = vector.broadcast %slice3A_1938 : vector<512x1xf32> to vector<512x512xf32>
    %min3A_2005 = vector.broadcast %slice3A_1993 : vector<1x512xf32> to vector<512x512xf32>
    %min3A_2006 = arith.minimumf %min3A_2004, %min3A_2005 : vector<512x512xf32>
    %sub3A_2007 = arith.subf %min3A_2003, %max3A_1997 : vector<512x512xf32>
    %max3A_2008 = arith.constant 0.000000e+00 : f32
    %max3A_2009 = vector.broadcast %max3A_2008 : f32 to vector<512x512xf32>
    %max3A_2010 = arith.maximumf %sub3A_2007, %max3A_2009 : vector<512x512xf32>
    %sub3A_2011 = arith.subf %min3A_2006, %max3A_2000 : vector<512x512xf32>
    %max3A_2012 = arith.constant 0.000000e+00 : f32
    %max3A_2013 = vector.broadcast %max3A_2012 : f32 to vector<512x512xf32>
    %max3A_2014 = arith.maximumf %sub3A_2011, %max3A_2013 : vector<512x512xf32>
    %mul3A_2015 = arith.mulf %max3A_2010, %max3A_2014 : vector<512x512xf32>
    %add3A_2016 = vector.broadcast %slice3A_1939 : vector<512x1xf32> to vector<512x512xf32>
    %add3A_2017 = vector.broadcast %slice3A_1994 : vector<1x512xf32> to vector<512x512xf32>
    %add3A_2018 = arith.addf %add3A_2016, %add3A_2017 : vector<512x512xf32>
    %sub3A_2019 = arith.subf %add3A_2018, %mul3A_2015 : vector<512x512xf32>
    %add3A_2020 = arith.constant 9.99999971E-10 : f32
    %add3A_2021 = vector.broadcast %add3A_2020 : f32 to vector<512x512xf32>
    %add3A_2022 = arith.addf %sub3A_2019, %add3A_2021 : vector<512x512xf32>
    %div3A_2023 = arith.divf %mul3A_2015, %add3A_2022 : vector<512x512xf32>
    %gt3A_2024 = arith.constant 5.000000e-01 : f32
    %gt3A_2025 = vector.broadcast %gt3A_2024 : f32 to vector<512x512xf32>
    %gt3A_2026 = arith.cmpf ogt, %div3A_2023, %gt3A_2025 : vector<512x512xf32>
    %convert_element_type3A_2027 = arith.extui %gt3A_2026 : vector<512x512xi1> to vector<512x512xi32>
    %convert_element_type3A_2028 = arith.sitofp %convert_element_type3A_2027 : vector<512x512xi32> to vector<512x512xf32>
    %dot_general3A_2029 = arith.constant dense<0.000000e+00> : vector<512x1xf32>
    %dot_general3A_2030 = tpu.matmul %convert_element_type3A_2028, %while3A_1986#1, %dot_general3A_2029 {dimension_numbers = #tpu.dot_dimension_numbers<[0], [0], [1], [1], [0, 1, 1, 1], [], []>, transpose_lhs_hint = false} : vector<512x512xf32>, vector<512x1xf32>, vector<512x1xf32> -> vector<512x1xf32>
    %get3A_2031 = arith.constant 2560 : index
    %get3A_2032 = arith.constant 0 : index
    %get3A_2033 = vector.load %arg1[%get3A_2031, %get3A_2032] : memref<5120x1xf32, #tpu.memory_space<vmem>>, vector<512x1xf32>
    %eq3A_2034 = arith.constant 0.000000e+00 : f32
    %eq3A_2035 = vector.broadcast %eq3A_2034 : f32 to vector<512x1xf32>
    %eq3A_2036 = arith.cmpf oeq, %dot_general3A_2030, %eq3A_2035 : vector<512x1xf32>
    %convert_element_type3A_2037 = arith.extui %eq3A_2036 : vector<512x1xi1> to vector<512x1xi32>
    %convert_element_type3A_2038 = arith.sitofp %convert_element_type3A_2037 : vector<512x1xi32> to vector<512x1xf32>
    %mul3A_2039 = arith.mulf %get3A_2033, %convert_element_type3A_2038 : vector<512x1xf32>
    %swap3A_2040 = arith.constant 2560 : index
    %swap3A_2041 = arith.constant 0 : index
    %swap3A_2042 = vector.load %arg1[%swap3A_2040, %swap3A_2041] : memref<5120x1xf32, #tpu.memory_space<vmem>>, vector<512x1xf32>
    tpu.vector_store %arg1[%swap3A_2040, %swap3A_2041], %mul3A_2039 {strides = array<i32>} : memref<5120x1xf32, #tpu.memory_space<vmem>>, vector<512x1xf32>,
    %slice3A_2043 = vector.extract_strided_slice %dot_general3A_91 {offsets = [0, 0], sizes = [1, 512], strides = [1, 1]} : vector<5x512xf32> to vector<1x512xf32>
    %slice3A_2044 = vector.extract_strided_slice %dot_general3A_91 {offsets = [1, 0], sizes = [1, 512], strides = [1, 1]} : vector<5x512xf32> to vector<1x512xf32>
    %slice3A_2045 = vector.extract_strided_slice %dot_general3A_91 {offsets = [2, 0], sizes = [1, 512], strides = [1, 1]} : vector<5x512xf32> to vector<1x512xf32>
    %slice3A_2046 = vector.extract_strided_slice %dot_general3A_91 {offsets = [3, 0], sizes = [1, 512], strides = [1, 1]} : vector<5x512xf32> to vector<1x512xf32>
    %slice3A_2047 = vector.extract_strided_slice %dot_general3A_91 {offsets = [4, 0], sizes = [1, 512], strides = [1, 1]} : vector<5x512xf32> to vector<1x512xf32>
    %max3A_2048 = vector.broadcast %slice3A_1935 : vector<512x1xf32> to vector<512x512xf32>
    %max3A_2049 = vector.broadcast %slice3A_2043 : vector<1x512xf32> to vector<512x512xf32>
    %max3A_2050 = arith.maximumf %max3A_2048, %max3A_2049 : vector<512x512xf32>
    %max3A_2051 = vector.broadcast %slice3A_1936 : vector<512x1xf32> to vector<512x512xf32>
    %max3A_2052 = vector.broadcast %slice3A_2044 : vector<1x512xf32> to vector<512x512xf32>
    %max3A_2053 = arith.maximumf %max3A_2051, %max3A_2052 : vector<512x512xf32>
    %min3A_2054 = vector.broadcast %slice3A_1937 : vector<512x1xf32> to vector<512x512xf32>
    %min3A_2055 = vector.broadcast %slice3A_2045 : vector<1x512xf32> to vector<512x512xf32>
    %min3A_2056 = arith.minimumf %min3A_2054, %min3A_2055 : vector<512x512xf32>
    %min3A_2057 = vector.broadcast %slice3A_1938 : vector<512x1xf32> to vector<512x512xf32>
    %min3A_2058 = vector.broadcast %slice3A_2046 : vector<1x512xf32> to vector<512x512xf32>
    %min3A_2059 = arith.minimumf %min3A_2057, %min3A_2058 : vector<512x512xf32>
    %sub3A_2060 = arith.subf %min3A_2056, %max3A_2050 : vector<512x512xf32>
    %max3A_2061 = arith.constant 0.000000e+00 : f32
    %max3A_2062 = vector.broadcast %max3A_2061 : f32 to vector<512x512xf32>
    %max3A_2063 = arith.maximumf %sub3A_2060, %max3A_2062 : vector<512x512xf32>
    %sub3A_2064 = arith.subf %min3A_2059, %max3A_2053 : vector<512x512xf32>
    %max3A_2065 = arith.constant 0.000000e+00 : f32
    %max3A_2066 = vector.broadcast %max3A_2065 : f32 to vector<512x512xf32>
    %max3A_2067 = arith.maximumf %sub3A_2064, %max3A_2066 : vector<512x512xf32>
    %mul3A_2068 = arith.mulf %max3A_2063, %max3A_2067 : vector<512x512xf32>
    %add3A_2069 = vector.broadcast %slice3A_1939 : vector<512x1xf32> to vector<512x512xf32>
    %add3A_2070 = vector.broadcast %slice3A_2047 : vector<1x512xf32> to vector<512x512xf32>
    %add3A_2071 = arith.addf %add3A_2069, %add3A_2070 : vector<512x512xf32>
    %sub3A_2072 = arith.subf %add3A_2071, %mul3A_2068 : vector<512x512xf32>
    %add3A_2073 = arith.constant 9.99999971E-10 : f32
    %add3A_2074 = vector.broadcast %add3A_2073 : f32 to vector<512x512xf32>
    %add3A_2075 = arith.addf %sub3A_2072, %add3A_2074 : vector<512x512xf32>
    %div3A_2076 = arith.divf %mul3A_2068, %add3A_2075 : vector<512x512xf32>
    %gt3A_2077 = arith.constant 5.000000e-01 : f32
    %gt3A_2078 = vector.broadcast %gt3A_2077 : f32 to vector<512x512xf32>
    %gt3A_2079 = arith.cmpf ogt, %div3A_2076, %gt3A_2078 : vector<512x512xf32>
    %convert_element_type3A_2080 = arith.extui %gt3A_2079 : vector<512x512xi1> to vector<512x512xi32>
    %convert_element_type3A_2081 = arith.sitofp %convert_element_type3A_2080 : vector<512x512xi32> to vector<512x512xf32>
    %dot_general3A_2082 = arith.constant dense<0.000000e+00> : vector<512x1xf32>
    %dot_general3A_2083 = tpu.matmul %convert_element_type3A_2081, %while3A_1986#1, %dot_general3A_2082 {dimension_numbers = #tpu.dot_dimension_numbers<[0], [0], [1], [1], [0, 1, 1, 1], [], []>, transpose_lhs_hint = false} : vector<512x512xf32>, vector<512x1xf32>, vector<512x1xf32> -> vector<512x1xf32>
    %get3A_2084 = arith.constant 3072 : index
    %get3A_2085 = arith.constant 0 : index
    %get3A_2086 = vector.load %arg1[%get3A_2084, %get3A_2085] : memref<5120x1xf32, #tpu.memory_space<vmem>>, vector<512x1xf32>
    %eq3A_2087 = arith.constant 0.000000e+00 : f32
    %eq3A_2088 = vector.broadcast %eq3A_2087 : f32 to vector<512x1xf32>
    %eq3A_2089 = arith.cmpf oeq, %dot_general3A_2083, %eq3A_2088 : vector<512x1xf32>
    %convert_element_type3A_2090 = arith.extui %eq3A_2089 : vector<512x1xi1> to vector<512x1xi32>
    %convert_element_type3A_2091 = arith.sitofp %convert_element_type3A_2090 : vector<512x1xi32> to vector<512x1xf32>
    %mul3A_2092 = arith.mulf %get3A_2086, %convert_element_type3A_2091 : vector<512x1xf32>
    %swap3A_2093 = arith.constant 3072 : index
    %swap3A_2094 = arith.constant 0 : index
    %swap3A_2095 = vector.load %arg1[%swap3A_2093, %swap3A_2094] : memref<5120x1xf32, #tpu.memory_space<vmem>>, vector<512x1xf32>
    tpu.vector_store %arg1[%swap3A_2093, %swap3A_2094], %mul3A_2092 {strides = array<i32>} : memref<5120x1xf32, #tpu.memory_space<vmem>>, vector<512x1xf32>,
    %slice3A_2096 = vector.extract_strided_slice %dot_general3A_104 {offsets = [0, 0], sizes = [1, 512], strides = [1, 1]} : vector<5x512xf32> to vector<1x512xf32>
    %slice3A_2097 = vector.extract_strided_slice %dot_general3A_104 {offsets = [1, 0], sizes = [1, 512], strides = [1, 1]} : vector<5x512xf32> to vector<1x512xf32>
    %slice3A_2098 = vector.extract_strided_slice %dot_general3A_104 {offsets = [2, 0], sizes = [1, 512], strides = [1, 1]} : vector<5x512xf32> to vector<1x512xf32>
    %slice3A_2099 = vector.extract_strided_slice %dot_general3A_104 {offsets = [3, 0], sizes = [1, 512], strides = [1, 1]} : vector<5x512xf32> to vector<1x512xf32>
    %slice3A_2100 = vector.extract_strided_slice %dot_general3A_104 {offsets = [4, 0], sizes = [1, 512], strides = [1, 1]} : vector<5x512xf32> to vector<1x512xf32>
    %max3A_2101 = vector.broadcast %slice3A_1935 : vector<512x1xf32> to vector<512x512xf32>
    %max3A_2102 = vector.broadcast %slice3A_2096 : vector<1x512xf32> to vector<512x512xf32>
    %max3A_2103 = arith.maximumf %max3A_2101, %max3A_2102 : vector<512x512xf32>
    %max3A_2104 = vector.broadcast %slice3A_1936 : vector<512x1xf32> to vector<512x512xf32>
    %max3A_2105 = vector.broadcast %slice3A_2097 : vector<1x512xf32> to vector<512x512xf32>
    %max3A_2106 = arith.maximumf %max3A_2104, %max3A_2105 : vector<512x512xf32>
    %min3A_2107 = vector.broadcast %slice3A_1937 : vector<512x1xf32> to vector<512x512xf32>
    %min3A_2108 = vector.broadcast %slice3A_2098 : vector<1x512xf32> to vector<512x512xf32>
    %min3A_2109 = arith.minimumf %min3A_2107, %min3A_2108 : vector<512x512xf32>
    %min3A_2110 = vector.broadcast %slice3A_1938 : vector<512x1xf32> to vector<512x512xf32>
    %min3A_2111 = vector.broadcast %slice3A_2099 : vector<1x512xf32> to vector<512x512xf32>
    %min3A_2112 = arith.minimumf %min3A_2110, %min3A_2111 : vector<512x512xf32>
    %sub3A_2113 = arith.subf %min3A_2109, %max3A_2103 : vector<512x512xf32>
    %max3A_2114 = arith.constant 0.000000e+00 : f32
    %max3A_2115 = vector.broadcast %max3A_2114 : f32 to vector<512x512xf32>
    %max3A_2116 = arith.maximumf %sub3A_2113, %max3A_2115 : vector<512x512xf32>
    %sub3A_2117 = arith.subf %min3A_2112, %max3A_2106 : vector<512x512xf32>
    %max3A_2118 = arith.constant 0.000000e+00 : f32
    %max3A_2119 = vector.broadcast %max3A_2118 : f32 to vector<512x512xf32>
    %max3A_2120 = arith.maximumf %sub3A_2117, %max3A_2119 : vector<512x512xf32>
    %mul3A_2121 = arith.mulf %max3A_2116, %max3A_2120 : vector<512x512xf32>
    %add3A_2122 = vector.broadcast %slice3A_1939 : vector<512x1xf32> to vector<512x512xf32>
    %add3A_2123 = vector.broadcast %slice3A_2100 : vector<1x512xf32> to vector<512x512xf32>
    %add3A_2124 = arith.addf %add3A_2122, %add3A_2123 : vector<512x512xf32>
    %sub3A_2125 = arith.subf %add3A_2124, %mul3A_2121 : vector<512x512xf32>
    %add3A_2126 = arith.constant 9.99999971E-10 : f32
    %add3A_2127 = vector.broadcast %add3A_2126 : f32 to vector<512x512xf32>
    %add3A_2128 = arith.addf %sub3A_2125, %add3A_2127 : vector<512x512xf32>
    %div3A_2129 = arith.divf %mul3A_2121, %add3A_2128 : vector<512x512xf32>
    %gt3A_2130 = arith.constant 5.000000e-01 : f32
    %gt3A_2131 = vector.broadcast %gt3A_2130 : f32 to vector<512x512xf32>
    %gt3A_2132 = arith.cmpf ogt, %div3A_2129, %gt3A_2131 : vector<512x512xf32>
    %convert_element_type3A_2133 = arith.extui %gt3A_2132 : vector<512x512xi1> to vector<512x512xi32>
    %convert_element_type3A_2134 = arith.sitofp %convert_element_type3A_2133 : vector<512x512xi32> to vector<512x512xf32>
    %dot_general3A_2135 = arith.constant dense<0.000000e+00> : vector<512x1xf32>
    %dot_general3A_2136 = tpu.matmul %convert_element_type3A_2134, %while3A_1986#1, %dot_general3A_2135 {dimension_numbers = #tpu.dot_dimension_numbers<[0], [0], [1], [1], [0, 1, 1, 1], [], []>, transpose_lhs_hint = false} : vector<512x512xf32>, vector<512x1xf32>, vector<512x1xf32> -> vector<512x1xf32>
    %get3A_2137 = arith.constant 3584 : index
    %get3A_2138 = arith.constant 0 : index
    %get3A_2139 = vector.load %arg1[%get3A_2137, %get3A_2138] : memref<5120x1xf32, #tpu.memory_space<vmem>>, vector<512x1xf32>
    %eq3A_2140 = arith.constant 0.000000e+00 : f32
    %eq3A_2141 = vector.broadcast %eq3A_2140 : f32 to vector<512x1xf32>
    %eq3A_2142 = arith.cmpf oeq, %dot_general3A_2136, %eq3A_2141 : vector<512x1xf32>
    %convert_element_type3A_2143 = arith.extui %eq3A_2142 : vector<512x1xi1> to vector<512x1xi32>
    %convert_element_type3A_2144 = arith.sitofp %convert_element_type3A_2143 : vector<512x1xi32> to vector<512x1xf32>
    %mul3A_2145 = arith.mulf %get3A_2139, %convert_element_type3A_2144 : vector<512x1xf32>
    %swap3A_2146 = arith.constant 3584 : index
    %swap3A_2147 = arith.constant 0 : index
    %swap3A_2148 = vector.load %arg1[%swap3A_2146, %swap3A_2147] : memref<5120x1xf32, #tpu.memory_space<vmem>>, vector<512x1xf32>
    tpu.vector_store %arg1[%swap3A_2146, %swap3A_2147], %mul3A_2145 {strides = array<i32>} : memref<5120x1xf32, #tpu.memory_space<vmem>>, vector<512x1xf32>,
    %slice3A_2149 = vector.extract_strided_slice %dot_general3A_117 {offsets = [0, 0], sizes = [1, 512], strides = [1, 1]} : vector<5x512xf32> to vector<1x512xf32>
    %slice3A_2150 = vector.extract_strided_slice %dot_general3A_117 {offsets = [1, 0], sizes = [1, 512], strides = [1, 1]} : vector<5x512xf32> to vector<1x512xf32>
    %slice3A_2151 = vector.extract_strided_slice %dot_general3A_117 {offsets = [2, 0], sizes = [1, 512], strides = [1, 1]} : vector<5x512xf32> to vector<1x512xf32>
    %slice3A_2152 = vector.extract_strided_slice %dot_general3A_117 {offsets = [3, 0], sizes = [1, 512], strides = [1, 1]} : vector<5x512xf32> to vector<1x512xf32>
    %slice3A_2153 = vector.extract_strided_slice %dot_general3A_117 {offsets = [4, 0], sizes = [1, 512], strides = [1, 1]} : vector<5x512xf32> to vector<1x512xf32>
    %max3A_2154 = vector.broadcast %slice3A_1935 : vector<512x1xf32> to vector<512x512xf32>
    %max3A_2155 = vector.broadcast %slice3A_2149 : vector<1x512xf32> to vector<512x512xf32>
    %max3A_2156 = arith.maximumf %max3A_2154, %max3A_2155 : vector<512x512xf32>
    %max3A_2157 = vector.broadcast %slice3A_1936 : vector<512x1xf32> to vector<512x512xf32>
    %max3A_2158 = vector.broadcast %slice3A_2150 : vector<1x512xf32> to vector<512x512xf32>
    %max3A_2159 = arith.maximumf %max3A_2157, %max3A_2158 : vector<512x512xf32>
    %min3A_2160 = vector.broadcast %slice3A_1937 : vector<512x1xf32> to vector<512x512xf32>
    %min3A_2161 = vector.broadcast %slice3A_2151 : vector<1x512xf32> to vector<512x512xf32>
    %min3A_2162 = arith.minimumf %min3A_2160, %min3A_2161 : vector<512x512xf32>
    %min3A_2163 = vector.broadcast %slice3A_1938 : vector<512x1xf32> to vector<512x512xf32>
    %min3A_2164 = vector.broadcast %slice3A_2152 : vector<1x512xf32> to vector<512x512xf32>
    %min3A_2165 = arith.minimumf %min3A_2163, %min3A_2164 : vector<512x512xf32>
    %sub3A_2166 = arith.subf %min3A_2162, %max3A_2156 : vector<512x512xf32>
    %max3A_2167 = arith.constant 0.000000e+00 : f32
    %max3A_2168 = vector.broadcast %max3A_2167 : f32 to vector<512x512xf32>
    %max3A_2169 = arith.maximumf %sub3A_2166, %max3A_2168 : vector<512x512xf32>
    %sub3A_2170 = arith.subf %min3A_2165, %max3A_2159 : vector<512x512xf32>
    %max3A_2171 = arith.constant 0.000000e+00 : f32
    %max3A_2172 = vector.broadcast %max3A_2171 : f32 to vector<512x512xf32>
    %max3A_2173 = arith.maximumf %sub3A_2170, %max3A_2172 : vector<512x512xf32>
    %mul3A_2174 = arith.mulf %max3A_2169, %max3A_2173 : vector<512x512xf32>
    %add3A_2175 = vector.broadcast %slice3A_1939 : vector<512x1xf32> to vector<512x512xf32>
    %add3A_2176 = vector.broadcast %slice3A_2153 : vector<1x512xf32> to vector<512x512xf32>
    %add3A_2177 = arith.addf %add3A_2175, %add3A_2176 : vector<512x512xf32>
    %sub3A_2178 = arith.subf %add3A_2177, %mul3A_2174 : vector<512x512xf32>
    %add3A_2179 = arith.constant 9.99999971E-10 : f32
    %add3A_2180 = vector.broadcast %add3A_2179 : f32 to vector<512x512xf32>
    %add3A_2181 = arith.addf %sub3A_2178, %add3A_2180 : vector<512x512xf32>
    %div3A_2182 = arith.divf %mul3A_2174, %add3A_2181 : vector<512x512xf32>
    %gt3A_2183 = arith.constant 5.000000e-01 : f32
    %gt3A_2184 = vector.broadcast %gt3A_2183 : f32 to vector<512x512xf32>
    %gt3A_2185 = arith.cmpf ogt, %div3A_2182, %gt3A_2184 : vector<512x512xf32>
    %convert_element_type3A_2186 = arith.extui %gt3A_2185 : vector<512x512xi1> to vector<512x512xi32>
    %convert_element_type3A_2187 = arith.sitofp %convert_element_type3A_2186 : vector<512x512xi32> to vector<512x512xf32>
    %dot_general3A_2188 = arith.constant dense<0.000000e+00> : vector<512x1xf32>
    %dot_general3A_2189 = tpu.matmul %convert_element_type3A_2187, %while3A_1986#1, %dot_general3A_2188 {dimension_numbers = #tpu.dot_dimension_numbers<[0], [0], [1], [1], [0, 1, 1, 1], [], []>, transpose_lhs_hint = false} : vector<512x512xf32>, vector<512x1xf32>, vector<512x1xf32> -> vector<512x1xf32>
    %get3A_2190 = arith.constant 4096 : index
    %get3A_2191 = arith.constant 0 : index
    %get3A_2192 = vector.load %arg1[%get3A_2190, %get3A_2191] : memref<5120x1xf32, #tpu.memory_space<vmem>>, vector<512x1xf32>
    %eq3A_2193 = arith.constant 0.000000e+00 : f32
    %eq3A_2194 = vector.broadcast %eq3A_2193 : f32 to vector<512x1xf32>
    %eq3A_2195 = arith.cmpf oeq, %dot_general3A_2189, %eq3A_2194 : vector<512x1xf32>
    %convert_element_type3A_2196 = arith.extui %eq3A_2195 : vector<512x1xi1> to vector<512x1xi32>
    %convert_element_type3A_2197 = arith.sitofp %convert_element_type3A_2196 : vector<512x1xi32> to vector<512x1xf32>
    %mul3A_2198 = arith.mulf %get3A_2192, %convert_element_type3A_2197 : vector<512x1xf32>
    %swap3A_2199 = arith.constant 4096 : index
    %swap3A_2200 = arith.constant 0 : index
    %swap3A_2201 = vector.load %arg1[%swap3A_2199, %swap3A_2200] : memref<5120x1xf32, #tpu.memory_space<vmem>>, vector<512x1xf32>
    tpu.vector_store %arg1[%swap3A_2199, %swap3A_2200], %mul3A_2198 {strides = array<i32>} : memref<5120x1xf32, #tpu.memory_space<vmem>>, vector<512x1xf32>,
    %slice3A_2202 = vector.extract_strided_slice %dot_general3A_130 {offsets = [0, 0], sizes = [1, 512], strides = [1, 1]} : vector<5x512xf32> to vector<1x512xf32>
    %slice3A_2203 = vector.extract_strided_slice %dot_general3A_130 {offsets = [1, 0], sizes = [1, 512], strides = [1, 1]} : vector<5x512xf32> to vector<1x512xf32>
    %slice3A_2204 = vector.extract_strided_slice %dot_general3A_130 {offsets = [2, 0], sizes = [1, 512], strides = [1, 1]} : vector<5x512xf32> to vector<1x512xf32>
    %slice3A_2205 = vector.extract_strided_slice %dot_general3A_130 {offsets = [3, 0], sizes = [1, 512], strides = [1, 1]} : vector<5x512xf32> to vector<1x512xf32>
    %slice3A_2206 = vector.extract_strided_slice %dot_general3A_130 {offsets = [4, 0], sizes = [1, 512], strides = [1, 1]} : vector<5x512xf32> to vector<1x512xf32>
    %max3A_2207 = vector.broadcast %slice3A_1935 : vector<512x1xf32> to vector<512x512xf32>
    %max3A_2208 = vector.broadcast %slice3A_2202 : vector<1x512xf32> to vector<512x512xf32>
    %max3A_2209 = arith.maximumf %max3A_2207, %max3A_2208 : vector<512x512xf32>
    %max3A_2210 = vector.broadcast %slice3A_1936 : vector<512x1xf32> to vector<512x512xf32>
    %max3A_2211 = vector.broadcast %slice3A_2203 : vector<1x512xf32> to vector<512x512xf32>
    %max3A_2212 = arith.maximumf %max3A_2210, %max3A_2211 : vector<512x512xf32>
    %min3A_2213 = vector.broadcast %slice3A_1937 : vector<512x1xf32> to vector<512x512xf32>
    %min3A_2214 = vector.broadcast %slice3A_2204 : vector<1x512xf32> to vector<512x512xf32>
    %min3A_2215 = arith.minimumf %min3A_2213, %min3A_2214 : vector<512x512xf32>
    %min3A_2216 = vector.broadcast %slice3A_1938 : vector<512x1xf32> to vector<512x512xf32>
    %min3A_2217 = vector.broadcast %slice3A_2205 : vector<1x512xf32> to vector<512x512xf32>
    %min3A_2218 = arith.minimumf %min3A_2216, %min3A_2217 : vector<512x512xf32>
    %sub3A_2219 = arith.subf %min3A_2215, %max3A_2209 : vector<512x512xf32>
    %max3A_2220 = arith.constant 0.000000e+00 : f32
    %max3A_2221 = vector.broadcast %max3A_2220 : f32 to vector<512x512xf32>
    %max3A_2222 = arith.maximumf %sub3A_2219, %max3A_2221 : vector<512x512xf32>
    %sub3A_2223 = arith.subf %min3A_2218, %max3A_2212 : vector<512x512xf32>
    %max3A_2224 = arith.constant 0.000000e+00 : f32
    %max3A_2225 = vector.broadcast %max3A_2224 : f32 to vector<512x512xf32>
    %max3A_2226 = arith.maximumf %sub3A_2223, %max3A_2225 : vector<512x512xf32>
    %mul3A_2227 = arith.mulf %max3A_2222, %max3A_2226 : vector<512x512xf32>
    %add3A_2228 = vector.broadcast %slice3A_1939 : vector<512x1xf32> to vector<512x512xf32>
    %add3A_2229 = vector.broadcast %slice3A_2206 : vector<1x512xf32> to vector<512x512xf32>
    %add3A_2230 = arith.addf %add3A_2228, %add3A_2229 : vector<512x512xf32>
    %sub3A_2231 = arith.subf %add3A_2230, %mul3A_2227 : vector<512x512xf32>
    %add3A_2232 = arith.constant 9.99999971E-10 : f32
    %add3A_2233 = vector.broadcast %add3A_2232 : f32 to vector<512x512xf32>
    %add3A_2234 = arith.addf %sub3A_2231, %add3A_2233 : vector<512x512xf32>
    %div3A_2235 = arith.divf %mul3A_2227, %add3A_2234 : vector<512x512xf32>
    %gt3A_2236 = arith.constant 5.000000e-01 : f32
    %gt3A_2237 = vector.broadcast %gt3A_2236 : f32 to vector<512x512xf32>
    %gt3A_2238 = arith.cmpf ogt, %div3A_2235, %gt3A_2237 : vector<512x512xf32>
    %convert_element_type3A_2239 = arith.extui %gt3A_2238 : vector<512x512xi1> to vector<512x512xi32>
    %convert_element_type3A_2240 = arith.sitofp %convert_element_type3A_2239 : vector<512x512xi32> to vector<512x512xf32>
    %dot_general3A_2241 = arith.constant dense<0.000000e+00> : vector<512x1xf32>
    %dot_general3A_2242 = tpu.matmul %convert_element_type3A_2240, %while3A_1986#1, %dot_general3A_2241 {dimension_numbers = #tpu.dot_dimension_numbers<[0], [0], [1], [1], [0, 1, 1, 1], [], []>, transpose_lhs_hint = false} : vector<512x512xf32>, vector<512x1xf32>, vector<512x1xf32> -> vector<512x1xf32>
    %get3A_2243 = arith.constant 4608 : index
    %get3A_2244 = arith.constant 0 : index
    %get3A_2245 = vector.load %arg1[%get3A_2243, %get3A_2244] : memref<5120x1xf32, #tpu.memory_space<vmem>>, vector<512x1xf32>
    %eq3A_2246 = arith.constant 0.000000e+00 : f32
    %eq3A_2247 = vector.broadcast %eq3A_2246 : f32 to vector<512x1xf32>
    %eq3A_2248 = arith.cmpf oeq, %dot_general3A_2242, %eq3A_2247 : vector<512x1xf32>
    %convert_element_type3A_2249 = arith.extui %eq3A_2248 : vector<512x1xi1> to vector<512x1xi32>
    %convert_element_type3A_2250 = arith.sitofp %convert_element_type3A_2249 : vector<512x1xi32> to vector<512x1xf32>
    %mul3A_2251 = arith.mulf %get3A_2245, %convert_element_type3A_2250 : vector<512x1xf32>
    %swap3A_2252 = arith.constant 4608 : index
    %swap3A_2253 = arith.constant 0 : index
    %swap3A_2254 = vector.load %arg1[%swap3A_2252, %swap3A_2253] : memref<5120x1xf32, #tpu.memory_space<vmem>>, vector<512x1xf32>
    tpu.vector_store %arg1[%swap3A_2252, %swap3A_2253], %mul3A_2251 {strides = array<i32>} : memref<5120x1xf32, #tpu.memory_space<vmem>>, vector<512x1xf32>,
    %slice3A_2255 = vector.extract_strided_slice %concatenate3A_76 {offsets = [0, 0], sizes = [512, 1], strides = [1, 1]} : vector<512x5xf32> to vector<512x1xf32>
    %slice3A_2256 = vector.extract_strided_slice %concatenate3A_76 {offsets = [0, 1], sizes = [512, 1], strides = [1, 1]} : vector<512x5xf32> to vector<512x1xf32>
    %slice3A_2257 = vector.extract_strided_slice %concatenate3A_76 {offsets = [0, 2], sizes = [512, 1], strides = [1, 1]} : vector<512x5xf32> to vector<512x1xf32>
    %slice3A_2258 = vector.extract_strided_slice %concatenate3A_76 {offsets = [0, 3], sizes = [512, 1], strides = [1, 1]} : vector<512x5xf32> to vector<512x1xf32>
    %slice3A_2259 = vector.extract_strided_slice %concatenate3A_76 {offsets = [0, 4], sizes = [512, 1], strides = [1, 1]} : vector<512x5xf32> to vector<512x1xf32>
    %slice3A_2260 = vector.extract_strided_slice %dot_general3A_78 {offsets = [0, 0], sizes = [1, 512], strides = [1, 1]} : vector<5x512xf32> to vector<1x512xf32>
    %slice3A_2261 = vector.extract_strided_slice %dot_general3A_78 {offsets = [1, 0], sizes = [1, 512], strides = [1, 1]} : vector<5x512xf32> to vector<1x512xf32>
    %slice3A_2262 = vector.extract_strided_slice %dot_general3A_78 {offsets = [2, 0], sizes = [1, 512], strides = [1, 1]} : vector<5x512xf32> to vector<1x512xf32>
    %slice3A_2263 = vector.extract_strided_slice %dot_general3A_78 {offsets = [3, 0], sizes = [1, 512], strides = [1, 1]} : vector<5x512xf32> to vector<1x512xf32>
    %slice3A_2264 = vector.extract_strided_slice %dot_general3A_78 {offsets = [4, 0], sizes = [1, 512], strides = [1, 1]} : vector<5x512xf32> to vector<1x512xf32>
    %max3A_2265 = vector.broadcast %slice3A_2255 : vector<512x1xf32> to vector<512x512xf32>
    %max3A_2266 = vector.broadcast %slice3A_2260 : vector<1x512xf32> to vector<512x512xf32>
    %max3A_2267 = arith.maximumf %max3A_2265, %max3A_2266 : vector<512x512xf32>
    %max3A_2268 = vector.broadcast %slice3A_2256 : vector<512x1xf32> to vector<512x512xf32>
    %max3A_2269 = vector.broadcast %slice3A_2261 : vector<1x512xf32> to vector<512x512xf32>
    %max3A_2270 = arith.maximumf %max3A_2268, %max3A_2269 : vector<512x512xf32>
    %min3A_2271 = vector.broadcast %slice3A_2257 : vector<512x1xf32> to vector<512x512xf32>
    %min3A_2272 = vector.broadcast %slice3A_2262 : vector<1x512xf32> to vector<512x512xf32>
    %min3A_2273 = arith.minimumf %min3A_2271, %min3A_2272 : vector<512x512xf32>
    %min3A_2274 = vector.broadcast %slice3A_2258 : vector<512x1xf32> to vector<512x512xf32>
    %min3A_2275 = vector.broadcast %slice3A_2263 : vector<1x512xf32> to vector<512x512xf32>
    %min3A_2276 = arith.minimumf %min3A_2274, %min3A_2275 : vector<512x512xf32>
    %sub3A_2277 = arith.subf %min3A_2273, %max3A_2267 : vector<512x512xf32>
    %max3A_2278 = arith.constant 0.000000e+00 : f32
    %max3A_2279 = vector.broadcast %max3A_2278 : f32 to vector<512x512xf32>
    %max3A_2280 = arith.maximumf %sub3A_2277, %max3A_2279 : vector<512x512xf32>
    %sub3A_2281 = arith.subf %min3A_2276, %max3A_2270 : vector<512x512xf32>
    %max3A_2282 = arith.constant 0.000000e+00 : f32
    %max3A_2283 = vector.broadcast %max3A_2282 : f32 to vector<512x512xf32>
    %max3A_2284 = arith.maximumf %sub3A_2281, %max3A_2283 : vector<512x512xf32>
    %mul3A_2285 = arith.mulf %max3A_2280, %max3A_2284 : vector<512x512xf32>
    %add3A_2286 = vector.broadcast %slice3A_2259 : vector<512x1xf32> to vector<512x512xf32>
    %add3A_2287 = vector.broadcast %slice3A_2264 : vector<1x512xf32> to vector<512x512xf32>
    %add3A_2288 = arith.addf %add3A_2286, %add3A_2287 : vector<512x512xf32>
    %sub3A_2289 = arith.subf %add3A_2288, %mul3A_2285 : vector<512x512xf32>
    %add3A_2290 = arith.constant 9.99999971E-10 : f32
    %add3A_2291 = vector.broadcast %add3A_2290 : f32 to vector<512x512xf32>
    %add3A_2292 = arith.addf %sub3A_2289, %add3A_2291 : vector<512x512xf32>
    %div3A_2293 = arith.divf %mul3A_2285, %add3A_2292 : vector<512x512xf32>
    %gt3A_2294 = arith.constant 5.000000e-01 : f32
    %gt3A_2295 = vector.broadcast %gt3A_2294 : f32 to vector<512x512xf32>
    %gt3A_2296 = arith.cmpf ogt, %div3A_2293, %gt3A_2295 : vector<512x512xf32>
    %convert_element_type3A_2297 = arith.extui %gt3A_2296 : vector<512x512xi1> to vector<512x512xi32>
    %convert_element_type3A_2298 = arith.sitofp %convert_element_type3A_2297 : vector<512x512xi32> to vector<512x512xf32>
    %mul3A_2299 = arith.mulf %convert_element_type3A_2298, %convert_element_type3A_4 : vector<512x512xf32>
    %get3A_2300 = arith.constant 2560 : index
    %get3A_2301 = arith.constant 0 : index
    %get3A_2302 = vector.load %arg1[%get3A_2300, %get3A_2301] : memref<5120x1xf32, #tpu.memory_space<vmem>>, vector<512x1xf32>
    %sub3A_2303 = arith.constant 1.000000e+00 : f32
    %sub3A_2304 = vector.broadcast %sub3A_2303 : f32 to vector<512x1xf32>
    %sub3A_2305 = arith.subf %get3A_2302, %sub3A_2304 : vector<512x1xf32>
    %while3A_2306:2 = scf.while (%while3A_3060 = %sub3A_2305, %while3A_3061 = %get3A_2302) : (vector<512x1xf32>, vector<512x1xf32>) -> (vector<512x1xf32>, vector<512x1xf32>) {
      %ne3A = arith.cmpf one, %while3A_3060, %while3A_3061 : vector<512x1xf32>
      %reduce_or3A = arith.constant 1.000000e+00 : f32
      %reduce_or3A_3062 = arith.constant 0.000000e+00 : f32
      %reduce_or3A_3063 = vector.broadcast %reduce_or3A : f32 to vector<512x1xf32>
      %reduce_or3A_3064 = vector.broadcast %reduce_or3A_3062 : f32 to vector<512x1xf32>
      %reduce_or3A_3065 = arith.select %ne3A, %reduce_or3A_3063, %reduce_or3A_3064 : vector<512x1xi1>, vector<512x1xf32>
      %reduce_or3A_3066 = vector.shape_cast %reduce_or3A_3065 : vector<512x1xf32> to vector<1x512x1xf32>
      %reduce_or3A_3067 = arith.constant dense<0xFF800000> : vector<1xf32>
      %reduce_or3A_3068 = vector.multi_reduction <maximumf>, %reduce_or3A_3066, %reduce_or3A_3067 [1, 2] : vector<1x512x1xf32> to vector<1xf32>
      %reduce_or3A_3069 = vector.shape_cast %reduce_or3A_3068 : vector<1xf32> to vector<1x1x1xf32>
      %reduce_or3A_3070 = vector.extract %reduce_or3A_3069[0, 0, 0] : f32 from vector<1x1x1xf32>
      %reduce_or3A_3071 = arith.constant 0.000000e+00 : f32
      %reduce_or3A_3072 = arith.cmpf ogt, %reduce_or3A_3070, %reduce_or3A_3071 : f32
      scf.condition(%reduce_or3A_3072) %while3A_3060, %while3A_3061 : vector<512x1xf32>, vector<512x1xf32>
    } do {
    ^bb0(%while3A_3060: vector<512x1xf32>, %while3A_3061: vector<512x1xf32>):
      %dot_general3A_3062 = arith.constant dense<0.000000e+00> : vector<512x1xf32>
      %dot_general3A_3063 = tpu.matmul %mul3A_2299, %while3A_3061, %dot_general3A_3062 {dimension_numbers = #tpu.dot_dimension_numbers<[0], [0], [1], [1], [0, 1, 1, 1], [], []>, transpose_lhs_hint = false} : vector<512x512xf32>, vector<512x1xf32>, vector<512x1xf32> -> vector<512x1xf32>
      %eq3A_3064 = arith.constant 0.000000e+00 : f32
      %eq3A_3065 = vector.broadcast %eq3A_3064 : f32 to vector<512x1xf32>
      %eq3A_3066 = arith.cmpf oeq, %dot_general3A_3063, %eq3A_3065 : vector<512x1xf32>
      %convert_element_type3A_3067 = arith.extui %eq3A_3066 : vector<512x1xi1> to vector<512x1xi32>
      %convert_element_type3A_3068 = arith.sitofp %convert_element_type3A_3067 : vector<512x1xi32> to vector<512x1xf32>
      %mul3A_3069 = arith.mulf %get3A_2302, %convert_element_type3A_3068 : vector<512x1xf32>
      scf.yield %while3A_3061, %mul3A_3069 : vector<512x1xf32>, vector<512x1xf32>
    }
    %swap3A_2307 = arith.constant 2560 : index
    %swap3A_2308 = arith.constant 0 : index
    %swap3A_2309 = vector.load %arg1[%swap3A_2307, %swap3A_2308] : memref<5120x1xf32, #tpu.memory_space<vmem>>, vector<512x1xf32>
    tpu.vector_store %arg1[%swap3A_2307, %swap3A_2308], %while3A_2306#1 {strides = array<i32>} : memref<5120x1xf32, #tpu.memory_space<vmem>>, vector<512x1xf32>,
    %slice3A_2310 = vector.extract_strided_slice %dot_general3A_91 {offsets = [0, 0], sizes = [1, 512], strides = [1, 1]} : vector<5x512xf32> to vector<1x512xf32>
    %slice3A_2311 = vector.extract_strided_slice %dot_general3A_91 {offsets = [1, 0], sizes = [1, 512], strides = [1, 1]} : vector<5x512xf32> to vector<1x512xf32>
    %slice3A_2312 = vector.extract_strided_slice %dot_general3A_91 {offsets = [2, 0], sizes = [1, 512], strides = [1, 1]} : vector<5x512xf32> to vector<1x512xf32>
    %slice3A_2313 = vector.extract_strided_slice %dot_general3A_91 {offsets = [3, 0], sizes = [1, 512], strides = [1, 1]} : vector<5x512xf32> to vector<1x512xf32>
    %slice3A_2314 = vector.extract_strided_slice %dot_general3A_91 {offsets = [4, 0], sizes = [1, 512], strides = [1, 1]} : vector<5x512xf32> to vector<1x512xf32>
    %max3A_2315 = vector.broadcast %slice3A_2255 : vector<512x1xf32> to vector<512x512xf32>
    %max3A_2316 = vector.broadcast %slice3A_2310 : vector<1x512xf32> to vector<512x512xf32>
    %max3A_2317 = arith.maximumf %max3A_2315, %max3A_2316 : vector<512x512xf32>
    %max3A_2318 = vector.broadcast %slice3A_2256 : vector<512x1xf32> to vector<512x512xf32>
    %max3A_2319 = vector.broadcast %slice3A_2311 : vector<1x512xf32> to vector<512x512xf32>
    %max3A_2320 = arith.maximumf %max3A_2318, %max3A_2319 : vector<512x512xf32>
    %min3A_2321 = vector.broadcast %slice3A_2257 : vector<512x1xf32> to vector<512x512xf32>
    %min3A_2322 = vector.broadcast %slice3A_2312 : vector<1x512xf32> to vector<512x512xf32>
    %min3A_2323 = arith.minimumf %min3A_2321, %min3A_2322 : vector<512x512xf32>
    %min3A_2324 = vector.broadcast %slice3A_2258 : vector<512x1xf32> to vector<512x512xf32>
    %min3A_2325 = vector.broadcast %slice3A_2313 : vector<1x512xf32> to vector<512x512xf32>
    %min3A_2326 = arith.minimumf %min3A_2324, %min3A_2325 : vector<512x512xf32>
    %sub3A_2327 = arith.subf %min3A_2323, %max3A_2317 : vector<512x512xf32>
    %max3A_2328 = arith.constant 0.000000e+00 : f32
    %max3A_2329 = vector.broadcast %max3A_2328 : f32 to vector<512x512xf32>
    %max3A_2330 = arith.maximumf %sub3A_2327, %max3A_2329 : vector<512x512xf32>
    %sub3A_2331 = arith.subf %min3A_2326, %max3A_2320 : vector<512x512xf32>
    %max3A_2332 = arith.constant 0.000000e+00 : f32
    %max3A_2333 = vector.broadcast %max3A_2332 : f32 to vector<512x512xf32>
    %max3A_2334 = arith.maximumf %sub3A_2331, %max3A_2333 : vector<512x512xf32>
    %mul3A_2335 = arith.mulf %max3A_2330, %max3A_2334 : vector<512x512xf32>
    %add3A_2336 = vector.broadcast %slice3A_2259 : vector<512x1xf32> to vector<512x512xf32>
    %add3A_2337 = vector.broadcast %slice3A_2314 : vector<1x512xf32> to vector<512x512xf32>
    %add3A_2338 = arith.addf %add3A_2336, %add3A_2337 : vector<512x512xf32>
    %sub3A_2339 = arith.subf %add3A_2338, %mul3A_2335 : vector<512x512xf32>
    %add3A_2340 = arith.constant 9.99999971E-10 : f32
    %add3A_2341 = vector.broadcast %add3A_2340 : f32 to vector<512x512xf32>
    %add3A_2342 = arith.addf %sub3A_2339, %add3A_2341 : vector<512x512xf32>
    %div3A_2343 = arith.divf %mul3A_2335, %add3A_2342 : vector<512x512xf32>
    %gt3A_2344 = arith.constant 5.000000e-01 : f32
    %gt3A_2345 = vector.broadcast %gt3A_2344 : f32 to vector<512x512xf32>
    %gt3A_2346 = arith.cmpf ogt, %div3A_2343, %gt3A_2345 : vector<512x512xf32>
    %convert_element_type3A_2347 = arith.extui %gt3A_2346 : vector<512x512xi1> to vector<512x512xi32>
    %convert_element_type3A_2348 = arith.sitofp %convert_element_type3A_2347 : vector<512x512xi32> to vector<512x512xf32>
    %dot_general3A_2349 = arith.constant dense<0.000000e+00> : vector<512x1xf32>
    %dot_general3A_2350 = tpu.matmul %convert_element_type3A_2348, %while3A_2306#1, %dot_general3A_2349 {dimension_numbers = #tpu.dot_dimension_numbers<[0], [0], [1], [1], [0, 1, 1, 1], [], []>, transpose_lhs_hint = false} : vector<512x512xf32>, vector<512x1xf32>, vector<512x1xf32> -> vector<512x1xf32>
    %get3A_2351 = arith.constant 3072 : index
    %get3A_2352 = arith.constant 0 : index
    %get3A_2353 = vector.load %arg1[%get3A_2351, %get3A_2352] : memref<5120x1xf32, #tpu.memory_space<vmem>>, vector<512x1xf32>
    %eq3A_2354 = arith.constant 0.000000e+00 : f32
    %eq3A_2355 = vector.broadcast %eq3A_2354 : f32 to vector<512x1xf32>
    %eq3A_2356 = arith.cmpf oeq, %dot_general3A_2350, %eq3A_2355 : vector<512x1xf32>
    %convert_element_type3A_2357 = arith.extui %eq3A_2356 : vector<512x1xi1> to vector<512x1xi32>
    %convert_element_type3A_2358 = arith.sitofp %convert_element_type3A_2357 : vector<512x1xi32> to vector<512x1xf32>
    %mul3A_2359 = arith.mulf %get3A_2353, %convert_element_type3A_2358 : vector<512x1xf32>
    %swap3A_2360 = arith.constant 3072 : index
    %swap3A_2361 = arith.constant 0 : index
    %swap3A_2362 = vector.load %arg1[%swap3A_2360, %swap3A_2361] : memref<5120x1xf32, #tpu.memory_space<vmem>>, vector<512x1xf32>
    tpu.vector_store %arg1[%swap3A_2360, %swap3A_2361], %mul3A_2359 {strides = array<i32>} : memref<5120x1xf32, #tpu.memory_space<vmem>>, vector<512x1xf32>,
    %slice3A_2363 = vector.extract_strided_slice %dot_general3A_104 {offsets = [0, 0], sizes = [1, 512], strides = [1, 1]} : vector<5x512xf32> to vector<1x512xf32>
    %slice3A_2364 = vector.extract_strided_slice %dot_general3A_104 {offsets = [1, 0], sizes = [1, 512], strides = [1, 1]} : vector<5x512xf32> to vector<1x512xf32>
    %slice3A_2365 = vector.extract_strided_slice %dot_general3A_104 {offsets = [2, 0], sizes = [1, 512], strides = [1, 1]} : vector<5x512xf32> to vector<1x512xf32>
    %slice3A_2366 = vector.extract_strided_slice %dot_general3A_104 {offsets = [3, 0], sizes = [1, 512], strides = [1, 1]} : vector<5x512xf32> to vector<1x512xf32>
    %slice3A_2367 = vector.extract_strided_slice %dot_general3A_104 {offsets = [4, 0], sizes = [1, 512], strides = [1, 1]} : vector<5x512xf32> to vector<1x512xf32>
    %max3A_2368 = vector.broadcast %slice3A_2255 : vector<512x1xf32> to vector<512x512xf32>
    %max3A_2369 = vector.broadcast %slice3A_2363 : vector<1x512xf32> to vector<512x512xf32>
    %max3A_2370 = arith.maximumf %max3A_2368, %max3A_2369 : vector<512x512xf32>
    %max3A_2371 = vector.broadcast %slice3A_2256 : vector<512x1xf32> to vector<512x512xf32>
    %max3A_2372 = vector.broadcast %slice3A_2364 : vector<1x512xf32> to vector<512x512xf32>
    %max3A_2373 = arith.maximumf %max3A_2371, %max3A_2372 : vector<512x512xf32>
    %min3A_2374 = vector.broadcast %slice3A_2257 : vector<512x1xf32> to vector<512x512xf32>
    %min3A_2375 = vector.broadcast %slice3A_2365 : vector<1x512xf32> to vector<512x512xf32>
    %min3A_2376 = arith.minimumf %min3A_2374, %min3A_2375 : vector<512x512xf32>
    %min3A_2377 = vector.broadcast %slice3A_2258 : vector<512x1xf32> to vector<512x512xf32>
    %min3A_2378 = vector.broadcast %slice3A_2366 : vector<1x512xf32> to vector<512x512xf32>
    %min3A_2379 = arith.minimumf %min3A_2377, %min3A_2378 : vector<512x512xf32>
    %sub3A_2380 = arith.subf %min3A_2376, %max3A_2370 : vector<512x512xf32>
    %max3A_2381 = arith.constant 0.000000e+00 : f32
    %max3A_2382 = vector.broadcast %max3A_2381 : f32 to vector<512x512xf32>
    %max3A_2383 = arith.maximumf %sub3A_2380, %max3A_2382 : vector<512x512xf32>
    %sub3A_2384 = arith.subf %min3A_2379, %max3A_2373 : vector<512x512xf32>
    %max3A_2385 = arith.constant 0.000000e+00 : f32
    %max3A_2386 = vector.broadcast %max3A_2385 : f32 to vector<512x512xf32>
    %max3A_2387 = arith.maximumf %sub3A_2384, %max3A_2386 : vector<512x512xf32>
    %mul3A_2388 = arith.mulf %max3A_2383, %max3A_2387 : vector<512x512xf32>
    %add3A_2389 = vector.broadcast %slice3A_2259 : vector<512x1xf32> to vector<512x512xf32>
    %add3A_2390 = vector.broadcast %slice3A_2367 : vector<1x512xf32> to vector<512x512xf32>
    %add3A_2391 = arith.addf %add3A_2389, %add3A_2390 : vector<512x512xf32>
    %sub3A_2392 = arith.subf %add3A_2391, %mul3A_2388 : vector<512x512xf32>
    %add3A_2393 = arith.constant 9.99999971E-10 : f32
    %add3A_2394 = vector.broadcast %add3A_2393 : f32 to vector<512x512xf32>
    %add3A_2395 = arith.addf %sub3A_2392, %add3A_2394 : vector<512x512xf32>
    %div3A_2396 = arith.divf %mul3A_2388, %add3A_2395 : vector<512x512xf32>
    %gt3A_2397 = arith.constant 5.000000e-01 : f32
    %gt3A_2398 = vector.broadcast %gt3A_2397 : f32 to vector<512x512xf32>
    %gt3A_2399 = arith.cmpf ogt, %div3A_2396, %gt3A_2398 : vector<512x512xf32>
    %convert_element_type3A_2400 = arith.extui %gt3A_2399 : vector<512x512xi1> to vector<512x512xi32>
    %convert_element_type3A_2401 = arith.sitofp %convert_element_type3A_2400 : vector<512x512xi32> to vector<512x512xf32>
    %dot_general3A_2402 = arith.constant dense<0.000000e+00> : vector<512x1xf32>
    %dot_general3A_2403 = tpu.matmul %convert_element_type3A_2401, %while3A_2306#1, %dot_general3A_2402 {dimension_numbers = #tpu.dot_dimension_numbers<[0], [0], [1], [1], [0, 1, 1, 1], [], []>, transpose_lhs_hint = false} : vector<512x512xf32>, vector<512x1xf32>, vector<512x1xf32> -> vector<512x1xf32>
    %get3A_2404 = arith.constant 3584 : index
    %get3A_2405 = arith.constant 0 : index
    %get3A_2406 = vector.load %arg1[%get3A_2404, %get3A_2405] : memref<5120x1xf32, #tpu.memory_space<vmem>>, vector<512x1xf32>
    %eq3A_2407 = arith.constant 0.000000e+00 : f32
    %eq3A_2408 = vector.broadcast %eq3A_2407 : f32 to vector<512x1xf32>
    %eq3A_2409 = arith.cmpf oeq, %dot_general3A_2403, %eq3A_2408 : vector<512x1xf32>
    %convert_element_type3A_2410 = arith.extui %eq3A_2409 : vector<512x1xi1> to vector<512x1xi32>
    %convert_element_type3A_2411 = arith.sitofp %convert_element_type3A_2410 : vector<512x1xi32> to vector<512x1xf32>
    %mul3A_2412 = arith.mulf %get3A_2406, %convert_element_type3A_2411 : vector<512x1xf32>
    %swap3A_2413 = arith.constant 3584 : index
    %swap3A_2414 = arith.constant 0 : index
    %swap3A_2415 = vector.load %arg1[%swap3A_2413, %swap3A_2414] : memref<5120x1xf32, #tpu.memory_space<vmem>>, vector<512x1xf32>
    tpu.vector_store %arg1[%swap3A_2413, %swap3A_2414], %mul3A_2412 {strides = array<i32>} : memref<5120x1xf32, #tpu.memory_space<vmem>>, vector<512x1xf32>,
    %slice3A_2416 = vector.extract_strided_slice %dot_general3A_117 {offsets = [0, 0], sizes = [1, 512], strides = [1, 1]} : vector<5x512xf32> to vector<1x512xf32>
    %slice3A_2417 = vector.extract_strided_slice %dot_general3A_117 {offsets = [1, 0], sizes = [1, 512], strides = [1, 1]} : vector<5x512xf32> to vector<1x512xf32>
    %slice3A_2418 = vector.extract_strided_slice %dot_general3A_117 {offsets = [2, 0], sizes = [1, 512], strides = [1, 1]} : vector<5x512xf32> to vector<1x512xf32>
    %slice3A_2419 = vector.extract_strided_slice %dot_general3A_117 {offsets = [3, 0], sizes = [1, 512], strides = [1, 1]} : vector<5x512xf32> to vector<1x512xf32>
    %slice3A_2420 = vector.extract_strided_slice %dot_general3A_117 {offsets = [4, 0], sizes = [1, 512], strides = [1, 1]} : vector<5x512xf32> to vector<1x512xf32>
    %max3A_2421 = vector.broadcast %slice3A_2255 : vector<512x1xf32> to vector<512x512xf32>
    %max3A_2422 = vector.broadcast %slice3A_2416 : vector<1x512xf32> to vector<512x512xf32>
    %max3A_2423 = arith.maximumf %max3A_2421, %max3A_2422 : vector<512x512xf32>
    %max3A_2424 = vector.broadcast %slice3A_2256 : vector<512x1xf32> to vector<512x512xf32>
    %max3A_2425 = vector.broadcast %slice3A_2417 : vector<1x512xf32> to vector<512x512xf32>
    %max3A_2426 = arith.maximumf %max3A_2424, %max3A_2425 : vector<512x512xf32>
    %min3A_2427 = vector.broadcast %slice3A_2257 : vector<512x1xf32> to vector<512x512xf32>
    %min3A_2428 = vector.broadcast %slice3A_2418 : vector<1x512xf32> to vector<512x512xf32>
    %min3A_2429 = arith.minimumf %min3A_2427, %min3A_2428 : vector<512x512xf32>
    %min3A_2430 = vector.broadcast %slice3A_2258 : vector<512x1xf32> to vector<512x512xf32>
    %min3A_2431 = vector.broadcast %slice3A_2419 : vector<1x512xf32> to vector<512x512xf32>
    %min3A_2432 = arith.minimumf %min3A_2430, %min3A_2431 : vector<512x512xf32>
    %sub3A_2433 = arith.subf %min3A_2429, %max3A_2423 : vector<512x512xf32>
    %max3A_2434 = arith.constant 0.000000e+00 : f32
    %max3A_2435 = vector.broadcast %max3A_2434 : f32 to vector<512x512xf32>
    %max3A_2436 = arith.maximumf %sub3A_2433, %max3A_2435 : vector<512x512xf32>
    %sub3A_2437 = arith.subf %min3A_2432, %max3A_2426 : vector<512x512xf32>
    %max3A_2438 = arith.constant 0.000000e+00 : f32
    %max3A_2439 = vector.broadcast %max3A_2438 : f32 to vector<512x512xf32>
    %max3A_2440 = arith.maximumf %sub3A_2437, %max3A_2439 : vector<512x512xf32>
    %mul3A_2441 = arith.mulf %max3A_2436, %max3A_2440 : vector<512x512xf32>
    %add3A_2442 = vector.broadcast %slice3A_2259 : vector<512x1xf32> to vector<512x512xf32>
    %add3A_2443 = vector.broadcast %slice3A_2420 : vector<1x512xf32> to vector<512x512xf32>
    %add3A_2444 = arith.addf %add3A_2442, %add3A_2443 : vector<512x512xf32>
    %sub3A_2445 = arith.subf %add3A_2444, %mul3A_2441 : vector<512x512xf32>
    %add3A_2446 = arith.constant 9.99999971E-10 : f32
    %add3A_2447 = vector.broadcast %add3A_2446 : f32 to vector<512x512xf32>
    %add3A_2448 = arith.addf %sub3A_2445, %add3A_2447 : vector<512x512xf32>
    %div3A_2449 = arith.divf %mul3A_2441, %add3A_2448 : vector<512x512xf32>
    %gt3A_2450 = arith.constant 5.000000e-01 : f32
    %gt3A_2451 = vector.broadcast %gt3A_2450 : f32 to vector<512x512xf32>
    %gt3A_2452 = arith.cmpf ogt, %div3A_2449, %gt3A_2451 : vector<512x512xf32>
    %convert_element_type3A_2453 = arith.extui %gt3A_2452 : vector<512x512xi1> to vector<512x512xi32>
    %convert_element_type3A_2454 = arith.sitofp %convert_element_type3A_2453 : vector<512x512xi32> to vector<512x512xf32>
    %dot_general3A_2455 = arith.constant dense<0.000000e+00> : vector<512x1xf32>
    %dot_general3A_2456 = tpu.matmul %convert_element_type3A_2454, %while3A_2306#1, %dot_general3A_2455 {dimension_numbers = #tpu.dot_dimension_numbers<[0], [0], [1], [1], [0, 1, 1, 1], [], []>, transpose_lhs_hint = false} : vector<512x512xf32>, vector<512x1xf32>, vector<512x1xf32> -> vector<512x1xf32>
    %get3A_2457 = arith.constant 4096 : index
    %get3A_2458 = arith.constant 0 : index
    %get3A_2459 = vector.load %arg1[%get3A_2457, %get3A_2458] : memref<5120x1xf32, #tpu.memory_space<vmem>>, vector<512x1xf32>
    %eq3A_2460 = arith.constant 0.000000e+00 : f32
    %eq3A_2461 = vector.broadcast %eq3A_2460 : f32 to vector<512x1xf32>
    %eq3A_2462 = arith.cmpf oeq, %dot_general3A_2456, %eq3A_2461 : vector<512x1xf32>
    %convert_element_type3A_2463 = arith.extui %eq3A_2462 : vector<512x1xi1> to vector<512x1xi32>
    %convert_element_type3A_2464 = arith.sitofp %convert_element_type3A_2463 : vector<512x1xi32> to vector<512x1xf32>
    %mul3A_2465 = arith.mulf %get3A_2459, %convert_element_type3A_2464 : vector<512x1xf32>
    %swap3A_2466 = arith.constant 4096 : index
    %swap3A_2467 = arith.constant 0 : index
    %swap3A_2468 = vector.load %arg1[%swap3A_2466, %swap3A_2467] : memref<5120x1xf32, #tpu.memory_space<vmem>>, vector<512x1xf32>
    tpu.vector_store %arg1[%swap3A_2466, %swap3A_2467], %mul3A_2465 {strides = array<i32>} : memref<5120x1xf32, #tpu.memory_space<vmem>>, vector<512x1xf32>,
    %slice3A_2469 = vector.extract_strided_slice %dot_general3A_130 {offsets = [0, 0], sizes = [1, 512], strides = [1, 1]} : vector<5x512xf32> to vector<1x512xf32>
    %slice3A_2470 = vector.extract_strided_slice %dot_general3A_130 {offsets = [1, 0], sizes = [1, 512], strides = [1, 1]} : vector<5x512xf32> to vector<1x512xf32>
    %slice3A_2471 = vector.extract_strided_slice %dot_general3A_130 {offsets = [2, 0], sizes = [1, 512], strides = [1, 1]} : vector<5x512xf32> to vector<1x512xf32>
    %slice3A_2472 = vector.extract_strided_slice %dot_general3A_130 {offsets = [3, 0], sizes = [1, 512], strides = [1, 1]} : vector<5x512xf32> to vector<1x512xf32>
    %slice3A_2473 = vector.extract_strided_slice %dot_general3A_130 {offsets = [4, 0], sizes = [1, 512], strides = [1, 1]} : vector<5x512xf32> to vector<1x512xf32>
    %max3A_2474 = vector.broadcast %slice3A_2255 : vector<512x1xf32> to vector<512x512xf32>
    %max3A_2475 = vector.broadcast %slice3A_2469 : vector<1x512xf32> to vector<512x512xf32>
    %max3A_2476 = arith.maximumf %max3A_2474, %max3A_2475 : vector<512x512xf32>
    %max3A_2477 = vector.broadcast %slice3A_2256 : vector<512x1xf32> to vector<512x512xf32>
    %max3A_2478 = vector.broadcast %slice3A_2470 : vector<1x512xf32> to vector<512x512xf32>
    %max3A_2479 = arith.maximumf %max3A_2477, %max3A_2478 : vector<512x512xf32>
    %min3A_2480 = vector.broadcast %slice3A_2257 : vector<512x1xf32> to vector<512x512xf32>
    %min3A_2481 = vector.broadcast %slice3A_2471 : vector<1x512xf32> to vector<512x512xf32>
    %min3A_2482 = arith.minimumf %min3A_2480, %min3A_2481 : vector<512x512xf32>
    %min3A_2483 = vector.broadcast %slice3A_2258 : vector<512x1xf32> to vector<512x512xf32>
    %min3A_2484 = vector.broadcast %slice3A_2472 : vector<1x512xf32> to vector<512x512xf32>
    %min3A_2485 = arith.minimumf %min3A_2483, %min3A_2484 : vector<512x512xf32>
    %sub3A_2486 = arith.subf %min3A_2482, %max3A_2476 : vector<512x512xf32>
    %max3A_2487 = arith.constant 0.000000e+00 : f32
    %max3A_2488 = vector.broadcast %max3A_2487 : f32 to vector<512x512xf32>
    %max3A_2489 = arith.maximumf %sub3A_2486, %max3A_2488 : vector<512x512xf32>
    %sub3A_2490 = arith.subf %min3A_2485, %max3A_2479 : vector<512x512xf32>
    %max3A_2491 = arith.constant 0.000000e+00 : f32
    %max3A_2492 = vector.broadcast %max3A_2491 : f32 to vector<512x512xf32>
    %max3A_2493 = arith.maximumf %sub3A_2490, %max3A_2492 : vector<512x512xf32>
    %mul3A_2494 = arith.mulf %max3A_2489, %max3A_2493 : vector<512x512xf32>
    %add3A_2495 = vector.broadcast %slice3A_2259 : vector<512x1xf32> to vector<512x512xf32>
    %add3A_2496 = vector.broadcast %slice3A_2473 : vector<1x512xf32> to vector<512x512xf32>
    %add3A_2497 = arith.addf %add3A_2495, %add3A_2496 : vector<512x512xf32>
    %sub3A_2498 = arith.subf %add3A_2497, %mul3A_2494 : vector<512x512xf32>
    %add3A_2499 = arith.constant 9.99999971E-10 : f32
    %add3A_2500 = vector.broadcast %add3A_2499 : f32 to vector<512x512xf32>
    %add3A_2501 = arith.addf %sub3A_2498, %add3A_2500 : vector<512x512xf32>
    %div3A_2502 = arith.divf %mul3A_2494, %add3A_2501 : vector<512x512xf32>
    %gt3A_2503 = arith.constant 5.000000e-01 : f32
    %gt3A_2504 = vector.broadcast %gt3A_2503 : f32 to vector<512x512xf32>
    %gt3A_2505 = arith.cmpf ogt, %div3A_2502, %gt3A_2504 : vector<512x512xf32>
    %convert_element_type3A_2506 = arith.extui %gt3A_2505 : vector<512x512xi1> to vector<512x512xi32>
    %convert_element_type3A_2507 = arith.sitofp %convert_element_type3A_2506 : vector<512x512xi32> to vector<512x512xf32>
    %dot_general3A_2508 = arith.constant dense<0.000000e+00> : vector<512x1xf32>
    %dot_general3A_2509 = tpu.matmul %convert_element_type3A_2507, %while3A_2306#1, %dot_general3A_2508 {dimension_numbers = #tpu.dot_dimension_numbers<[0], [0], [1], [1], [0, 1, 1, 1], [], []>, transpose_lhs_hint = false} : vector<512x512xf32>, vector<512x1xf32>, vector<512x1xf32> -> vector<512x1xf32>
    %get3A_2510 = arith.constant 4608 : index
    %get3A_2511 = arith.constant 0 : index
    %get3A_2512 = vector.load %arg1[%get3A_2510, %get3A_2511] : memref<5120x1xf32, #tpu.memory_space<vmem>>, vector<512x1xf32>
    %eq3A_2513 = arith.constant 0.000000e+00 : f32
    %eq3A_2514 = vector.broadcast %eq3A_2513 : f32 to vector<512x1xf32>
    %eq3A_2515 = arith.cmpf oeq, %dot_general3A_2509, %eq3A_2514 : vector<512x1xf32>
    %convert_element_type3A_2516 = arith.extui %eq3A_2515 : vector<512x1xi1> to vector<512x1xi32>
    %convert_element_type3A_2517 = arith.sitofp %convert_element_type3A_2516 : vector<512x1xi32> to vector<512x1xf32>
    %mul3A_2518 = arith.mulf %get3A_2512, %convert_element_type3A_2517 : vector<512x1xf32>
    %swap3A_2519 = arith.constant 4608 : index
    %swap3A_2520 = arith.constant 0 : index
    %swap3A_2521 = vector.load %arg1[%swap3A_2519, %swap3A_2520] : memref<5120x1xf32, #tpu.memory_space<vmem>>, vector<512x1xf32>
    tpu.vector_store %arg1[%swap3A_2519, %swap3A_2520], %mul3A_2518 {strides = array<i32>} : memref<5120x1xf32, #tpu.memory_space<vmem>>, vector<512x1xf32>,
    %slice3A_2522 = vector.extract_strided_slice %concatenate3A_89 {offsets = [0, 0], sizes = [512, 1], strides = [1, 1]} : vector<512x5xf32> to vector<512x1xf32>
    %slice3A_2523 = vector.extract_strided_slice %concatenate3A_89 {offsets = [0, 1], sizes = [512, 1], strides = [1, 1]} : vector<512x5xf32> to vector<512x1xf32>
    %slice3A_2524 = vector.extract_strided_slice %concatenate3A_89 {offsets = [0, 2], sizes = [512, 1], strides = [1, 1]} : vector<512x5xf32> to vector<512x1xf32>
    %slice3A_2525 = vector.extract_strided_slice %concatenate3A_89 {offsets = [0, 3], sizes = [512, 1], strides = [1, 1]} : vector<512x5xf32> to vector<512x1xf32>
    %slice3A_2526 = vector.extract_strided_slice %concatenate3A_89 {offsets = [0, 4], sizes = [512, 1], strides = [1, 1]} : vector<512x5xf32> to vector<512x1xf32>
    %slice3A_2527 = vector.extract_strided_slice %dot_general3A_91 {offsets = [0, 0], sizes = [1, 512], strides = [1, 1]} : vector<5x512xf32> to vector<1x512xf32>
    %slice3A_2528 = vector.extract_strided_slice %dot_general3A_91 {offsets = [1, 0], sizes = [1, 512], strides = [1, 1]} : vector<5x512xf32> to vector<1x512xf32>
    %slice3A_2529 = vector.extract_strided_slice %dot_general3A_91 {offsets = [2, 0], sizes = [1, 512], strides = [1, 1]} : vector<5x512xf32> to vector<1x512xf32>
    %slice3A_2530 = vector.extract_strided_slice %dot_general3A_91 {offsets = [3, 0], sizes = [1, 512], strides = [1, 1]} : vector<5x512xf32> to vector<1x512xf32>
    %slice3A_2531 = vector.extract_strided_slice %dot_general3A_91 {offsets = [4, 0], sizes = [1, 512], strides = [1, 1]} : vector<5x512xf32> to vector<1x512xf32>
    %max3A_2532 = vector.broadcast %slice3A_2522 : vector<512x1xf32> to vector<512x512xf32>
    %max3A_2533 = vector.broadcast %slice3A_2527 : vector<1x512xf32> to vector<512x512xf32>
    %max3A_2534 = arith.maximumf %max3A_2532, %max3A_2533 : vector<512x512xf32>
    %max3A_2535 = vector.broadcast %slice3A_2523 : vector<512x1xf32> to vector<512x512xf32>
    %max3A_2536 = vector.broadcast %slice3A_2528 : vector<1x512xf32> to vector<512x512xf32>
    %max3A_2537 = arith.maximumf %max3A_2535, %max3A_2536 : vector<512x512xf32>
    %min3A_2538 = vector.broadcast %slice3A_2524 : vector<512x1xf32> to vector<512x512xf32>
    %min3A_2539 = vector.broadcast %slice3A_2529 : vector<1x512xf32> to vector<512x512xf32>
    %min3A_2540 = arith.minimumf %min3A_2538, %min3A_2539 : vector<512x512xf32>
    %min3A_2541 = vector.broadcast %slice3A_2525 : vector<512x1xf32> to vector<512x512xf32>
    %min3A_2542 = vector.broadcast %slice3A_2530 : vector<1x512xf32> to vector<512x512xf32>
    %min3A_2543 = arith.minimumf %min3A_2541, %min3A_2542 : vector<512x512xf32>
    %sub3A_2544 = arith.subf %min3A_2540, %max3A_2534 : vector<512x512xf32>
    %max3A_2545 = arith.constant 0.000000e+00 : f32
    %max3A_2546 = vector.broadcast %max3A_2545 : f32 to vector<512x512xf32>
    %max3A_2547 = arith.maximumf %sub3A_2544, %max3A_2546 : vector<512x512xf32>
    %sub3A_2548 = arith.subf %min3A_2543, %max3A_2537 : vector<512x512xf32>
    %max3A_2549 = arith.constant 0.000000e+00 : f32
    %max3A_2550 = vector.broadcast %max3A_2549 : f32 to vector<512x512xf32>
    %max3A_2551 = arith.maximumf %sub3A_2548, %max3A_2550 : vector<512x512xf32>
    %mul3A_2552 = arith.mulf %max3A_2547, %max3A_2551 : vector<512x512xf32>
    %add3A_2553 = vector.broadcast %slice3A_2526 : vector<512x1xf32> to vector<512x512xf32>
    %add3A_2554 = vector.broadcast %slice3A_2531 : vector<1x512xf32> to vector<512x512xf32>
    %add3A_2555 = arith.addf %add3A_2553, %add3A_2554 : vector<512x512xf32>
    %sub3A_2556 = arith.subf %add3A_2555, %mul3A_2552 : vector<512x512xf32>
    %add3A_2557 = arith.constant 9.99999971E-10 : f32
    %add3A_2558 = vector.broadcast %add3A_2557 : f32 to vector<512x512xf32>
    %add3A_2559 = arith.addf %sub3A_2556, %add3A_2558 : vector<512x512xf32>
    %div3A_2560 = arith.divf %mul3A_2552, %add3A_2559 : vector<512x512xf32>
    %gt3A_2561 = arith.constant 5.000000e-01 : f32
    %gt3A_2562 = vector.broadcast %gt3A_2561 : f32 to vector<512x512xf32>
    %gt3A_2563 = arith.cmpf ogt, %div3A_2560, %gt3A_2562 : vector<512x512xf32>
    %convert_element_type3A_2564 = arith.extui %gt3A_2563 : vector<512x512xi1> to vector<512x512xi32>
    %convert_element_type3A_2565 = arith.sitofp %convert_element_type3A_2564 : vector<512x512xi32> to vector<512x512xf32>
    %mul3A_2566 = arith.mulf %convert_element_type3A_2565, %convert_element_type3A_4 : vector<512x512xf32>
    %get3A_2567 = arith.constant 3072 : index
    %get3A_2568 = arith.constant 0 : index
    %get3A_2569 = vector.load %arg1[%get3A_2567, %get3A_2568] : memref<5120x1xf32, #tpu.memory_space<vmem>>, vector<512x1xf32>
    %sub3A_2570 = arith.constant 1.000000e+00 : f32
    %sub3A_2571 = vector.broadcast %sub3A_2570 : f32 to vector<512x1xf32>
    %sub3A_2572 = arith.subf %get3A_2569, %sub3A_2571 : vector<512x1xf32>
    %while3A_2573:2 = scf.while (%while3A_3060 = %sub3A_2572, %while3A_3061 = %get3A_2569) : (vector<512x1xf32>, vector<512x1xf32>) -> (vector<512x1xf32>, vector<512x1xf32>) {
      %ne3A = arith.cmpf one, %while3A_3060, %while3A_3061 : vector<512x1xf32>
      %reduce_or3A = arith.constant 1.000000e+00 : f32
      %reduce_or3A_3062 = arith.constant 0.000000e+00 : f32
      %reduce_or3A_3063 = vector.broadcast %reduce_or3A : f32 to vector<512x1xf32>
      %reduce_or3A_3064 = vector.broadcast %reduce_or3A_3062 : f32 to vector<512x1xf32>
      %reduce_or3A_3065 = arith.select %ne3A, %reduce_or3A_3063, %reduce_or3A_3064 : vector<512x1xi1>, vector<512x1xf32>
      %reduce_or3A_3066 = vector.shape_cast %reduce_or3A_3065 : vector<512x1xf32> to vector<1x512x1xf32>
      %reduce_or3A_3067 = arith.constant dense<0xFF800000> : vector<1xf32>
      %reduce_or3A_3068 = vector.multi_reduction <maximumf>, %reduce_or3A_3066, %reduce_or3A_3067 [1, 2] : vector<1x512x1xf32> to vector<1xf32>
      %reduce_or3A_3069 = vector.shape_cast %reduce_or3A_3068 : vector<1xf32> to vector<1x1x1xf32>
      %reduce_or3A_3070 = vector.extract %reduce_or3A_3069[0, 0, 0] : f32 from vector<1x1x1xf32>
      %reduce_or3A_3071 = arith.constant 0.000000e+00 : f32
      %reduce_or3A_3072 = arith.cmpf ogt, %reduce_or3A_3070, %reduce_or3A_3071 : f32
      scf.condition(%reduce_or3A_3072) %while3A_3060, %while3A_3061 : vector<512x1xf32>, vector<512x1xf32>
    } do {
    ^bb0(%while3A_3060: vector<512x1xf32>, %while3A_3061: vector<512x1xf32>):
      %dot_general3A_3062 = arith.constant dense<0.000000e+00> : vector<512x1xf32>
      %dot_general3A_3063 = tpu.matmul %mul3A_2566, %while3A_3061, %dot_general3A_3062 {dimension_numbers = #tpu.dot_dimension_numbers<[0], [0], [1], [1], [0, 1, 1, 1], [], []>, transpose_lhs_hint = false} : vector<512x512xf32>, vector<512x1xf32>, vector<512x1xf32> -> vector<512x1xf32>
      %eq3A_3064 = arith.constant 0.000000e+00 : f32
      %eq3A_3065 = vector.broadcast %eq3A_3064 : f32 to vector<512x1xf32>
      %eq3A_3066 = arith.cmpf oeq, %dot_general3A_3063, %eq3A_3065 : vector<512x1xf32>
      %convert_element_type3A_3067 = arith.extui %eq3A_3066 : vector<512x1xi1> to vector<512x1xi32>
      %convert_element_type3A_3068 = arith.sitofp %convert_element_type3A_3067 : vector<512x1xi32> to vector<512x1xf32>
      %mul3A_3069 = arith.mulf %get3A_2569, %convert_element_type3A_3068 : vector<512x1xf32>
      scf.yield %while3A_3061, %mul3A_3069 : vector<512x1xf32>, vector<512x1xf32>
    }
    %swap3A_2574 = arith.constant 3072 : index
    %swap3A_2575 = arith.constant 0 : index
    %swap3A_2576 = vector.load %arg1[%swap3A_2574, %swap3A_2575] : memref<5120x1xf32, #tpu.memory_space<vmem>>, vector<512x1xf32>
    tpu.vector_store %arg1[%swap3A_2574, %swap3A_2575], %while3A_2573#1 {strides = array<i32>} : memref<5120x1xf32, #tpu.memory_space<vmem>>, vector<512x1xf32>,
    %slice3A_2577 = vector.extract_strided_slice %dot_general3A_104 {offsets = [0, 0], sizes = [1, 512], strides = [1, 1]} : vector<5x512xf32> to vector<1x512xf32>
    %slice3A_2578 = vector.extract_strided_slice %dot_general3A_104 {offsets = [1, 0], sizes = [1, 512], strides = [1, 1]} : vector<5x512xf32> to vector<1x512xf32>
    %slice3A_2579 = vector.extract_strided_slice %dot_general3A_104 {offsets = [2, 0], sizes = [1, 512], strides = [1, 1]} : vector<5x512xf32> to vector<1x512xf32>
    %slice3A_2580 = vector.extract_strided_slice %dot_general3A_104 {offsets = [3, 0], sizes = [1, 512], strides = [1, 1]} : vector<5x512xf32> to vector<1x512xf32>
    %slice3A_2581 = vector.extract_strided_slice %dot_general3A_104 {offsets = [4, 0], sizes = [1, 512], strides = [1, 1]} : vector<5x512xf32> to vector<1x512xf32>
    %max3A_2582 = vector.broadcast %slice3A_2522 : vector<512x1xf32> to vector<512x512xf32>
    %max3A_2583 = vector.broadcast %slice3A_2577 : vector<1x512xf32> to vector<512x512xf32>
    %max3A_2584 = arith.maximumf %max3A_2582, %max3A_2583 : vector<512x512xf32>
    %max3A_2585 = vector.broadcast %slice3A_2523 : vector<512x1xf32> to vector<512x512xf32>
    %max3A_2586 = vector.broadcast %slice3A_2578 : vector<1x512xf32> to vector<512x512xf32>
    %max3A_2587 = arith.maximumf %max3A_2585, %max3A_2586 : vector<512x512xf32>
    %min3A_2588 = vector.broadcast %slice3A_2524 : vector<512x1xf32> to vector<512x512xf32>
    %min3A_2589 = vector.broadcast %slice3A_2579 : vector<1x512xf32> to vector<512x512xf32>
    %min3A_2590 = arith.minimumf %min3A_2588, %min3A_2589 : vector<512x512xf32>
    %min3A_2591 = vector.broadcast %slice3A_2525 : vector<512x1xf32> to vector<512x512xf32>
    %min3A_2592 = vector.broadcast %slice3A_2580 : vector<1x512xf32> to vector<512x512xf32>
    %min3A_2593 = arith.minimumf %min3A_2591, %min3A_2592 : vector<512x512xf32>
    %sub3A_2594 = arith.subf %min3A_2590, %max3A_2584 : vector<512x512xf32>
    %max3A_2595 = arith.constant 0.000000e+00 : f32
    %max3A_2596 = vector.broadcast %max3A_2595 : f32 to vector<512x512xf32>
    %max3A_2597 = arith.maximumf %sub3A_2594, %max3A_2596 : vector<512x512xf32>
    %sub3A_2598 = arith.subf %min3A_2593, %max3A_2587 : vector<512x512xf32>
    %max3A_2599 = arith.constant 0.000000e+00 : f32
    %max3A_2600 = vector.broadcast %max3A_2599 : f32 to vector<512x512xf32>
    %max3A_2601 = arith.maximumf %sub3A_2598, %max3A_2600 : vector<512x512xf32>
    %mul3A_2602 = arith.mulf %max3A_2597, %max3A_2601 : vector<512x512xf32>
    %add3A_2603 = vector.broadcast %slice3A_2526 : vector<512x1xf32> to vector<512x512xf32>
    %add3A_2604 = vector.broadcast %slice3A_2581 : vector<1x512xf32> to vector<512x512xf32>
    %add3A_2605 = arith.addf %add3A_2603, %add3A_2604 : vector<512x512xf32>
    %sub3A_2606 = arith.subf %add3A_2605, %mul3A_2602 : vector<512x512xf32>
    %add3A_2607 = arith.constant 9.99999971E-10 : f32
    %add3A_2608 = vector.broadcast %add3A_2607 : f32 to vector<512x512xf32>
    %add3A_2609 = arith.addf %sub3A_2606, %add3A_2608 : vector<512x512xf32>
    %div3A_2610 = arith.divf %mul3A_2602, %add3A_2609 : vector<512x512xf32>
    %gt3A_2611 = arith.constant 5.000000e-01 : f32
    %gt3A_2612 = vector.broadcast %gt3A_2611 : f32 to vector<512x512xf32>
    %gt3A_2613 = arith.cmpf ogt, %div3A_2610, %gt3A_2612 : vector<512x512xf32>
    %convert_element_type3A_2614 = arith.extui %gt3A_2613 : vector<512x512xi1> to vector<512x512xi32>
    %convert_element_type3A_2615 = arith.sitofp %convert_element_type3A_2614 : vector<512x512xi32> to vector<512x512xf32>
    %dot_general3A_2616 = arith.constant dense<0.000000e+00> : vector<512x1xf32>
    %dot_general3A_2617 = tpu.matmul %convert_element_type3A_2615, %while3A_2573#1, %dot_general3A_2616 {dimension_numbers = #tpu.dot_dimension_numbers<[0], [0], [1], [1], [0, 1, 1, 1], [], []>, transpose_lhs_hint = false} : vector<512x512xf32>, vector<512x1xf32>, vector<512x1xf32> -> vector<512x1xf32>
    %get3A_2618 = arith.constant 3584 : index
    %get3A_2619 = arith.constant 0 : index
    %get3A_2620 = vector.load %arg1[%get3A_2618, %get3A_2619] : memref<5120x1xf32, #tpu.memory_space<vmem>>, vector<512x1xf32>
    %eq3A_2621 = arith.constant 0.000000e+00 : f32
    %eq3A_2622 = vector.broadcast %eq3A_2621 : f32 to vector<512x1xf32>
    %eq3A_2623 = arith.cmpf oeq, %dot_general3A_2617, %eq3A_2622 : vector<512x1xf32>
    %convert_element_type3A_2624 = arith.extui %eq3A_2623 : vector<512x1xi1> to vector<512x1xi32>
    %convert_element_type3A_2625 = arith.sitofp %convert_element_type3A_2624 : vector<512x1xi32> to vector<512x1xf32>
    %mul3A_2626 = arith.mulf %get3A_2620, %convert_element_type3A_2625 : vector<512x1xf32>
    %swap3A_2627 = arith.constant 3584 : index
    %swap3A_2628 = arith.constant 0 : index
    %swap3A_2629 = vector.load %arg1[%swap3A_2627, %swap3A_2628] : memref<5120x1xf32, #tpu.memory_space<vmem>>, vector<512x1xf32>
    tpu.vector_store %arg1[%swap3A_2627, %swap3A_2628], %mul3A_2626 {strides = array<i32>} : memref<5120x1xf32, #tpu.memory_space<vmem>>, vector<512x1xf32>,
    %slice3A_2630 = vector.extract_strided_slice %dot_general3A_117 {offsets = [0, 0], sizes = [1, 512], strides = [1, 1]} : vector<5x512xf32> to vector<1x512xf32>
    %slice3A_2631 = vector.extract_strided_slice %dot_general3A_117 {offsets = [1, 0], sizes = [1, 512], strides = [1, 1]} : vector<5x512xf32> to vector<1x512xf32>
    %slice3A_2632 = vector.extract_strided_slice %dot_general3A_117 {offsets = [2, 0], sizes = [1, 512], strides = [1, 1]} : vector<5x512xf32> to vector<1x512xf32>
    %slice3A_2633 = vector.extract_strided_slice %dot_general3A_117 {offsets = [3, 0], sizes = [1, 512], strides = [1, 1]} : vector<5x512xf32> to vector<1x512xf32>
    %slice3A_2634 = vector.extract_strided_slice %dot_general3A_117 {offsets = [4, 0], sizes = [1, 512], strides = [1, 1]} : vector<5x512xf32> to vector<1x512xf32>
    %max3A_2635 = vector.broadcast %slice3A_2522 : vector<512x1xf32> to vector<512x512xf32>
    %max3A_2636 = vector.broadcast %slice3A_2630 : vector<1x512xf32> to vector<512x512xf32>
    %max3A_2637 = arith.maximumf %max3A_2635, %max3A_2636 : vector<512x512xf32>
    %max3A_2638 = vector.broadcast %slice3A_2523 : vector<512x1xf32> to vector<512x512xf32>
    %max3A_2639 = vector.broadcast %slice3A_2631 : vector<1x512xf32> to vector<512x512xf32>
    %max3A_2640 = arith.maximumf %max3A_2638, %max3A_2639 : vector<512x512xf32>
    %min3A_2641 = vector.broadcast %slice3A_2524 : vector<512x1xf32> to vector<512x512xf32>
    %min3A_2642 = vector.broadcast %slice3A_2632 : vector<1x512xf32> to vector<512x512xf32>
    %min3A_2643 = arith.minimumf %min3A_2641, %min3A_2642 : vector<512x512xf32>
    %min3A_2644 = vector.broadcast %slice3A_2525 : vector<512x1xf32> to vector<512x512xf32>
    %min3A_2645 = vector.broadcast %slice3A_2633 : vector<1x512xf32> to vector<512x512xf32>
    %min3A_2646 = arith.minimumf %min3A_2644, %min3A_2645 : vector<512x512xf32>
    %sub3A_2647 = arith.subf %min3A_2643, %max3A_2637 : vector<512x512xf32>
    %max3A_2648 = arith.constant 0.000000e+00 : f32
    %max3A_2649 = vector.broadcast %max3A_2648 : f32 to vector<512x512xf32>
    %max3A_2650 = arith.maximumf %sub3A_2647, %max3A_2649 : vector<512x512xf32>
    %sub3A_2651 = arith.subf %min3A_2646, %max3A_2640 : vector<512x512xf32>
    %max3A_2652 = arith.constant 0.000000e+00 : f32
    %max3A_2653 = vector.broadcast %max3A_2652 : f32 to vector<512x512xf32>
    %max3A_2654 = arith.maximumf %sub3A_2651, %max3A_2653 : vector<512x512xf32>
    %mul3A_2655 = arith.mulf %max3A_2650, %max3A_2654 : vector<512x512xf32>
    %add3A_2656 = vector.broadcast %slice3A_2526 : vector<512x1xf32> to vector<512x512xf32>
    %add3A_2657 = vector.broadcast %slice3A_2634 : vector<1x512xf32> to vector<512x512xf32>
    %add3A_2658 = arith.addf %add3A_2656, %add3A_2657 : vector<512x512xf32>
    %sub3A_2659 = arith.subf %add3A_2658, %mul3A_2655 : vector<512x512xf32>
    %add3A_2660 = arith.constant 9.99999971E-10 : f32
    %add3A_2661 = vector.broadcast %add3A_2660 : f32 to vector<512x512xf32>
    %add3A_2662 = arith.addf %sub3A_2659, %add3A_2661 : vector<512x512xf32>
    %div3A_2663 = arith.divf %mul3A_2655, %add3A_2662 : vector<512x512xf32>
    %gt3A_2664 = arith.constant 5.000000e-01 : f32
    %gt3A_2665 = vector.broadcast %gt3A_2664 : f32 to vector<512x512xf32>
    %gt3A_2666 = arith.cmpf ogt, %div3A_2663, %gt3A_2665 : vector<512x512xf32>
    %convert_element_type3A_2667 = arith.extui %gt3A_2666 : vector<512x512xi1> to vector<512x512xi32>
    %convert_element_type3A_2668 = arith.sitofp %convert_element_type3A_2667 : vector<512x512xi32> to vector<512x512xf32>
    %dot_general3A_2669 = arith.constant dense<0.000000e+00> : vector<512x1xf32>
    %dot_general3A_2670 = tpu.matmul %convert_element_type3A_2668, %while3A_2573#1, %dot_general3A_2669 {dimension_numbers = #tpu.dot_dimension_numbers<[0], [0], [1], [1], [0, 1, 1, 1], [], []>, transpose_lhs_hint = false} : vector<512x512xf32>, vector<512x1xf32>, vector<512x1xf32> -> vector<512x1xf32>
    %get3A_2671 = arith.constant 4096 : index
    %get3A_2672 = arith.constant 0 : index
    %get3A_2673 = vector.load %arg1[%get3A_2671, %get3A_2672] : memref<5120x1xf32, #tpu.memory_space<vmem>>, vector<512x1xf32>
    %eq3A_2674 = arith.constant 0.000000e+00 : f32
    %eq3A_2675 = vector.broadcast %eq3A_2674 : f32 to vector<512x1xf32>
    %eq3A_2676 = arith.cmpf oeq, %dot_general3A_2670, %eq3A_2675 : vector<512x1xf32>
    %convert_element_type3A_2677 = arith.extui %eq3A_2676 : vector<512x1xi1> to vector<512x1xi32>
    %convert_element_type3A_2678 = arith.sitofp %convert_element_type3A_2677 : vector<512x1xi32> to vector<512x1xf32>
    %mul3A_2679 = arith.mulf %get3A_2673, %convert_element_type3A_2678 : vector<512x1xf32>
    %swap3A_2680 = arith.constant 4096 : index
    %swap3A_2681 = arith.constant 0 : index
    %swap3A_2682 = vector.load %arg1[%swap3A_2680, %swap3A_2681] : memref<5120x1xf32, #tpu.memory_space<vmem>>, vector<512x1xf32>
    tpu.vector_store %arg1[%swap3A_2680, %swap3A_2681], %mul3A_2679 {strides = array<i32>} : memref<5120x1xf32, #tpu.memory_space<vmem>>, vector<512x1xf32>,
    %slice3A_2683 = vector.extract_strided_slice %dot_general3A_130 {offsets = [0, 0], sizes = [1, 512], strides = [1, 1]} : vector<5x512xf32> to vector<1x512xf32>
    %slice3A_2684 = vector.extract_strided_slice %dot_general3A_130 {offsets = [1, 0], sizes = [1, 512], strides = [1, 1]} : vector<5x512xf32> to vector<1x512xf32>
    %slice3A_2685 = vector.extract_strided_slice %dot_general3A_130 {offsets = [2, 0], sizes = [1, 512], strides = [1, 1]} : vector<5x512xf32> to vector<1x512xf32>
    %slice3A_2686 = vector.extract_strided_slice %dot_general3A_130 {offsets = [3, 0], sizes = [1, 512], strides = [1, 1]} : vector<5x512xf32> to vector<1x512xf32>
    %slice3A_2687 = vector.extract_strided_slice %dot_general3A_130 {offsets = [4, 0], sizes = [1, 512], strides = [1, 1]} : vector<5x512xf32> to vector<1x512xf32>
    %max3A_2688 = vector.broadcast %slice3A_2522 : vector<512x1xf32> to vector<512x512xf32>
    %max3A_2689 = vector.broadcast %slice3A_2683 : vector<1x512xf32> to vector<512x512xf32>
    %max3A_2690 = arith.maximumf %max3A_2688, %max3A_2689 : vector<512x512xf32>
    %max3A_2691 = vector.broadcast %slice3A_2523 : vector<512x1xf32> to vector<512x512xf32>
    %max3A_2692 = vector.broadcast %slice3A_2684 : vector<1x512xf32> to vector<512x512xf32>
    %max3A_2693 = arith.maximumf %max3A_2691, %max3A_2692 : vector<512x512xf32>
    %min3A_2694 = vector.broadcast %slice3A_2524 : vector<512x1xf32> to vector<512x512xf32>
    %min3A_2695 = vector.broadcast %slice3A_2685 : vector<1x512xf32> to vector<512x512xf32>
    %min3A_2696 = arith.minimumf %min3A_2694, %min3A_2695 : vector<512x512xf32>
    %min3A_2697 = vector.broadcast %slice3A_2525 : vector<512x1xf32> to vector<512x512xf32>
    %min3A_2698 = vector.broadcast %slice3A_2686 : vector<1x512xf32> to vector<512x512xf32>
    %min3A_2699 = arith.minimumf %min3A_2697, %min3A_2698 : vector<512x512xf32>
    %sub3A_2700 = arith.subf %min3A_2696, %max3A_2690 : vector<512x512xf32>
    %max3A_2701 = arith.constant 0.000000e+00 : f32
    %max3A_2702 = vector.broadcast %max3A_2701 : f32 to vector<512x512xf32>
    %max3A_2703 = arith.maximumf %sub3A_2700, %max3A_2702 : vector<512x512xf32>
    %sub3A_2704 = arith.subf %min3A_2699, %max3A_2693 : vector<512x512xf32>
    %max3A_2705 = arith.constant 0.000000e+00 : f32
    %max3A_2706 = vector.broadcast %max3A_2705 : f32 to vector<512x512xf32>
    %max3A_2707 = arith.maximumf %sub3A_2704, %max3A_2706 : vector<512x512xf32>
    %mul3A_2708 = arith.mulf %max3A_2703, %max3A_2707 : vector<512x512xf32>
    %add3A_2709 = vector.broadcast %slice3A_2526 : vector<512x1xf32> to vector<512x512xf32>
    %add3A_2710 = vector.broadcast %slice3A_2687 : vector<1x512xf32> to vector<512x512xf32>
    %add3A_2711 = arith.addf %add3A_2709, %add3A_2710 : vector<512x512xf32>
    %sub3A_2712 = arith.subf %add3A_2711, %mul3A_2708 : vector<512x512xf32>
    %add3A_2713 = arith.constant 9.99999971E-10 : f32
    %add3A_2714 = vector.broadcast %add3A_2713 : f32 to vector<512x512xf32>
    %add3A_2715 = arith.addf %sub3A_2712, %add3A_2714 : vector<512x512xf32>
    %div3A_2716 = arith.divf %mul3A_2708, %add3A_2715 : vector<512x512xf32>
    %gt3A_2717 = arith.constant 5.000000e-01 : f32
    %gt3A_2718 = vector.broadcast %gt3A_2717 : f32 to vector<512x512xf32>
    %gt3A_2719 = arith.cmpf ogt, %div3A_2716, %gt3A_2718 : vector<512x512xf32>
    %convert_element_type3A_2720 = arith.extui %gt3A_2719 : vector<512x512xi1> to vector<512x512xi32>
    %convert_element_type3A_2721 = arith.sitofp %convert_element_type3A_2720 : vector<512x512xi32> to vector<512x512xf32>
    %dot_general3A_2722 = arith.constant dense<0.000000e+00> : vector<512x1xf32>
    %dot_general3A_2723 = tpu.matmul %convert_element_type3A_2721, %while3A_2573#1, %dot_general3A_2722 {dimension_numbers = #tpu.dot_dimension_numbers<[0], [0], [1], [1], [0, 1, 1, 1], [], []>, transpose_lhs_hint = false} : vector<512x512xf32>, vector<512x1xf32>, vector<512x1xf32> -> vector<512x1xf32>
    %get3A_2724 = arith.constant 4608 : index
    %get3A_2725 = arith.constant 0 : index
    %get3A_2726 = vector.load %arg1[%get3A_2724, %get3A_2725] : memref<5120x1xf32, #tpu.memory_space<vmem>>, vector<512x1xf32>
    %eq3A_2727 = arith.constant 0.000000e+00 : f32
    %eq3A_2728 = vector.broadcast %eq3A_2727 : f32 to vector<512x1xf32>
    %eq3A_2729 = arith.cmpf oeq, %dot_general3A_2723, %eq3A_2728 : vector<512x1xf32>
    %convert_element_type3A_2730 = arith.extui %eq3A_2729 : vector<512x1xi1> to vector<512x1xi32>
    %convert_element_type3A_2731 = arith.sitofp %convert_element_type3A_2730 : vector<512x1xi32> to vector<512x1xf32>
    %mul3A_2732 = arith.mulf %get3A_2726, %convert_element_type3A_2731 : vector<512x1xf32>
    %swap3A_2733 = arith.constant 4608 : index
    %swap3A_2734 = arith.constant 0 : index
    %swap3A_2735 = vector.load %arg1[%swap3A_2733, %swap3A_2734] : memref<5120x1xf32, #tpu.memory_space<vmem>>, vector<512x1xf32>
    tpu.vector_store %arg1[%swap3A_2733, %swap3A_2734], %mul3A_2732 {strides = array<i32>} : memref<5120x1xf32, #tpu.memory_space<vmem>>, vector<512x1xf32>,
    %slice3A_2736 = vector.extract_strided_slice %concatenate3A_102 {offsets = [0, 0], sizes = [512, 1], strides = [1, 1]} : vector<512x5xf32> to vector<512x1xf32>
    %slice3A_2737 = vector.extract_strided_slice %concatenate3A_102 {offsets = [0, 1], sizes = [512, 1], strides = [1, 1]} : vector<512x5xf32> to vector<512x1xf32>
    %slice3A_2738 = vector.extract_strided_slice %concatenate3A_102 {offsets = [0, 2], sizes = [512, 1], strides = [1, 1]} : vector<512x5xf32> to vector<512x1xf32>
    %slice3A_2739 = vector.extract_strided_slice %concatenate3A_102 {offsets = [0, 3], sizes = [512, 1], strides = [1, 1]} : vector<512x5xf32> to vector<512x1xf32>
    %slice3A_2740 = vector.extract_strided_slice %concatenate3A_102 {offsets = [0, 4], sizes = [512, 1], strides = [1, 1]} : vector<512x5xf32> to vector<512x1xf32>
    %slice3A_2741 = vector.extract_strided_slice %dot_general3A_104 {offsets = [0, 0], sizes = [1, 512], strides = [1, 1]} : vector<5x512xf32> to vector<1x512xf32>
    %slice3A_2742 = vector.extract_strided_slice %dot_general3A_104 {offsets = [1, 0], sizes = [1, 512], strides = [1, 1]} : vector<5x512xf32> to vector<1x512xf32>
    %slice3A_2743 = vector.extract_strided_slice %dot_general3A_104 {offsets = [2, 0], sizes = [1, 512], strides = [1, 1]} : vector<5x512xf32> to vector<1x512xf32>
    %slice3A_2744 = vector.extract_strided_slice %dot_general3A_104 {offsets = [3, 0], sizes = [1, 512], strides = [1, 1]} : vector<5x512xf32> to vector<1x512xf32>
    %slice3A_2745 = vector.extract_strided_slice %dot_general3A_104 {offsets = [4, 0], sizes = [1, 512], strides = [1, 1]} : vector<5x512xf32> to vector<1x512xf32>
    %max3A_2746 = vector.broadcast %slice3A_2736 : vector<512x1xf32> to vector<512x512xf32>
    %max3A_2747 = vector.broadcast %slice3A_2741 : vector<1x512xf32> to vector<512x512xf32>
    %max3A_2748 = arith.maximumf %max3A_2746, %max3A_2747 : vector<512x512xf32>
    %max3A_2749 = vector.broadcast %slice3A_2737 : vector<512x1xf32> to vector<512x512xf32>
    %max3A_2750 = vector.broadcast %slice3A_2742 : vector<1x512xf32> to vector<512x512xf32>
    %max3A_2751 = arith.maximumf %max3A_2749, %max3A_2750 : vector<512x512xf32>
    %min3A_2752 = vector.broadcast %slice3A_2738 : vector<512x1xf32> to vector<512x512xf32>
    %min3A_2753 = vector.broadcast %slice3A_2743 : vector<1x512xf32> to vector<512x512xf32>
    %min3A_2754 = arith.minimumf %min3A_2752, %min3A_2753 : vector<512x512xf32>
    %min3A_2755 = vector.broadcast %slice3A_2739 : vector<512x1xf32> to vector<512x512xf32>
    %min3A_2756 = vector.broadcast %slice3A_2744 : vector<1x512xf32> to vector<512x512xf32>
    %min3A_2757 = arith.minimumf %min3A_2755, %min3A_2756 : vector<512x512xf32>
    %sub3A_2758 = arith.subf %min3A_2754, %max3A_2748 : vector<512x512xf32>
    %max3A_2759 = arith.constant 0.000000e+00 : f32
    %max3A_2760 = vector.broadcast %max3A_2759 : f32 to vector<512x512xf32>
    %max3A_2761 = arith.maximumf %sub3A_2758, %max3A_2760 : vector<512x512xf32>
    %sub3A_2762 = arith.subf %min3A_2757, %max3A_2751 : vector<512x512xf32>
    %max3A_2763 = arith.constant 0.000000e+00 : f32
    %max3A_2764 = vector.broadcast %max3A_2763 : f32 to vector<512x512xf32>
    %max3A_2765 = arith.maximumf %sub3A_2762, %max3A_2764 : vector<512x512xf32>
    %mul3A_2766 = arith.mulf %max3A_2761, %max3A_2765 : vector<512x512xf32>
    %add3A_2767 = vector.broadcast %slice3A_2740 : vector<512x1xf32> to vector<512x512xf32>
    %add3A_2768 = vector.broadcast %slice3A_2745 : vector<1x512xf32> to vector<512x512xf32>
    %add3A_2769 = arith.addf %add3A_2767, %add3A_2768 : vector<512x512xf32>
    %sub3A_2770 = arith.subf %add3A_2769, %mul3A_2766 : vector<512x512xf32>
    %add3A_2771 = arith.constant 9.99999971E-10 : f32
    %add3A_2772 = vector.broadcast %add3A_2771 : f32 to vector<512x512xf32>
    %add3A_2773 = arith.addf %sub3A_2770, %add3A_2772 : vector<512x512xf32>
    %div3A_2774 = arith.divf %mul3A_2766, %add3A_2773 : vector<512x512xf32>
    %gt3A_2775 = arith.constant 5.000000e-01 : f32
    %gt3A_2776 = vector.broadcast %gt3A_2775 : f32 to vector<512x512xf32>
    %gt3A_2777 = arith.cmpf ogt, %div3A_2774, %gt3A_2776 : vector<512x512xf32>
    %convert_element_type3A_2778 = arith.extui %gt3A_2777 : vector<512x512xi1> to vector<512x512xi32>
    %convert_element_type3A_2779 = arith.sitofp %convert_element_type3A_2778 : vector<512x512xi32> to vector<512x512xf32>
    %mul3A_2780 = arith.mulf %convert_element_type3A_2779, %convert_element_type3A_4 : vector<512x512xf32>
    %get3A_2781 = arith.constant 3584 : index
    %get3A_2782 = arith.constant 0 : index
    %get3A_2783 = vector.load %arg1[%get3A_2781, %get3A_2782] : memref<5120x1xf32, #tpu.memory_space<vmem>>, vector<512x1xf32>
    %sub3A_2784 = arith.constant 1.000000e+00 : f32
    %sub3A_2785 = vector.broadcast %sub3A_2784 : f32 to vector<512x1xf32>
    %sub3A_2786 = arith.subf %get3A_2783, %sub3A_2785 : vector<512x1xf32>
    %while3A_2787:2 = scf.while (%while3A_3060 = %sub3A_2786, %while3A_3061 = %get3A_2783) : (vector<512x1xf32>, vector<512x1xf32>) -> (vector<512x1xf32>, vector<512x1xf32>) {
      %ne3A = arith.cmpf one, %while3A_3060, %while3A_3061 : vector<512x1xf32>
      %reduce_or3A = arith.constant 1.000000e+00 : f32
      %reduce_or3A_3062 = arith.constant 0.000000e+00 : f32
      %reduce_or3A_3063 = vector.broadcast %reduce_or3A : f32 to vector<512x1xf32>
      %reduce_or3A_3064 = vector.broadcast %reduce_or3A_3062 : f32 to vector<512x1xf32>
      %reduce_or3A_3065 = arith.select %ne3A, %reduce_or3A_3063, %reduce_or3A_3064 : vector<512x1xi1>, vector<512x1xf32>
      %reduce_or3A_3066 = vector.shape_cast %reduce_or3A_3065 : vector<512x1xf32> to vector<1x512x1xf32>
      %reduce_or3A_3067 = arith.constant dense<0xFF800000> : vector<1xf32>
      %reduce_or3A_3068 = vector.multi_reduction <maximumf>, %reduce_or3A_3066, %reduce_or3A_3067 [1, 2] : vector<1x512x1xf32> to vector<1xf32>
      %reduce_or3A_3069 = vector.shape_cast %reduce_or3A_3068 : vector<1xf32> to vector<1x1x1xf32>
      %reduce_or3A_3070 = vector.extract %reduce_or3A_3069[0, 0, 0] : f32 from vector<1x1x1xf32>
      %reduce_or3A_3071 = arith.constant 0.000000e+00 : f32
      %reduce_or3A_3072 = arith.cmpf ogt, %reduce_or3A_3070, %reduce_or3A_3071 : f32
      scf.condition(%reduce_or3A_3072) %while3A_3060, %while3A_3061 : vector<512x1xf32>, vector<512x1xf32>
    } do {
    ^bb0(%while3A_3060: vector<512x1xf32>, %while3A_3061: vector<512x1xf32>):
      %dot_general3A_3062 = arith.constant dense<0.000000e+00> : vector<512x1xf32>
      %dot_general3A_3063 = tpu.matmul %mul3A_2780, %while3A_3061, %dot_general3A_3062 {dimension_numbers = #tpu.dot_dimension_numbers<[0], [0], [1], [1], [0, 1, 1, 1], [], []>, transpose_lhs_hint = false} : vector<512x512xf32>, vector<512x1xf32>, vector<512x1xf32> -> vector<512x1xf32>
      %eq3A_3064 = arith.constant 0.000000e+00 : f32
      %eq3A_3065 = vector.broadcast %eq3A_3064 : f32 to vector<512x1xf32>
      %eq3A_3066 = arith.cmpf oeq, %dot_general3A_3063, %eq3A_3065 : vector<512x1xf32>
      %convert_element_type3A_3067 = arith.extui %eq3A_3066 : vector<512x1xi1> to vector<512x1xi32>
      %convert_element_type3A_3068 = arith.sitofp %convert_element_type3A_3067 : vector<512x1xi32> to vector<512x1xf32>
      %mul3A_3069 = arith.mulf %get3A_2783, %convert_element_type3A_3068 : vector<512x1xf32>
      scf.yield %while3A_3061, %mul3A_3069 : vector<512x1xf32>, vector<512x1xf32>
    }
    %swap3A_2788 = arith.constant 3584 : index
    %swap3A_2789 = arith.constant 0 : index
    %swap3A_2790 = vector.load %arg1[%swap3A_2788, %swap3A_2789] : memref<5120x1xf32, #tpu.memory_space<vmem>>, vector<512x1xf32>
    tpu.vector_store %arg1[%swap3A_2788, %swap3A_2789], %while3A_2787#1 {strides = array<i32>} : memref<5120x1xf32, #tpu.memory_space<vmem>>, vector<512x1xf32>,
    %slice3A_2791 = vector.extract_strided_slice %dot_general3A_117 {offsets = [0, 0], sizes = [1, 512], strides = [1, 1]} : vector<5x512xf32> to vector<1x512xf32>
    %slice3A_2792 = vector.extract_strided_slice %dot_general3A_117 {offsets = [1, 0], sizes = [1, 512], strides = [1, 1]} : vector<5x512xf32> to vector<1x512xf32>
    %slice3A_2793 = vector.extract_strided_slice %dot_general3A_117 {offsets = [2, 0], sizes = [1, 512], strides = [1, 1]} : vector<5x512xf32> to vector<1x512xf32>
    %slice3A_2794 = vector.extract_strided_slice %dot_general3A_117 {offsets = [3, 0], sizes = [1, 512], strides = [1, 1]} : vector<5x512xf32> to vector<1x512xf32>
    %slice3A_2795 = vector.extract_strided_slice %dot_general3A_117 {offsets = [4, 0], sizes = [1, 512], strides = [1, 1]} : vector<5x512xf32> to vector<1x512xf32>
    %max3A_2796 = vector.broadcast %slice3A_2736 : vector<512x1xf32> to vector<512x512xf32>
    %max3A_2797 = vector.broadcast %slice3A_2791 : vector<1x512xf32> to vector<512x512xf32>
    %max3A_2798 = arith.maximumf %max3A_2796, %max3A_2797 : vector<512x512xf32>
    %max3A_2799 = vector.broadcast %slice3A_2737 : vector<512x1xf32> to vector<512x512xf32>
    %max3A_2800 = vector.broadcast %slice3A_2792 : vector<1x512xf32> to vector<512x512xf32>
    %max3A_2801 = arith.maximumf %max3A_2799, %max3A_2800 : vector<512x512xf32>
    %min3A_2802 = vector.broadcast %slice3A_2738 : vector<512x1xf32> to vector<512x512xf32>
    %min3A_2803 = vector.broadcast %slice3A_2793 : vector<1x512xf32> to vector<512x512xf32>
    %min3A_2804 = arith.minimumf %min3A_2802, %min3A_2803 : vector<512x512xf32>
    %min3A_2805 = vector.broadcast %slice3A_2739 : vector<512x1xf32> to vector<512x512xf32>
    %min3A_2806 = vector.broadcast %slice3A_2794 : vector<1x512xf32> to vector<512x512xf32>
    %min3A_2807 = arith.minimumf %min3A_2805, %min3A_2806 : vector<512x512xf32>
    %sub3A_2808 = arith.subf %min3A_2804, %max3A_2798 : vector<512x512xf32>
    %max3A_2809 = arith.constant 0.000000e+00 : f32
    %max3A_2810 = vector.broadcast %max3A_2809 : f32 to vector<512x512xf32>
    %max3A_2811 = arith.maximumf %sub3A_2808, %max3A_2810 : vector<512x512xf32>
    %sub3A_2812 = arith.subf %min3A_2807, %max3A_2801 : vector<512x512xf32>
    %max3A_2813 = arith.constant 0.000000e+00 : f32
    %max3A_2814 = vector.broadcast %max3A_2813 : f32 to vector<512x512xf32>
    %max3A_2815 = arith.maximumf %sub3A_2812, %max3A_2814 : vector<512x512xf32>
    %mul3A_2816 = arith.mulf %max3A_2811, %max3A_2815 : vector<512x512xf32>
    %add3A_2817 = vector.broadcast %slice3A_2740 : vector<512x1xf32> to vector<512x512xf32>
    %add3A_2818 = vector.broadcast %slice3A_2795 : vector<1x512xf32> to vector<512x512xf32>
    %add3A_2819 = arith.addf %add3A_2817, %add3A_2818 : vector<512x512xf32>
    %sub3A_2820 = arith.subf %add3A_2819, %mul3A_2816 : vector<512x512xf32>
    %add3A_2821 = arith.constant 9.99999971E-10 : f32
    %add3A_2822 = vector.broadcast %add3A_2821 : f32 to vector<512x512xf32>
    %add3A_2823 = arith.addf %sub3A_2820, %add3A_2822 : vector<512x512xf32>
    %div3A_2824 = arith.divf %mul3A_2816, %add3A_2823 : vector<512x512xf32>
    %gt3A_2825 = arith.constant 5.000000e-01 : f32
    %gt3A_2826 = vector.broadcast %gt3A_2825 : f32 to vector<512x512xf32>
    %gt3A_2827 = arith.cmpf ogt, %div3A_2824, %gt3A_2826 : vector<512x512xf32>
    %convert_element_type3A_2828 = arith.extui %gt3A_2827 : vector<512x512xi1> to vector<512x512xi32>
    %convert_element_type3A_2829 = arith.sitofp %convert_element_type3A_2828 : vector<512x512xi32> to vector<512x512xf32>
    %dot_general3A_2830 = arith.constant dense<0.000000e+00> : vector<512x1xf32>
    %dot_general3A_2831 = tpu.matmul %convert_element_type3A_2829, %while3A_2787#1, %dot_general3A_2830 {dimension_numbers = #tpu.dot_dimension_numbers<[0], [0], [1], [1], [0, 1, 1, 1], [], []>, transpose_lhs_hint = false} : vector<512x512xf32>, vector<512x1xf32>, vector<512x1xf32> -> vector<512x1xf32>
    %get3A_2832 = arith.constant 4096 : index
    %get3A_2833 = arith.constant 0 : index
    %get3A_2834 = vector.load %arg1[%get3A_2832, %get3A_2833] : memref<5120x1xf32, #tpu.memory_space<vmem>>, vector<512x1xf32>
    %eq3A_2835 = arith.constant 0.000000e+00 : f32
    %eq3A_2836 = vector.broadcast %eq3A_2835 : f32 to vector<512x1xf32>
    %eq3A_2837 = arith.cmpf oeq, %dot_general3A_2831, %eq3A_2836 : vector<512x1xf32>
    %convert_element_type3A_2838 = arith.extui %eq3A_2837 : vector<512x1xi1> to vector<512x1xi32>
    %convert_element_type3A_2839 = arith.sitofp %convert_element_type3A_2838 : vector<512x1xi32> to vector<512x1xf32>
    %mul3A_2840 = arith.mulf %get3A_2834, %convert_element_type3A_2839 : vector<512x1xf32>
    %swap3A_2841 = arith.constant 4096 : index
    %swap3A_2842 = arith.constant 0 : index
    %swap3A_2843 = vector.load %arg1[%swap3A_2841, %swap3A_2842] : memref<5120x1xf32, #tpu.memory_space<vmem>>, vector<512x1xf32>
    tpu.vector_store %arg1[%swap3A_2841, %swap3A_2842], %mul3A_2840 {strides = array<i32>} : memref<5120x1xf32, #tpu.memory_space<vmem>>, vector<512x1xf32>,
    %slice3A_2844 = vector.extract_strided_slice %dot_general3A_130 {offsets = [0, 0], sizes = [1, 512], strides = [1, 1]} : vector<5x512xf32> to vector<1x512xf32>
    %slice3A_2845 = vector.extract_strided_slice %dot_general3A_130 {offsets = [1, 0], sizes = [1, 512], strides = [1, 1]} : vector<5x512xf32> to vector<1x512xf32>
    %slice3A_2846 = vector.extract_strided_slice %dot_general3A_130 {offsets = [2, 0], sizes = [1, 512], strides = [1, 1]} : vector<5x512xf32> to vector<1x512xf32>
    %slice3A_2847 = vector.extract_strided_slice %dot_general3A_130 {offsets = [3, 0], sizes = [1, 512], strides = [1, 1]} : vector<5x512xf32> to vector<1x512xf32>
    %slice3A_2848 = vector.extract_strided_slice %dot_general3A_130 {offsets = [4, 0], sizes = [1, 512], strides = [1, 1]} : vector<5x512xf32> to vector<1x512xf32>
    %max3A_2849 = vector.broadcast %slice3A_2736 : vector<512x1xf32> to vector<512x512xf32>
    %max3A_2850 = vector.broadcast %slice3A_2844 : vector<1x512xf32> to vector<512x512xf32>
    %max3A_2851 = arith.maximumf %max3A_2849, %max3A_2850 : vector<512x512xf32>
    %max3A_2852 = vector.broadcast %slice3A_2737 : vector<512x1xf32> to vector<512x512xf32>
    %max3A_2853 = vector.broadcast %slice3A_2845 : vector<1x512xf32> to vector<512x512xf32>
    %max3A_2854 = arith.maximumf %max3A_2852, %max3A_2853 : vector<512x512xf32>
    %min3A_2855 = vector.broadcast %slice3A_2738 : vector<512x1xf32> to vector<512x512xf32>
    %min3A_2856 = vector.broadcast %slice3A_2846 : vector<1x512xf32> to vector<512x512xf32>
    %min3A_2857 = arith.minimumf %min3A_2855, %min3A_2856 : vector<512x512xf32>
    %min3A_2858 = vector.broadcast %slice3A_2739 : vector<512x1xf32> to vector<512x512xf32>
    %min3A_2859 = vector.broadcast %slice3A_2847 : vector<1x512xf32> to vector<512x512xf32>
    %min3A_2860 = arith.minimumf %min3A_2858, %min3A_2859 : vector<512x512xf32>
    %sub3A_2861 = arith.subf %min3A_2857, %max3A_2851 : vector<512x512xf32>
    %max3A_2862 = arith.constant 0.000000e+00 : f32
    %max3A_2863 = vector.broadcast %max3A_2862 : f32 to vector<512x512xf32>
    %max3A_2864 = arith.maximumf %sub3A_2861, %max3A_2863 : vector<512x512xf32>
    %sub3A_2865 = arith.subf %min3A_2860, %max3A_2854 : vector<512x512xf32>
    %max3A_2866 = arith.constant 0.000000e+00 : f32
    %max3A_2867 = vector.broadcast %max3A_2866 : f32 to vector<512x512xf32>
    %max3A_2868 = arith.maximumf %sub3A_2865, %max3A_2867 : vector<512x512xf32>
    %mul3A_2869 = arith.mulf %max3A_2864, %max3A_2868 : vector<512x512xf32>
    %add3A_2870 = vector.broadcast %slice3A_2740 : vector<512x1xf32> to vector<512x512xf32>
    %add3A_2871 = vector.broadcast %slice3A_2848 : vector<1x512xf32> to vector<512x512xf32>
    %add3A_2872 = arith.addf %add3A_2870, %add3A_2871 : vector<512x512xf32>
    %sub3A_2873 = arith.subf %add3A_2872, %mul3A_2869 : vector<512x512xf32>
    %add3A_2874 = arith.constant 9.99999971E-10 : f32
    %add3A_2875 = vector.broadcast %add3A_2874 : f32 to vector<512x512xf32>
    %add3A_2876 = arith.addf %sub3A_2873, %add3A_2875 : vector<512x512xf32>
    %div3A_2877 = arith.divf %mul3A_2869, %add3A_2876 : vector<512x512xf32>
    %gt3A_2878 = arith.constant 5.000000e-01 : f32
    %gt3A_2879 = vector.broadcast %gt3A_2878 : f32 to vector<512x512xf32>
    %gt3A_2880 = arith.cmpf ogt, %div3A_2877, %gt3A_2879 : vector<512x512xf32>
    %convert_element_type3A_2881 = arith.extui %gt3A_2880 : vector<512x512xi1> to vector<512x512xi32>
    %convert_element_type3A_2882 = arith.sitofp %convert_element_type3A_2881 : vector<512x512xi32> to vector<512x512xf32>
    %dot_general3A_2883 = arith.constant dense<0.000000e+00> : vector<512x1xf32>
    %dot_general3A_2884 = tpu.matmul %convert_element_type3A_2882, %while3A_2787#1, %dot_general3A_2883 {dimension_numbers = #tpu.dot_dimension_numbers<[0], [0], [1], [1], [0, 1, 1, 1], [], []>, transpose_lhs_hint = false} : vector<512x512xf32>, vector<512x1xf32>, vector<512x1xf32> -> vector<512x1xf32>
    %get3A_2885 = arith.constant 4608 : index
    %get3A_2886 = arith.constant 0 : index
    %get3A_2887 = vector.load %arg1[%get3A_2885, %get3A_2886] : memref<5120x1xf32, #tpu.memory_space<vmem>>, vector<512x1xf32>
    %eq3A_2888 = arith.constant 0.000000e+00 : f32
    %eq3A_2889 = vector.broadcast %eq3A_2888 : f32 to vector<512x1xf32>
    %eq3A_2890 = arith.cmpf oeq, %dot_general3A_2884, %eq3A_2889 : vector<512x1xf32>
    %convert_element_type3A_2891 = arith.extui %eq3A_2890 : vector<512x1xi1> to vector<512x1xi32>
    %convert_element_type3A_2892 = arith.sitofp %convert_element_type3A_2891 : vector<512x1xi32> to vector<512x1xf32>
    %mul3A_2893 = arith.mulf %get3A_2887, %convert_element_type3A_2892 : vector<512x1xf32>
    %swap3A_2894 = arith.constant 4608 : index
    %swap3A_2895 = arith.constant 0 : index
    %swap3A_2896 = vector.load %arg1[%swap3A_2894, %swap3A_2895] : memref<5120x1xf32, #tpu.memory_space<vmem>>, vector<512x1xf32>
    tpu.vector_store %arg1[%swap3A_2894, %swap3A_2895], %mul3A_2893 {strides = array<i32>} : memref<5120x1xf32, #tpu.memory_space<vmem>>, vector<512x1xf32>,
    %slice3A_2897 = vector.extract_strided_slice %concatenate3A_115 {offsets = [0, 0], sizes = [512, 1], strides = [1, 1]} : vector<512x5xf32> to vector<512x1xf32>
    %slice3A_2898 = vector.extract_strided_slice %concatenate3A_115 {offsets = [0, 1], sizes = [512, 1], strides = [1, 1]} : vector<512x5xf32> to vector<512x1xf32>
    %slice3A_2899 = vector.extract_strided_slice %concatenate3A_115 {offsets = [0, 2], sizes = [512, 1], strides = [1, 1]} : vector<512x5xf32> to vector<512x1xf32>
    %slice3A_2900 = vector.extract_strided_slice %concatenate3A_115 {offsets = [0, 3], sizes = [512, 1], strides = [1, 1]} : vector<512x5xf32> to vector<512x1xf32>
    %slice3A_2901 = vector.extract_strided_slice %concatenate3A_115 {offsets = [0, 4], sizes = [512, 1], strides = [1, 1]} : vector<512x5xf32> to vector<512x1xf32>
    %slice3A_2902 = vector.extract_strided_slice %dot_general3A_117 {offsets = [0, 0], sizes = [1, 512], strides = [1, 1]} : vector<5x512xf32> to vector<1x512xf32>
    %slice3A_2903 = vector.extract_strided_slice %dot_general3A_117 {offsets = [1, 0], sizes = [1, 512], strides = [1, 1]} : vector<5x512xf32> to vector<1x512xf32>
    %slice3A_2904 = vector.extract_strided_slice %dot_general3A_117 {offsets = [2, 0], sizes = [1, 512], strides = [1, 1]} : vector<5x512xf32> to vector<1x512xf32>
    %slice3A_2905 = vector.extract_strided_slice %dot_general3A_117 {offsets = [3, 0], sizes = [1, 512], strides = [1, 1]} : vector<5x512xf32> to vector<1x512xf32>
    %slice3A_2906 = vector.extract_strided_slice %dot_general3A_117 {offsets = [4, 0], sizes = [1, 512], strides = [1, 1]} : vector<5x512xf32> to vector<1x512xf32>
    %max3A_2907 = vector.broadcast %slice3A_2897 : vector<512x1xf32> to vector<512x512xf32>
    %max3A_2908 = vector.broadcast %slice3A_2902 : vector<1x512xf32> to vector<512x512xf32>
    %max3A_2909 = arith.maximumf %max3A_2907, %max3A_2908 : vector<512x512xf32>
    %max3A_2910 = vector.broadcast %slice3A_2898 : vector<512x1xf32> to vector<512x512xf32>
    %max3A_2911 = vector.broadcast %slice3A_2903 : vector<1x512xf32> to vector<512x512xf32>
    %max3A_2912 = arith.maximumf %max3A_2910, %max3A_2911 : vector<512x512xf32>
    %min3A_2913 = vector.broadcast %slice3A_2899 : vector<512x1xf32> to vector<512x512xf32>
    %min3A_2914 = vector.broadcast %slice3A_2904 : vector<1x512xf32> to vector<512x512xf32>
    %min3A_2915 = arith.minimumf %min3A_2913, %min3A_2914 : vector<512x512xf32>
    %min3A_2916 = vector.broadcast %slice3A_2900 : vector<512x1xf32> to vector<512x512xf32>
    %min3A_2917 = vector.broadcast %slice3A_2905 : vector<1x512xf32> to vector<512x512xf32>
    %min3A_2918 = arith.minimumf %min3A_2916, %min3A_2917 : vector<512x512xf32>
    %sub3A_2919 = arith.subf %min3A_2915, %max3A_2909 : vector<512x512xf32>
    %max3A_2920 = arith.constant 0.000000e+00 : f32
    %max3A_2921 = vector.broadcast %max3A_2920 : f32 to vector<512x512xf32>
    %max3A_2922 = arith.maximumf %sub3A_2919, %max3A_2921 : vector<512x512xf32>
    %sub3A_2923 = arith.subf %min3A_2918, %max3A_2912 : vector<512x512xf32>
    %max3A_2924 = arith.constant 0.000000e+00 : f32
    %max3A_2925 = vector.broadcast %max3A_2924 : f32 to vector<512x512xf32>
    %max3A_2926 = arith.maximumf %sub3A_2923, %max3A_2925 : vector<512x512xf32>
    %mul3A_2927 = arith.mulf %max3A_2922, %max3A_2926 : vector<512x512xf32>
    %add3A_2928 = vector.broadcast %slice3A_2901 : vector<512x1xf32> to vector<512x512xf32>
    %add3A_2929 = vector.broadcast %slice3A_2906 : vector<1x512xf32> to vector<512x512xf32>
    %add3A_2930 = arith.addf %add3A_2928, %add3A_2929 : vector<512x512xf32>
    %sub3A_2931 = arith.subf %add3A_2930, %mul3A_2927 : vector<512x512xf32>
    %add3A_2932 = arith.constant 9.99999971E-10 : f32
    %add3A_2933 = vector.broadcast %add3A_2932 : f32 to vector<512x512xf32>
    %add3A_2934 = arith.addf %sub3A_2931, %add3A_2933 : vector<512x512xf32>
    %div3A_2935 = arith.divf %mul3A_2927, %add3A_2934 : vector<512x512xf32>
    %gt3A_2936 = arith.constant 5.000000e-01 : f32
    %gt3A_2937 = vector.broadcast %gt3A_2936 : f32 to vector<512x512xf32>
    %gt3A_2938 = arith.cmpf ogt, %div3A_2935, %gt3A_2937 : vector<512x512xf32>
    %convert_element_type3A_2939 = arith.extui %gt3A_2938 : vector<512x512xi1> to vector<512x512xi32>
    %convert_element_type3A_2940 = arith.sitofp %convert_element_type3A_2939 : vector<512x512xi32> to vector<512x512xf32>
    %mul3A_2941 = arith.mulf %convert_element_type3A_2940, %convert_element_type3A_4 : vector<512x512xf32>
    %get3A_2942 = arith.constant 4096 : index
    %get3A_2943 = arith.constant 0 : index
    %get3A_2944 = vector.load %arg1[%get3A_2942, %get3A_2943] : memref<5120x1xf32, #tpu.memory_space<vmem>>, vector<512x1xf32>
    %sub3A_2945 = arith.constant 1.000000e+00 : f32
    %sub3A_2946 = vector.broadcast %sub3A_2945 : f32 to vector<512x1xf32>
    %sub3A_2947 = arith.subf %get3A_2944, %sub3A_2946 : vector<512x1xf32>
    %while3A_2948:2 = scf.while (%while3A_3060 = %sub3A_2947, %while3A_3061 = %get3A_2944) : (vector<512x1xf32>, vector<512x1xf32>) -> (vector<512x1xf32>, vector<512x1xf32>) {
      %ne3A = arith.cmpf one, %while3A_3060, %while3A_3061 : vector<512x1xf32>
      %reduce_or3A = arith.constant 1.000000e+00 : f32
      %reduce_or3A_3062 = arith.constant 0.000000e+00 : f32
      %reduce_or3A_3063 = vector.broadcast %reduce_or3A : f32 to vector<512x1xf32>
      %reduce_or3A_3064 = vector.broadcast %reduce_or3A_3062 : f32 to vector<512x1xf32>
      %reduce_or3A_3065 = arith.select %ne3A, %reduce_or3A_3063, %reduce_or3A_3064 : vector<512x1xi1>, vector<512x1xf32>
      %reduce_or3A_3066 = vector.shape_cast %reduce_or3A_3065 : vector<512x1xf32> to vector<1x512x1xf32>
      %reduce_or3A_3067 = arith.constant dense<0xFF800000> : vector<1xf32>
      %reduce_or3A_3068 = vector.multi_reduction <maximumf>, %reduce_or3A_3066, %reduce_or3A_3067 [1, 2] : vector<1x512x1xf32> to vector<1xf32>
      %reduce_or3A_3069 = vector.shape_cast %reduce_or3A_3068 : vector<1xf32> to vector<1x1x1xf32>
      %reduce_or3A_3070 = vector.extract %reduce_or3A_3069[0, 0, 0] : f32 from vector<1x1x1xf32>
      %reduce_or3A_3071 = arith.constant 0.000000e+00 : f32
      %reduce_or3A_3072 = arith.cmpf ogt, %reduce_or3A_3070, %reduce_or3A_3071 : f32
      scf.condition(%reduce_or3A_3072) %while3A_3060, %while3A_3061 : vector<512x1xf32>, vector<512x1xf32>
    } do {
    ^bb0(%while3A_3060: vector<512x1xf32>, %while3A_3061: vector<512x1xf32>):
      %dot_general3A_3062 = arith.constant dense<0.000000e+00> : vector<512x1xf32>
      %dot_general3A_3063 = tpu.matmul %mul3A_2941, %while3A_3061, %dot_general3A_3062 {dimension_numbers = #tpu.dot_dimension_numbers<[0], [0], [1], [1], [0, 1, 1, 1], [], []>, transpose_lhs_hint = false} : vector<512x512xf32>, vector<512x1xf32>, vector<512x1xf32> -> vector<512x1xf32>
      %eq3A_3064 = arith.constant 0.000000e+00 : f32
      %eq3A_3065 = vector.broadcast %eq3A_3064 : f32 to vector<512x1xf32>
      %eq3A_3066 = arith.cmpf oeq, %dot_general3A_3063, %eq3A_3065 : vector<512x1xf32>
      %convert_element_type3A_3067 = arith.extui %eq3A_3066 : vector<512x1xi1> to vector<512x1xi32>
      %convert_element_type3A_3068 = arith.sitofp %convert_element_type3A_3067 : vector<512x1xi32> to vector<512x1xf32>
      %mul3A_3069 = arith.mulf %get3A_2944, %convert_element_type3A_3068 : vector<512x1xf32>
      scf.yield %while3A_3061, %mul3A_3069 : vector<512x1xf32>, vector<512x1xf32>
    }
    %swap3A_2949 = arith.constant 4096 : index
    %swap3A_2950 = arith.constant 0 : index
    %swap3A_2951 = vector.load %arg1[%swap3A_2949, %swap3A_2950] : memref<5120x1xf32, #tpu.memory_space<vmem>>, vector<512x1xf32>
    tpu.vector_store %arg1[%swap3A_2949, %swap3A_2950], %while3A_2948#1 {strides = array<i32>} : memref<5120x1xf32, #tpu.memory_space<vmem>>, vector<512x1xf32>,
    %slice3A_2952 = vector.extract_strided_slice %dot_general3A_130 {offsets = [0, 0], sizes = [1, 512], strides = [1, 1]} : vector<5x512xf32> to vector<1x512xf32>
    %slice3A_2953 = vector.extract_strided_slice %dot_general3A_130 {offsets = [1, 0], sizes = [1, 512], strides = [1, 1]} : vector<5x512xf32> to vector<1x512xf32>
    %slice3A_2954 = vector.extract_strided_slice %dot_general3A_130 {offsets = [2, 0], sizes = [1, 512], strides = [1, 1]} : vector<5x512xf32> to vector<1x512xf32>
    %slice3A_2955 = vector.extract_strided_slice %dot_general3A_130 {offsets = [3, 0], sizes = [1, 512], strides = [1, 1]} : vector<5x512xf32> to vector<1x512xf32>
    %slice3A_2956 = vector.extract_strided_slice %dot_general3A_130 {offsets = [4, 0], sizes = [1, 512], strides = [1, 1]} : vector<5x512xf32> to vector<1x512xf32>
    %max3A_2957 = vector.broadcast %slice3A_2897 : vector<512x1xf32> to vector<512x512xf32>
    %max3A_2958 = vector.broadcast %slice3A_2952 : vector<1x512xf32> to vector<512x512xf32>
    %max3A_2959 = arith.maximumf %max3A_2957, %max3A_2958 : vector<512x512xf32>
    %max3A_2960 = vector.broadcast %slice3A_2898 : vector<512x1xf32> to vector<512x512xf32>
    %max3A_2961 = vector.broadcast %slice3A_2953 : vector<1x512xf32> to vector<512x512xf32>
    %max3A_2962 = arith.maximumf %max3A_2960, %max3A_2961 : vector<512x512xf32>
    %min3A_2963 = vector.broadcast %slice3A_2899 : vector<512x1xf32> to vector<512x512xf32>
    %min3A_2964 = vector.broadcast %slice3A_2954 : vector<1x512xf32> to vector<512x512xf32>
    %min3A_2965 = arith.minimumf %min3A_2963, %min3A_2964 : vector<512x512xf32>
    %min3A_2966 = vector.broadcast %slice3A_2900 : vector<512x1xf32> to vector<512x512xf32>
    %min3A_2967 = vector.broadcast %slice3A_2955 : vector<1x512xf32> to vector<512x512xf32>
    %min3A_2968 = arith.minimumf %min3A_2966, %min3A_2967 : vector<512x512xf32>
    %sub3A_2969 = arith.subf %min3A_2965, %max3A_2959 : vector<512x512xf32>
    %max3A_2970 = arith.constant 0.000000e+00 : f32
    %max3A_2971 = vector.broadcast %max3A_2970 : f32 to vector<512x512xf32>
    %max3A_2972 = arith.maximumf %sub3A_2969, %max3A_2971 : vector<512x512xf32>
    %sub3A_2973 = arith.subf %min3A_2968, %max3A_2962 : vector<512x512xf32>
    %max3A_2974 = arith.constant 0.000000e+00 : f32
    %max3A_2975 = vector.broadcast %max3A_2974 : f32 to vector<512x512xf32>
    %max3A_2976 = arith.maximumf %sub3A_2973, %max3A_2975 : vector<512x512xf32>
    %mul3A_2977 = arith.mulf %max3A_2972, %max3A_2976 : vector<512x512xf32>
    %add3A_2978 = vector.broadcast %slice3A_2901 : vector<512x1xf32> to vector<512x512xf32>
    %add3A_2979 = vector.broadcast %slice3A_2956 : vector<1x512xf32> to vector<512x512xf32>
    %add3A_2980 = arith.addf %add3A_2978, %add3A_2979 : vector<512x512xf32>
    %sub3A_2981 = arith.subf %add3A_2980, %mul3A_2977 : vector<512x512xf32>
    %add3A_2982 = arith.constant 9.99999971E-10 : f32
    %add3A_2983 = vector.broadcast %add3A_2982 : f32 to vector<512x512xf32>
    %add3A_2984 = arith.addf %sub3A_2981, %add3A_2983 : vector<512x512xf32>
    %div3A_2985 = arith.divf %mul3A_2977, %add3A_2984 : vector<512x512xf32>
    %gt3A_2986 = arith.constant 5.000000e-01 : f32
    %gt3A_2987 = vector.broadcast %gt3A_2986 : f32 to vector<512x512xf32>
    %gt3A_2988 = arith.cmpf ogt, %div3A_2985, %gt3A_2987 : vector<512x512xf32>
    %convert_element_type3A_2989 = arith.extui %gt3A_2988 : vector<512x512xi1> to vector<512x512xi32>
    %convert_element_type3A_2990 = arith.sitofp %convert_element_type3A_2989 : vector<512x512xi32> to vector<512x512xf32>
    %dot_general3A_2991 = arith.constant dense<0.000000e+00> : vector<512x1xf32>
    %dot_general3A_2992 = tpu.matmul %convert_element_type3A_2990, %while3A_2948#1, %dot_general3A_2991 {dimension_numbers = #tpu.dot_dimension_numbers<[0], [0], [1], [1], [0, 1, 1, 1], [], []>, transpose_lhs_hint = false} : vector<512x512xf32>, vector<512x1xf32>, vector<512x1xf32> -> vector<512x1xf32>
    %get3A_2993 = arith.constant 4608 : index
    %get3A_2994 = arith.constant 0 : index
    %get3A_2995 = vector.load %arg1[%get3A_2993, %get3A_2994] : memref<5120x1xf32, #tpu.memory_space<vmem>>, vector<512x1xf32>
    %eq3A_2996 = arith.constant 0.000000e+00 : f32
    %eq3A_2997 = vector.broadcast %eq3A_2996 : f32 to vector<512x1xf32>
    %eq3A_2998 = arith.cmpf oeq, %dot_general3A_2992, %eq3A_2997 : vector<512x1xf32>
    %convert_element_type3A_2999 = arith.extui %eq3A_2998 : vector<512x1xi1> to vector<512x1xi32>
    %convert_element_type3A_3000 = arith.sitofp %convert_element_type3A_2999 : vector<512x1xi32> to vector<512x1xf32>
    %mul3A_3001 = arith.mulf %get3A_2995, %convert_element_type3A_3000 : vector<512x1xf32>
    %swap3A_3002 = arith.constant 4608 : index
    %swap3A_3003 = arith.constant 0 : index
    %swap3A_3004 = vector.load %arg1[%swap3A_3002, %swap3A_3003] : memref<5120x1xf32, #tpu.memory_space<vmem>>, vector<512x1xf32>
    tpu.vector_store %arg1[%swap3A_3002, %swap3A_3003], %mul3A_3001 {strides = array<i32>} : memref<5120x1xf32, #tpu.memory_space<vmem>>, vector<512x1xf32>,
    %slice3A_3005 = vector.extract_strided_slice %concatenate3A_128 {offsets = [0, 0], sizes = [512, 1], strides = [1, 1]} : vector<512x5xf32> to vector<512x1xf32>
    %slice3A_3006 = vector.extract_strided_slice %concatenate3A_128 {offsets = [0, 1], sizes = [512, 1], strides = [1, 1]} : vector<512x5xf32> to vector<512x1xf32>
    %slice3A_3007 = vector.extract_strided_slice %concatenate3A_128 {offsets = [0, 2], sizes = [512, 1], strides = [1, 1]} : vector<512x5xf32> to vector<512x1xf32>
    %slice3A_3008 = vector.extract_strided_slice %concatenate3A_128 {offsets = [0, 3], sizes = [512, 1], strides = [1, 1]} : vector<512x5xf32> to vector<512x1xf32>
    %slice3A_3009 = vector.extract_strided_slice %concatenate3A_128 {offsets = [0, 4], sizes = [512, 1], strides = [1, 1]} : vector<512x5xf32> to vector<512x1xf32>
    %slice3A_3010 = vector.extract_strided_slice %dot_general3A_130 {offsets = [0, 0], sizes = [1, 512], strides = [1, 1]} : vector<5x512xf32> to vector<1x512xf32>
    %slice3A_3011 = vector.extract_strided_slice %dot_general3A_130 {offsets = [1, 0], sizes = [1, 512], strides = [1, 1]} : vector<5x512xf32> to vector<1x512xf32>
    %slice3A_3012 = vector.extract_strided_slice %dot_general3A_130 {offsets = [2, 0], sizes = [1, 512], strides = [1, 1]} : vector<5x512xf32> to vector<1x512xf32>
    %slice3A_3013 = vector.extract_strided_slice %dot_general3A_130 {offsets = [3, 0], sizes = [1, 512], strides = [1, 1]} : vector<5x512xf32> to vector<1x512xf32>
    %slice3A_3014 = vector.extract_strided_slice %dot_general3A_130 {offsets = [4, 0], sizes = [1, 512], strides = [1, 1]} : vector<5x512xf32> to vector<1x512xf32>
    %max3A_3015 = vector.broadcast %slice3A_3005 : vector<512x1xf32> to vector<512x512xf32>
    %max3A_3016 = vector.broadcast %slice3A_3010 : vector<1x512xf32> to vector<512x512xf32>
    %max3A_3017 = arith.maximumf %max3A_3015, %max3A_3016 : vector<512x512xf32>
    %max3A_3018 = vector.broadcast %slice3A_3006 : vector<512x1xf32> to vector<512x512xf32>
    %max3A_3019 = vector.broadcast %slice3A_3011 : vector<1x512xf32> to vector<512x512xf32>
    %max3A_3020 = arith.maximumf %max3A_3018, %max3A_3019 : vector<512x512xf32>
    %min3A_3021 = vector.broadcast %slice3A_3007 : vector<512x1xf32> to vector<512x512xf32>
    %min3A_3022 = vector.broadcast %slice3A_3012 : vector<1x512xf32> to vector<512x512xf32>
    %min3A_3023 = arith.minimumf %min3A_3021, %min3A_3022 : vector<512x512xf32>
    %min3A_3024 = vector.broadcast %slice3A_3008 : vector<512x1xf32> to vector<512x512xf32>
    %min3A_3025 = vector.broadcast %slice3A_3013 : vector<1x512xf32> to vector<512x512xf32>
    %min3A_3026 = arith.minimumf %min3A_3024, %min3A_3025 : vector<512x512xf32>
    %sub3A_3027 = arith.subf %min3A_3023, %max3A_3017 : vector<512x512xf32>
    %max3A_3028 = arith.constant 0.000000e+00 : f32
    %max3A_3029 = vector.broadcast %max3A_3028 : f32 to vector<512x512xf32>
    %max3A_3030 = arith.maximumf %sub3A_3027, %max3A_3029 : vector<512x512xf32>
    %sub3A_3031 = arith.subf %min3A_3026, %max3A_3020 : vector<512x512xf32>
    %max3A_3032 = arith.constant 0.000000e+00 : f32
    %max3A_3033 = vector.broadcast %max3A_3032 : f32 to vector<512x512xf32>
    %max3A_3034 = arith.maximumf %sub3A_3031, %max3A_3033 : vector<512x512xf32>
    %mul3A_3035 = arith.mulf %max3A_3030, %max3A_3034 : vector<512x512xf32>
    %add3A_3036 = vector.broadcast %slice3A_3009 : vector<512x1xf32> to vector<512x512xf32>
    %add3A_3037 = vector.broadcast %slice3A_3014 : vector<1x512xf32> to vector<512x512xf32>
    %add3A_3038 = arith.addf %add3A_3036, %add3A_3037 : vector<512x512xf32>
    %sub3A_3039 = arith.subf %add3A_3038, %mul3A_3035 : vector<512x512xf32>
    %add3A_3040 = arith.constant 9.99999971E-10 : f32
    %add3A_3041 = vector.broadcast %add3A_3040 : f32 to vector<512x512xf32>
    %add3A_3042 = arith.addf %sub3A_3039, %add3A_3041 : vector<512x512xf32>
    %div3A_3043 = arith.divf %mul3A_3035, %add3A_3042 : vector<512x512xf32>
    %gt3A_3044 = arith.constant 5.000000e-01 : f32
    %gt3A_3045 = vector.broadcast %gt3A_3044 : f32 to vector<512x512xf32>
    %gt3A_3046 = arith.cmpf ogt, %div3A_3043, %gt3A_3045 : vector<512x512xf32>
    %convert_element_type3A_3047 = arith.extui %gt3A_3046 : vector<512x512xi1> to vector<512x512xi32>
    %convert_element_type3A_3048 = arith.sitofp %convert_element_type3A_3047 : vector<512x512xi32> to vector<512x512xf32>
    %mul3A_3049 = arith.mulf %convert_element_type3A_3048, %convert_element_type3A_4 : vector<512x512xf32>
    %get3A_3050 = arith.constant 4608 : index
    %get3A_3051 = arith.constant 0 : index
    %get3A_3052 = vector.load %arg1[%get3A_3050, %get3A_3051] : memref<5120x1xf32, #tpu.memory_space<vmem>>, vector<512x1xf32>
    %sub3A_3053 = arith.constant 1.000000e+00 : f32
    %sub3A_3054 = vector.broadcast %sub3A_3053 : f32 to vector<512x1xf32>
    %sub3A_3055 = arith.subf %get3A_3052, %sub3A_3054 : vector<512x1xf32>
    %while3A_3056:2 = scf.while (%while3A_3060 = %sub3A_3055, %while3A_3061 = %get3A_3052) : (vector<512x1xf32>, vector<512x1xf32>) -> (vector<512x1xf32>, vector<512x1xf32>) {
      %ne3A = arith.cmpf one, %while3A_3060, %while3A_3061 : vector<512x1xf32>
      %reduce_or3A = arith.constant 1.000000e+00 : f32
      %reduce_or3A_3062 = arith.constant 0.000000e+00 : f32
      %reduce_or3A_3063 = vector.broadcast %reduce_or3A : f32 to vector<512x1xf32>
      %reduce_or3A_3064 = vector.broadcast %reduce_or3A_3062 : f32 to vector<512x1xf32>
      %reduce_or3A_3065 = arith.select %ne3A, %reduce_or3A_3063, %reduce_or3A_3064 : vector<512x1xi1>, vector<512x1xf32>
      %reduce_or3A_3066 = vector.shape_cast %reduce_or3A_3065 : vector<512x1xf32> to vector<1x512x1xf32>
      %reduce_or3A_3067 = arith.constant dense<0xFF800000> : vector<1xf32>
      %reduce_or3A_3068 = vector.multi_reduction <maximumf>, %reduce_or3A_3066, %reduce_or3A_3067 [1, 2] : vector<1x512x1xf32> to vector<1xf32>
      %reduce_or3A_3069 = vector.shape_cast %reduce_or3A_3068 : vector<1xf32> to vector<1x1x1xf32>
      %reduce_or3A_3070 = vector.extract %reduce_or3A_3069[0, 0, 0] : f32 from vector<1x1x1xf32>
      %reduce_or3A_3071 = arith.constant 0.000000e+00 : f32
      %reduce_or3A_3072 = arith.cmpf ogt, %reduce_or3A_3070, %reduce_or3A_3071 : f32
      scf.condition(%reduce_or3A_3072) %while3A_3060, %while3A_3061 : vector<512x1xf32>, vector<512x1xf32>
    } do {
    ^bb0(%while3A_3060: vector<512x1xf32>, %while3A_3061: vector<512x1xf32>):
      %dot_general3A_3062 = arith.constant dense<0.000000e+00> : vector<512x1xf32>
      %dot_general3A_3063 = tpu.matmul %mul3A_3049, %while3A_3061, %dot_general3A_3062 {dimension_numbers = #tpu.dot_dimension_numbers<[0], [0], [1], [1], [0, 1, 1, 1], [], []>, transpose_lhs_hint = false} : vector<512x512xf32>, vector<512x1xf32>, vector<512x1xf32> -> vector<512x1xf32>
      %eq3A_3064 = arith.constant 0.000000e+00 : f32
      %eq3A_3065 = vector.broadcast %eq3A_3064 : f32 to vector<512x1xf32>
      %eq3A_3066 = arith.cmpf oeq, %dot_general3A_3063, %eq3A_3065 : vector<512x1xf32>
      %convert_element_type3A_3067 = arith.extui %eq3A_3066 : vector<512x1xi1> to vector<512x1xi32>
      %convert_element_type3A_3068 = arith.sitofp %convert_element_type3A_3067 : vector<512x1xi32> to vector<512x1xf32>
      %mul3A_3069 = arith.mulf %get3A_3052, %convert_element_type3A_3068 : vector<512x1xf32>
      scf.yield %while3A_3061, %mul3A_3069 : vector<512x1xf32>, vector<512x1xf32>
    }
    %swap3A_3057 = arith.constant 4608 : index
    %swap3A_3058 = arith.constant 0 : index
    %swap3A_3059 = vector.load %arg1[%swap3A_3057, %swap3A_3058] : memref<5120x1xf32, #tpu.memory_space<vmem>>, vector<512x1xf32>
    tpu.vector_store %arg1[%swap3A_3057, %swap3A_3058], %while3A_3056#1 {strides = array<i32>} : memref<5120x1xf32, #tpu.memory_space<vmem>>, vector<512x1xf32>,
    return
  }
}

</mosaic_0001>

<sc_bundles>
// kernel: kernel.4.cloned.1.call-start
scs
__scs_entry_jumppad:
0x0: {  	(pc) =	sbr.rel $0x88, $3  }
0x1: {  	(tag) =	ssettag $0x0;
	lr =	simm.s32 $0x1  }
0x2: {  	[smem:$0x3F9F] =	sst lr;
	_ =	strace $0xD0000000  }
0x3: {  	_ = 	snop  }
0x4: {  	_ = 	snop  }
0x5: {  	_ = 	snop  }
0x6: {  	_ = 	snop  }
0x7: {  	_ = 	snop  }
__scs_overlays_trampoline_lowered:
0x8: {  	[smem:$0x3FAE] =	sst s0  }
0x9: {  	[smem:$0x3FAF] =	sst s1  }
0xa: {  	[smem:$0x3FB0] =	sst s2  }
0xb: {  	[smem:$0x3FB1] =	sst s3  }
0xc: {  	[smem:$0x3FB2] =	sst s4  }
0xd: {  	[smem:$0x3FB3] =	sst s5  }
0xe: {  	[smem:$0x3FB4] =	sst s6  }
0xf: {  	[smem:$0x3FB5] =	sst s7  }
0x10: {  	[smem:$0x3FB6] =	sst s8  }
0x11: {  	[smem:$0x3FB7] =	sst s9;
	s0 =	simm.s32 @!p0 $0x0  }
0x12: {  	s1 =	sld [smem:$0x3F9D];
	s0 =	simm.s32 @p0 $0x1  }
0x13: {  	[smem:$0x3FB8] =	sst s0;
	s0 =	simm.s32 @!p1 $0x0  }
0x14: {  	s2 =	sld [smem:$0x3F9C];
	s0 =	simm.s32 @p1 $0x1  }
0x15: {  	[smem:$0x3FB9] =	sst s0;
	s0 =	simm.s32 @!p2 $0x0  }
0x16: {  	s3 =	sld [smem:$0x3FDB];
	s0 =	simm.s32 @p2 $0x1  }
0x17: {  	s4 =	simm.s32 $0x1BF5;
	[smem:$0x3FBB] =	sst s0  }
0x18: {  	s0 =	sld [smem:$0x3F9E];
	_ =	swait.ge [sflag:s4], $0x0  }
0x19: {  	s7 =	sld [smem:$0x3F9F]  }
0x1a: {  	s8 =	sadd.s32 $0xFFFFE003, lr  }
0x1b: {  	s9 =	sadd.s32 $0xFFFFFEF7, lr;
	s5 =	simm.s32 $0xFFFFFFFF;
	p2 =	slt.u32 s8, $0xFFFFF086  }
0x1c: {  	p1 =	slt.u32 s9, $0xF7A;
	s5 =	simm.s32 @!p2 $0x0  }
0x1d: {  	s5 =	simm.s32 @p1 $0x1;
	p0 =	seq.s32 s7, s2  }
0x1e: {  	s7 =	smul.u32 @!p0 $0xF7A, s2;
	p2 =	seq.s32 @!p0 s5, $0x0  }
0x1f: {  	s9 =	smul.u32 $0xF7A, s1;
	s8 =	simm.s32 @!p0 $0x1BF5;
	p2 =	por !p2, p0  }
0x20: {  	[sflag:s8] =	ssyncset.s32 @!p0 $0xFFFFF086;
	s6 =	sadd.s32 @!p0 s3, s7;
	s7 =	simm.s32 @!p0 $0x108  }
0x21: {  	s3 =	sadd.s32 s3, s9;
	s6 =	sadd.s32 @!p0 $0x88, s6;
	s7 =	simm.s32 @p2 $0x1082  }
0x22: {  	[simem:s7], [sflag:s8] =	dma.local @!p0 [hbm:s6], $0xF7A  }
0x23: {  	s9 =	sor.u32 $0xD0000000, s2;
	s6 =	simm.s32 $0x108;
	_ =	swait.ge @!p0 [sflag:s8], $0x0  }
0x24: {  	s3 =	sadd.s32 $0x88, s3;
	s6 =	simm.s32 @!p1 $0x1082;
	[sflag:s4] =	ssyncset.s32 $0xFFFFF086  }
0x25: {  	[simem:s6], [sflag:s4] =	dma.local [hbm:s3], $0xF7A  }
0x26: {  	[smem:$0x3F9F] =	sst s1;
	(tag) =	ssettag s2;
	_ =	strace s9  }
0x27: {  	s1 =	sld [smem:$0x3FAF]  }
0x28: {  	s2 =	sld [smem:$0x3FB0]  }
0x29: {  	s4 =	sld [smem:$0x3FB2]  }
0x2a: {  	p0 =	seq.s32 s5, $0x0;
	s5 =	sld [smem:$0x3FB3]  }
0x2b: {  	s6 =	sld [smem:$0x3FB4]  }
0x2c: {  	s7 =	sld [smem:$0x3FB5]  }
0x2d: {  	s3 =	simm.s32 $0x108;
	s8 =	sld [smem:$0x3FB6]  }
0x2e: {  	s3 =	simm.s32 @!p0 $0x1082;
	s9 =	sld [smem:$0x3FB7]  }
0x2f: {  	lr =	sadd.s32 s0, s3;
	s0 =	sld [smem:$0x3FAE]  }
0x30: {  	s3 =	sld [smem:$0x3FB1]  }
0x31: {  	[smem:$0x3FBA] =	sst s10  }
0x32: {  	s10 =	sld [smem:$0x3FB8];
	_ =	sdelay $0x3  }
0x33: {  	p0 =	seq.s32 s10, $0x1;
	s10 =	sld [smem:$0x3FBA];
	_ =	sdelay $0x3  }
0x34: {  	[smem:$0x3FBA] =	sst s10  }
0x35: {  	s10 =	sld [smem:$0x3FB9];
	_ =	sdelay $0x3  }
0x36: {  	p1 =	seq.s32 s10, $0x1;
	s10 =	sld [smem:$0x3FBA];
	_ =	sdelay $0x3  }
0x37: {  	[smem:$0x3FBA] =	sst s10  }
0x38: {  	s10 =	sld [smem:$0x3FBB]  }
0x39: {  	_ = 	snop;
	(pc) =	sbr.ind lr, $3  }
0x3a: {  	_ = 	snop  }
0x3b: {  	_ = 	snop  }
0x3c: {  	p2 =	seq.s32 s10, $0x1;
	s10 =	sld [smem:$0x3FBA]  }
0x3d: {  	_ =	shalt  }
0x3e: {  	_ =	shalt  }
0x3f: {  	_ =	shalt  }
0x40: {  	_ =	shalt  }
0x41: {  	_ =	shalt  }
0x42: {  	_ =	shalt  }
0x43: {  	_ =	shalt  }
0x44: {  	_ =	shalt  }
0x45: {  	_ =	shalt  }
0x46: {  	_ =	shalt  }
0x47: {  	_ =	shalt  }
0x48: {  	_ =	shalt  }
0x49: {  	_ =	shalt  }
0x4a: {  	_ =	shalt  }
0x4b: {  	_ =	shalt  }
0x4c: {  	_ =	shalt  }
0x4d: {  	_ =	shalt  }
0x4e: {  	_ =	shalt  }
0x4f: {  	_ =	shalt  }
0x50: {  	_ =	shalt  }
0x51: {  	_ =	shalt  }
0x52: {  	_ =	shalt  }
0x53: {  	_ =	shalt  }
0x54: {  	_ =	shalt  }
0x55: {  	_ =	shalt  }
0x56: {  	_ =	shalt  }
0x57: {  	_ =	shalt  }
0x58: {  	_ =	shalt  }
0x59: {  	_ =	shalt  }
0x5a: {  	_ =	shalt  }
0x5b: {  	_ =	shalt  }
0x5c: {  	_ =	shalt  }
0x5d: {  	_ =	shalt  }
0x5e: {  	_ =	shalt  }
0x5f: {  	_ =	shalt  }
0x60: {  	_ =	shalt  }
0x61: {  	_ =	shalt  }
0x62: {  	_ =	shalt  }
0x63: {  	_ =	shalt  }
0x64: {  	_ =	shalt  }
0x65: {  	_ =	shalt  }
0x66: {  	_ =	shalt  }
0x67: {  	_ =	shalt  }
0x68: {  	_ =	shalt  }
0x69: {  	_ =	shalt  }
0x6a: {  	_ =	shalt  }
0x6b: {  	_ =	shalt  }
0x6c: {  	_ =	shalt  }
0x6d: {  	_ =	shalt  }
0x6e: {  	_ =	shalt  }
0x6f: {  	_ =	shalt  }
0x70: {  	_ =	shalt  }
0x71: {  	_ =	shalt  }
0x72: {  	_ =	shalt  }
0x73: {  	_ =	shalt  }
0x74: {  	_ =	shalt  }
0x75: {  	_ =	shalt  }
0x76: {  	_ =	shalt  }
0x77: {  	_ =	shalt  }
0x78: {  	_ =	shalt  }
0x79: {  	_ =	shalt  }
0x7a: {  	_ =	shalt  }
0x7b: {  	_ =	shalt  }
0x7c: {  	_ =	shalt  }
0x7d: {  	_ =	shalt  }
0x7e: {  	_ =	shalt  }
0x7f: {  	_ =	shalt  }
0x80: {  	_ =	shalt  }
0x81: {  	_ =	shalt  }
0x82: {  	_ =	shalt  }
0x83: {  	_ =	shalt  }
0x84: {  	_ =	shalt  }
0x85: {  	_ =	shalt  }
0x86: {  	_ =	shalt  }
0x87: {  	_ =	shalt  }
.Lfunc_end0:
.L_simem_size_0:
called_computation_lowered:
.L_overlay_start_0:
0x88: {  	s2 =	sld [smem:$0x3FD9]  }
0x89: {  	s3 =	sld [smem:$0x3FFE];
	_ =	sdelay $0x1  }
0x8a: {  	s1 =	srdreg.scid  }
0x8b: {  	s0 =	sand.u32 $0x1, s1  }
0x8c: {  	s14 =	sshll.u32 s0, $0xA;
	s2 =	sadd.s32 s3, s2  }
0x8d: {  	s2 =	sadd.s32 s2, s14  }
0x8e: {  	[smem:$0x3FC6] =	sst s2  }
0x8f: {  	_ = 	snop  }
0x90: {  	s2 =	sld [smem:$0x3FD0];
	_ =	sdelay $0x2  }
0x91: {  	s15 =	simm.s32 $0xA;
	s4 =	simm.s32 $0x10  }
0x92: {  	[smem:s4], [sflag:s15] =	dma.local [hbm:s2], $0x1  }
0x93: {  	_ =	swait.eq [sflag:s15], $0x1  }
0x94: {  	[sflag:s15] =	ssyncset.done $0x0  }
0x95: {  	[sflag:s15] =	ssyncadd.s32 $0xFFFFFFFF  }
0x96: {  	s16 =	sld [smem:$0x11];
	(tm) =	ssettm $0x1  }
0x97: {  	s17 =	sld [smem:$0x3FFB];
	_ =	sdelay $0x3  }
0x98: {  	_ =	strace s17  }
0x99: {  	s3 =	sld [smem:$0x3FFC];
	_ =	sdelay $0x3  }
0x9a: {  	_ =	strace s3  }
0x9b: {  	s3 =	sld [smem:$0x3FFD];
	_ =	sdelay $0x3  }
0x9c: {  	_ =	strace s3  }
0x9d: {  	_ =	strace $0x8FFFFFFF  }
0x9e: {  	s18 =	sld [smem:$0x3FDB];
	_ =	sdelay $0x1  }
0x9f: {  	s19 =	simm.s32 $_scs_section_size  }
0xa0: {  	s5 =	simm.s32 $_size__tile_overlayer_lowered;
	s6 =	simm.s32 $_tile_overlayer_lowered  }
0xa1: {  	s22 =	simm.s32 $0x1BFF;
	s21 =	sshll.u32 s6, $0x1;
	s3 =	sadd.s32 s19, s18  }
0xa2: {  	s7 =	simm.s32 $0x0;
	s20 =	sshll.u32 s5, $0x1;
	s5 =	sadd.s32 s21, s3  }
0xa3: {  	[timem:s7], [sflag:s22] =	dma.local [hbm:s5], s20  }
0xa4: {  	_ =	swait.ge [sflag:s22], s20  }
0xa5: {  	s4 =	ssub.s32 $0x0, s20;
	[sflag:s22] =	ssyncset.done $0x0  }
0xa6: {  	[sflag:s22] =	ssyncadd.s32 s4;
	_ =	sdelay $0x1  }
0xa7: {  	s23 =	simm.s32 $0x1B8B  }
0xa8: {  	_ =	swait.ge [sflag:s23], $0x1  }
0xa9: {  	[sflag:s23] =	ssyncset.done $0x0  }
0xaa: {  	s25 =	simm.s32 $0x1B8E;
	s24 =	sld [smem:$0x3FFE];
	[sflag:s23] =	ssyncadd.s32 $0xFFFFFFFF  }
0xab: {  	s26 =	simm.s32 $execute0_lowered;
	[smem:$0x3FD2] =	sst s25  }
0xac: {  	s5 =	sshll.u32 s26, $0x1;
	_ =	strace $0x80000046;
	[dreg:$0x1] =	wrdreg $0xFFFFFFFF  }
0xad: {  	s28 =	simm.s32 $_size_execute0_lowered;
	s3 =	sadd.s32 s3, s5;
	[dreg:$0x0] =	wrdreg $0x0  }
0xae: {  	s5 =	sshll.u32 s28, $0x1;
	[dreg:$0x2] =	wrdreg s3  }
0xaf: {  	[dreg:$0x3] =	wrdreg s5  }
0xb0: {  	[dreg:$0x4] =	wrdreg $0xC0  }
0xb1: {  	_ =	task [dreg:s7], $0x5FFFF  }
0xb2: {  	[dreg:$0x1] =	wrdreg $0xFFFFFFFF  }
0xb3: {  	[dreg:$0x0] =	wrdreg $0x60  }
0xb4: {  	[dreg:$0x2] =	wrdreg s24  }
0xb5: {  	[dreg:$0x3] =	wrdreg s16  }
0xb6: {  	[dreg:$0x4] =	wrdreg $0x9  }
0xb7: {  	_ =	task.clear_ibuf [dreg:s7], $0x5FFFF;
	_ =	strace $0x90000046  }
0xb8: {  	s29 =	simm.s32 $0x9;
	_ =	strace $0x80000048  }
0xb9: {  	_ =	swait.ge [sflag:s29], $0x1  }
0xba: {  	[sflag:s29] =	ssyncadd.s32 $0xFFFFFFFF  }
0xbb: {  	_ =	strace $0x90000048  }
0xbc: {  	_ =	sfence  }
0xbd: {  	s30 =	sld [smem:$0x0];
	_ =	sdelay $0x2  }
0xbe: {  	s31 =	sshll.u32 s1, $0xD;
	s1 =	sshrl.u32 s1, $0x2  }
0xbf: {  	s3 =	sand.u32 $0x4000, s31;
	s1 =	sadd.s32 s1, s30  }
0xc0: {  	s0 =	sor.u32 s3, s0;
	s1 =	sshll.u32 s1, $0x11  }
0xc1: {  	s0 =	sor.u32 s1, s0  }
0xc2: {  	s0 =	sadd.s32 $0x8F2B, s0  }
0xc3: {  	[sflag:s0] =	ssyncadd.remote.s32 $0x1  }
0xc4: {  	_ =	sfence.sel $0xFFFF  }
0xc5: {  	[dreg:$0x0] =	wrdreg $0xFFFFFFFF;
	(pc) =	sbr.abs _section_cstart, $3  }
0xc6: {  	[dreg:$0x1] =	wrdreg $0xFFFFFFFF  }
0xc7: {  	_ =	task.clear_ibuf [dreg:s7], $0x2FFFF;
	_ =	strace $0x9FFFFFFF  }
0xc8: {  	(tm) =	ssettm $0x7FFFFFFF  }
0xc9: {  	_ =	shalt  }
tec
execute0_lowered:
.L_overlay_start_1:
0x0: {  	(tag) =	ssettag $0x1  }
0x1: {  	s1 =	srdreg.scid;
	s0 =	stileid.u32  }
0x2: {  	s12 =	sand.u32 $0x1, s1;
	s29 =	sshll.u32 s0, $0x1  }
0x3: {  	s2 =	rddreg [dreg:$0x0];
	s13 =	sor.u32 s12, s29  }
0x4: {  	s4 =	rddreg [dreg:$0x1];
	s5 =	smul.u32 $0xA0, s13  }
0x5: {  	s3 =	simm.s32 $0x0;
	s1 =	rddreg [dreg:$0x2]  }
0x6: {  	[smem:$0x7FF] =	sst s3;
	s5 =	sshrl.u32 s5, $0x3  }
0x7: {  	_ =	strace $0x80000047;
	s5 =	sadd.s32 s4, s5;
	s4 =	simm.s32 $0x2  }
0x8: {  	[tilespmem:s3], [sflag:$0x2] =	stream.linear.gather [hbm4b:s5+s3], $0x50, $0x38;
	[tilespmem:$0x5100] =	vst v63  }
0x9: {  	_ =	swait.ge [sflag:s4], $0x50  }
0xa: {  	[sflag:s4] =	ssyncset.done $0x0  }
0xb: {  	s7 =	simm.s32 $0x80;
	s6 =	sadd.s32 $0xA, s5;
	[sflag:s4] =	ssyncadd.s32 $0xFFFFFFB0  }
0xc: {  	[tilespmem:s7], [sflag:$0x2] =	stream.linear.gather [hbm4b:s6+s3], $0x50, $0x38;
	[tilespmem:$0x5100] =	vst v63  }
0xd: {  	_ =	swait.ge [sflag:s4], $0x50  }
0xe: {  	[sflag:s4] =	ssyncset.done $0x0  }
0xf: {  	s8 =	simm.s32 $0x50;
	s9 =	simm.s32 $0x100;
	[sflag:s4] =	ssyncadd.s32 $0xFFFFFFB0  }
0x10: {  	[tilespmem:s9], [sflag:$0x1] =	stream.indirect.gather [hbm4b:s2+s8], $0x80, s3, s8, $0xb8;
	[tilespmem:$0x5100] =	vst v63  }
0x11: {  	s10 =	simm.s32 $0x2900;
	s11 =	simm.s32 $0x1;
	s12 =	ssub.s32 $0x2, s12  }
0x12: {  	[tilespmem:s10], [sflag:$0x1] =	stream.indirect.gather [hbm4b:s2+s8], $0x80, s7, s8, $0xb8;
	[tilespmem:$0x5100] =	vst v63  }
0x13: {  	s14 =	sshrl.u32 s12, $0x1;
	_ =	swait.ge [sflag:s11], $0x2800  }
0x14: {  	s14 =	ssub.s32 s12, s14;
	[sflag:s11] =	ssyncset.done $0x0  }
0x15: {  	s13 =	smul.u32 $0xA00, s13;
	s31 =	smax.u32 s14, $0x1;
	[sflag:s11] =	ssyncadd.s32 $0xFFFFD800  }
0x16: {  	p0 =	sne.s32 s31, $0x1;
	_ =	swait.ge [sflag:s11], $0x2800  }
.Ltmp0:
0x17: {  	s30 =	sadd.s32 s13, s2;
	[sflag:s11] =	ssyncset.done $0x0;
	(pc) =	sbr.rel @!p0 .LBB2_2-.Ltmp0, $4  }
0x18: {  	s12 =	sadd.s32 $0x13A00, s30;
	[sflag:s11] =	ssyncadd.s32 $0xFFFFD800  }
0x19: {  	[hbm4b:s12+s3] =	stream.linear.scatter [tilespmem:s9], [sflag:$0x2], $0x5000, $0x38;
	[tilespmem:$0x5100] =	vst v63  }
0x1a: {  	_ =	swait.ge [sflag:s4], $0x5000  }
0x1b: {  	s13 =	sadd.s32 $0xFFFFFFFF, s31;
	[sflag:s4] =	ssyncset.done $0x0  }
.LBB2_1:
0x1c: {  	p0 =	sne.s32 s13, $0x1;
	s13 =	sadd.s32 $0xFFFFFFFF, s13;
	[sflag:s4] =	ssyncadd.s32 $0xFFFFB000  }
0x1d: {  	[tilespmem:s3], [sflag:$0x2] =	stream.linear.gather [hbm4b:s5+s3], $0x50, $0x38;
	[tilespmem:$0x5100] =	vst v63  }
0x1e: {  	_ =	swait.ge [sflag:s4], $0x50  }
0x1f: {  	[sflag:s4] =	ssyncset.done $0x0  }
0x20: {  	[sflag:s4] =	ssyncadd.s32 $0xFFFFFFB0  }
0x21: {  	[tilespmem:s7], [sflag:$0x2] =	stream.linear.gather [hbm4b:s6+s3], $0x50, $0x38;
	[tilespmem:$0x5100] =	vst v63  }
0x22: {  	_ =	swait.ge [sflag:s4], $0x50  }
0x23: {  	[sflag:s4] =	ssyncset.done $0x0  }
0x24: {  	[sflag:s4] =	ssyncadd.s32 $0xFFFFFFB0  }
0x25: {  	[tilespmem:s9], [sflag:$0x1] =	stream.indirect.gather [hbm4b:s2+s8], $0x80, s3, s8, $0xb8;
	[tilespmem:$0x5100] =	vst v63  }
0x26: {  	_ = 	snop  }
0x27: {  	[tilespmem:s10], [sflag:$0x1] =	stream.indirect.gather [hbm4b:s2+s8], $0x80, s7, s8, $0xb8;
	[tilespmem:$0x5100] =	vst v63  }
0x28: {  	_ =	swait.ge [sflag:s11], $0x2800  }
0x29: {  	[sflag:s11] =	ssyncset.done $0x0  }
0x2a: {  	[sflag:s11] =	ssyncadd.s32 $0xFFFFD800  }
0x2b: {  	_ =	swait.ge [sflag:s11], $0x2800  }
.Ltmp1:
0x2c: {  	[sflag:s11] =	ssyncset.done $0x0;
	(pc) =	sbr.rel @p0 .LBB2_1-.Ltmp1, $4  }
0x2d: {  	[sflag:s11] =	ssyncadd.s32 $0xFFFFD800  }
0x2e: {  	[hbm4b:s12+s3] =	stream.linear.scatter [tilespmem:s9], [sflag:$0x2], $0x5000, $0x38;
	[tilespmem:$0x5100] =	vst v63  }
0x2f: {  	_ =	swait.ge [sflag:s4], $0x5000  }
0x30: {  	[sflag:s4] =	ssyncset.done $0x0  }
.LBB2_2:
0x31: {  	[sflag:s4] =	ssyncadd.s32 $0xFFFFB000  }
0x32: {  	_ =	sfence.sel $0x180000  }
0x33: {  	[bflag:$0x0] =	sbarrier.arrive $0xFFFF  }
0x34: {  	p0 =	sne.s32 s0, $0x0;
	_ =	strace $0x90000047  }
0x35: {  	s0 =	sadd.s32 @!p0 $0x100000, s1;
	[bflag:$0x2] =	sbarrier.arrive $0xFFFF  }
0x36: {  	[sflag:s0] =	ssyncadd.tile.s32 @!p0 $0x1;
	_ =	shalt  }
.Lfunc_end2:
_tile_overlayer_lowered:
.L_overlay_start_2:
0x37: {  	(tag) =	ssettag $0x2  }
0x38: {  	s0 =	rddreg [dreg:$0x0];
	s2 =	stileid.u32  }
0x39: {  	s1 =	rddreg [dreg:$0x1];
	p0 =	sne.s32 s2, $0x0  }
0x3a: {  	s3 =	rddreg [dreg:$0x2];
	[bflag:$0x3] =	sbarrier.arrive $0xFFFF;
	s2 =	simm.s32 @!p0 $0x1C02  }
0x3b: {  	[timem:s3], [sflag:s2] =	dma.local @!p0 [hbm:s0], s1  }
0x3c: {  	s0 =	simm.s32 @!p0 $0x2  }
0x3d: {  	_ =	swait.ge @!p0 [sflag:s0], s1  }
0x3e: {  	s1 =	ssub.s32 @!p0 $0x0, s1;
	[sflag:s0] =	ssyncset.done @!p0 $0x0  }
0x3f: {  	[sflag:s0] =	ssyncadd.s32 @!p0 s1  }
0x40: {  	[bflag:$0x3] =	sbarrier.arrive $0xFFFF  }
0x41: {  	_ =	shalt  }

</sc_bundles>
